<compile_context>
chip_gen: v7x
topology: tpu7x:2x2x1
jax: 0.10.2.dev20260603
libtpu: 0.0.44.dev20260713+nightly
codegen_flags: <defaults>
</compile_context>

<pallas_src>
import functools

import jax
import jax.numpy as jnp
from jax import lax
from jax.experimental import pallas as pl
from jax.experimental.pallas import tpu as pltpu
from jax.experimental.pallas import tpu_sc as plsc

NC = 2
NS = 16
LANE = 128
IDXC = 16

N = 10000
N_PAD = 10112
HR = 80
ROW_BLK = 2000
D_IN = 128
H = 256


def _mesh():
    return plsc.VectorSubcoreMesh(core_axis_name="c", subcore_axis_name="s")


def _make_hist_kernel(nblk_total, with_gather):
    nblk = nblk_total // (NC * NS)
    rpt = HR // NS

    scratch = [
        pltpu.VMEM_SHARED((NS, HR, LANE), jnp.float32),
        pltpu.VMEM((HR, LANE), jnp.float32),
        pltpu.VMEM((nblk, LANE), jnp.int32),
        pltpu.VMEM((rpt, LANE), jnp.float32),
        pltpu.VMEM((rpt, LANE), jnp.float32),
    ]
    if with_gather:
        scratch += [
            pltpu.VMEM((HR, LANE), jnp.float32),
            pltpu.VMEM((nblk, LANE), jnp.int32),
        ]

    @functools.partial(
        pl.kernel,
        out_type=jax.ShapeDtypeStruct((NC, NS, rpt, LANE), jnp.float32),
        mesh=_mesh(),
        compiler_params=pltpu.CompilerParams(needs_layout_passes=False),
        scratch_types=scratch,
    )
    def hist_kernel(*args):
        if with_gather:
            zflat, src2d, dst2d, out, shared, hist, dstv, fv, rv, zv, srcv = args
        else:
            dst2d, out, shared, hist, dstv, fv, rv = args
        cid = lax.axis_index("c")
        sid = lax.axis_index("s")
        wid = cid * NS + sid
        zero16 = jnp.zeros((16,), jnp.float32)
        ones16 = jnp.ones((16,), jnp.float32)

        def zf(r, c):
            for g in range(LANE // 16):
                hist[r, pl.ds(g * 16, 16)] = zero16
            return c

        lax.fori_loop(0, HR, zf, 0)
        if with_gather:
            pltpu.sync_copy(zflat, zv)
            pltpu.sync_copy(src2d.at[pl.ds(wid * nblk, nblk)], srcv)
        pltpu.sync_copy(dst2d.at[pl.ds(wid * nblk, nblk)], dstv)

        def body(b, c):
            for kk in range(8):
                d16 = dstv[b, pl.ds(kk * 16, 16)]
                if with_gather:
                    s16 = srcv[b, pl.ds(kk * 16, 16)]
                    v = plsc.load_gather(zv, [s16 >> 7, s16 & 127])
                else:
                    v = ones16
                plsc.addupdate_scatter(hist, [d16 >> 7, d16 & 127], v)
            return c

        lax.fori_loop(0, nblk, body, 0)

        pltpu.sync_copy(hist, shared.at[sid])
        plsc.subcore_barrier()

        for r in range(rpt):
            for g in range(LANE // 16):
                fv[r, pl.ds(g * 16, 16)] = zero16

        def addw(w, c):
            pltpu.sync_copy(shared.at[w, pl.ds(sid * rpt, rpt)], rv)
            for r in range(rpt):
                for g in range(LANE // 16):
                    fv[r, pl.ds(g * 16, 16)] += rv[r, pl.ds(g * 16, 16)]
            return c

        lax.fori_loop(0, NS, addw, 0)
        pltpu.sync_copy(fv, out.at[cid, sid])

    return hist_kernel


def _make_agg_edgesplit_kernel(fh, nblk_total, nblk0=None):
    if nblk0 is None:
        nblk0 = nblk_total // 2
    nblk1 = nblk_total - nblk0
    nt0, nt1 = nblk0 // NS, nblk1 // NS
    rows_per_tile = N_PAD // NS

    @functools.partial(
        pl.kernel,
        out_type=jax.ShapeDtypeStruct((NC, N_PAD, fh), jnp.float32),
        mesh=_mesh(),
        scratch_types=[
            pltpu.VMEM_SHARED((N_PAD, fh), jnp.float32),
            pltpu.VMEM((IDXC, LANE), jnp.int32),
            pltpu.VMEM((IDXC, LANE), jnp.int32),
            pltpu.VMEM((LANE, fh), jnp.float32),
            pltpu.VMEM((LANE, fh), jnp.float32),
            pltpu.SemaphoreType.DMA,
            pltpu.SemaphoreType.DMA,
        ],
    )
    def agge_kernel(hs_flat, src2d, dst2d, zeros_hbm, out, acc, srcv, dstv,
                    rows0, rows1, sem0, sem1):
        cid = lax.axis_index("c")
        sid = lax.axis_index("s")
        wid = cid * NS + sid
        pltpu.sync_copy(zeros_hbm, acc.at[pl.ds(sid * rows_per_tile, rows_per_tile)])
        plsc.subcore_barrier()

        bufs = (rows0, rows1)
        sems = (sem0, sem1)

        def run_core(tile_base, nchunks):
            def chunk(ci, carry):
                base = tile_base + ci * IDXC
                pltpu.sync_copy(src2d.at[pl.ds(base, IDXC)], srcv)
                pltpu.sync_copy(dst2d.at[pl.ds(base, IDXC)], dstv)
                pltpu.async_copy(hs_flat.at[srcv.at[0]], rows0, sem0)
                pltpu.async_copy(hs_flat.at[srcv.at[1]], rows1, sem1)

                def body(i, c2):
                    for b in range(2):
                        j = 2 * i + b
                        rows, sem = bufs[b], sems[b]
                        pltpu.make_async_copy(hs_flat.at[pl.ds(0, LANE)], rows, sem).wait()
                        pltpu.sync_copy(rows, acc.at[dstv.at[j]], add=True)

                        @pl.when(j + 2 < IDXC)
                        def _():
                            pltpu.async_copy(hs_flat.at[srcv.at[j + 2]], rows, sem)

                    return c2

                lax.fori_loop(0, IDXC // 2, body, 0)
                return carry

            lax.fori_loop(0, nchunks, chunk, 0)

        @pl.when(cid == 0)
        def _():
            run_core(sid * nt0, nt0 // IDXC)

        @pl.when(cid == 1)
        def _():
            run_core(nblk0 + sid * nt1, nt1 // IDXC)

        plsc.subcore_barrier()
        pltpu.sync_copy(
            acc.at[pl.ds(sid * rows_per_tile, rows_per_tile)],
            out.at[cid, pl.ds(sid * rows_per_tile, rows_per_tile)],
        )

    return agge_kernel


def _make_agg_featsplit_kernel(fh, nblk_total):
    nblk = nblk_total // NS
    nchunks = nblk // IDXC
    init_rows = N_PAD // NS

    @functools.partial(
        pl.kernel,
        out_type=jax.ShapeDtypeStruct((NC, N_PAD, fh), jnp.float32),
        mesh=_mesh(),
        scratch_types=[
            pltpu.VMEM_SHARED((N_PAD, fh), jnp.float32),
            pltpu.VMEM((IDXC, LANE), jnp.int32),
            pltpu.VMEM((IDXC, LANE), jnp.int32),
            pltpu.VMEM((LANE, fh), jnp.float32),
            pltpu.VMEM((LANE, fh), jnp.float32),
            pltpu.SemaphoreType.DMA,
            pltpu.SemaphoreType.DMA,
        ],
    )
    def aggf_kernel(hs_flat, srcs3d, dst2d, out, acc, srcv, dstv, rows0, rows1,
                    sem0, sem1):
        cid = lax.axis_index("c")
        sid = lax.axis_index("s")
        pltpu.sync_copy(
            hs_flat.at[pl.ds(cid * N_PAD + sid * init_rows, init_rows)],
            acc.at[pl.ds(sid * init_rows, init_rows)],
        )
        plsc.subcore_barrier()

        bufs = (rows0, rows1)
        sems = (sem0, sem1)

        def chunk(ci, carry):
            base = sid * nblk + ci * IDXC
            pltpu.sync_copy(srcs3d.at[cid, pl.ds(base, IDXC)], srcv)
            pltpu.sync_copy(dst2d.at[pl.ds(base, IDXC)], dstv)
            pltpu.async_copy(hs_flat.at[srcv.at[0]], rows0, sem0)
            pltpu.async_copy(hs_flat.at[srcv.at[1]], rows1, sem1)

            def body(i, c2):
                for b in range(2):
                    j = 2 * i + b
                    rows, sem = bufs[b], sems[b]
                    pltpu.make_async_copy(hs_flat.at[pl.ds(0, LANE)], rows, sem).wait()
                    pltpu.sync_copy(rows, acc.at[dstv.at[j]], add=True)

                    @pl.when(j + 2 < IDXC)
                    def _():
                        pltpu.async_copy(hs_flat.at[srcv.at[j + 2]], rows, sem)

                return c2

            lax.fori_loop(0, IDXC // 2, body, 0)
            return carry

        lax.fori_loop(0, nchunks, chunk, 0)
        plsc.subcore_barrier()
        pltpu.sync_copy(
            acc.at[pl.ds(sid * init_rows, init_rows)],
            out.at[cid, pl.ds(sid * init_rows, init_rows)],
        )

    return aggf_kernel


def _tc1_body(x_ref, deg_ref, dis_ref, hs1_ref):
    d = deg_ref[0] + deg_ref[1] + 1.0
    dis = lax.rsqrt(d)
    dis_ref[...] = dis
    hs1_ref[...] = x_ref[...] * dis


def _tc2_body(g1_ref, hs1_ref, dis_ref, w1_ref, b1_ref, hs2_ref):
    dis = dis_ref[...]
    m = (g1_ref[0] + g1_ref[1] + hs1_ref[...]) * dis
    h = jnp.dot(m, w1_ref[...], preferred_element_type=jnp.float32) + b1_ref[...]
    hs = jnp.maximum(h, 0.0) * dis
    hs2_ref[0] = hs[:, : H // 2]
    hs2_ref[1] = hs[:, H // 2 :]


def _tc3_body(g2_ref, dis_ref, w2_ref, b2_ref, w3_ref, zs_ref):
    dis = dis_ref[...]
    m = jnp.concatenate([g2_ref[0], g2_ref[1]], axis=1) * dis
    h2 = jnp.maximum(
        jnp.dot(m, w2_ref[...], preferred_element_type=jnp.float32) + b2_ref[...],
        0.0,
    )
    z = jnp.dot(h2, w3_ref[...], preferred_element_type=jnp.float32)
    zs_ref[...] = z * dis


def _tc4_body(g3_ref, zs_ref, dis_ref, b3_ref, out_ref):
    g = g3_ref[0] + g3_ref[1] + zs_ref[...]
    out_ref[...] = jax.nn.sigmoid(dis_ref[...] * g + b3_ref[...])


def _row_spec(cols):
    return pl.BlockSpec((ROW_BLK, cols), lambda i: (i, 0))


def _split_spec(cols):
    return pl.BlockSpec((NC, ROW_BLK, cols), lambda i: (0, i, 0))


def _full_spec(r, c):
    return pl.BlockSpec((r, c), lambda i: (0, 0))


def kernel(x, edge_index, W1, b1, W2, b2, W3, b3):
    n = x.shape[0]
    assert n == N
    e = edge_index.shape[1]
    blk_edges = LANE * NC * NS * 8
    e_pad = -(-e // blk_edges) * blk_edges
    nblk_total = e_pad // LANE

    src = edge_index[0]
    dst = edge_index[1]
    pad = e_pad - e
    src_p = jnp.concatenate([src, jnp.zeros((pad,), jnp.int32)])
    dst_p = jnp.concatenate([dst, jnp.full((pad,), N, jnp.int32)])
    src2d = src_p.reshape(nblk_total, LANE)
    dst2d = dst_p.reshape(nblk_total, LANE)
    srcs3d = jnp.stack([src2d, src2d + N_PAD])

    zeros_wide = jnp.zeros((N_PAD // NS, D_IN), jnp.float32)

    deg_raw = _make_hist_kernel(nblk_total, with_gather=False)(dst2d)
    deg2 = deg_raw.reshape(NC, HR * LANE)[:, :N].reshape(NC, N, 1)

    grid = (N // ROW_BLK,)
    dis, hs1 = pl.pallas_call(
        _tc1_body,
        grid=grid,
        in_specs=[_row_spec(D_IN), _split_spec(1)],
        out_specs=[_row_spec(1), _row_spec(D_IN)],
        out_shape=[
            jax.ShapeDtypeStruct((N, 1), jnp.float32),
            jax.ShapeDtypeStruct((N_PAD, D_IN), jnp.float32),
        ],
    )(x, deg2)

    g1 = _make_agg_edgesplit_kernel(D_IN, nblk_total, nblk0=nblk_total * 4 // 5)(hs1, src2d, dst2d, zeros_wide)

    hs2 = pl.pallas_call(
        _tc2_body,
        grid=grid,
        in_specs=[
            _split_spec(D_IN),
            _row_spec(D_IN),
            _row_spec(1),
            _full_spec(D_IN, H),
            _full_spec(1, H),
        ],
        out_specs=_split_spec(H // 2),
        out_shape=jax.ShapeDtypeStruct((NC, N_PAD, H // 2), jnp.float32),
    )(g1, hs1, dis, W1, b1.reshape(1, H))

    g2 = _make_agg_featsplit_kernel(H // 2, nblk_total)(
        hs2.reshape(NC * N_PAD, H // 2), srcs3d, dst2d
    )

    zs = pl.pallas_call(
        _tc3_body,
        grid=grid,
        in_specs=[
            _split_spec(H // 2),
            _row_spec(1),
            _full_spec(H, H),
            _full_spec(1, H),
            _full_spec(H, 1),
        ],
        out_specs=_row_spec(1),
        out_shape=jax.ShapeDtypeStruct((N, 1), jnp.float32),
    )(g2, dis, W2, b2.reshape(1, H), W3)

    zflat = jnp.concatenate([zs[:, 0], jnp.zeros((HR * LANE - N,), jnp.float32)])
    g3_raw = _make_hist_kernel(nblk_total, with_gather=True)(
        zflat.reshape(HR, LANE), src2d, dst2d)
    g3 = g3_raw.reshape(NC, HR * LANE)[:, :N].reshape(NC, N, 1)

    out = pl.pallas_call(
        _tc4_body,
        grid=grid,
        in_specs=[
            _split_spec(1),
            _row_spec(1),
            _row_spec(1),
            _full_spec(1, 1),
        ],
        out_specs=_row_spec(1),
        out_shape=jax.ShapeDtypeStruct((N, 1), jnp.float32),
    )(g3, zs, dis, b3.reshape(1, 1))

    return out

# --- scband reference (transcript-rebuilt; emitter-appended) ---
"""Pipeline reference for scband-gnnmodel-67199058313606 (READ-ONLY COPY).

The authoritative reference and input builder live on the scoring server;
editing this copy changes nothing except your own understanding.
"""

import jax, jax.numpy as jnp
import numpy as np


def gcn_conv(x, edge_index, W, b):
    # Faithful PyG GCNConv: add self-loops, symmetric normalization, linear, scatter-add, bias
    n = x.shape[0]
    loop = jnp.arange(n, dtype=edge_index.dtype)
    src = jnp.concatenate([edge_index[0], loop])
    dst = jnp.concatenate([edge_index[1], loop])
    deg = jnp.zeros((n,), x.dtype).at[dst].add(1.0)
    deg_inv_sqrt = jnp.where(deg > 0, deg ** -0.5, 0.0)
    norm = deg_inv_sqrt[src] * deg_inv_sqrt[dst]
    h = x @ W
    msg = h[src] * norm[:, None]
    out = jnp.zeros((n, W.shape[1]), x.dtype).at[dst].add(msg)
    return out + b


def setup_inputs(seed: int = 0):
    key = jax.random.key(seed)
    ks = jax.random.split(key, 8)
    N, E, D, H, O = 10000, 320000, 128, 256, 1
    x = jax.random.normal(ks[0], (N, D), dtype=jnp.float32)
    edge_index = jax.random.randint(ks[1], (2, E), 0, N, dtype=jnp.int32)
    W1 = jax.random.normal(ks[2], (D, H), dtype=jnp.float32) * (1.0 / np.sqrt(D))
    b1 = jnp.zeros((H,), dtype=jnp.float32)
    W2 = jax.random.normal(ks[3], (H, H), dtype=jnp.float32) * (1.0 / np.sqrt(H))
    b2 = jnp.zeros((H,), dtype=jnp.float32)
    W3 = jax.random.normal(ks[4], (H, O), dtype=jnp.float32) * (1.0 / np.sqrt(H))
    b3 = jnp.zeros((O,), dtype=jnp.float32)
    return {"x": x, "edge_index": edge_index, "W1": W1, "b1": b1, "W2": W2, "b2": b2, "W3": W3, "b3": b3}


def reference(x, edge_index, W1, b1, W2, b2, W3, b3):
    h = jax.nn.relu(gcn_conv(x, edge_index, W1, b1))
    h = jax.nn.relu(gcn_conv(h, edge_index, W2, b2))
    h = gcn_conv(h, edge_index, W3, b3)
    return jax.nn.sigmoid(h)

if __name__ == "__main__":
    import jax
    _d = setup_inputs()
    print(jax.jit(kernel)(*tuple(_d.values())))

</pallas_src>

<mosaic_0001>
#map = affine_map<(d0, d1) -> (0, 0)>
#map1 = affine_map<(d0, d1) -> (0, 0, 0, 0)>
module attributes {stable_mosaic.version = 14 : i64} {
  func.func @hist_kernel(%arg0: i32, %arg1: i32, %arg2: memref<2560x128xi32, #tpu.memory_space<hbm>>, %arg3: memref<2x16x5x128xf32, #tpu.memory_space<hbm>>, %arg4: memref<16x80x128xf32, #tpu.memory_space<vmem_shared>>, %arg5: memref<80x128xf32, #tpu.memory_space<vmem>>, %arg6: memref<80x128xi32, #tpu.memory_space<vmem>>, %arg7: memref<5x128xf32, #tpu.memory_space<vmem>>, %arg8: memref<5x128xf32, #tpu.memory_space<vmem>>) attributes {dimension_semantics = [#tpu.dimension_semantics<core_parallel>, #tpu.dimension_semantics<subcore_parallel>], iteration_bounds = array<i64: 2, 16>, scalar_prefetch = 0 : i64, scratch_operands = 5 : i64, tpu.core_type = #tpu.core_type<sc_vector_subcore>, window_params = [{transform_indices = #map}, {transform_indices = #map1}]} {
    %mul3A = arith.constant 16 : i32
    %mul3A_0 = arith.muli %arg0, %mul3A : i32
    %add3A = arith.addi %mul3A_0, %arg1 : i32
    %broadcast_in_dim3A = arith.constant 0.000000e+00 : f32
    %broadcast_in_dim3A_1 = vector.broadcast %broadcast_in_dim3A : f32 to vector<16xf32>
    %broadcast_in_dim3A_2 = arith.constant 1.000000e+00 : f32
    %broadcast_in_dim3A_3 = vector.broadcast %broadcast_in_dim3A_2 : f32 to vector<16xf32>
    %scan3A = arith.constant 0 : i32
    %scan3A_4 = arith.constant 0 : i32
    %scan3A_5 = arith.constant 80 : i32
    %scan3A_6 = arith.addi %scan3A_4, %scan3A_5 : i32
    %scan3A_7 = arith.constant 1 : i32
    scf.for %scan3A_182 = %scan3A_4 to %scan3A_6 step %scan3A_7  : i32 {
      %swap3A_183 = arith.index_cast %scan3A_182 : i32 to index
      %swap3A_184 = arith.constant 0 : index
      %swap3A_185 = tpu.vector_load %arg5[%swap3A_183, %swap3A_184] {strides = array<i32>} : memref<80x128xf32, #tpu.memory_space<vmem>>, vector<16xf32>,
      tpu.vector_store %arg5[%swap3A_183, %swap3A_184], %broadcast_in_dim3A_1 {strides = array<i32>} : memref<80x128xf32, #tpu.memory_space<vmem>>, vector<16xf32>,
      %swap3A_186 = arith.index_cast %scan3A_182 : i32 to index
      %swap3A_187 = arith.constant 16 : index
      %swap3A_188 = tpu.vector_load %arg5[%swap3A_186, %swap3A_187] {strides = array<i32>} : memref<80x128xf32, #tpu.memory_space<vmem>>, vector<16xf32>,
      tpu.vector_store %arg5[%swap3A_186, %swap3A_187], %broadcast_in_dim3A_1 {strides = array<i32>} : memref<80x128xf32, #tpu.memory_space<vmem>>, vector<16xf32>,
      %swap3A_189 = arith.index_cast %scan3A_182 : i32 to index
      %swap3A_190 = arith.constant 32 : index
      %swap3A_191 = tpu.vector_load %arg5[%swap3A_189, %swap3A_190] {strides = array<i32>} : memref<80x128xf32, #tpu.memory_space<vmem>>, vector<16xf32>,
      tpu.vector_store %arg5[%swap3A_189, %swap3A_190], %broadcast_in_dim3A_1 {strides = array<i32>} : memref<80x128xf32, #tpu.memory_space<vmem>>, vector<16xf32>,
      %swap3A_192 = arith.index_cast %scan3A_182 : i32 to index
      %swap3A_193 = arith.constant 48 : index
      %swap3A_194 = tpu.vector_load %arg5[%swap3A_192, %swap3A_193] {strides = array<i32>} : memref<80x128xf32, #tpu.memory_space<vmem>>, vector<16xf32>,
      tpu.vector_store %arg5[%swap3A_192, %swap3A_193], %broadcast_in_dim3A_1 {strides = array<i32>} : memref<80x128xf32, #tpu.memory_space<vmem>>, vector<16xf32>,
      %swap3A_195 = arith.index_cast %scan3A_182 : i32 to index
      %swap3A_196 = arith.constant 64 : index
      %swap3A_197 = tpu.vector_load %arg5[%swap3A_195, %swap3A_196] {strides = array<i32>} : memref<80x128xf32, #tpu.memory_space<vmem>>, vector<16xf32>,
      tpu.vector_store %arg5[%swap3A_195, %swap3A_196], %broadcast_in_dim3A_1 {strides = array<i32>} : memref<80x128xf32, #tpu.memory_space<vmem>>, vector<16xf32>,
      %swap3A_198 = arith.index_cast %scan3A_182 : i32 to index
      %swap3A_199 = arith.constant 80 : index
      %swap3A_200 = tpu.vector_load %arg5[%swap3A_198, %swap3A_199] {strides = array<i32>} : memref<80x128xf32, #tpu.memory_space<vmem>>, vector<16xf32>,
      tpu.vector_store %arg5[%swap3A_198, %swap3A_199], %broadcast_in_dim3A_1 {strides = array<i32>} : memref<80x128xf32, #tpu.memory_space<vmem>>, vector<16xf32>,
      %swap3A_201 = arith.index_cast %scan3A_182 : i32 to index
      %swap3A_202 = arith.constant 96 : index
      %swap3A_203 = tpu.vector_load %arg5[%swap3A_201, %swap3A_202] {strides = array<i32>} : memref<80x128xf32, #tpu.memory_space<vmem>>, vector<16xf32>,
      tpu.vector_store %arg5[%swap3A_201, %swap3A_202], %broadcast_in_dim3A_1 {strides = array<i32>} : memref<80x128xf32, #tpu.memory_space<vmem>>, vector<16xf32>,
      %swap3A_204 = arith.index_cast %scan3A_182 : i32 to index
      %swap3A_205 = arith.constant 112 : index
      %swap3A_206 = tpu.vector_load %arg5[%swap3A_204, %swap3A_205] {strides = array<i32>} : memref<80x128xf32, #tpu.memory_space<vmem>>, vector<16xf32>,
      tpu.vector_store %arg5[%swap3A_204, %swap3A_205], %broadcast_in_dim3A_1 {strides = array<i32>} : memref<80x128xf32, #tpu.memory_space<vmem>>, vector<16xf32>,
    }
    %scan3A_8 = arith.constant 80 : i32
    %mul3A_9 = arith.constant 80 : i32
    %mul3A_10 = arith.muli %add3A, %mul3A_9 : i32
    "tpu.region"() ({
      %run_scoped3A = tpu.sem_alloc : memref<!tpu.dma_semaphore, #tpu.memory_space<semaphore_mem>>
      %dma_start3A = arith.constant 0 : i32
      %dma_start3A_182 = tpu.memref_slice %arg2[%mul3A_10, %dma_start3A] : memref<2560x128xi32, #tpu.memory_space<hbm>> -> memref<80x128xi32, #tpu.memory_space<hbm>>
      %dma_start3A_183 = arith.constant 0 : i32
      %dma_start3A_184 = tpu.memref_slice %arg2[%mul3A_10, %dma_start3A_183] : memref<2560x128xi32, #tpu.memory_space<hbm>> -> memref<80x128xi32, #tpu.memory_space<hbm>>
      tpu.enqueue_dma source(%dma_start3A_184 : memref<80x128xi32, #tpu.memory_space<hbm>>) target(%arg6 : memref<80x128xi32, #tpu.memory_space<vmem>>) target_semaphore(%run_scoped3A : memref<!tpu.dma_semaphore, #tpu.memory_space<semaphore_mem>>)
      %dma_wait3A = arith.constant 0 : i32
      %dma_wait3A_185 = tpu.memref_slice %arg2[%mul3A_10, %dma_wait3A] : memref<2560x128xi32, #tpu.memory_space<hbm>> -> memref<80x128xi32, #tpu.memory_space<hbm>>
      %dma_wait3A_186 = arith.constant 0 : i32
      %dma_wait3A_187 = tpu.memref_slice %arg2[%mul3A_10, %dma_wait3A_186] : memref<2560x128xi32, #tpu.memory_space<hbm>> -> memref<80x128xi32, #tpu.memory_space<hbm>>
      tpu.wait_dma2 semaphore(%run_scoped3A : memref<!tpu.dma_semaphore, #tpu.memory_space<semaphore_mem>>) src(%dma_wait3A_187 : memref<80x128xi32, #tpu.memory_space<hbm>>) dst(%arg6 : memref<80x128xi32, #tpu.memory_space<vmem>>)
      tpu.yield
    }) : () -> ()
    %scan3A_11 = arith.constant 0 : i32
    %scan3A_12 = arith.constant 0 : i32
    %scan3A_13 = arith.constant 80 : i32
    %scan3A_14 = arith.addi %scan3A_12, %scan3A_13 : i32
    %scan3A_15 = arith.constant 1 : i32
    scf.for %scan3A_182 = %scan3A_12 to %scan3A_14 step %scan3A_15  : i32 {
      %get3A = arith.index_cast %scan3A_182 : i32 to index
      %get3A_183 = arith.constant 0 : index
      %get3A_184 = tpu.vector_load %arg6[%get3A, %get3A_183] {strides = array<i32>} : memref<80x128xi32, #tpu.memory_space<vmem>>, vector<16xi32>,
      %shift_right_arithmetic3A = arith.constant 7 : i32
      %shift_right_arithmetic3A_185 = vector.broadcast %shift_right_arithmetic3A : i32 to vector<16xi32>
      %shift_right_arithmetic3A_186 = arith.shrsi %get3A_184, %shift_right_arithmetic3A_185 : vector<16xi32>
      %and3A = arith.constant 127 : i32
      %and3A_187 = vector.broadcast %and3A : i32 to vector<16xi32>
      %and3A_188 = arith.andi %get3A_184, %and3A_187 : vector<16xi32>
      tpu.vector_store_idx %arg5[%shift_right_arithmetic3A_186, %and3A_188], %broadcast_in_dim3A_3 {add = true} : memref<80x128xf32, #tpu.memory_space<vmem>>[vector<16xi32>, vector<16xi32>], vector<16xf32>,
      %get3A_189 = arith.index_cast %scan3A_182 : i32 to index
      %get3A_190 = arith.constant 16 : index
      %get3A_191 = tpu.vector_load %arg6[%get3A_189, %get3A_190] {strides = array<i32>} : memref<80x128xi32, #tpu.memory_space<vmem>>, vector<16xi32>,
      %shift_right_arithmetic3A_192 = arith.constant 7 : i32
      %shift_right_arithmetic3A_193 = vector.broadcast %shift_right_arithmetic3A_192 : i32 to vector<16xi32>
      %shift_right_arithmetic3A_194 = arith.shrsi %get3A_191, %shift_right_arithmetic3A_193 : vector<16xi32>
      %and3A_195 = arith.constant 127 : i32
      %and3A_196 = vector.broadcast %and3A_195 : i32 to vector<16xi32>
      %and3A_197 = arith.andi %get3A_191, %and3A_196 : vector<16xi32>
      tpu.vector_store_idx %arg5[%shift_right_arithmetic3A_194, %and3A_197], %broadcast_in_dim3A_3 {add = true} : memref<80x128xf32, #tpu.memory_space<vmem>>[vector<16xi32>, vector<16xi32>], vector<16xf32>,
      %get3A_198 = arith.index_cast %scan3A_182 : i32 to index
      %get3A_199 = arith.constant 32 : index
      %get3A_200 = tpu.vector_load %arg6[%get3A_198, %get3A_199] {strides = array<i32>} : memref<80x128xi32, #tpu.memory_space<vmem>>, vector<16xi32>,
      %shift_right_arithmetic3A_201 = arith.constant 7 : i32
      %shift_right_arithmetic3A_202 = vector.broadcast %shift_right_arithmetic3A_201 : i32 to vector<16xi32>
      %shift_right_arithmetic3A_203 = arith.shrsi %get3A_200, %shift_right_arithmetic3A_202 : vector<16xi32>
      %and3A_204 = arith.constant 127 : i32
      %and3A_205 = vector.broadcast %and3A_204 : i32 to vector<16xi32>
      %and3A_206 = arith.andi %get3A_200, %and3A_205 : vector<16xi32>
      tpu.vector_store_idx %arg5[%shift_right_arithmetic3A_203, %and3A_206], %broadcast_in_dim3A_3 {add = true} : memref<80x128xf32, #tpu.memory_space<vmem>>[vector<16xi32>, vector<16xi32>], vector<16xf32>,
      %get3A_207 = arith.index_cast %scan3A_182 : i32 to index
      %get3A_208 = arith.constant 48 : index
      %get3A_209 = tpu.vector_load %arg6[%get3A_207, %get3A_208] {strides = array<i32>} : memref<80x128xi32, #tpu.memory_space<vmem>>, vector<16xi32>,
      %shift_right_arithmetic3A_210 = arith.constant 7 : i32
      %shift_right_arithmetic3A_211 = vector.broadcast %shift_right_arithmetic3A_210 : i32 to vector<16xi32>
      %shift_right_arithmetic3A_212 = arith.shrsi %get3A_209, %shift_right_arithmetic3A_211 : vector<16xi32>
      %and3A_213 = arith.constant 127 : i32
      %and3A_214 = vector.broadcast %and3A_213 : i32 to vector<16xi32>
      %and3A_215 = arith.andi %get3A_209, %and3A_214 : vector<16xi32>
      tpu.vector_store_idx %arg5[%shift_right_arithmetic3A_212, %and3A_215], %broadcast_in_dim3A_3 {add = true} : memref<80x128xf32, #tpu.memory_space<vmem>>[vector<16xi32>, vector<16xi32>], vector<16xf32>,
      %get3A_216 = arith.index_cast %scan3A_182 : i32 to index
      %get3A_217 = arith.constant 64 : index
      %get3A_218 = tpu.vector_load %arg6[%get3A_216, %get3A_217] {strides = array<i32>} : memref<80x128xi32, #tpu.memory_space<vmem>>, vector<16xi32>,
      %shift_right_arithmetic3A_219 = arith.constant 7 : i32
      %shift_right_arithmetic3A_220 = vector.broadcast %shift_right_arithmetic3A_219 : i32 to vector<16xi32>
      %shift_right_arithmetic3A_221 = arith.shrsi %get3A_218, %shift_right_arithmetic3A_220 : vector<16xi32>
      %and3A_222 = arith.constant 127 : i32
      %and3A_223 = vector.broadcast %and3A_222 : i32 to vector<16xi32>
      %and3A_224 = arith.andi %get3A_218, %and3A_223 : vector<16xi32>
      tpu.vector_store_idx %arg5[%shift_right_arithmetic3A_221, %and3A_224], %broadcast_in_dim3A_3 {add = true} : memref<80x128xf32, #tpu.memory_space<vmem>>[vector<16xi32>, vector<16xi32>], vector<16xf32>,
      %get3A_225 = arith.index_cast %scan3A_182 : i32 to index
      %get3A_226 = arith.constant 80 : index
      %get3A_227 = tpu.vector_load %arg6[%get3A_225, %get3A_226] {strides = array<i32>} : memref<80x128xi32, #tpu.memory_space<vmem>>, vector<16xi32>,
      %shift_right_arithmetic3A_228 = arith.constant 7 : i32
      %shift_right_arithmetic3A_229 = vector.broadcast %shift_right_arithmetic3A_228 : i32 to vector<16xi32>
      %shift_right_arithmetic3A_230 = arith.shrsi %get3A_227, %shift_right_arithmetic3A_229 : vector<16xi32>
      %and3A_231 = arith.constant 127 : i32
      %and3A_232 = vector.broadcast %and3A_231 : i32 to vector<16xi32>
      %and3A_233 = arith.andi %get3A_227, %and3A_232 : vector<16xi32>
      tpu.vector_store_idx %arg5[%shift_right_arithmetic3A_230, %and3A_233], %broadcast_in_dim3A_3 {add = true} : memref<80x128xf32, #tpu.memory_space<vmem>>[vector<16xi32>, vector<16xi32>], vector<16xf32>,
      %get3A_234 = arith.index_cast %scan3A_182 : i32 to index
      %get3A_235 = arith.constant 96 : index
      %get3A_236 = tpu.vector_load %arg6[%get3A_234, %get3A_235] {strides = array<i32>} : memref<80x128xi32, #tpu.memory_space<vmem>>, vector<16xi32>,
      %shift_right_arithmetic3A_237 = arith.constant 7 : i32
      %shift_right_arithmetic3A_238 = vector.broadcast %shift_right_arithmetic3A_237 : i32 to vector<16xi32>
      %shift_right_arithmetic3A_239 = arith.shrsi %get3A_236, %shift_right_arithmetic3A_238 : vector<16xi32>
      %and3A_240 = arith.constant 127 : i32
      %and3A_241 = vector.broadcast %and3A_240 : i32 to vector<16xi32>
      %and3A_242 = arith.andi %get3A_236, %and3A_241 : vector<16xi32>
      tpu.vector_store_idx %arg5[%shift_right_arithmetic3A_239, %and3A_242], %broadcast_in_dim3A_3 {add = true} : memref<80x128xf32, #tpu.memory_space<vmem>>[vector<16xi32>, vector<16xi32>], vector<16xf32>,
      %get3A_243 = arith.index_cast %scan3A_182 : i32 to index
      %get3A_244 = arith.constant 112 : index
      %get3A_245 = tpu.vector_load %arg6[%get3A_243, %get3A_244] {strides = array<i32>} : memref<80x128xi32, #tpu.memory_space<vmem>>, vector<16xi32>,
      %shift_right_arithmetic3A_246 = arith.constant 7 : i32
      %shift_right_arithmetic3A_247 = vector.broadcast %shift_right_arithmetic3A_246 : i32 to vector<16xi32>
      %shift_right_arithmetic3A_248 = arith.shrsi %get3A_245, %shift_right_arithmetic3A_247 : vector<16xi32>
      %and3A_249 = arith.constant 127 : i32
      %and3A_250 = vector.broadcast %and3A_249 : i32 to vector<16xi32>
      %and3A_251 = arith.andi %get3A_245, %and3A_250 : vector<16xi32>
      tpu.vector_store_idx %arg5[%shift_right_arithmetic3A_248, %and3A_251], %broadcast_in_dim3A_3 {add = true} : memref<80x128xf32, #tpu.memory_space<vmem>>[vector<16xi32>, vector<16xi32>], vector<16xf32>,
    }
    %scan3A_16 = arith.constant 80 : i32
    "tpu.region"() ({
      %run_scoped3A = tpu.sem_alloc : memref<!tpu.dma_semaphore, #tpu.memory_space<semaphore_mem>>
      %dma_start3A = arith.constant 0 : i32
      %dma_start3A_182 = arith.constant 0 : i32
      %dma_start3A_183 = tpu.memref_slice %arg4[%arg1, %dma_start3A, %dma_start3A_182] : memref<16x80x128xf32, #tpu.memory_space<vmem_shared>> -> memref<1x80x128xf32, #tpu.memory_space<vmem_shared>>
      %dma_start3A_184 = tpu.memref_squeeze %dma_start3A_183 : memref<1x80x128xf32, #tpu.memory_space<vmem_shared>> -> memref<80x128xf32, #tpu.memory_space<vmem_shared>>
      %dma_start3A_185 = arith.constant 0 : i32
      %dma_start3A_186 = arith.constant 0 : i32
      %dma_start3A_187 = tpu.memref_slice %arg4[%arg1, %dma_start3A_185, %dma_start3A_186] : memref<16x80x128xf32, #tpu.memory_space<vmem_shared>> -> memref<1x80x128xf32, #tpu.memory_space<vmem_shared>>
      %dma_start3A_188 = tpu.memref_squeeze %dma_start3A_187 : memref<1x80x128xf32, #tpu.memory_space<vmem_shared>> -> memref<80x128xf32, #tpu.memory_space<vmem_shared>>
      tpu.enqueue_dma source(%arg5 : memref<80x128xf32, #tpu.memory_space<vmem>>) target(%dma_start3A_188 : memref<80x128xf32, #tpu.memory_space<vmem_shared>>) target_semaphore(%run_scoped3A : memref<!tpu.dma_semaphore, #tpu.memory_space<semaphore_mem>>)
      %dma_wait3A = arith.constant 0 : i32
      %dma_wait3A_189 = arith.constant 0 : i32
      %dma_wait3A_190 = tpu.memref_slice %arg4[%arg1, %dma_wait3A, %dma_wait3A_189] : memref<16x80x128xf32, #tpu.memory_space<vmem_shared>> -> memref<1x80x128xf32, #tpu.memory_space<vmem_shared>>
      %dma_wait3A_191 = tpu.memref_squeeze %dma_wait3A_190 : memref<1x80x128xf32, #tpu.memory_space<vmem_shared>> -> memref<80x128xf32, #tpu.memory_space<vmem_shared>>
      %dma_wait3A_192 = arith.constant 0 : i32
      %dma_wait3A_193 = arith.constant 0 : i32
      %dma_wait3A_194 = tpu.memref_slice %arg4[%arg1, %dma_wait3A_192, %dma_wait3A_193] : memref<16x80x128xf32, #tpu.memory_space<vmem_shared>> -> memref<1x80x128xf32, #tpu.memory_space<vmem_shared>>
      %dma_wait3A_195 = tpu.memref_squeeze %dma_wait3A_194 : memref<1x80x128xf32, #tpu.memory_space<vmem_shared>> -> memref<80x128xf32, #tpu.memory_space<vmem_shared>>
      tpu.wait_dma2 semaphore(%run_scoped3A : memref<!tpu.dma_semaphore, #tpu.memory_space<semaphore_mem>>) src(%arg5 : memref<80x128xf32, #tpu.memory_space<vmem>>) dst(%dma_wait3A_195 : memref<80x128xf32, #tpu.memory_space<vmem_shared>>)
      tpu.yield
    }) : () -> ()
    %barrier3A = arith.constant 0 : index
    tpu.barrier barrier_id(%barrier3A)
    %swap3A = arith.constant 0 : i32
    %swap3A_17 = arith.index_cast %swap3A : i32 to index
    %swap3A_18 = arith.constant 0 : index
    %swap3A_19 = tpu.vector_load %arg7[%swap3A_17, %swap3A_18] {strides = array<i32>} : memref<5x128xf32, #tpu.memory_space<vmem>>, vector<16xf32>,
    tpu.vector_store %arg7[%swap3A_17, %swap3A_18], %broadcast_in_dim3A_1 {strides = array<i32>} : memref<5x128xf32, #tpu.memory_space<vmem>>, vector<16xf32>,
    %swap3A_20 = arith.constant 0 : i32
    %swap3A_21 = arith.index_cast %swap3A_20 : i32 to index
    %swap3A_22 = arith.constant 16 : index
    %swap3A_23 = tpu.vector_load %arg7[%swap3A_21, %swap3A_22] {strides = array<i32>} : memref<5x128xf32, #tpu.memory_space<vmem>>, vector<16xf32>,
    tpu.vector_store %arg7[%swap3A_21, %swap3A_22], %broadcast_in_dim3A_1 {strides = array<i32>} : memref<5x128xf32, #tpu.memory_space<vmem>>, vector<16xf32>,
    %swap3A_24 = arith.constant 0 : i32
    %swap3A_25 = arith.index_cast %swap3A_24 : i32 to index
    %swap3A_26 = arith.constant 32 : index
    %swap3A_27 = tpu.vector_load %arg7[%swap3A_25, %swap3A_26] {strides = array<i32>} : memref<5x128xf32, #tpu.memory_space<vmem>>, vector<16xf32>,
    tpu.vector_store %arg7[%swap3A_25, %swap3A_26], %broadcast_in_dim3A_1 {strides = array<i32>} : memref<5x128xf32, #tpu.memory_space<vmem>>, vector<16xf32>,
    %swap3A_28 = arith.constant 0 : i32
    %swap3A_29 = arith.index_cast %swap3A_28 : i32 to index
    %swap3A_30 = arith.constant 48 : index
    %swap3A_31 = tpu.vector_load %arg7[%swap3A_29, %swap3A_30] {strides = array<i32>} : memref<5x128xf32, #tpu.memory_space<vmem>>, vector<16xf32>,
    tpu.vector_store %arg7[%swap3A_29, %swap3A_30], %broadcast_in_dim3A_1 {strides = array<i32>} : memref<5x128xf32, #tpu.memory_space<vmem>>, vector<16xf32>,
    %swap3A_32 = arith.constant 0 : i32
    %swap3A_33 = arith.index_cast %swap3A_32 : i32 to index
    %swap3A_34 = arith.constant 64 : index
    %swap3A_35 = tpu.vector_load %arg7[%swap3A_33, %swap3A_34] {strides = array<i32>} : memref<5x128xf32, #tpu.memory_space<vmem>>, vector<16xf32>,
    tpu.vector_store %arg7[%swap3A_33, %swap3A_34], %broadcast_in_dim3A_1 {strides = array<i32>} : memref<5x128xf32, #tpu.memory_space<vmem>>, vector<16xf32>,
    %swap3A_36 = arith.constant 0 : i32
    %swap3A_37 = arith.index_cast %swap3A_36 : i32 to index
    %swap3A_38 = arith.constant 80 : index
    %swap3A_39 = tpu.vector_load %arg7[%swap3A_37, %swap3A_38] {strides = array<i32>} : memref<5x128xf32, #tpu.memory_space<vmem>>, vector<16xf32>,
    tpu.vector_store %arg7[%swap3A_37, %swap3A_38], %broadcast_in_dim3A_1 {strides = array<i32>} : memref<5x128xf32, #tpu.memory_space<vmem>>, vector<16xf32>,
    %swap3A_40 = arith.constant 0 : i32
    %swap3A_41 = arith.index_cast %swap3A_40 : i32 to index
    %swap3A_42 = arith.constant 96 : index
    %swap3A_43 = tpu.vector_load %arg7[%swap3A_41, %swap3A_42] {strides = array<i32>} : memref<5x128xf32, #tpu.memory_space<vmem>>, vector<16xf32>,
    tpu.vector_store %arg7[%swap3A_41, %swap3A_42], %broadcast_in_dim3A_1 {strides = array<i32>} : memref<5x128xf32, #tpu.memory_space<vmem>>, vector<16xf32>,
    %swap3A_44 = arith.constant 0 : i32
    %swap3A_45 = arith.index_cast %swap3A_44 : i32 to index
    %swap3A_46 = arith.constant 112 : index
    %swap3A_47 = tpu.vector_load %arg7[%swap3A_45, %swap3A_46] {strides = array<i32>} : memref<5x128xf32, #tpu.memory_space<vmem>>, vector<16xf32>,
    tpu.vector_store %arg7[%swap3A_45, %swap3A_46], %broadcast_in_dim3A_1 {strides = array<i32>} : memref<5x128xf32, #tpu.memory_space<vmem>>, vector<16xf32>,
    %swap3A_48 = arith.constant 1 : i32
    %swap3A_49 = arith.index_cast %swap3A_48 : i32 to index
    %swap3A_50 = arith.constant 0 : index
    %swap3A_51 = tpu.vector_load %arg7[%swap3A_49, %swap3A_50] {strides = array<i32>} : memref<5x128xf32, #tpu.memory_space<vmem>>, vector<16xf32>,
    tpu.vector_store %arg7[%swap3A_49, %swap3A_50], %broadcast_in_dim3A_1 {strides = array<i32>} : memref<5x128xf32, #tpu.memory_space<vmem>>, vector<16xf32>,
    %swap3A_52 = arith.constant 1 : i32
    %swap3A_53 = arith.index_cast %swap3A_52 : i32 to index
    %swap3A_54 = arith.constant 16 : index
    %swap3A_55 = tpu.vector_load %arg7[%swap3A_53, %swap3A_54] {strides = array<i32>} : memref<5x128xf32, #tpu.memory_space<vmem>>, vector<16xf32>,
    tpu.vector_store %arg7[%swap3A_53, %swap3A_54], %broadcast_in_dim3A_1 {strides = array<i32>} : memref<5x128xf32, #tpu.memory_space<vmem>>, vector<16xf32>,
    %swap3A_56 = arith.constant 1 : i32
    %swap3A_57 = arith.index_cast %swap3A_56 : i32 to index
    %swap3A_58 = arith.constant 32 : index
    %swap3A_59 = tpu.vector_load %arg7[%swap3A_57, %swap3A_58] {strides = array<i32>} : memref<5x128xf32, #tpu.memory_space<vmem>>, vector<16xf32>,
    tpu.vector_store %arg7[%swap3A_57, %swap3A_58], %broadcast_in_dim3A_1 {strides = array<i32>} : memref<5x128xf32, #tpu.memory_space<vmem>>, vector<16xf32>,
    %swap3A_60 = arith.constant 1 : i32
    %swap3A_61 = arith.index_cast %swap3A_60 : i32 to index
    %swap3A_62 = arith.constant 48 : index
    %swap3A_63 = tpu.vector_load %arg7[%swap3A_61, %swap3A_62] {strides = array<i32>} : memref<5x128xf32, #tpu.memory_space<vmem>>, vector<16xf32>,
    tpu.vector_store %arg7[%swap3A_61, %swap3A_62], %broadcast_in_dim3A_1 {strides = array<i32>} : memref<5x128xf32, #tpu.memory_space<vmem>>, vector<16xf32>,
    %swap3A_64 = arith.constant 1 : i32
    %swap3A_65 = arith.index_cast %swap3A_64 : i32 to index
    %swap3A_66 = arith.constant 64 : index
    %swap3A_67 = tpu.vector_load %arg7[%swap3A_65, %swap3A_66] {strides = array<i32>} : memref<5x128xf32, #tpu.memory_space<vmem>>, vector<16xf32>,
    tpu.vector_store %arg7[%swap3A_65, %swap3A_66], %broadcast_in_dim3A_1 {strides = array<i32>} : memref<5x128xf32, #tpu.memory_space<vmem>>, vector<16xf32>,
    %swap3A_68 = arith.constant 1 : i32
    %swap3A_69 = arith.index_cast %swap3A_68 : i32 to index
    %swap3A_70 = arith.constant 80 : index
    %swap3A_71 = tpu.vector_load %arg7[%swap3A_69, %swap3A_70] {strides = array<i32>} : memref<5x128xf32, #tpu.memory_space<vmem>>, vector<16xf32>,
    tpu.vector_store %arg7[%swap3A_69, %swap3A_70], %broadcast_in_dim3A_1 {strides = array<i32>} : memref<5x128xf32, #tpu.memory_space<vmem>>, vector<16xf32>,
    %swap3A_72 = arith.constant 1 : i32
    %swap3A_73 = arith.index_cast %swap3A_72 : i32 to index
    %swap3A_74 = arith.constant 96 : index
    %swap3A_75 = tpu.vector_load %arg7[%swap3A_73, %swap3A_74] {strides = array<i32>} : memref<5x128xf32, #tpu.memory_space<vmem>>, vector<16xf32>,
    tpu.vector_store %arg7[%swap3A_73, %swap3A_74], %broadcast_in_dim3A_1 {strides = array<i32>} : memref<5x128xf32, #tpu.memory_space<vmem>>, vector<16xf32>,
    %swap3A_76 = arith.constant 1 : i32
    %swap3A_77 = arith.index_cast %swap3A_76 : i32 to index
    %swap3A_78 = arith.constant 112 : index
    %swap3A_79 = tpu.vector_load %arg7[%swap3A_77, %swap3A_78] {strides = array<i32>} : memref<5x128xf32, #tpu.memory_space<vmem>>, vector<16xf32>,
    tpu.vector_store %arg7[%swap3A_77, %swap3A_78], %broadcast_in_dim3A_1 {strides = array<i32>} : memref<5x128xf32, #tpu.memory_space<vmem>>, vector<16xf32>,
    %swap3A_80 = arith.constant 2 : i32
    %swap3A_81 = arith.index_cast %swap3A_80 : i32 to index
    %swap3A_82 = arith.constant 0 : index
    %swap3A_83 = tpu.vector_load %arg7[%swap3A_81, %swap3A_82] {strides = array<i32>} : memref<5x128xf32, #tpu.memory_space<vmem>>, vector<16xf32>,
    tpu.vector_store %arg7[%swap3A_81, %swap3A_82], %broadcast_in_dim3A_1 {strides = array<i32>} : memref<5x128xf32, #tpu.memory_space<vmem>>, vector<16xf32>,
    %swap3A_84 = arith.constant 2 : i32
    %swap3A_85 = arith.index_cast %swap3A_84 : i32 to index
    %swap3A_86 = arith.constant 16 : index
    %swap3A_87 = tpu.vector_load %arg7[%swap3A_85, %swap3A_86] {strides = array<i32>} : memref<5x128xf32, #tpu.memory_space<vmem>>, vector<16xf32>,
    tpu.vector_store %arg7[%swap3A_85, %swap3A_86], %broadcast_in_dim3A_1 {strides = array<i32>} : memref<5x128xf32, #tpu.memory_space<vmem>>, vector<16xf32>,
    %swap3A_88 = arith.constant 2 : i32
    %swap3A_89 = arith.index_cast %swap3A_88 : i32 to index
    %swap3A_90 = arith.constant 32 : index
    %swap3A_91 = tpu.vector_load %arg7[%swap3A_89, %swap3A_90] {strides = array<i32>} : memref<5x128xf32, #tpu.memory_space<vmem>>, vector<16xf32>,
    tpu.vector_store %arg7[%swap3A_89, %swap3A_90], %broadcast_in_dim3A_1 {strides = array<i32>} : memref<5x128xf32, #tpu.memory_space<vmem>>, vector<16xf32>,
    %swap3A_92 = arith.constant 2 : i32
    %swap3A_93 = arith.index_cast %swap3A_92 : i32 to index
    %swap3A_94 = arith.constant 48 : index
    %swap3A_95 = tpu.vector_load %arg7[%swap3A_93, %swap3A_94] {strides = array<i32>} : memref<5x128xf32, #tpu.memory_space<vmem>>, vector<16xf32>,
    tpu.vector_store %arg7[%swap3A_93, %swap3A_94], %broadcast_in_dim3A_1 {strides = array<i32>} : memref<5x128xf32, #tpu.memory_space<vmem>>, vector<16xf32>,
    %swap3A_96 = arith.constant 2 : i32
    %swap3A_97 = arith.index_cast %swap3A_96 : i32 to index
    %swap3A_98 = arith.constant 64 : index
    %swap3A_99 = tpu.vector_load %arg7[%swap3A_97, %swap3A_98] {strides = array<i32>} : memref<5x128xf32, #tpu.memory_space<vmem>>, vector<16xf32>,
    tpu.vector_store %arg7[%swap3A_97, %swap3A_98], %broadcast_in_dim3A_1 {strides = array<i32>} : memref<5x128xf32, #tpu.memory_space<vmem>>, vector<16xf32>,
    %swap3A_100 = arith.constant 2 : i32
    %swap3A_101 = arith.index_cast %swap3A_100 : i32 to index
    %swap3A_102 = arith.constant 80 : index
    %swap3A_103 = tpu.vector_load %arg7[%swap3A_101, %swap3A_102] {strides = array<i32>} : memref<5x128xf32, #tpu.memory_space<vmem>>, vector<16xf32>,
    tpu.vector_store %arg7[%swap3A_101, %swap3A_102], %broadcast_in_dim3A_1 {strides = array<i32>} : memref<5x128xf32, #tpu.memory_space<vmem>>, vector<16xf32>,
    %swap3A_104 = arith.constant 2 : i32
    %swap3A_105 = arith.index_cast %swap3A_104 : i32 to index
    %swap3A_106 = arith.constant 96 : index
    %swap3A_107 = tpu.vector_load %arg7[%swap3A_105, %swap3A_106] {strides = array<i32>} : memref<5x128xf32, #tpu.memory_space<vmem>>, vector<16xf32>,
    tpu.vector_store %arg7[%swap3A_105, %swap3A_106], %broadcast_in_dim3A_1 {strides = array<i32>} : memref<5x128xf32, #tpu.memory_space<vmem>>, vector<16xf32>,
    %swap3A_108 = arith.constant 2 : i32
    %swap3A_109 = arith.index_cast %swap3A_108 : i32 to index
    %swap3A_110 = arith.constant 112 : index
    %swap3A_111 = tpu.vector_load %arg7[%swap3A_109, %swap3A_110] {strides = array<i32>} : memref<5x128xf32, #tpu.memory_space<vmem>>, vector<16xf32>,
    tpu.vector_store %arg7[%swap3A_109, %swap3A_110], %broadcast_in_dim3A_1 {strides = array<i32>} : memref<5x128xf32, #tpu.memory_space<vmem>>, vector<16xf32>,
    %swap3A_112 = arith.constant 3 : i32
    %swap3A_113 = arith.index_cast %swap3A_112 : i32 to index
    %swap3A_114 = arith.constant 0 : index
    %swap3A_115 = tpu.vector_load %arg7[%swap3A_113, %swap3A_114] {strides = array<i32>} : memref<5x128xf32, #tpu.memory_space<vmem>>, vector<16xf32>,
    tpu.vector_store %arg7[%swap3A_113, %swap3A_114], %broadcast_in_dim3A_1 {strides = array<i32>} : memref<5x128xf32, #tpu.memory_space<vmem>>, vector<16xf32>,
    %swap3A_116 = arith.constant 3 : i32
    %swap3A_117 = arith.index_cast %swap3A_116 : i32 to index
    %swap3A_118 = arith.constant 16 : index
    %swap3A_119 = tpu.vector_load %arg7[%swap3A_117, %swap3A_118] {strides = array<i32>} : memref<5x128xf32, #tpu.memory_space<vmem>>, vector<16xf32>,
    tpu.vector_store %arg7[%swap3A_117, %swap3A_118], %broadcast_in_dim3A_1 {strides = array<i32>} : memref<5x128xf32, #tpu.memory_space<vmem>>, vector<16xf32>,
    %swap3A_120 = arith.constant 3 : i32
    %swap3A_121 = arith.index_cast %swap3A_120 : i32 to index
    %swap3A_122 = arith.constant 32 : index
    %swap3A_123 = tpu.vector_load %arg7[%swap3A_121, %swap3A_122] {strides = array<i32>} : memref<5x128xf32, #tpu.memory_space<vmem>>, vector<16xf32>,
    tpu.vector_store %arg7[%swap3A_121, %swap3A_122], %broadcast_in_dim3A_1 {strides = array<i32>} : memref<5x128xf32, #tpu.memory_space<vmem>>, vector<16xf32>,
    %swap3A_124 = arith.constant 3 : i32
    %swap3A_125 = arith.index_cast %swap3A_124 : i32 to index
    %swap3A_126 = arith.constant 48 : index
    %swap3A_127 = tpu.vector_load %arg7[%swap3A_125, %swap3A_126] {strides = array<i32>} : memref<5x128xf32, #tpu.memory_space<vmem>>, vector<16xf32>,
    tpu.vector_store %arg7[%swap3A_125, %swap3A_126], %broadcast_in_dim3A_1 {strides = array<i32>} : memref<5x128xf32, #tpu.memory_space<vmem>>, vector<16xf32>,
    %swap3A_128 = arith.constant 3 : i32
    %swap3A_129 = arith.index_cast %swap3A_128 : i32 to index
    %swap3A_130 = arith.constant 64 : index
    %swap3A_131 = tpu.vector_load %arg7[%swap3A_129, %swap3A_130] {strides = array<i32>} : memref<5x128xf32, #tpu.memory_space<vmem>>, vector<16xf32>,
    tpu.vector_store %arg7[%swap3A_129, %swap3A_130], %broadcast_in_dim3A_1 {strides = array<i32>} : memref<5x128xf32, #tpu.memory_space<vmem>>, vector<16xf32>,
    %swap3A_132 = arith.constant 3 : i32
    %swap3A_133 = arith.index_cast %swap3A_132 : i32 to index
    %swap3A_134 = arith.constant 80 : index
    %swap3A_135 = tpu.vector_load %arg7[%swap3A_133, %swap3A_134] {strides = array<i32>} : memref<5x128xf32, #tpu.memory_space<vmem>>, vector<16xf32>,
    tpu.vector_store %arg7[%swap3A_133, %swap3A_134], %broadcast_in_dim3A_1 {strides = array<i32>} : memref<5x128xf32, #tpu.memory_space<vmem>>, vector<16xf32>,
    %swap3A_136 = arith.constant 3 : i32
    %swap3A_137 = arith.index_cast %swap3A_136 : i32 to index
    %swap3A_138 = arith.constant 96 : index
    %swap3A_139 = tpu.vector_load %arg7[%swap3A_137, %swap3A_138] {strides = array<i32>} : memref<5x128xf32, #tpu.memory_space<vmem>>, vector<16xf32>,
    tpu.vector_store %arg7[%swap3A_137, %swap3A_138], %broadcast_in_dim3A_1 {strides = array<i32>} : memref<5x128xf32, #tpu.memory_space<vmem>>, vector<16xf32>,
    %swap3A_140 = arith.constant 3 : i32
    %swap3A_141 = arith.index_cast %swap3A_140 : i32 to index
    %swap3A_142 = arith.constant 112 : index
    %swap3A_143 = tpu.vector_load %arg7[%swap3A_141, %swap3A_142] {strides = array<i32>} : memref<5x128xf32, #tpu.memory_space<vmem>>, vector<16xf32>,
    tpu.vector_store %arg7[%swap3A_141, %swap3A_142], %broadcast_in_dim3A_1 {strides = array<i32>} : memref<5x128xf32, #tpu.memory_space<vmem>>, vector<16xf32>,
    %swap3A_144 = arith.constant 4 : i32
    %swap3A_145 = arith.index_cast %swap3A_144 : i32 to index
    %swap3A_146 = arith.constant 0 : index
    %swap3A_147 = tpu.vector_load %arg7[%swap3A_145, %swap3A_146] {strides = array<i32>} : memref<5x128xf32, #tpu.memory_space<vmem>>, vector<16xf32>,
    tpu.vector_store %arg7[%swap3A_145, %swap3A_146], %broadcast_in_dim3A_1 {strides = array<i32>} : memref<5x128xf32, #tpu.memory_space<vmem>>, vector<16xf32>,
    %swap3A_148 = arith.constant 4 : i32
    %swap3A_149 = arith.index_cast %swap3A_148 : i32 to index
    %swap3A_150 = arith.constant 16 : index
    %swap3A_151 = tpu.vector_load %arg7[%swap3A_149, %swap3A_150] {strides = array<i32>} : memref<5x128xf32, #tpu.memory_space<vmem>>, vector<16xf32>,
    tpu.vector_store %arg7[%swap3A_149, %swap3A_150], %broadcast_in_dim3A_1 {strides = array<i32>} : memref<5x128xf32, #tpu.memory_space<vmem>>, vector<16xf32>,
    %swap3A_152 = arith.constant 4 : i32
    %swap3A_153 = arith.index_cast %swap3A_152 : i32 to index
    %swap3A_154 = arith.constant 32 : index
    %swap3A_155 = tpu.vector_load %arg7[%swap3A_153, %swap3A_154] {strides = array<i32>} : memref<5x128xf32, #tpu.memory_space<vmem>>, vector<16xf32>,
    tpu.vector_store %arg7[%swap3A_153, %swap3A_154], %broadcast_in_dim3A_1 {strides = array<i32>} : memref<5x128xf32, #tpu.memory_space<vmem>>, vector<16xf32>,
    %swap3A_156 = arith.constant 4 : i32
    %swap3A_157 = arith.index_cast %swap3A_156 : i32 to index
    %swap3A_158 = arith.constant 48 : index
    %swap3A_159 = tpu.vector_load %arg7[%swap3A_157, %swap3A_158] {strides = array<i32>} : memref<5x128xf32, #tpu.memory_space<vmem>>, vector<16xf32>,
    tpu.vector_store %arg7[%swap3A_157, %swap3A_158], %broadcast_in_dim3A_1 {strides = array<i32>} : memref<5x128xf32, #tpu.memory_space<vmem>>, vector<16xf32>,
    %swap3A_160 = arith.constant 4 : i32
    %swap3A_161 = arith.index_cast %swap3A_160 : i32 to index
    %swap3A_162 = arith.constant 64 : index
    %swap3A_163 = tpu.vector_load %arg7[%swap3A_161, %swap3A_162] {strides = array<i32>} : memref<5x128xf32, #tpu.memory_space<vmem>>, vector<16xf32>,
    tpu.vector_store %arg7[%swap3A_161, %swap3A_162], %broadcast_in_dim3A_1 {strides = array<i32>} : memref<5x128xf32, #tpu.memory_space<vmem>>, vector<16xf32>,
    %swap3A_164 = arith.constant 4 : i32
    %swap3A_165 = arith.index_cast %swap3A_164 : i32 to index
    %swap3A_166 = arith.constant 80 : index
    %swap3A_167 = tpu.vector_load %arg7[%swap3A_165, %swap3A_166] {strides = array<i32>} : memref<5x128xf32, #tpu.memory_space<vmem>>, vector<16xf32>,
    tpu.vector_store %arg7[%swap3A_165, %swap3A_166], %broadcast_in_dim3A_1 {strides = array<i32>} : memref<5x128xf32, #tpu.memory_space<vmem>>, vector<16xf32>,
    %swap3A_168 = arith.constant 4 : i32
    %swap3A_169 = arith.index_cast %swap3A_168 : i32 to index
    %swap3A_170 = arith.constant 96 : index
    %swap3A_171 = tpu.vector_load %arg7[%swap3A_169, %swap3A_170] {strides = array<i32>} : memref<5x128xf32, #tpu.memory_space<vmem>>, vector<16xf32>,
    tpu.vector_store %arg7[%swap3A_169, %swap3A_170], %broadcast_in_dim3A_1 {strides = array<i32>} : memref<5x128xf32, #tpu.memory_space<vmem>>, vector<16xf32>,
    %swap3A_172 = arith.constant 4 : i32
    %swap3A_173 = arith.index_cast %swap3A_172 : i32 to index
    %swap3A_174 = arith.constant 112 : index
    %swap3A_175 = tpu.vector_load %arg7[%swap3A_173, %swap3A_174] {strides = array<i32>} : memref<5x128xf32, #tpu.memory_space<vmem>>, vector<16xf32>,
    tpu.vector_store %arg7[%swap3A_173, %swap3A_174], %broadcast_in_dim3A_1 {strides = array<i32>} : memref<5x128xf32, #tpu.memory_space<vmem>>, vector<16xf32>,
    %scan3A_176 = arith.constant 0 : i32
    %scan3A_177 = arith.constant 0 : i32
    %scan3A_178 = arith.constant 16 : i32
    %scan3A_179 = arith.addi %scan3A_177, %scan3A_178 : i32
    %scan3A_180 = arith.constant 1 : i32
    scf.for %scan3A_182 = %scan3A_177 to %scan3A_179 step %scan3A_180  : i32 {
      %mul3A_183 = arith.constant 5 : i32
      %mul3A_184 = arith.muli %arg1, %mul3A_183 : i32
      "tpu.region"() ({
        %run_scoped3A = tpu.sem_alloc : memref<!tpu.dma_semaphore, #tpu.memory_space<semaphore_mem>>
        %dma_start3A = arith.constant 0 : i32
        %dma_start3A_704 = tpu.memref_slice %arg4[%scan3A_182, %mul3A_184, %dma_start3A] : memref<16x80x128xf32, #tpu.memory_space<vmem_shared>> -> memref<1x5x128xf32, #tpu.memory_space<vmem_shared>>
        %dma_start3A_705 = tpu.memref_squeeze %dma_start3A_704 : memref<1x5x128xf32, #tpu.memory_space<vmem_shared>> -> memref<5x128xf32, #tpu.memory_space<vmem_shared>>
        %dma_start3A_706 = arith.constant 0 : i32
        %dma_start3A_707 = tpu.memref_slice %arg4[%scan3A_182, %mul3A_184, %dma_start3A_706] : memref<16x80x128xf32, #tpu.memory_space<vmem_shared>> -> memref<1x5x128xf32, #tpu.memory_space<vmem_shared>>
        %dma_start3A_708 = tpu.memref_squeeze %dma_start3A_707 : memref<1x5x128xf32, #tpu.memory_space<vmem_shared>> -> memref<5x128xf32, #tpu.memory_space<vmem_shared>>
        tpu.enqueue_dma source(%dma_start3A_708 : memref<5x128xf32, #tpu.memory_space<vmem_shared>>) target(%arg8 : memref<5x128xf32, #tpu.memory_space<vmem>>) target_semaphore(%run_scoped3A : memref<!tpu.dma_semaphore, #tpu.memory_space<semaphore_mem>>)
        %dma_wait3A = arith.constant 0 : i32
        %dma_wait3A_709 = tpu.memref_slice %arg4[%scan3A_182, %mul3A_184, %dma_wait3A] : memref<16x80x128xf32, #tpu.memory_space<vmem_shared>> -> memref<1x5x128xf32, #tpu.memory_space<vmem_shared>>
        %dma_wait3A_710 = tpu.memref_squeeze %dma_wait3A_709 : memref<1x5x128xf32, #tpu.memory_space<vmem_shared>> -> memref<5x128xf32, #tpu.memory_space<vmem_shared>>
        %dma_wait3A_711 = arith.constant 0 : i32
        %dma_wait3A_712 = tpu.memref_slice %arg4[%scan3A_182, %mul3A_184, %dma_wait3A_711] : memref<16x80x128xf32, #tpu.memory_space<vmem_shared>> -> memref<1x5x128xf32, #tpu.memory_space<vmem_shared>>
        %dma_wait3A_713 = tpu.memref_squeeze %dma_wait3A_712 : memref<1x5x128xf32, #tpu.memory_space<vmem_shared>> -> memref<5x128xf32, #tpu.memory_space<vmem_shared>>
        tpu.wait_dma2 semaphore(%run_scoped3A : memref<!tpu.dma_semaphore, #tpu.memory_space<semaphore_mem>>) src(%dma_wait3A_713 : memref<5x128xf32, #tpu.memory_space<vmem_shared>>) dst(%arg8 : memref<5x128xf32, #tpu.memory_space<vmem>>)
        tpu.yield
      }) : () -> ()
      %get3A = arith.constant 0 : i32
      %get3A_185 = arith.index_cast %get3A : i32 to index
      %get3A_186 = arith.constant 0 : index
      %get3A_187 = tpu.vector_load %arg7[%get3A_185, %get3A_186] {strides = array<i32>} : memref<5x128xf32, #tpu.memory_space<vmem>>, vector<16xf32>,
      %get3A_188 = arith.constant 0 : i32
      %get3A_189 = arith.index_cast %get3A_188 : i32 to index
      %get3A_190 = arith.constant 0 : index
      %get3A_191 = tpu.vector_load %arg8[%get3A_189, %get3A_190] {strides = array<i32>} : memref<5x128xf32, #tpu.memory_space<vmem>>, vector<16xf32>,
      %add3A_192 = arith.addf %get3A_187, %get3A_191 : vector<16xf32>
      %swap3A_193 = arith.constant 0 : i32
      %swap3A_194 = arith.index_cast %swap3A_193 : i32 to index
      %swap3A_195 = arith.constant 0 : index
      %swap3A_196 = tpu.vector_load %arg7[%swap3A_194, %swap3A_195] {strides = array<i32>} : memref<5x128xf32, #tpu.memory_space<vmem>>, vector<16xf32>,
      tpu.vector_store %arg7[%swap3A_194, %swap3A_195], %add3A_192 {strides = array<i32>} : memref<5x128xf32, #tpu.memory_space<vmem>>, vector<16xf32>,
      %get3A_197 = arith.constant 0 : i32
      %get3A_198 = arith.index_cast %get3A_197 : i32 to index
      %get3A_199 = arith.constant 16 : index
      %get3A_200 = tpu.vector_load %arg7[%get3A_198, %get3A_199] {strides = array<i32>} : memref<5x128xf32, #tpu.memory_space<vmem>>, vector<16xf32>,
      %get3A_201 = arith.constant 0 : i32
      %get3A_202 = arith.index_cast %get3A_201 : i32 to index
      %get3A_203 = arith.constant 16 : index
      %get3A_204 = tpu.vector_load %arg8[%get3A_202, %get3A_203] {strides = array<i32>} : memref<5x128xf32, #tpu.memory_space<vmem>>, vector<16xf32>,
      %add3A_205 = arith.addf %get3A_200, %get3A_204 : vector<16xf32>
      %swap3A_206 = arith.constant 0 : i32
      %swap3A_207 = arith.index_cast %swap3A_206 : i32 to index
      %swap3A_208 = arith.constant 16 : index
      %swap3A_209 = tpu.vector_load %arg7[%swap3A_207, %swap3A_208] {strides = array<i32>} : memref<5x128xf32, #tpu.memory_space<vmem>>, vector<16xf32>,
      tpu.vector_store %arg7[%swap3A_207, %swap3A_208], %add3A_205 {strides = array<i32>} : memref<5x128xf32, #tpu.memory_space<vmem>>, vector<16xf32>,
      %get3A_210 = arith.constant 0 : i32
      %get3A_211 = arith.index_cast %get3A_210 : i32 to index
      %get3A_212 = arith.constant 32 : index
      %get3A_213 = tpu.vector_load %arg7[%get3A_211, %get3A_212] {strides = array<i32>} : memref<5x128xf32, #tpu.memory_space<vmem>>, vector<16xf32>,
      %get3A_214 = arith.constant 0 : i32
      %get3A_215 = arith.index_cast %get3A_214 : i32 to index
      %get3A_216 = arith.constant 32 : index
      %get3A_217 = tpu.vector_load %arg8[%get3A_215, %get3A_216] {strides = array<i32>} : memref<5x128xf32, #tpu.memory_space<vmem>>, vector<16xf32>,
      %add3A_218 = arith.addf %get3A_213, %get3A_217 : vector<16xf32>
      %swap3A_219 = arith.constant 0 : i32
      %swap3A_220 = arith.index_cast %swap3A_219 : i32 to index
      %swap3A_221 = arith.constant 32 : index
      %swap3A_222 = tpu.vector_load %arg7[%swap3A_220, %swap3A_221] {strides = array<i32>} : memref<5x128xf32, #tpu.memory_space<vmem>>, vector<16xf32>,
      tpu.vector_store %arg7[%swap3A_220, %swap3A_221], %add3A_218 {strides = array<i32>} : memref<5x128xf32, #tpu.memory_space<vmem>>, vector<16xf32>,
      %get3A_223 = arith.constant 0 : i32
      %get3A_224 = arith.index_cast %get3A_223 : i32 to index
      %get3A_225 = arith.constant 48 : index
      %get3A_226 = tpu.vector_load %arg7[%get3A_224, %get3A_225] {strides = array<i32>} : memref<5x128xf32, #tpu.memory_space<vmem>>, vector<16xf32>,
      %get3A_227 = arith.constant 0 : i32
      %get3A_228 = arith.index_cast %get3A_227 : i32 to index
      %get3A_229 = arith.constant 48 : index
      %get3A_230 = tpu.vector_load %arg8[%get3A_228, %get3A_229] {strides = array<i32>} : memref<5x128xf32, #tpu.memory_space<vmem>>, vector<16xf32>,
      %add3A_231 = arith.addf %get3A_226, %get3A_230 : vector<16xf32>
      %swap3A_232 = arith.constant 0 : i32
      %swap3A_233 = arith.index_cast %swap3A_232 : i32 to index
      %swap3A_234 = arith.constant 48 : index
      %swap3A_235 = tpu.vector_load %arg7[%swap3A_233, %swap3A_234] {strides = array<i32>} : memref<5x128xf32, #tpu.memory_space<vmem>>, vector<16xf32>,
      tpu.vector_store %arg7[%swap3A_233, %swap3A_234], %add3A_231 {strides = array<i32>} : memref<5x128xf32, #tpu.memory_space<vmem>>, vector<16xf32>,
      %get3A_236 = arith.constant 0 : i32
      %get3A_237 = arith.index_cast %get3A_236 : i32 to index
      %get3A_238 = arith.constant 64 : index
      %get3A_239 = tpu.vector_load %arg7[%get3A_237, %get3A_238] {strides = array<i32>} : memref<5x128xf32, #tpu.memory_space<vmem>>, vector<16xf32>,
      %get3A_240 = arith.constant 0 : i32
      %get3A_241 = arith.index_cast %get3A_240 : i32 to index
      %get3A_242 = arith.constant 64 : index
      %get3A_243 = tpu.vector_load %arg8[%get3A_241, %get3A_242] {strides = array<i32>} : memref<5x128xf32, #tpu.memory_space<vmem>>, vector<16xf32>,
      %add3A_244 = arith.addf %get3A_239, %get3A_243 : vector<16xf32>
      %swap3A_245 = arith.constant 0 : i32
      %swap3A_246 = arith.index_cast %swap3A_245 : i32 to index
      %swap3A_247 = arith.constant 64 : index
      %swap3A_248 = tpu.vector_load %arg7[%swap3A_246, %swap3A_247] {strides = array<i32>} : memref<5x128xf32, #tpu.memory_space<vmem>>, vector<16xf32>,
      tpu.vector_store %arg7[%swap3A_246, %swap3A_247], %add3A_244 {strides = array<i32>} : memref<5x128xf32, #tpu.memory_space<vmem>>, vector<16xf32>,
      %get3A_249 = arith.constant 0 : i32
      %get3A_250 = arith.index_cast %get3A_249 : i32 to index
      %get3A_251 = arith.constant 80 : index
      %get3A_252 = tpu.vector_load %arg7[%get3A_250, %get3A_251] {strides = array<i32>} : memref<5x128xf32, #tpu.memory_space<vmem>>, vector<16xf32>,
      %get3A_253 = arith.constant 0 : i32
      %get3A_254 = arith.index_cast %get3A_253 : i32 to index
      %get3A_255 = arith.constant 80 : index
      %get3A_256 = tpu.vector_load %arg8[%get3A_254, %get3A_255] {strides = array<i32>} : memref<5x128xf32, #tpu.memory_space<vmem>>, vector<16xf32>,
      %add3A_257 = arith.addf %get3A_252, %get3A_256 : vector<16xf32>
      %swap3A_258 = arith.constant 0 : i32
      %swap3A_259 = arith.index_cast %swap3A_258 : i32 to index
      %swap3A_260 = arith.constant 80 : index
      %swap3A_261 = tpu.vector_load %arg7[%swap3A_259, %swap3A_260] {strides = array<i32>} : memref<5x128xf32, #tpu.memory_space<vmem>>, vector<16xf32>,
      tpu.vector_store %arg7[%swap3A_259, %swap3A_260], %add3A_257 {strides = array<i32>} : memref<5x128xf32, #tpu.memory_space<vmem>>, vector<16xf32>,
      %get3A_262 = arith.constant 0 : i32
      %get3A_263 = arith.index_cast %get3A_262 : i32 to index
      %get3A_264 = arith.constant 96 : index
      %get3A_265 = tpu.vector_load %arg7[%get3A_263, %get3A_264] {strides = array<i32>} : memref<5x128xf32, #tpu.memory_space<vmem>>, vector<16xf32>,
      %get3A_266 = arith.constant 0 : i32
      %get3A_267 = arith.index_cast %get3A_266 : i32 to index
      %get3A_268 = arith.constant 96 : index
      %get3A_269 = tpu.vector_load %arg8[%get3A_267, %get3A_268] {strides = array<i32>} : memref<5x128xf32, #tpu.memory_space<vmem>>, vector<16xf32>,
      %add3A_270 = arith.addf %get3A_265, %get3A_269 : vector<16xf32>
      %swap3A_271 = arith.constant 0 : i32
      %swap3A_272 = arith.index_cast %swap3A_271 : i32 to index
      %swap3A_273 = arith.constant 96 : index
      %swap3A_274 = tpu.vector_load %arg7[%swap3A_272, %swap3A_273] {strides = array<i32>} : memref<5x128xf32, #tpu.memory_space<vmem>>, vector<16xf32>,
      tpu.vector_store %arg7[%swap3A_272, %swap3A_273], %add3A_270 {strides = array<i32>} : memref<5x128xf32, #tpu.memory_space<vmem>>, vector<16xf32>,
      %get3A_275 = arith.constant 0 : i32
      %get3A_276 = arith.index_cast %get3A_275 : i32 to index
      %get3A_277 = arith.constant 112 : index
      %get3A_278 = tpu.vector_load %arg7[%get3A_276, %get3A_277] {strides = array<i32>} : memref<5x128xf32, #tpu.memory_space<vmem>>, vector<16xf32>,
      %get3A_279 = arith.constant 0 : i32
      %get3A_280 = arith.index_cast %get3A_279 : i32 to index
      %get3A_281 = arith.constant 112 : index
      %get3A_282 = tpu.vector_load %arg8[%get3A_280, %get3A_281] {strides = array<i32>} : memref<5x128xf32, #tpu.memory_space<vmem>>, vector<16xf32>,
      %add3A_283 = arith.addf %get3A_278, %get3A_282 : vector<16xf32>
      %swap3A_284 = arith.constant 0 : i32
      %swap3A_285 = arith.index_cast %swap3A_284 : i32 to index
      %swap3A_286 = arith.constant 112 : index
      %swap3A_287 = tpu.vector_load %arg7[%swap3A_285, %swap3A_286] {strides = array<i32>} : memref<5x128xf32, #tpu.memory_space<vmem>>, vector<16xf32>,
      tpu.vector_store %arg7[%swap3A_285, %swap3A_286], %add3A_283 {strides = array<i32>} : memref<5x128xf32, #tpu.memory_space<vmem>>, vector<16xf32>,
      %get3A_288 = arith.constant 1 : i32
      %get3A_289 = arith.index_cast %get3A_288 : i32 to index
      %get3A_290 = arith.constant 0 : index
      %get3A_291 = tpu.vector_load %arg7[%get3A_289, %get3A_290] {strides = array<i32>} : memref<5x128xf32, #tpu.memory_space<vmem>>, vector<16xf32>,
      %get3A_292 = arith.constant 1 : i32
      %get3A_293 = arith.index_cast %get3A_292 : i32 to index
      %get3A_294 = arith.constant 0 : index
      %get3A_295 = tpu.vector_load %arg8[%get3A_293, %get3A_294] {strides = array<i32>} : memref<5x128xf32, #tpu.memory_space<vmem>>, vector<16xf32>,
      %add3A_296 = arith.addf %get3A_291, %get3A_295 : vector<16xf32>
      %swap3A_297 = arith.constant 1 : i32
      %swap3A_298 = arith.index_cast %swap3A_297 : i32 to index
      %swap3A_299 = arith.constant 0 : index
      %swap3A_300 = tpu.vector_load %arg7[%swap3A_298, %swap3A_299] {strides = array<i32>} : memref<5x128xf32, #tpu.memory_space<vmem>>, vector<16xf32>,
      tpu.vector_store %arg7[%swap3A_298, %swap3A_299], %add3A_296 {strides = array<i32>} : memref<5x128xf32, #tpu.memory_space<vmem>>, vector<16xf32>,
      %get3A_301 = arith.constant 1 : i32
      %get3A_302 = arith.index_cast %get3A_301 : i32 to index
      %get3A_303 = arith.constant 16 : index
      %get3A_304 = tpu.vector_load %arg7[%get3A_302, %get3A_303] {strides = array<i32>} : memref<5x128xf32, #tpu.memory_space<vmem>>, vector<16xf32>,
      %get3A_305 = arith.constant 1 : i32
      %get3A_306 = arith.index_cast %get3A_305 : i32 to index
      %get3A_307 = arith.constant 16 : index
      %get3A_308 = tpu.vector_load %arg8[%get3A_306, %get3A_307] {strides = array<i32>} : memref<5x128xf32, #tpu.memory_space<vmem>>, vector<16xf32>,
      %add3A_309 = arith.addf %get3A_304, %get3A_308 : vector<16xf32>
      %swap3A_310 = arith.constant 1 : i32
      %swap3A_311 = arith.index_cast %swap3A_310 : i32 to index
      %swap3A_312 = arith.constant 16 : index
      %swap3A_313 = tpu.vector_load %arg7[%swap3A_311, %swap3A_312] {strides = array<i32>} : memref<5x128xf32, #tpu.memory_space<vmem>>, vector<16xf32>,
      tpu.vector_store %arg7[%swap3A_311, %swap3A_312], %add3A_309 {strides = array<i32>} : memref<5x128xf32, #tpu.memory_space<vmem>>, vector<16xf32>,
      %get3A_314 = arith.constant 1 : i32
      %get3A_315 = arith.index_cast %get3A_314 : i32 to index
      %get3A_316 = arith.constant 32 : index
      %get3A_317 = tpu.vector_load %arg7[%get3A_315, %get3A_316] {strides = array<i32>} : memref<5x128xf32, #tpu.memory_space<vmem>>, vector<16xf32>,
      %get3A_318 = arith.constant 1 : i32
      %get3A_319 = arith.index_cast %get3A_318 : i32 to index
      %get3A_320 = arith.constant 32 : index
      %get3A_321 = tpu.vector_load %arg8[%get3A_319, %get3A_320] {strides = array<i32>} : memref<5x128xf32, #tpu.memory_space<vmem>>, vector<16xf32>,
      %add3A_322 = arith.addf %get3A_317, %get3A_321 : vector<16xf32>
      %swap3A_323 = arith.constant 1 : i32
      %swap3A_324 = arith.index_cast %swap3A_323 : i32 to index
      %swap3A_325 = arith.constant 32 : index
      %swap3A_326 = tpu.vector_load %arg7[%swap3A_324, %swap3A_325] {strides = array<i32>} : memref<5x128xf32, #tpu.memory_space<vmem>>, vector<16xf32>,
      tpu.vector_store %arg7[%swap3A_324, %swap3A_325], %add3A_322 {strides = array<i32>} : memref<5x128xf32, #tpu.memory_space<vmem>>, vector<16xf32>,
      %get3A_327 = arith.constant 1 : i32
      %get3A_328 = arith.index_cast %get3A_327 : i32 to index
      %get3A_329 = arith.constant 48 : index
      %get3A_330 = tpu.vector_load %arg7[%get3A_328, %get3A_329] {strides = array<i32>} : memref<5x128xf32, #tpu.memory_space<vmem>>, vector<16xf32>,
      %get3A_331 = arith.constant 1 : i32
      %get3A_332 = arith.index_cast %get3A_331 : i32 to index
      %get3A_333 = arith.constant 48 : index
      %get3A_334 = tpu.vector_load %arg8[%get3A_332, %get3A_333] {strides = array<i32>} : memref<5x128xf32, #tpu.memory_space<vmem>>, vector<16xf32>,
      %add3A_335 = arith.addf %get3A_330, %get3A_334 : vector<16xf32>
      %swap3A_336 = arith.constant 1 : i32
      %swap3A_337 = arith.index_cast %swap3A_336 : i32 to index
      %swap3A_338 = arith.constant 48 : index
      %swap3A_339 = tpu.vector_load %arg7[%swap3A_337, %swap3A_338] {strides = array<i32>} : memref<5x128xf32, #tpu.memory_space<vmem>>, vector<16xf32>,
      tpu.vector_store %arg7[%swap3A_337, %swap3A_338], %add3A_335 {strides = array<i32>} : memref<5x128xf32, #tpu.memory_space<vmem>>, vector<16xf32>,
      %get3A_340 = arith.constant 1 : i32
      %get3A_341 = arith.index_cast %get3A_340 : i32 to index
      %get3A_342 = arith.constant 64 : index
      %get3A_343 = tpu.vector_load %arg7[%get3A_341, %get3A_342] {strides = array<i32>} : memref<5x128xf32, #tpu.memory_space<vmem>>, vector<16xf32>,
      %get3A_344 = arith.constant 1 : i32
      %get3A_345 = arith.index_cast %get3A_344 : i32 to index
      %get3A_346 = arith.constant 64 : index
      %get3A_347 = tpu.vector_load %arg8[%get3A_345, %get3A_346] {strides = array<i32>} : memref<5x128xf32, #tpu.memory_space<vmem>>, vector<16xf32>,
      %add3A_348 = arith.addf %get3A_343, %get3A_347 : vector<16xf32>
      %swap3A_349 = arith.constant 1 : i32
      %swap3A_350 = arith.index_cast %swap3A_349 : i32 to index
      %swap3A_351 = arith.constant 64 : index
      %swap3A_352 = tpu.vector_load %arg7[%swap3A_350, %swap3A_351] {strides = array<i32>} : memref<5x128xf32, #tpu.memory_space<vmem>>, vector<16xf32>,
      tpu.vector_store %arg7[%swap3A_350, %swap3A_351], %add3A_348 {strides = array<i32>} : memref<5x128xf32, #tpu.memory_space<vmem>>, vector<16xf32>,
      %get3A_353 = arith.constant 1 : i32
      %get3A_354 = arith.index_cast %get3A_353 : i32 to index
      %get3A_355 = arith.constant 80 : index
      %get3A_356 = tpu.vector_load %arg7[%get3A_354, %get3A_355] {strides = array<i32>} : memref<5x128xf32, #tpu.memory_space<vmem>>, vector<16xf32>,
      %get3A_357 = arith.constant 1 : i32
      %get3A_358 = arith.index_cast %get3A_357 : i32 to index
      %get3A_359 = arith.constant 80 : index
      %get3A_360 = tpu.vector_load %arg8[%get3A_358, %get3A_359] {strides = array<i32>} : memref<5x128xf32, #tpu.memory_space<vmem>>, vector<16xf32>,
      %add3A_361 = arith.addf %get3A_356, %get3A_360 : vector<16xf32>
      %swap3A_362 = arith.constant 1 : i32
      %swap3A_363 = arith.index_cast %swap3A_362 : i32 to index
      %swap3A_364 = arith.constant 80 : index
      %swap3A_365 = tpu.vector_load %arg7[%swap3A_363, %swap3A_364] {strides = array<i32>} : memref<5x128xf32, #tpu.memory_space<vmem>>, vector<16xf32>,
      tpu.vector_store %arg7[%swap3A_363, %swap3A_364], %add3A_361 {strides = array<i32>} : memref<5x128xf32, #tpu.memory_space<vmem>>, vector<16xf32>,
      %get3A_366 = arith.constant 1 : i32
      %get3A_367 = arith.index_cast %get3A_366 : i32 to index
      %get3A_368 = arith.constant 96 : index
      %get3A_369 = tpu.vector_load %arg7[%get3A_367, %get3A_368] {strides = array<i32>} : memref<5x128xf32, #tpu.memory_space<vmem>>, vector<16xf32>,
      %get3A_370 = arith.constant 1 : i32
      %get3A_371 = arith.index_cast %get3A_370 : i32 to index
      %get3A_372 = arith.constant 96 : index
      %get3A_373 = tpu.vector_load %arg8[%get3A_371, %get3A_372] {strides = array<i32>} : memref<5x128xf32, #tpu.memory_space<vmem>>, vector<16xf32>,
      %add3A_374 = arith.addf %get3A_369, %get3A_373 : vector<16xf32>
      %swap3A_375 = arith.constant 1 : i32
      %swap3A_376 = arith.index_cast %swap3A_375 : i32 to index
      %swap3A_377 = arith.constant 96 : index
      %swap3A_378 = tpu.vector_load %arg7[%swap3A_376, %swap3A_377] {strides = array<i32>} : memref<5x128xf32, #tpu.memory_space<vmem>>, vector<16xf32>,
      tpu.vector_store %arg7[%swap3A_376, %swap3A_377], %add3A_374 {strides = array<i32>} : memref<5x128xf32, #tpu.memory_space<vmem>>, vector<16xf32>,
      %get3A_379 = arith.constant 1 : i32
      %get3A_380 = arith.index_cast %get3A_379 : i32 to index
      %get3A_381 = arith.constant 112 : index
      %get3A_382 = tpu.vector_load %arg7[%get3A_380, %get3A_381] {strides = array<i32>} : memref<5x128xf32, #tpu.memory_space<vmem>>, vector<16xf32>,
      %get3A_383 = arith.constant 1 : i32
      %get3A_384 = arith.index_cast %get3A_383 : i32 to index
      %get3A_385 = arith.constant 112 : index
      %get3A_386 = tpu.vector_load %arg8[%get3A_384, %get3A_385] {strides = array<i32>} : memref<5x128xf32, #tpu.memory_space<vmem>>, vector<16xf32>,
      %add3A_387 = arith.addf %get3A_382, %get3A_386 : vector<16xf32>
      %swap3A_388 = arith.constant 1 : i32
      %swap3A_389 = arith.index_cast %swap3A_388 : i32 to index
      %swap3A_390 = arith.constant 112 : index
      %swap3A_391 = tpu.vector_load %arg7[%swap3A_389, %swap3A_390] {strides = array<i32>} : memref<5x128xf32, #tpu.memory_space<vmem>>, vector<16xf32>,
      tpu.vector_store %arg7[%swap3A_389, %swap3A_390], %add3A_387 {strides = array<i32>} : memref<5x128xf32, #tpu.memory_space<vmem>>, vector<16xf32>,
      %get3A_392 = arith.constant 2 : i32
      %get3A_393 = arith.index_cast %get3A_392 : i32 to index
      %get3A_394 = arith.constant 0 : index
      %get3A_395 = tpu.vector_load %arg7[%get3A_393, %get3A_394] {strides = array<i32>} : memref<5x128xf32, #tpu.memory_space<vmem>>, vector<16xf32>,
      %get3A_396 = arith.constant 2 : i32
      %get3A_397 = arith.index_cast %get3A_396 : i32 to index
      %get3A_398 = arith.constant 0 : index
      %get3A_399 = tpu.vector_load %arg8[%get3A_397, %get3A_398] {strides = array<i32>} : memref<5x128xf32, #tpu.memory_space<vmem>>, vector<16xf32>,
      %add3A_400 = arith.addf %get3A_395, %get3A_399 : vector<16xf32>
      %swap3A_401 = arith.constant 2 : i32
      %swap3A_402 = arith.index_cast %swap3A_401 : i32 to index
      %swap3A_403 = arith.constant 0 : index
      %swap3A_404 = tpu.vector_load %arg7[%swap3A_402, %swap3A_403] {strides = array<i32>} : memref<5x128xf32, #tpu.memory_space<vmem>>, vector<16xf32>,
      tpu.vector_store %arg7[%swap3A_402, %swap3A_403], %add3A_400 {strides = array<i32>} : memref<5x128xf32, #tpu.memory_space<vmem>>, vector<16xf32>,
      %get3A_405 = arith.constant 2 : i32
      %get3A_406 = arith.index_cast %get3A_405 : i32 to index
      %get3A_407 = arith.constant 16 : index
      %get3A_408 = tpu.vector_load %arg7[%get3A_406, %get3A_407] {strides = array<i32>} : memref<5x128xf32, #tpu.memory_space<vmem>>, vector<16xf32>,
      %get3A_409 = arith.constant 2 : i32
      %get3A_410 = arith.index_cast %get3A_409 : i32 to index
      %get3A_411 = arith.constant 16 : index
      %get3A_412 = tpu.vector_load %arg8[%get3A_410, %get3A_411] {strides = array<i32>} : memref<5x128xf32, #tpu.memory_space<vmem>>, vector<16xf32>,
      %add3A_413 = arith.addf %get3A_408, %get3A_412 : vector<16xf32>
      %swap3A_414 = arith.constant 2 : i32
      %swap3A_415 = arith.index_cast %swap3A_414 : i32 to index
      %swap3A_416 = arith.constant 16 : index
      %swap3A_417 = tpu.vector_load %arg7[%swap3A_415, %swap3A_416] {strides = array<i32>} : memref<5x128xf32, #tpu.memory_space<vmem>>, vector<16xf32>,
      tpu.vector_store %arg7[%swap3A_415, %swap3A_416], %add3A_413 {strides = array<i32>} : memref<5x128xf32, #tpu.memory_space<vmem>>, vector<16xf32>,
      %get3A_418 = arith.constant 2 : i32
      %get3A_419 = arith.index_cast %get3A_418 : i32 to index
      %get3A_420 = arith.constant 32 : index
      %get3A_421 = tpu.vector_load %arg7[%get3A_419, %get3A_420] {strides = array<i32>} : memref<5x128xf32, #tpu.memory_space<vmem>>, vector<16xf32>,
      %get3A_422 = arith.constant 2 : i32
      %get3A_423 = arith.index_cast %get3A_422 : i32 to index
      %get3A_424 = arith.constant 32 : index
      %get3A_425 = tpu.vector_load %arg8[%get3A_423, %get3A_424] {strides = array<i32>} : memref<5x128xf32, #tpu.memory_space<vmem>>, vector<16xf32>,
      %add3A_426 = arith.addf %get3A_421, %get3A_425 : vector<16xf32>
      %swap3A_427 = arith.constant 2 : i32
      %swap3A_428 = arith.index_cast %swap3A_427 : i32 to index
      %swap3A_429 = arith.constant 32 : index
      %swap3A_430 = tpu.vector_load %arg7[%swap3A_428, %swap3A_429] {strides = array<i32>} : memref<5x128xf32, #tpu.memory_space<vmem>>, vector<16xf32>,
      tpu.vector_store %arg7[%swap3A_428, %swap3A_429], %add3A_426 {strides = array<i32>} : memref<5x128xf32, #tpu.memory_space<vmem>>, vector<16xf32>,
      %get3A_431 = arith.constant 2 : i32
      %get3A_432 = arith.index_cast %get3A_431 : i32 to index
      %get3A_433 = arith.constant 48 : index
      %get3A_434 = tpu.vector_load %arg7[%get3A_432, %get3A_433] {strides = array<i32>} : memref<5x128xf32, #tpu.memory_space<vmem>>, vector<16xf32>,
      %get3A_435 = arith.constant 2 : i32
      %get3A_436 = arith.index_cast %get3A_435 : i32 to index
      %get3A_437 = arith.constant 48 : index
      %get3A_438 = tpu.vector_load %arg8[%get3A_436, %get3A_437] {strides = array<i32>} : memref<5x128xf32, #tpu.memory_space<vmem>>, vector<16xf32>,
      %add3A_439 = arith.addf %get3A_434, %get3A_438 : vector<16xf32>
      %swap3A_440 = arith.constant 2 : i32
      %swap3A_441 = arith.index_cast %swap3A_440 : i32 to index
      %swap3A_442 = arith.constant 48 : index
      %swap3A_443 = tpu.vector_load %arg7[%swap3A_441, %swap3A_442] {strides = array<i32>} : memref<5x128xf32, #tpu.memory_space<vmem>>, vector<16xf32>,
      tpu.vector_store %arg7[%swap3A_441, %swap3A_442], %add3A_439 {strides = array<i32>} : memref<5x128xf32, #tpu.memory_space<vmem>>, vector<16xf32>,
      %get3A_444 = arith.constant 2 : i32
      %get3A_445 = arith.index_cast %get3A_444 : i32 to index
      %get3A_446 = arith.constant 64 : index
      %get3A_447 = tpu.vector_load %arg7[%get3A_445, %get3A_446] {strides = array<i32>} : memref<5x128xf32, #tpu.memory_space<vmem>>, vector<16xf32>,
      %get3A_448 = arith.constant 2 : i32
      %get3A_449 = arith.index_cast %get3A_448 : i32 to index
      %get3A_450 = arith.constant 64 : index
      %get3A_451 = tpu.vector_load %arg8[%get3A_449, %get3A_450] {strides = array<i32>} : memref<5x128xf32, #tpu.memory_space<vmem>>, vector<16xf32>,
      %add3A_452 = arith.addf %get3A_447, %get3A_451 : vector<16xf32>
      %swap3A_453 = arith.constant 2 : i32
      %swap3A_454 = arith.index_cast %swap3A_453 : i32 to index
      %swap3A_455 = arith.constant 64 : index
      %swap3A_456 = tpu.vector_load %arg7[%swap3A_454, %swap3A_455] {strides = array<i32>} : memref<5x128xf32, #tpu.memory_space<vmem>>, vector<16xf32>,
      tpu.vector_store %arg7[%swap3A_454, %swap3A_455], %add3A_452 {strides = array<i32>} : memref<5x128xf32, #tpu.memory_space<vmem>>, vector<16xf32>,
      %get3A_457 = arith.constant 2 : i32
      %get3A_458 = arith.index_cast %get3A_457 : i32 to index
      %get3A_459 = arith.constant 80 : index
      %get3A_460 = tpu.vector_load %arg7[%get3A_458, %get3A_459] {strides = array<i32>} : memref<5x128xf32, #tpu.memory_space<vmem>>, vector<16xf32>,
      %get3A_461 = arith.constant 2 : i32
      %get3A_462 = arith.index_cast %get3A_461 : i32 to index
      %get3A_463 = arith.constant 80 : index
      %get3A_464 = tpu.vector_load %arg8[%get3A_462, %get3A_463] {strides = array<i32>} : memref<5x128xf32, #tpu.memory_space<vmem>>, vector<16xf32>,
      %add3A_465 = arith.addf %get3A_460, %get3A_464 : vector<16xf32>
      %swap3A_466 = arith.constant 2 : i32
      %swap3A_467 = arith.index_cast %swap3A_466 : i32 to index
      %swap3A_468 = arith.constant 80 : index
      %swap3A_469 = tpu.vector_load %arg7[%swap3A_467, %swap3A_468] {strides = array<i32>} : memref<5x128xf32, #tpu.memory_space<vmem>>, vector<16xf32>,
      tpu.vector_store %arg7[%swap3A_467, %swap3A_468], %add3A_465 {strides = array<i32>} : memref<5x128xf32, #tpu.memory_space<vmem>>, vector<16xf32>,
      %get3A_470 = arith.constant 2 : i32
      %get3A_471 = arith.index_cast %get3A_470 : i32 to index
      %get3A_472 = arith.constant 96 : index
      %get3A_473 = tpu.vector_load %arg7[%get3A_471, %get3A_472] {strides = array<i32>} : memref<5x128xf32, #tpu.memory_space<vmem>>, vector<16xf32>,
      %get3A_474 = arith.constant 2 : i32
      %get3A_475 = arith.index_cast %get3A_474 : i32 to index
      %get3A_476 = arith.constant 96 : index
      %get3A_477 = tpu.vector_load %arg8[%get3A_475, %get3A_476] {strides = array<i32>} : memref<5x128xf32, #tpu.memory_space<vmem>>, vector<16xf32>,
      %add3A_478 = arith.addf %get3A_473, %get3A_477 : vector<16xf32>
      %swap3A_479 = arith.constant 2 : i32
      %swap3A_480 = arith.index_cast %swap3A_479 : i32 to index
      %swap3A_481 = arith.constant 96 : index
      %swap3A_482 = tpu.vector_load %arg7[%swap3A_480, %swap3A_481] {strides = array<i32>} : memref<5x128xf32, #tpu.memory_space<vmem>>, vector<16xf32>,
      tpu.vector_store %arg7[%swap3A_480, %swap3A_481], %add3A_478 {strides = array<i32>} : memref<5x128xf32, #tpu.memory_space<vmem>>, vector<16xf32>,
      %get3A_483 = arith.constant 2 : i32
      %get3A_484 = arith.index_cast %get3A_483 : i32 to index
      %get3A_485 = arith.constant 112 : index
      %get3A_486 = tpu.vector_load %arg7[%get3A_484, %get3A_485] {strides = array<i32>} : memref<5x128xf32, #tpu.memory_space<vmem>>, vector<16xf32>,
      %get3A_487 = arith.constant 2 : i32
      %get3A_488 = arith.index_cast %get3A_487 : i32 to index
      %get3A_489 = arith.constant 112 : index
      %get3A_490 = tpu.vector_load %arg8[%get3A_488, %get3A_489] {strides = array<i32>} : memref<5x128xf32, #tpu.memory_space<vmem>>, vector<16xf32>,
      %add3A_491 = arith.addf %get3A_486, %get3A_490 : vector<16xf32>
      %swap3A_492 = arith.constant 2 : i32
      %swap3A_493 = arith.index_cast %swap3A_492 : i32 to index
      %swap3A_494 = arith.constant 112 : index
      %swap3A_495 = tpu.vector_load %arg7[%swap3A_493, %swap3A_494] {strides = array<i32>} : memref<5x128xf32, #tpu.memory_space<vmem>>, vector<16xf32>,
      tpu.vector_store %arg7[%swap3A_493, %swap3A_494], %add3A_491 {strides = array<i32>} : memref<5x128xf32, #tpu.memory_space<vmem>>, vector<16xf32>,
      %get3A_496 = arith.constant 3 : i32
      %get3A_497 = arith.index_cast %get3A_496 : i32 to index
      %get3A_498 = arith.constant 0 : index
      %get3A_499 = tpu.vector_load %arg7[%get3A_497, %get3A_498] {strides = array<i32>} : memref<5x128xf32, #tpu.memory_space<vmem>>, vector<16xf32>,
      %get3A_500 = arith.constant 3 : i32
      %get3A_501 = arith.index_cast %get3A_500 : i32 to index
      %get3A_502 = arith.constant 0 : index
      %get3A_503 = tpu.vector_load %arg8[%get3A_501, %get3A_502] {strides = array<i32>} : memref<5x128xf32, #tpu.memory_space<vmem>>, vector<16xf32>,
      %add3A_504 = arith.addf %get3A_499, %get3A_503 : vector<16xf32>
      %swap3A_505 = arith.constant 3 : i32
      %swap3A_506 = arith.index_cast %swap3A_505 : i32 to index
      %swap3A_507 = arith.constant 0 : index
      %swap3A_508 = tpu.vector_load %arg7[%swap3A_506, %swap3A_507] {strides = array<i32>} : memref<5x128xf32, #tpu.memory_space<vmem>>, vector<16xf32>,
      tpu.vector_store %arg7[%swap3A_506, %swap3A_507], %add3A_504 {strides = array<i32>} : memref<5x128xf32, #tpu.memory_space<vmem>>, vector<16xf32>,
      %get3A_509 = arith.constant 3 : i32
      %get3A_510 = arith.index_cast %get3A_509 : i32 to index
      %get3A_511 = arith.constant 16 : index
      %get3A_512 = tpu.vector_load %arg7[%get3A_510, %get3A_511] {strides = array<i32>} : memref<5x128xf32, #tpu.memory_space<vmem>>, vector<16xf32>,
      %get3A_513 = arith.constant 3 : i32
      %get3A_514 = arith.index_cast %get3A_513 : i32 to index
      %get3A_515 = arith.constant 16 : index
      %get3A_516 = tpu.vector_load %arg8[%get3A_514, %get3A_515] {strides = array<i32>} : memref<5x128xf32, #tpu.memory_space<vmem>>, vector<16xf32>,
      %add3A_517 = arith.addf %get3A_512, %get3A_516 : vector<16xf32>
      %swap3A_518 = arith.constant 3 : i32
      %swap3A_519 = arith.index_cast %swap3A_518 : i32 to index
      %swap3A_520 = arith.constant 16 : index
      %swap3A_521 = tpu.vector_load %arg7[%swap3A_519, %swap3A_520] {strides = array<i32>} : memref<5x128xf32, #tpu.memory_space<vmem>>, vector<16xf32>,
      tpu.vector_store %arg7[%swap3A_519, %swap3A_520], %add3A_517 {strides = array<i32>} : memref<5x128xf32, #tpu.memory_space<vmem>>, vector<16xf32>,
      %get3A_522 = arith.constant 3 : i32
      %get3A_523 = arith.index_cast %get3A_522 : i32 to index
      %get3A_524 = arith.constant 32 : index
      %get3A_525 = tpu.vector_load %arg7[%get3A_523, %get3A_524] {strides = array<i32>} : memref<5x128xf32, #tpu.memory_space<vmem>>, vector<16xf32>,
      %get3A_526 = arith.constant 3 : i32
      %get3A_527 = arith.index_cast %get3A_526 : i32 to index
      %get3A_528 = arith.constant 32 : index
      %get3A_529 = tpu.vector_load %arg8[%get3A_527, %get3A_528] {strides = array<i32>} : memref<5x128xf32, #tpu.memory_space<vmem>>, vector<16xf32>,
      %add3A_530 = arith.addf %get3A_525, %get3A_529 : vector<16xf32>
      %swap3A_531 = arith.constant 3 : i32
      %swap3A_532 = arith.index_cast %swap3A_531 : i32 to index
      %swap3A_533 = arith.constant 32 : index
      %swap3A_534 = tpu.vector_load %arg7[%swap3A_532, %swap3A_533] {strides = array<i32>} : memref<5x128xf32, #tpu.memory_space<vmem>>, vector<16xf32>,
      tpu.vector_store %arg7[%swap3A_532, %swap3A_533], %add3A_530 {strides = array<i32>} : memref<5x128xf32, #tpu.memory_space<vmem>>, vector<16xf32>,
      %get3A_535 = arith.constant 3 : i32
      %get3A_536 = arith.index_cast %get3A_535 : i32 to index
      %get3A_537 = arith.constant 48 : index
      %get3A_538 = tpu.vector_load %arg7[%get3A_536, %get3A_537] {strides = array<i32>} : memref<5x128xf32, #tpu.memory_space<vmem>>, vector<16xf32>,
      %get3A_539 = arith.constant 3 : i32
      %get3A_540 = arith.index_cast %get3A_539 : i32 to index
      %get3A_541 = arith.constant 48 : index
      %get3A_542 = tpu.vector_load %arg8[%get3A_540, %get3A_541] {strides = array<i32>} : memref<5x128xf32, #tpu.memory_space<vmem>>, vector<16xf32>,
      %add3A_543 = arith.addf %get3A_538, %get3A_542 : vector<16xf32>
      %swap3A_544 = arith.constant 3 : i32
      %swap3A_545 = arith.index_cast %swap3A_544 : i32 to index
      %swap3A_546 = arith.constant 48 : index
      %swap3A_547 = tpu.vector_load %arg7[%swap3A_545, %swap3A_546] {strides = array<i32>} : memref<5x128xf32, #tpu.memory_space<vmem>>, vector<16xf32>,
      tpu.vector_store %arg7[%swap3A_545, %swap3A_546], %add3A_543 {strides = array<i32>} : memref<5x128xf32, #tpu.memory_space<vmem>>, vector<16xf32>,
      %get3A_548 = arith.constant 3 : i32
      %get3A_549 = arith.index_cast %get3A_548 : i32 to index
      %get3A_550 = arith.constant 64 : index
      %get3A_551 = tpu.vector_load %arg7[%get3A_549, %get3A_550] {strides = array<i32>} : memref<5x128xf32, #tpu.memory_space<vmem>>, vector<16xf32>,
      %get3A_552 = arith.constant 3 : i32
      %get3A_553 = arith.index_cast %get3A_552 : i32 to index
      %get3A_554 = arith.constant 64 : index
      %get3A_555 = tpu.vector_load %arg8[%get3A_553, %get3A_554] {strides = array<i32>} : memref<5x128xf32, #tpu.memory_space<vmem>>, vector<16xf32>,
      %add3A_556 = arith.addf %get3A_551, %get3A_555 : vector<16xf32>
      %swap3A_557 = arith.constant 3 : i32
      %swap3A_558 = arith.index_cast %swap3A_557 : i32 to index
      %swap3A_559 = arith.constant 64 : index
      %swap3A_560 = tpu.vector_load %arg7[%swap3A_558, %swap3A_559] {strides = array<i32>} : memref<5x128xf32, #tpu.memory_space<vmem>>, vector<16xf32>,
      tpu.vector_store %arg7[%swap3A_558, %swap3A_559], %add3A_556 {strides = array<i32>} : memref<5x128xf32, #tpu.memory_space<vmem>>, vector<16xf32>,
      %get3A_561 = arith.constant 3 : i32
      %get3A_562 = arith.index_cast %get3A_561 : i32 to index
      %get3A_563 = arith.constant 80 : index
      %get3A_564 = tpu.vector_load %arg7[%get3A_562, %get3A_563] {strides = array<i32>} : memref<5x128xf32, #tpu.memory_space<vmem>>, vector<16xf32>,
      %get3A_565 = arith.constant 3 : i32
      %get3A_566 = arith.index_cast %get3A_565 : i32 to index
      %get3A_567 = arith.constant 80 : index
      %get3A_568 = tpu.vector_load %arg8[%get3A_566, %get3A_567] {strides = array<i32>} : memref<5x128xf32, #tpu.memory_space<vmem>>, vector<16xf32>,
      %add3A_569 = arith.addf %get3A_564, %get3A_568 : vector<16xf32>
      %swap3A_570 = arith.constant 3 : i32
      %swap3A_571 = arith.index_cast %swap3A_570 : i32 to index
      %swap3A_572 = arith.constant 80 : index
      %swap3A_573 = tpu.vector_load %arg7[%swap3A_571, %swap3A_572] {strides = array<i32>} : memref<5x128xf32, #tpu.memory_space<vmem>>, vector<16xf32>,
      tpu.vector_store %arg7[%swap3A_571, %swap3A_572], %add3A_569 {strides = array<i32>} : memref<5x128xf32, #tpu.memory_space<vmem>>, vector<16xf32>,
      %get3A_574 = arith.constant 3 : i32
      %get3A_575 = arith.index_cast %get3A_574 : i32 to index
      %get3A_576 = arith.constant 96 : index
      %get3A_577 = tpu.vector_load %arg7[%get3A_575, %get3A_576] {strides = array<i32>} : memref<5x128xf32, #tpu.memory_space<vmem>>, vector<16xf32>,
      %get3A_578 = arith.constant 3 : i32
      %get3A_579 = arith.index_cast %get3A_578 : i32 to index
      %get3A_580 = arith.constant 96 : index
      %get3A_581 = tpu.vector_load %arg8[%get3A_579, %get3A_580] {strides = array<i32>} : memref<5x128xf32, #tpu.memory_space<vmem>>, vector<16xf32>,
      %add3A_582 = arith.addf %get3A_577, %get3A_581 : vector<16xf32>
      %swap3A_583 = arith.constant 3 : i32
      %swap3A_584 = arith.index_cast %swap3A_583 : i32 to index
      %swap3A_585 = arith.constant 96 : index
      %swap3A_586 = tpu.vector_load %arg7[%swap3A_584, %swap3A_585] {strides = array<i32>} : memref<5x128xf32, #tpu.memory_space<vmem>>, vector<16xf32>,
      tpu.vector_store %arg7[%swap3A_584, %swap3A_585], %add3A_582 {strides = array<i32>} : memref<5x128xf32, #tpu.memory_space<vmem>>, vector<16xf32>,
      %get3A_587 = arith.constant 3 : i32
      %get3A_588 = arith.index_cast %get3A_587 : i32 to index
      %get3A_589 = arith.constant 112 : index
      %get3A_590 = tpu.vector_load %arg7[%get3A_588, %get3A_589] {strides = array<i32>} : memref<5x128xf32, #tpu.memory_space<vmem>>, vector<16xf32>,
      %get3A_591 = arith.constant 3 : i32
      %get3A_592 = arith.index_cast %get3A_591 : i32 to index
      %get3A_593 = arith.constant 112 : index
      %get3A_594 = tpu.vector_load %arg8[%get3A_592, %get3A_593] {strides = array<i32>} : memref<5x128xf32, #tpu.memory_space<vmem>>, vector<16xf32>,
      %add3A_595 = arith.addf %get3A_590, %get3A_594 : vector<16xf32>
      %swap3A_596 = arith.constant 3 : i32
      %swap3A_597 = arith.index_cast %swap3A_596 : i32 to index
      %swap3A_598 = arith.constant 112 : index
      %swap3A_599 = tpu.vector_load %arg7[%swap3A_597, %swap3A_598] {strides = array<i32>} : memref<5x128xf32, #tpu.memory_space<vmem>>, vector<16xf32>,
      tpu.vector_store %arg7[%swap3A_597, %swap3A_598], %add3A_595 {strides = array<i32>} : memref<5x128xf32, #tpu.memory_space<vmem>>, vector<16xf32>,
      %get3A_600 = arith.constant 4 : i32
      %get3A_601 = arith.index_cast %get3A_600 : i32 to index
      %get3A_602 = arith.constant 0 : index
      %get3A_603 = tpu.vector_load %arg7[%get3A_601, %get3A_602] {strides = array<i32>} : memref<5x128xf32, #tpu.memory_space<vmem>>, vector<16xf32>,
      %get3A_604 = arith.constant 4 : i32
      %get3A_605 = arith.index_cast %get3A_604 : i32 to index
      %get3A_606 = arith.constant 0 : index
      %get3A_607 = tpu.vector_load %arg8[%get3A_605, %get3A_606] {strides = array<i32>} : memref<5x128xf32, #tpu.memory_space<vmem>>, vector<16xf32>,
      %add3A_608 = arith.addf %get3A_603, %get3A_607 : vector<16xf32>
      %swap3A_609 = arith.constant 4 : i32
      %swap3A_610 = arith.index_cast %swap3A_609 : i32 to index
      %swap3A_611 = arith.constant 0 : index
      %swap3A_612 = tpu.vector_load %arg7[%swap3A_610, %swap3A_611] {strides = array<i32>} : memref<5x128xf32, #tpu.memory_space<vmem>>, vector<16xf32>,
      tpu.vector_store %arg7[%swap3A_610, %swap3A_611], %add3A_608 {strides = array<i32>} : memref<5x128xf32, #tpu.memory_space<vmem>>, vector<16xf32>,
      %get3A_613 = arith.constant 4 : i32
      %get3A_614 = arith.index_cast %get3A_613 : i32 to index
      %get3A_615 = arith.constant 16 : index
      %get3A_616 = tpu.vector_load %arg7[%get3A_614, %get3A_615] {strides = array<i32>} : memref<5x128xf32, #tpu.memory_space<vmem>>, vector<16xf32>,
      %get3A_617 = arith.constant 4 : i32
      %get3A_618 = arith.index_cast %get3A_617 : i32 to index
      %get3A_619 = arith.constant 16 : index
      %get3A_620 = tpu.vector_load %arg8[%get3A_618, %get3A_619] {strides = array<i32>} : memref<5x128xf32, #tpu.memory_space<vmem>>, vector<16xf32>,
      %add3A_621 = arith.addf %get3A_616, %get3A_620 : vector<16xf32>
      %swap3A_622 = arith.constant 4 : i32
      %swap3A_623 = arith.index_cast %swap3A_622 : i32 to index
      %swap3A_624 = arith.constant 16 : index
      %swap3A_625 = tpu.vector_load %arg7[%swap3A_623, %swap3A_624] {strides = array<i32>} : memref<5x128xf32, #tpu.memory_space<vmem>>, vector<16xf32>,
      tpu.vector_store %arg7[%swap3A_623, %swap3A_624], %add3A_621 {strides = array<i32>} : memref<5x128xf32, #tpu.memory_space<vmem>>, vector<16xf32>,
      %get3A_626 = arith.constant 4 : i32
      %get3A_627 = arith.index_cast %get3A_626 : i32 to index
      %get3A_628 = arith.constant 32 : index
      %get3A_629 = tpu.vector_load %arg7[%get3A_627, %get3A_628] {strides = array<i32>} : memref<5x128xf32, #tpu.memory_space<vmem>>, vector<16xf32>,
      %get3A_630 = arith.constant 4 : i32
      %get3A_631 = arith.index_cast %get3A_630 : i32 to index
      %get3A_632 = arith.constant 32 : index
      %get3A_633 = tpu.vector_load %arg8[%get3A_631, %get3A_632] {strides = array<i32>} : memref<5x128xf32, #tpu.memory_space<vmem>>, vector<16xf32>,
      %add3A_634 = arith.addf %get3A_629, %get3A_633 : vector<16xf32>
      %swap3A_635 = arith.constant 4 : i32
      %swap3A_636 = arith.index_cast %swap3A_635 : i32 to index
      %swap3A_637 = arith.constant 32 : index
      %swap3A_638 = tpu.vector_load %arg7[%swap3A_636, %swap3A_637] {strides = array<i32>} : memref<5x128xf32, #tpu.memory_space<vmem>>, vector<16xf32>,
      tpu.vector_store %arg7[%swap3A_636, %swap3A_637], %add3A_634 {strides = array<i32>} : memref<5x128xf32, #tpu.memory_space<vmem>>, vector<16xf32>,
      %get3A_639 = arith.constant 4 : i32
      %get3A_640 = arith.index_cast %get3A_639 : i32 to index
      %get3A_641 = arith.constant 48 : index
      %get3A_642 = tpu.vector_load %arg7[%get3A_640, %get3A_641] {strides = array<i32>} : memref<5x128xf32, #tpu.memory_space<vmem>>, vector<16xf32>,
      %get3A_643 = arith.constant 4 : i32
      %get3A_644 = arith.index_cast %get3A_643 : i32 to index
      %get3A_645 = arith.constant 48 : index
      %get3A_646 = tpu.vector_load %arg8[%get3A_644, %get3A_645] {strides = array<i32>} : memref<5x128xf32, #tpu.memory_space<vmem>>, vector<16xf32>,
      %add3A_647 = arith.addf %get3A_642, %get3A_646 : vector<16xf32>
      %swap3A_648 = arith.constant 4 : i32
      %swap3A_649 = arith.index_cast %swap3A_648 : i32 to index
      %swap3A_650 = arith.constant 48 : index
      %swap3A_651 = tpu.vector_load %arg7[%swap3A_649, %swap3A_650] {strides = array<i32>} : memref<5x128xf32, #tpu.memory_space<vmem>>, vector<16xf32>,
      tpu.vector_store %arg7[%swap3A_649, %swap3A_650], %add3A_647 {strides = array<i32>} : memref<5x128xf32, #tpu.memory_space<vmem>>, vector<16xf32>,
      %get3A_652 = arith.constant 4 : i32
      %get3A_653 = arith.index_cast %get3A_652 : i32 to index
      %get3A_654 = arith.constant 64 : index
      %get3A_655 = tpu.vector_load %arg7[%get3A_653, %get3A_654] {strides = array<i32>} : memref<5x128xf32, #tpu.memory_space<vmem>>, vector<16xf32>,
      %get3A_656 = arith.constant 4 : i32
      %get3A_657 = arith.index_cast %get3A_656 : i32 to index
      %get3A_658 = arith.constant 64 : index
      %get3A_659 = tpu.vector_load %arg8[%get3A_657, %get3A_658] {strides = array<i32>} : memref<5x128xf32, #tpu.memory_space<vmem>>, vector<16xf32>,
      %add3A_660 = arith.addf %get3A_655, %get3A_659 : vector<16xf32>
      %swap3A_661 = arith.constant 4 : i32
      %swap3A_662 = arith.index_cast %swap3A_661 : i32 to index
      %swap3A_663 = arith.constant 64 : index
      %swap3A_664 = tpu.vector_load %arg7[%swap3A_662, %swap3A_663] {strides = array<i32>} : memref<5x128xf32, #tpu.memory_space<vmem>>, vector<16xf32>,
      tpu.vector_store %arg7[%swap3A_662, %swap3A_663], %add3A_660 {strides = array<i32>} : memref<5x128xf32, #tpu.memory_space<vmem>>, vector<16xf32>,
      %get3A_665 = arith.constant 4 : i32
      %get3A_666 = arith.index_cast %get3A_665 : i32 to index
      %get3A_667 = arith.constant 80 : index
      %get3A_668 = tpu.vector_load %arg7[%get3A_666, %get3A_667] {strides = array<i32>} : memref<5x128xf32, #tpu.memory_space<vmem>>, vector<16xf32>,
      %get3A_669 = arith.constant 4 : i32
      %get3A_670 = arith.index_cast %get3A_669 : i32 to index
      %get3A_671 = arith.constant 80 : index
      %get3A_672 = tpu.vector_load %arg8[%get3A_670, %get3A_671] {strides = array<i32>} : memref<5x128xf32, #tpu.memory_space<vmem>>, vector<16xf32>,
      %add3A_673 = arith.addf %get3A_668, %get3A_672 : vector<16xf32>
      %swap3A_674 = arith.constant 4 : i32
      %swap3A_675 = arith.index_cast %swap3A_674 : i32 to index
      %swap3A_676 = arith.constant 80 : index
      %swap3A_677 = tpu.vector_load %arg7[%swap3A_675, %swap3A_676] {strides = array<i32>} : memref<5x128xf32, #tpu.memory_space<vmem>>, vector<16xf32>,
      tpu.vector_store %arg7[%swap3A_675, %swap3A_676], %add3A_673 {strides = array<i32>} : memref<5x128xf32, #tpu.memory_space<vmem>>, vector<16xf32>,
      %get3A_678 = arith.constant 4 : i32
      %get3A_679 = arith.index_cast %get3A_678 : i32 to index
      %get3A_680 = arith.constant 96 : index
      %get3A_681 = tpu.vector_load %arg7[%get3A_679, %get3A_680] {strides = array<i32>} : memref<5x128xf32, #tpu.memory_space<vmem>>, vector<16xf32>,
      %get3A_682 = arith.constant 4 : i32
      %get3A_683 = arith.index_cast %get3A_682 : i32 to index
      %get3A_684 = arith.constant 96 : index
      %get3A_685 = tpu.vector_load %arg8[%get3A_683, %get3A_684] {strides = array<i32>} : memref<5x128xf32, #tpu.memory_space<vmem>>, vector<16xf32>,
      %add3A_686 = arith.addf %get3A_681, %get3A_685 : vector<16xf32>
      %swap3A_687 = arith.constant 4 : i32
      %swap3A_688 = arith.index_cast %swap3A_687 : i32 to index
      %swap3A_689 = arith.constant 96 : index
      %swap3A_690 = tpu.vector_load %arg7[%swap3A_688, %swap3A_689] {strides = array<i32>} : memref<5x128xf32, #tpu.memory_space<vmem>>, vector<16xf32>,
      tpu.vector_store %arg7[%swap3A_688, %swap3A_689], %add3A_686 {strides = array<i32>} : memref<5x128xf32, #tpu.memory_space<vmem>>, vector<16xf32>,
      %get3A_691 = arith.constant 4 : i32
      %get3A_692 = arith.index_cast %get3A_691 : i32 to index
      %get3A_693 = arith.constant 112 : index
      %get3A_694 = tpu.vector_load %arg7[%get3A_692, %get3A_693] {strides = array<i32>} : memref<5x128xf32, #tpu.memory_space<vmem>>, vector<16xf32>,
      %get3A_695 = arith.constant 4 : i32
      %get3A_696 = arith.index_cast %get3A_695 : i32 to index
      %get3A_697 = arith.constant 112 : index
      %get3A_698 = tpu.vector_load %arg8[%get3A_696, %get3A_697] {strides = array<i32>} : memref<5x128xf32, #tpu.memory_space<vmem>>, vector<16xf32>,
      %add3A_699 = arith.addf %get3A_694, %get3A_698 : vector<16xf32>
      %swap3A_700 = arith.constant 4 : i32
      %swap3A_701 = arith.index_cast %swap3A_700 : i32 to index
      %swap3A_702 = arith.constant 112 : index
      %swap3A_703 = tpu.vector_load %arg7[%swap3A_701, %swap3A_702] {strides = array<i32>} : memref<5x128xf32, #tpu.memory_space<vmem>>, vector<16xf32>,
      tpu.vector_store %arg7[%swap3A_701, %swap3A_702], %add3A_699 {strides = array<i32>} : memref<5x128xf32, #tpu.memory_space<vmem>>, vector<16xf32>,
    }
    %scan3A_181 = arith.constant 16 : i32
    "tpu.region"() ({
      %run_scoped3A = tpu.sem_alloc : memref<!tpu.dma_semaphore, #tpu.memory_space<semaphore_mem>>
      %dma_start3A = arith.constant 0 : i32
      %dma_start3A_182 = arith.constant 0 : i32
      %dma_start3A_183 = tpu.memref_slice %arg3[%arg0, %arg1, %dma_start3A, %dma_start3A_182] : memref<2x16x5x128xf32, #tpu.memory_space<hbm>> -> memref<1x1x5x128xf32, #tpu.memory_space<hbm>>
      %dma_start3A_184 = tpu.memref_squeeze %dma_start3A_183 : memref<1x1x5x128xf32, #tpu.memory_space<hbm>> -> memref<5x128xf32, #tpu.memory_space<hbm>>
      %dma_start3A_185 = arith.constant 0 : i32
      %dma_start3A_186 = arith.constant 0 : i32
      %dma_start3A_187 = tpu.memref_slice %arg3[%arg0, %arg1, %dma_start3A_185, %dma_start3A_186] : memref<2x16x5x128xf32, #tpu.memory_space<hbm>> -> memref<1x1x5x128xf32, #tpu.memory_space<hbm>>
      %dma_start3A_188 = tpu.memref_squeeze %dma_start3A_187 : memref<1x1x5x128xf32, #tpu.memory_space<hbm>> -> memref<5x128xf32, #tpu.memory_space<hbm>>
      tpu.enqueue_dma source(%arg7 : memref<5x128xf32, #tpu.memory_space<vmem>>) target(%dma_start3A_188 : memref<5x128xf32, #tpu.memory_space<hbm>>) target_semaphore(%run_scoped3A : memref<!tpu.dma_semaphore, #tpu.memory_space<semaphore_mem>>)
      %dma_wait3A = arith.constant 0 : i32
      %dma_wait3A_189 = arith.constant 0 : i32
      %dma_wait3A_190 = tpu.memref_slice %arg3[%arg0, %arg1, %dma_wait3A, %dma_wait3A_189] : memref<2x16x5x128xf32, #tpu.memory_space<hbm>> -> memref<1x1x5x128xf32, #tpu.memory_space<hbm>>
      %dma_wait3A_191 = tpu.memref_squeeze %dma_wait3A_190 : memref<1x1x5x128xf32, #tpu.memory_space<hbm>> -> memref<5x128xf32, #tpu.memory_space<hbm>>
      %dma_wait3A_192 = arith.constant 0 : i32
      %dma_wait3A_193 = arith.constant 0 : i32
      %dma_wait3A_194 = tpu.memref_slice %arg3[%arg0, %arg1, %dma_wait3A_192, %dma_wait3A_193] : memref<2x16x5x128xf32, #tpu.memory_space<hbm>> -> memref<1x1x5x128xf32, #tpu.memory_space<hbm>>
      %dma_wait3A_195 = tpu.memref_squeeze %dma_wait3A_194 : memref<1x1x5x128xf32, #tpu.memory_space<hbm>> -> memref<5x128xf32, #tpu.memory_space<hbm>>
      tpu.wait_dma2 semaphore(%run_scoped3A : memref<!tpu.dma_semaphore, #tpu.memory_space<semaphore_mem>>) src(%arg7 : memref<5x128xf32, #tpu.memory_space<vmem>>) dst(%dma_wait3A_195 : memref<5x128xf32, #tpu.memory_space<hbm>>)
      tpu.yield
    }) : () -> ()
    return
  }
}

#map = affine_map<(d0, d1) -> (0, 0)>
#map1 = affine_map<(d0, d1) -> (0, 0, 0)>
module attributes {stable_mosaic.version = 14 : i64} {
  func.func @aggf_kernel(%arg0: i32, %arg1: i32, %arg2: memref<20224x128xf32, #tpu.memory_space<hbm>>, %arg3: memref<2x2560x128xi32, #tpu.memory_space<hbm>>, %arg4: memref<2560x128xi32, #tpu.memory_space<hbm>>, %arg5: memref<2x10112x128xf32, #tpu.memory_space<hbm>>, %arg6: memref<10112x128xf32, #tpu.memory_space<vmem_shared>>, %arg7: memref<16x128xi32, #tpu.memory_space<vmem>>, %arg8: memref<16x128xi32, #tpu.memory_space<vmem>>, %arg9: memref<128x128xf32, #tpu.memory_space<vmem>>, %arg10: memref<128x128xf32, #tpu.memory_space<vmem>>, %arg11: memref<!tpu.dma_semaphore, #tpu.memory_space<semaphore_mem>>, %arg12: memref<!tpu.dma_semaphore, #tpu.memory_space<semaphore_mem>>) attributes {dimension_semantics = [#tpu.dimension_semantics<core_parallel>, #tpu.dimension_semantics<subcore_parallel>], iteration_bounds = array<i64: 2, 16>, scalar_prefetch = 0 : i64, scratch_operands = 7 : i64, tpu.core_type = #tpu.core_type<sc_vector_subcore>, window_params = [{transform_indices = #map}, {transform_indices = #map1}, {transform_indices = #map}, {transform_indices = #map1}]} {
    %mul3A = arith.constant 10112 : i32
    %mul3A_0 = arith.muli %arg0, %mul3A : i32
    %mul3A_1 = arith.constant 632 : i32
    %mul3A_2 = arith.muli %arg1, %mul3A_1 : i32
    %add3A = arith.addi %mul3A_0, %mul3A_2 : i32
    %mul3A_3 = arith.constant 632 : i32
    %mul3A_4 = arith.muli %arg1, %mul3A_3 : i32
    "tpu.region"() ({
      %run_scoped3A = tpu.sem_alloc : memref<!tpu.dma_semaphore, #tpu.memory_space<semaphore_mem>>
      %dma_start3A = arith.constant 0 : i32
      %dma_start3A_15 = tpu.memref_slice %arg6[%mul3A_4, %dma_start3A] : memref<10112x128xf32, #tpu.memory_space<vmem_shared>> -> memref<632x128xf32, #tpu.memory_space<vmem_shared>>
      %dma_start3A_16 = arith.constant 0 : i32
      %dma_start3A_17 = tpu.memref_slice %arg2[%add3A, %dma_start3A_16] : memref<20224x128xf32, #tpu.memory_space<hbm>> -> memref<632x128xf32, #tpu.memory_space<hbm>>
      tpu.enqueue_dma source(%dma_start3A_17 : memref<632x128xf32, #tpu.memory_space<hbm>>) target(%dma_start3A_15 : memref<632x128xf32, #tpu.memory_space<vmem_shared>>) target_semaphore(%run_scoped3A : memref<!tpu.dma_semaphore, #tpu.memory_space<semaphore_mem>>)
      %dma_wait3A = arith.constant 0 : i32
      %dma_wait3A_18 = tpu.memref_slice %arg6[%mul3A_4, %dma_wait3A] : memref<10112x128xf32, #tpu.memory_space<vmem_shared>> -> memref<632x128xf32, #tpu.memory_space<vmem_shared>>
      %dma_wait3A_19 = arith.constant 0 : i32
      %dma_wait3A_20 = tpu.memref_slice %arg2[%add3A, %dma_wait3A_19] : memref<20224x128xf32, #tpu.memory_space<hbm>> -> memref<632x128xf32, #tpu.memory_space<hbm>>
      tpu.wait_dma2 semaphore(%run_scoped3A : memref<!tpu.dma_semaphore, #tpu.memory_space<semaphore_mem>>) src(%dma_wait3A_20 : memref<632x128xf32, #tpu.memory_space<hbm>>) dst(%dma_wait3A_18 : memref<632x128xf32, #tpu.memory_space<vmem_shared>>)
      tpu.yield
    }) : () -> ()
    %barrier3A = arith.constant 0 : index
    tpu.barrier barrier_id(%barrier3A)
    %scan3A = arith.constant 0 : i32
    %scan3A_5 = arith.constant 0 : i32
    %scan3A_6 = arith.constant 10 : i32
    %scan3A_7 = arith.addi %scan3A_5, %scan3A_6 : i32
    %scan3A_8 = arith.constant 1 : i32
    scf.for %scan3A_15 = %scan3A_5 to %scan3A_7 step %scan3A_8  : i32 {
      %mul3A_16 = arith.constant 160 : i32
      %mul3A_17 = arith.muli %arg1, %mul3A_16 : i32
      %mul3A_18 = arith.constant 16 : i32
      %mul3A_19 = arith.muli %scan3A_15, %mul3A_18 : i32
      %add3A_20 = arith.addi %mul3A_17, %mul3A_19 : i32
      "tpu.region"() ({
        %run_scoped3A = tpu.sem_alloc : memref<!tpu.dma_semaphore, #tpu.memory_space<semaphore_mem>>
        %dma_start3A_40 = arith.constant 0 : i32
        %dma_start3A_41 = tpu.memref_slice %arg3[%arg0, %add3A_20, %dma_start3A_40] : memref<2x2560x128xi32, #tpu.memory_space<hbm>> -> memref<1x16x128xi32, #tpu.memory_space<hbm>>
        %dma_start3A_42 = tpu.memref_squeeze %dma_start3A_41 : memref<1x16x128xi32, #tpu.memory_space<hbm>> -> memref<16x128xi32, #tpu.memory_space<hbm>>
        %dma_start3A_43 = arith.constant 0 : i32
        %dma_start3A_44 = tpu.memref_slice %arg3[%arg0, %add3A_20, %dma_start3A_43] : memref<2x2560x128xi32, #tpu.memory_space<hbm>> -> memref<1x16x128xi32, #tpu.memory_space<hbm>>
        %dma_start3A_45 = tpu.memref_squeeze %dma_start3A_44 : memref<1x16x128xi32, #tpu.memory_space<hbm>> -> memref<16x128xi32, #tpu.memory_space<hbm>>
        tpu.enqueue_dma source(%dma_start3A_45 : memref<16x128xi32, #tpu.memory_space<hbm>>) target(%arg7 : memref<16x128xi32, #tpu.memory_space<vmem>>) target_semaphore(%run_scoped3A : memref<!tpu.dma_semaphore, #tpu.memory_space<semaphore_mem>>)
        %dma_wait3A = arith.constant 0 : i32
        %dma_wait3A_46 = tpu.memref_slice %arg3[%arg0, %add3A_20, %dma_wait3A] : memref<2x2560x128xi32, #tpu.memory_space<hbm>> -> memref<1x16x128xi32, #tpu.memory_space<hbm>>
        %dma_wait3A_47 = tpu.memref_squeeze %dma_wait3A_46 : memref<1x16x128xi32, #tpu.memory_space<hbm>> -> memref<16x128xi32, #tpu.memory_space<hbm>>
        %dma_wait3A_48 = arith.constant 0 : i32
        %dma_wait3A_49 = tpu.memref_slice %arg3[%arg0, %add3A_20, %dma_wait3A_48] : memref<2x2560x128xi32, #tpu.memory_space<hbm>> -> memref<1x16x128xi32, #tpu.memory_space<hbm>>
        %dma_wait3A_50 = tpu.memref_squeeze %dma_wait3A_49 : memref<1x16x128xi32, #tpu.memory_space<hbm>> -> memref<16x128xi32, #tpu.memory_space<hbm>>
        tpu.wait_dma2 semaphore(%run_scoped3A : memref<!tpu.dma_semaphore, #tpu.memory_space<semaphore_mem>>) src(%dma_wait3A_50 : memref<16x128xi32, #tpu.memory_space<hbm>>) dst(%arg7 : memref<16x128xi32, #tpu.memory_space<vmem>>)
        tpu.yield
      }) : () -> ()
      "tpu.region"() ({
        %run_scoped3A = tpu.sem_alloc : memref<!tpu.dma_semaphore, #tpu.memory_space<semaphore_mem>>
        %dma_start3A_40 = arith.constant 0 : i32
        %dma_start3A_41 = tpu.memref_slice %arg4[%add3A_20, %dma_start3A_40] : memref<2560x128xi32, #tpu.memory_space<hbm>> -> memref<16x128xi32, #tpu.memory_space<hbm>>
        %dma_start3A_42 = arith.constant 0 : i32
        %dma_start3A_43 = tpu.memref_slice %arg4[%add3A_20, %dma_start3A_42] : memref<2560x128xi32, #tpu.memory_space<hbm>> -> memref<16x128xi32, #tpu.memory_space<hbm>>
        tpu.enqueue_dma source(%dma_start3A_43 : memref<16x128xi32, #tpu.memory_space<hbm>>) target(%arg8 : memref<16x128xi32, #tpu.memory_space<vmem>>) target_semaphore(%run_scoped3A : memref<!tpu.dma_semaphore, #tpu.memory_space<semaphore_mem>>)
        %dma_wait3A = arith.constant 0 : i32
        %dma_wait3A_44 = tpu.memref_slice %arg4[%add3A_20, %dma_wait3A] : memref<2560x128xi32, #tpu.memory_space<hbm>> -> memref<16x128xi32, #tpu.memory_space<hbm>>
        %dma_wait3A_45 = arith.constant 0 : i32
        %dma_wait3A_46 = tpu.memref_slice %arg4[%add3A_20, %dma_wait3A_45] : memref<2560x128xi32, #tpu.memory_space<hbm>> -> memref<16x128xi32, #tpu.memory_space<hbm>>
        tpu.wait_dma2 semaphore(%run_scoped3A : memref<!tpu.dma_semaphore, #tpu.memory_space<semaphore_mem>>) src(%dma_wait3A_46 : memref<16x128xi32, #tpu.memory_space<hbm>>) dst(%arg8 : memref<16x128xi32, #tpu.memory_space<vmem>>)
        tpu.yield
      }) : () -> ()
      %dma_start3A = arith.constant 0 : i32
      %dma_start3A_21 = arith.constant 0 : i32
      %dma_start3A_22 = tpu.memref_slice %arg7[%dma_start3A, %dma_start3A_21] : memref<16x128xi32, #tpu.memory_space<vmem>> -> memref<1x128xi32, #tpu.memory_space<vmem>>
      %dma_start3A_23 = tpu.memref_squeeze %dma_start3A_22 : memref<1x128xi32, #tpu.memory_space<vmem>> -> memref<128xi32, #tpu.memory_space<vmem>>
      %dma_start3A_24 = arith.constant 0 : i32
      %dma_start3A_25 = arith.constant 0 : i32
      %dma_start3A_26 = tpu.memref_slice %arg2[%dma_start3A_24, %dma_start3A_25] : memref<20224x128xf32, #tpu.memory_space<hbm>> -> memref<20224x128xf32, #tpu.memory_space<hbm>>
      tpu.enqueue_indirect_dma source(%dma_start3A_26 : memref<20224x128xf32, #tpu.memory_space<hbm>>) target(%arg9 : memref<128x128xf32, #tpu.memory_space<vmem>>) offsets(%dma_start3A_23 : memref<128xi32, #tpu.memory_space<vmem>>) semaphore(%arg11 : memref<!tpu.dma_semaphore, #tpu.memory_space<semaphore_mem>>)
      %dma_start3A_27 = arith.constant 1 : i32
      %dma_start3A_28 = arith.constant 0 : i32
      %dma_start3A_29 = tpu.memref_slice %arg7[%dma_start3A_27, %dma_start3A_28] : memref<16x128xi32, #tpu.memory_space<vmem>> -> memref<1x128xi32, #tpu.memory_space<vmem>>
      %dma_start3A_30 = tpu.memref_squeeze %dma_start3A_29 : memref<1x128xi32, #tpu.memory_space<vmem>> -> memref<128xi32, #tpu.memory_space<vmem>>
      %dma_start3A_31 = arith.constant 0 : i32
      %dma_start3A_32 = arith.constant 0 : i32
      %dma_start3A_33 = tpu.memref_slice %arg2[%dma_start3A_31, %dma_start3A_32] : memref<20224x128xf32, #tpu.memory_space<hbm>> -> memref<20224x128xf32, #tpu.memory_space<hbm>>
      tpu.enqueue_indirect_dma source(%dma_start3A_33 : memref<20224x128xf32, #tpu.memory_space<hbm>>) target(%arg10 : memref<128x128xf32, #tpu.memory_space<vmem>>) offsets(%dma_start3A_30 : memref<128xi32, #tpu.memory_space<vmem>>) semaphore(%arg12 : memref<!tpu.dma_semaphore, #tpu.memory_space<semaphore_mem>>)
      %scan3A_34 = arith.constant 0 : i32
      %scan3A_35 = arith.constant 0 : i32
      %scan3A_36 = arith.constant 8 : i32
      %scan3A_37 = arith.addi %scan3A_35, %scan3A_36 : i32
      %scan3A_38 = arith.constant 1 : i32
      scf.for %scan3A_40 = %scan3A_35 to %scan3A_37 step %scan3A_38  : i32 {
        %mul3A_41 = arith.constant 2 : i32
        %mul3A_42 = arith.muli %mul3A_41, %scan3A_40 : i32
        %add3A_43 = arith.constant 0 : i32
        %add3A_44 = arith.addi %mul3A_42, %add3A_43 : i32
        %dma_wait3A = arith.constant 0 : i32
        %dma_wait3A_45 = arith.constant 0 : i32
        %dma_wait3A_46 = tpu.memref_slice %arg2[%dma_wait3A, %dma_wait3A_45] : memref<20224x128xf32, #tpu.memory_space<hbm>> -> memref<128x128xf32, #tpu.memory_space<hbm>>
        %dma_wait3A_47 = arith.constant 0 : i32
        %dma_wait3A_48 = arith.constant 0 : i32
        %dma_wait3A_49 = tpu.memref_slice %arg2[%dma_wait3A_47, %dma_wait3A_48] : memref<20224x128xf32, #tpu.memory_space<hbm>> -> memref<128x128xf32, #tpu.memory_space<hbm>>
        tpu.wait_dma2 semaphore(%arg11 : memref<!tpu.dma_semaphore, #tpu.memory_space<semaphore_mem>>) src(%dma_wait3A_49 : memref<128x128xf32, #tpu.memory_space<hbm>>) dst(%arg9 : memref<128x128xf32, #tpu.memory_space<vmem>>)
        "tpu.region"() ({
          %run_scoped3A = tpu.sem_alloc : memref<!tpu.dma_semaphore, #tpu.memory_space<semaphore_mem>>
          %dma_start3A_71 = arith.constant 0 : i32
          %dma_start3A_72 = tpu.memref_slice %arg8[%add3A_44, %dma_start3A_71] : memref<16x128xi32, #tpu.memory_space<vmem>> -> memref<1x128xi32, #tpu.memory_space<vmem>>
          %dma_start3A_73 = tpu.memref_squeeze %dma_start3A_72 : memref<1x128xi32, #tpu.memory_space<vmem>> -> memref<128xi32, #tpu.memory_space<vmem>>
          %dma_start3A_74 = arith.constant 0 : i32
          %dma_start3A_75 = arith.constant 0 : i32
          %dma_start3A_76 = tpu.memref_slice %arg6[%dma_start3A_74, %dma_start3A_75] : memref<10112x128xf32, #tpu.memory_space<vmem_shared>> -> memref<10112x128xf32, #tpu.memory_space<vmem_shared>>
          tpu.enqueue_indirect_dma source(%arg9 : memref<128x128xf32, #tpu.memory_space<vmem>>) target(%dma_start3A_76 : memref<10112x128xf32, #tpu.memory_space<vmem_shared>>) offsets(%dma_start3A_73 : memref<128xi32, #tpu.memory_space<vmem>>) semaphore(%run_scoped3A : memref<!tpu.dma_semaphore, #tpu.memory_space<semaphore_mem>>) {add = true}
          %dma_wait3A_77 = arith.constant 0 : i32
          %dma_wait3A_78 = tpu.memref_slice %arg8[%add3A_44, %dma_wait3A_77] : memref<16x128xi32, #tpu.memory_space<vmem>> -> memref<1x128xi32, #tpu.memory_space<vmem>>
          %dma_wait3A_79 = tpu.memref_squeeze %dma_wait3A_78 : memref<1x128xi32, #tpu.memory_space<vmem>> -> memref<128xi32, #tpu.memory_space<vmem>>
          %dma_wait3A_80 = arith.constant 0 : i32
          %dma_wait3A_81 = arith.constant 0 : i32
          %dma_wait3A_82 = tpu.memref_slice %arg6[%dma_wait3A_80, %dma_wait3A_81] : memref<10112x128xf32, #tpu.memory_space<vmem_shared>> -> memref<10112x128xf32, #tpu.memory_space<vmem_shared>>
          tpu.wait_indirect_dma semaphore(%run_scoped3A : memref<!tpu.dma_semaphore, #tpu.memory_space<semaphore_mem>>) src(%arg9 : memref<128x128xf32, #tpu.memory_space<vmem>>) dst(%dma_wait3A_82 : memref<10112x128xf32, #tpu.memory_space<vmem_shared>>)
          tpu.yield
        }) : () -> ()
        %add3A_50 = arith.constant 2 : i32
        %add3A_51 = arith.addi %add3A_44, %add3A_50 : i32
        %lt3A = arith.constant 16 : i32
        %lt3A_52 = arith.cmpi slt, %add3A_51, %lt3A : i32
        %convert_element_type3A = arith.extui %lt3A_52 : i1 to i32
        %cond3A = arith.constant 0 : i32
        %cond3A_53 = arith.cmpi ne, %convert_element_type3A, %cond3A : i32
        scf.if %cond3A_53 {
          %add3A_71 = arith.constant 2 : i32
          %add3A_72 = arith.addi %add3A_44, %add3A_71 : i32
          %dma_start3A_73 = arith.constant 0 : i32
          %dma_start3A_74 = tpu.memref_slice %arg7[%add3A_72, %dma_start3A_73] : memref<16x128xi32, #tpu.memory_space<vmem>> -> memref<1x128xi32, #tpu.memory_space<vmem>>
          %dma_start3A_75 = tpu.memref_squeeze %dma_start3A_74 : memref<1x128xi32, #tpu.memory_space<vmem>> -> memref<128xi32, #tpu.memory_space<vmem>>
          %dma_start3A_76 = arith.constant 0 : i32
          %dma_start3A_77 = arith.constant 0 : i32
          %dma_start3A_78 = tpu.memref_slice %arg2[%dma_start3A_76, %dma_start3A_77] : memref<20224x128xf32, #tpu.memory_space<hbm>> -> memref<20224x128xf32, #tpu.memory_space<hbm>>
          tpu.enqueue_indirect_dma source(%dma_start3A_78 : memref<20224x128xf32, #tpu.memory_space<hbm>>) target(%arg9 : memref<128x128xf32, #tpu.memory_space<vmem>>) offsets(%dma_start3A_75 : memref<128xi32, #tpu.memory_space<vmem>>) semaphore(%arg11 : memref<!tpu.dma_semaphore, #tpu.memory_space<semaphore_mem>>)
        } else {
        }
        %mul3A_54 = arith.constant 2 : i32
        %mul3A_55 = arith.muli %mul3A_54, %scan3A_40 : i32
        %add3A_56 = arith.constant 1 : i32
        %add3A_57 = arith.addi %mul3A_55, %add3A_56 : i32
        %dma_wait3A_58 = arith.constant 0 : i32
        %dma_wait3A_59 = arith.constant 0 : i32
        %dma_wait3A_60 = tpu.memref_slice %arg2[%dma_wait3A_58, %dma_wait3A_59] : memref<20224x128xf32, #tpu.memory_space<hbm>> -> memref<128x128xf32, #tpu.memory_space<hbm>>
        %dma_wait3A_61 = arith.constant 0 : i32
        %dma_wait3A_62 = arith.constant 0 : i32
        %dma_wait3A_63 = tpu.memref_slice %arg2[%dma_wait3A_61, %dma_wait3A_62] : memref<20224x128xf32, #tpu.memory_space<hbm>> -> memref<128x128xf32, #tpu.memory_space<hbm>>
        tpu.wait_dma2 semaphore(%arg12 : memref<!tpu.dma_semaphore, #tpu.memory_space<semaphore_mem>>) src(%dma_wait3A_63 : memref<128x128xf32, #tpu.memory_space<hbm>>) dst(%arg10 : memref<128x128xf32, #tpu.memory_space<vmem>>)
        "tpu.region"() ({
          %run_scoped3A = tpu.sem_alloc : memref<!tpu.dma_semaphore, #tpu.memory_space<semaphore_mem>>
          %dma_start3A_71 = arith.constant 0 : i32
          %dma_start3A_72 = tpu.memref_slice %arg8[%add3A_57, %dma_start3A_71] : memref<16x128xi32, #tpu.memory_space<vmem>> -> memref<1x128xi32, #tpu.memory_space<vmem>>
          %dma_start3A_73 = tpu.memref_squeeze %dma_start3A_72 : memref<1x128xi32, #tpu.memory_space<vmem>> -> memref<128xi32, #tpu.memory_space<vmem>>
          %dma_start3A_74 = arith.constant 0 : i32
          %dma_start3A_75 = arith.constant 0 : i32
          %dma_start3A_76 = tpu.memref_slice %arg6[%dma_start3A_74, %dma_start3A_75] : memref<10112x128xf32, #tpu.memory_space<vmem_shared>> -> memref<10112x128xf32, #tpu.memory_space<vmem_shared>>
          tpu.enqueue_indirect_dma source(%arg10 : memref<128x128xf32, #tpu.memory_space<vmem>>) target(%dma_start3A_76 : memref<10112x128xf32, #tpu.memory_space<vmem_shared>>) offsets(%dma_start3A_73 : memref<128xi32, #tpu.memory_space<vmem>>) semaphore(%run_scoped3A : memref<!tpu.dma_semaphore, #tpu.memory_space<semaphore_mem>>) {add = true}
          %dma_wait3A_77 = arith.constant 0 : i32
          %dma_wait3A_78 = tpu.memref_slice %arg8[%add3A_57, %dma_wait3A_77] : memref<16x128xi32, #tpu.memory_space<vmem>> -> memref<1x128xi32, #tpu.memory_space<vmem>>
          %dma_wait3A_79 = tpu.memref_squeeze %dma_wait3A_78 : memref<1x128xi32, #tpu.memory_space<vmem>> -> memref<128xi32, #tpu.memory_space<vmem>>
          %dma_wait3A_80 = arith.constant 0 : i32
          %dma_wait3A_81 = arith.constant 0 : i32
          %dma_wait3A_82 = tpu.memref_slice %arg6[%dma_wait3A_80, %dma_wait3A_81] : memref<10112x128xf32, #tpu.memory_space<vmem_shared>> -> memref<10112x128xf32, #tpu.memory_space<vmem_shared>>
          tpu.wait_indirect_dma semaphore(%run_scoped3A : memref<!tpu.dma_semaphore, #tpu.memory_space<semaphore_mem>>) src(%arg10 : memref<128x128xf32, #tpu.memory_space<vmem>>) dst(%dma_wait3A_82 : memref<10112x128xf32, #tpu.memory_space<vmem_shared>>)
          tpu.yield
        }) : () -> ()
        %add3A_64 = arith.constant 2 : i32
        %add3A_65 = arith.addi %add3A_57, %add3A_64 : i32
        %lt3A_66 = arith.constant 16 : i32
        %lt3A_67 = arith.cmpi slt, %add3A_65, %lt3A_66 : i32
        %convert_element_type3A_68 = arith.extui %lt3A_67 : i1 to i32
        %cond3A_69 = arith.constant 0 : i32
        %cond3A_70 = arith.cmpi ne, %convert_element_type3A_68, %cond3A_69 : i32
        scf.if %cond3A_70 {
          %add3A_71 = arith.constant 2 : i32
          %add3A_72 = arith.addi %add3A_57, %add3A_71 : i32
          %dma_start3A_73 = arith.constant 0 : i32
          %dma_start3A_74 = tpu.memref_slice %arg7[%add3A_72, %dma_start3A_73] : memref<16x128xi32, #tpu.memory_space<vmem>> -> memref<1x128xi32, #tpu.memory_space<vmem>>
          %dma_start3A_75 = tpu.memref_squeeze %dma_start3A_74 : memref<1x128xi32, #tpu.memory_space<vmem>> -> memref<128xi32, #tpu.memory_space<vmem>>
          %dma_start3A_76 = arith.constant 0 : i32
          %dma_start3A_77 = arith.constant 0 : i32
          %dma_start3A_78 = tpu.memref_slice %arg2[%dma_start3A_76, %dma_start3A_77] : memref<20224x128xf32, #tpu.memory_space<hbm>> -> memref<20224x128xf32, #tpu.memory_space<hbm>>
          tpu.enqueue_indirect_dma source(%dma_start3A_78 : memref<20224x128xf32, #tpu.memory_space<hbm>>) target(%arg10 : memref<128x128xf32, #tpu.memory_space<vmem>>) offsets(%dma_start3A_75 : memref<128xi32, #tpu.memory_space<vmem>>) semaphore(%arg12 : memref<!tpu.dma_semaphore, #tpu.memory_space<semaphore_mem>>)
        } else {
        }
      }
      %scan3A_39 = arith.constant 8 : i32
    }
    %scan3A_9 = arith.constant 10 : i32
    %barrier3A_10 = arith.constant 0 : index
    tpu.barrier barrier_id(%barrier3A_10)
    %mul3A_11 = arith.constant 632 : i32
    %mul3A_12 = arith.muli %arg1, %mul3A_11 : i32
    %mul3A_13 = arith.constant 632 : i32
    %mul3A_14 = arith.muli %arg1, %mul3A_13 : i32
    "tpu.region"() ({
      %run_scoped3A = tpu.sem_alloc : memref<!tpu.dma_semaphore, #tpu.memory_space<semaphore_mem>>
      %dma_start3A = arith.constant 0 : i32
      %dma_start3A_15 = tpu.memref_slice %arg5[%arg0, %mul3A_14, %dma_start3A] : memref<2x10112x128xf32, #tpu.memory_space<hbm>> -> memref<1x632x128xf32, #tpu.memory_space<hbm>>
      %dma_start3A_16 = tpu.memref_squeeze %dma_start3A_15 : memref<1x632x128xf32, #tpu.memory_space<hbm>> -> memref<632x128xf32, #tpu.memory_space<hbm>>
      %dma_start3A_17 = arith.constant 0 : i32
      %dma_start3A_18 = tpu.memref_slice %arg6[%mul3A_12, %dma_start3A_17] : memref<10112x128xf32, #tpu.memory_space<vmem_shared>> -> memref<632x128xf32, #tpu.memory_space<vmem_shared>>
      tpu.enqueue_dma source(%dma_start3A_18 : memref<632x128xf32, #tpu.memory_space<vmem_shared>>) target(%dma_start3A_16 : memref<632x128xf32, #tpu.memory_space<hbm>>) target_semaphore(%run_scoped3A : memref<!tpu.dma_semaphore, #tpu.memory_space<semaphore_mem>>)
      %dma_wait3A = arith.constant 0 : i32
      %dma_wait3A_19 = tpu.memref_slice %arg5[%arg0, %mul3A_14, %dma_wait3A] : memref<2x10112x128xf32, #tpu.memory_space<hbm>> -> memref<1x632x128xf32, #tpu.memory_space<hbm>>
      %dma_wait3A_20 = tpu.memref_squeeze %dma_wait3A_19 : memref<1x632x128xf32, #tpu.memory_space<hbm>> -> memref<632x128xf32, #tpu.memory_space<hbm>>
      %dma_wait3A_21 = arith.constant 0 : i32
      %dma_wait3A_22 = tpu.memref_slice %arg6[%mul3A_12, %dma_wait3A_21] : memref<10112x128xf32, #tpu.memory_space<vmem_shared>> -> memref<632x128xf32, #tpu.memory_space<vmem_shared>>
      tpu.wait_dma2 semaphore(%run_scoped3A : memref<!tpu.dma_semaphore, #tpu.memory_space<semaphore_mem>>) src(%dma_wait3A_22 : memref<632x128xf32, #tpu.memory_space<vmem_shared>>) dst(%dma_wait3A_20 : memref<632x128xf32, #tpu.memory_space<hbm>>)
      tpu.yield
    }) : () -> ()
    return
  }
}

#map = affine_map<(d0, d1) -> (0, 0)>
#map1 = affine_map<(d0, d1) -> (0, 0, 0)>
module attributes {stable_mosaic.version = 14 : i64} {
  func.func @agge_kernel(%arg0: i32, %arg1: i32, %arg2: memref<10112x128xf32, #tpu.memory_space<hbm>>, %arg3: memref<2560x128xi32, #tpu.memory_space<hbm>>, %arg4: memref<2560x128xi32, #tpu.memory_space<hbm>>, %arg5: memref<632x128xf32, #tpu.memory_space<hbm>>, %arg6: memref<2x10112x128xf32, #tpu.memory_space<hbm>>, %arg7: memref<10112x128xf32, #tpu.memory_space<vmem_shared>>, %arg8: memref<16x128xi32, #tpu.memory_space<vmem>>, %arg9: memref<16x128xi32, #tpu.memory_space<vmem>>, %arg10: memref<128x128xf32, #tpu.memory_space<vmem>>, %arg11: memref<128x128xf32, #tpu.memory_space<vmem>>, %arg12: memref<!tpu.dma_semaphore, #tpu.memory_space<semaphore_mem>>, %arg13: memref<!tpu.dma_semaphore, #tpu.memory_space<semaphore_mem>>) attributes {dimension_semantics = [#tpu.dimension_semantics<core_parallel>, #tpu.dimension_semantics<subcore_parallel>], iteration_bounds = array<i64: 2, 16>, scalar_prefetch = 0 : i64, scratch_operands = 7 : i64, tpu.core_type = #tpu.core_type<sc_vector_subcore>, window_params = [{transform_indices = #map}, {transform_indices = #map}, {transform_indices = #map}, {transform_indices = #map}, {transform_indices = #map1}]} {
    %mul3A = arith.constant 16 : i32
    %mul3A_0 = arith.muli %arg0, %mul3A : i32
    %add3A = arith.addi %mul3A_0, %arg1 : i32
    %mul3A_1 = arith.constant 632 : i32
    %mul3A_2 = arith.muli %arg1, %mul3A_1 : i32
    "tpu.region"() ({
      %run_scoped3A = tpu.sem_alloc : memref<!tpu.dma_semaphore, #tpu.memory_space<semaphore_mem>>
      %dma_start3A = arith.constant 0 : i32
      %dma_start3A_15 = tpu.memref_slice %arg7[%mul3A_2, %dma_start3A] : memref<10112x128xf32, #tpu.memory_space<vmem_shared>> -> memref<632x128xf32, #tpu.memory_space<vmem_shared>>
      tpu.enqueue_dma source(%arg5 : memref<632x128xf32, #tpu.memory_space<hbm>>) target(%dma_start3A_15 : memref<632x128xf32, #tpu.memory_space<vmem_shared>>) target_semaphore(%run_scoped3A : memref<!tpu.dma_semaphore, #tpu.memory_space<semaphore_mem>>)
      %dma_wait3A = arith.constant 0 : i32
      %dma_wait3A_16 = tpu.memref_slice %arg7[%mul3A_2, %dma_wait3A] : memref<10112x128xf32, #tpu.memory_space<vmem_shared>> -> memref<632x128xf32, #tpu.memory_space<vmem_shared>>
      tpu.wait_dma2 semaphore(%run_scoped3A : memref<!tpu.dma_semaphore, #tpu.memory_space<semaphore_mem>>) src(%arg5 : memref<632x128xf32, #tpu.memory_space<hbm>>) dst(%dma_wait3A_16 : memref<632x128xf32, #tpu.memory_space<vmem_shared>>)
      tpu.yield
    }) : () -> ()
    %barrier3A = arith.constant 0 : index
    tpu.barrier barrier_id(%barrier3A)
    %eq3A = arith.constant 0 : i32
    %eq3A_3 = arith.cmpi eq, %arg0, %eq3A : i32
    %convert_element_type3A = arith.extui %eq3A_3 : i1 to i32
    %cond3A = arith.constant 0 : i32
    %cond3A_4 = arith.cmpi ne, %convert_element_type3A, %cond3A : i32
    scf.if %cond3A_4 {
      %mul3A_15 = arith.constant 128 : i32
      %mul3A_16 = arith.muli %arg1, %mul3A_15 : i32
      %scan3A = arith.constant 0 : i32
      %scan3A_17 = arith.constant 0 : i32
      %scan3A_18 = arith.constant 8 : i32
      %scan3A_19 = arith.addi %scan3A_17, %scan3A_18 : i32
      %scan3A_20 = arith.constant 1 : i32
      scf.for %scan3A_22 = %scan3A_17 to %scan3A_19 step %scan3A_20  : i32 {
        %mul3A_23 = arith.constant 16 : i32
        %mul3A_24 = arith.muli %scan3A_22, %mul3A_23 : i32
        %add3A_25 = arith.addi %mul3A_16, %mul3A_24 : i32
        "tpu.region"() ({
          %run_scoped3A = tpu.sem_alloc : memref<!tpu.dma_semaphore, #tpu.memory_space<semaphore_mem>>
          %dma_start3A_45 = arith.constant 0 : i32
          %dma_start3A_46 = tpu.memref_slice %arg3[%add3A_25, %dma_start3A_45] : memref<2560x128xi32, #tpu.memory_space<hbm>> -> memref<16x128xi32, #tpu.memory_space<hbm>>
          %dma_start3A_47 = arith.constant 0 : i32
          %dma_start3A_48 = tpu.memref_slice %arg3[%add3A_25, %dma_start3A_47] : memref<2560x128xi32, #tpu.memory_space<hbm>> -> memref<16x128xi32, #tpu.memory_space<hbm>>
          tpu.enqueue_dma source(%dma_start3A_48 : memref<16x128xi32, #tpu.memory_space<hbm>>) target(%arg8 : memref<16x128xi32, #tpu.memory_space<vmem>>) target_semaphore(%run_scoped3A : memref<!tpu.dma_semaphore, #tpu.memory_space<semaphore_mem>>)
          %dma_wait3A = arith.constant 0 : i32
          %dma_wait3A_49 = tpu.memref_slice %arg3[%add3A_25, %dma_wait3A] : memref<2560x128xi32, #tpu.memory_space<hbm>> -> memref<16x128xi32, #tpu.memory_space<hbm>>
          %dma_wait3A_50 = arith.constant 0 : i32
          %dma_wait3A_51 = tpu.memref_slice %arg3[%add3A_25, %dma_wait3A_50] : memref<2560x128xi32, #tpu.memory_space<hbm>> -> memref<16x128xi32, #tpu.memory_space<hbm>>
          tpu.wait_dma2 semaphore(%run_scoped3A : memref<!tpu.dma_semaphore, #tpu.memory_space<semaphore_mem>>) src(%dma_wait3A_51 : memref<16x128xi32, #tpu.memory_space<hbm>>) dst(%arg8 : memref<16x128xi32, #tpu.memory_space<vmem>>)
          tpu.yield
        }) : () -> ()
        "tpu.region"() ({
          %run_scoped3A = tpu.sem_alloc : memref<!tpu.dma_semaphore, #tpu.memory_space<semaphore_mem>>
          %dma_start3A_45 = arith.constant 0 : i32
          %dma_start3A_46 = tpu.memref_slice %arg4[%add3A_25, %dma_start3A_45] : memref<2560x128xi32, #tpu.memory_space<hbm>> -> memref<16x128xi32, #tpu.memory_space<hbm>>
          %dma_start3A_47 = arith.constant 0 : i32
          %dma_start3A_48 = tpu.memref_slice %arg4[%add3A_25, %dma_start3A_47] : memref<2560x128xi32, #tpu.memory_space<hbm>> -> memref<16x128xi32, #tpu.memory_space<hbm>>
          tpu.enqueue_dma source(%dma_start3A_48 : memref<16x128xi32, #tpu.memory_space<hbm>>) target(%arg9 : memref<16x128xi32, #tpu.memory_space<vmem>>) target_semaphore(%run_scoped3A : memref<!tpu.dma_semaphore, #tpu.memory_space<semaphore_mem>>)
          %dma_wait3A = arith.constant 0 : i32
          %dma_wait3A_49 = tpu.memref_slice %arg4[%add3A_25, %dma_wait3A] : memref<2560x128xi32, #tpu.memory_space<hbm>> -> memref<16x128xi32, #tpu.memory_space<hbm>>
          %dma_wait3A_50 = arith.constant 0 : i32
          %dma_wait3A_51 = tpu.memref_slice %arg4[%add3A_25, %dma_wait3A_50] : memref<2560x128xi32, #tpu.memory_space<hbm>> -> memref<16x128xi32, #tpu.memory_space<hbm>>
          tpu.wait_dma2 semaphore(%run_scoped3A : memref<!tpu.dma_semaphore, #tpu.memory_space<semaphore_mem>>) src(%dma_wait3A_51 : memref<16x128xi32, #tpu.memory_space<hbm>>) dst(%arg9 : memref<16x128xi32, #tpu.memory_space<vmem>>)
          tpu.yield
        }) : () -> ()
        %dma_start3A = arith.constant 0 : i32
        %dma_start3A_26 = arith.constant 0 : i32
        %dma_start3A_27 = tpu.memref_slice %arg8[%dma_start3A, %dma_start3A_26] : memref<16x128xi32, #tpu.memory_space<vmem>> -> memref<1x128xi32, #tpu.memory_space<vmem>>
        %dma_start3A_28 = tpu.memref_squeeze %dma_start3A_27 : memref<1x128xi32, #tpu.memory_space<vmem>> -> memref<128xi32, #tpu.memory_space<vmem>>
        %dma_start3A_29 = arith.constant 0 : i32
        %dma_start3A_30 = arith.constant 0 : i32
        %dma_start3A_31 = tpu.memref_slice %arg2[%dma_start3A_29, %dma_start3A_30] : memref<10112x128xf32, #tpu.memory_space<hbm>> -> memref<10112x128xf32, #tpu.memory_space<hbm>>
        tpu.enqueue_indirect_dma source(%dma_start3A_31 : memref<10112x128xf32, #tpu.memory_space<hbm>>) target(%arg10 : memref<128x128xf32, #tpu.memory_space<vmem>>) offsets(%dma_start3A_28 : memref<128xi32, #tpu.memory_space<vmem>>) semaphore(%arg12 : memref<!tpu.dma_semaphore, #tpu.memory_space<semaphore_mem>>)
        %dma_start3A_32 = arith.constant 1 : i32
        %dma_start3A_33 = arith.constant 0 : i32
        %dma_start3A_34 = tpu.memref_slice %arg8[%dma_start3A_32, %dma_start3A_33] : memref<16x128xi32, #tpu.memory_space<vmem>> -> memref<1x128xi32, #tpu.memory_space<vmem>>
        %dma_start3A_35 = tpu.memref_squeeze %dma_start3A_34 : memref<1x128xi32, #tpu.memory_space<vmem>> -> memref<128xi32, #tpu.memory_space<vmem>>
        %dma_start3A_36 = arith.constant 0 : i32
        %dma_start3A_37 = arith.constant 0 : i32
        %dma_start3A_38 = tpu.memref_slice %arg2[%dma_start3A_36, %dma_start3A_37] : memref<10112x128xf32, #tpu.memory_space<hbm>> -> memref<10112x128xf32, #tpu.memory_space<hbm>>
        tpu.enqueue_indirect_dma source(%dma_start3A_38 : memref<10112x128xf32, #tpu.memory_space<hbm>>) target(%arg11 : memref<128x128xf32, #tpu.memory_space<vmem>>) offsets(%dma_start3A_35 : memref<128xi32, #tpu.memory_space<vmem>>) semaphore(%arg13 : memref<!tpu.dma_semaphore, #tpu.memory_space<semaphore_mem>>)
        %scan3A_39 = arith.constant 0 : i32
        %scan3A_40 = arith.constant 0 : i32
        %scan3A_41 = arith.constant 8 : i32
        %scan3A_42 = arith.addi %scan3A_40, %scan3A_41 : i32
        %scan3A_43 = arith.constant 1 : i32
        scf.for %scan3A_45 = %scan3A_40 to %scan3A_42 step %scan3A_43  : i32 {
          %mul3A_46 = arith.constant 2 : i32
          %mul3A_47 = arith.muli %mul3A_46, %scan3A_45 : i32
          %add3A_48 = arith.constant 0 : i32
          %add3A_49 = arith.addi %mul3A_47, %add3A_48 : i32
          %dma_wait3A = arith.constant 0 : i32
          %dma_wait3A_50 = arith.constant 0 : i32
          %dma_wait3A_51 = tpu.memref_slice %arg2[%dma_wait3A, %dma_wait3A_50] : memref<10112x128xf32, #tpu.memory_space<hbm>> -> memref<128x128xf32, #tpu.memory_space<hbm>>
          %dma_wait3A_52 = arith.constant 0 : i32
          %dma_wait3A_53 = arith.constant 0 : i32
          %dma_wait3A_54 = tpu.memref_slice %arg2[%dma_wait3A_52, %dma_wait3A_53] : memref<10112x128xf32, #tpu.memory_space<hbm>> -> memref<128x128xf32, #tpu.memory_space<hbm>>
          tpu.wait_dma2 semaphore(%arg12 : memref<!tpu.dma_semaphore, #tpu.memory_space<semaphore_mem>>) src(%dma_wait3A_54 : memref<128x128xf32, #tpu.memory_space<hbm>>) dst(%arg10 : memref<128x128xf32, #tpu.memory_space<vmem>>)
          "tpu.region"() ({
            %run_scoped3A = tpu.sem_alloc : memref<!tpu.dma_semaphore, #tpu.memory_space<semaphore_mem>>
            %dma_start3A_78 = arith.constant 0 : i32
            %dma_start3A_79 = tpu.memref_slice %arg9[%add3A_49, %dma_start3A_78] : memref<16x128xi32, #tpu.memory_space<vmem>> -> memref<1x128xi32, #tpu.memory_space<vmem>>
            %dma_start3A_80 = tpu.memref_squeeze %dma_start3A_79 : memref<1x128xi32, #tpu.memory_space<vmem>> -> memref<128xi32, #tpu.memory_space<vmem>>
            %dma_start3A_81 = arith.constant 0 : i32
            %dma_start3A_82 = arith.constant 0 : i32
            %dma_start3A_83 = tpu.memref_slice %arg7[%dma_start3A_81, %dma_start3A_82] : memref<10112x128xf32, #tpu.memory_space<vmem_shared>> -> memref<10112x128xf32, #tpu.memory_space<vmem_shared>>
            tpu.enqueue_indirect_dma source(%arg10 : memref<128x128xf32, #tpu.memory_space<vmem>>) target(%dma_start3A_83 : memref<10112x128xf32, #tpu.memory_space<vmem_shared>>) offsets(%dma_start3A_80 : memref<128xi32, #tpu.memory_space<vmem>>) semaphore(%run_scoped3A : memref<!tpu.dma_semaphore, #tpu.memory_space<semaphore_mem>>) {add = true}
            %dma_wait3A_84 = arith.constant 0 : i32
            %dma_wait3A_85 = tpu.memref_slice %arg9[%add3A_49, %dma_wait3A_84] : memref<16x128xi32, #tpu.memory_space<vmem>> -> memref<1x128xi32, #tpu.memory_space<vmem>>
            %dma_wait3A_86 = tpu.memref_squeeze %dma_wait3A_85 : memref<1x128xi32, #tpu.memory_space<vmem>> -> memref<128xi32, #tpu.memory_space<vmem>>
            %dma_wait3A_87 = arith.constant 0 : i32
            %dma_wait3A_88 = arith.constant 0 : i32
            %dma_wait3A_89 = tpu.memref_slice %arg7[%dma_wait3A_87, %dma_wait3A_88] : memref<10112x128xf32, #tpu.memory_space<vmem_shared>> -> memref<10112x128xf32, #tpu.memory_space<vmem_shared>>
            tpu.wait_indirect_dma semaphore(%run_scoped3A : memref<!tpu.dma_semaphore, #tpu.memory_space<semaphore_mem>>) src(%arg10 : memref<128x128xf32, #tpu.memory_space<vmem>>) dst(%dma_wait3A_89 : memref<10112x128xf32, #tpu.memory_space<vmem_shared>>)
            tpu.yield
          }) : () -> ()
          %add3A_55 = arith.constant 2 : i32
          %add3A_56 = arith.addi %add3A_49, %add3A_55 : i32
          %lt3A = arith.constant 16 : i32
          %lt3A_57 = arith.cmpi slt, %add3A_56, %lt3A : i32
          %convert_element_type3A_58 = arith.extui %lt3A_57 : i1 to i32
          %cond3A_59 = arith.constant 0 : i32
          %cond3A_60 = arith.cmpi ne, %convert_element_type3A_58, %cond3A_59 : i32
          scf.if %cond3A_60 {
            %add3A_78 = arith.constant 2 : i32
            %add3A_79 = arith.addi %add3A_49, %add3A_78 : i32
            %dma_start3A_80 = arith.constant 0 : i32
            %dma_start3A_81 = tpu.memref_slice %arg8[%add3A_79, %dma_start3A_80] : memref<16x128xi32, #tpu.memory_space<vmem>> -> memref<1x128xi32, #tpu.memory_space<vmem>>
            %dma_start3A_82 = tpu.memref_squeeze %dma_start3A_81 : memref<1x128xi32, #tpu.memory_space<vmem>> -> memref<128xi32, #tpu.memory_space<vmem>>
            %dma_start3A_83 = arith.constant 0 : i32
            %dma_start3A_84 = arith.constant 0 : i32
            %dma_start3A_85 = tpu.memref_slice %arg2[%dma_start3A_83, %dma_start3A_84] : memref<10112x128xf32, #tpu.memory_space<hbm>> -> memref<10112x128xf32, #tpu.memory_space<hbm>>
            tpu.enqueue_indirect_dma source(%dma_start3A_85 : memref<10112x128xf32, #tpu.memory_space<hbm>>) target(%arg10 : memref<128x128xf32, #tpu.memory_space<vmem>>) offsets(%dma_start3A_82 : memref<128xi32, #tpu.memory_space<vmem>>) semaphore(%arg12 : memref<!tpu.dma_semaphore, #tpu.memory_space<semaphore_mem>>)
          } else {
          }
          %mul3A_61 = arith.constant 2 : i32
          %mul3A_62 = arith.muli %mul3A_61, %scan3A_45 : i32
          %add3A_63 = arith.constant 1 : i32
          %add3A_64 = arith.addi %mul3A_62, %add3A_63 : i32
          %dma_wait3A_65 = arith.constant 0 : i32
          %dma_wait3A_66 = arith.constant 0 : i32
          %dma_wait3A_67 = tpu.memref_slice %arg2[%dma_wait3A_65, %dma_wait3A_66] : memref<10112x128xf32, #tpu.memory_space<hbm>> -> memref<128x128xf32, #tpu.memory_space<hbm>>
          %dma_wait3A_68 = arith.constant 0 : i32
          %dma_wait3A_69 = arith.constant 0 : i32
          %dma_wait3A_70 = tpu.memref_slice %arg2[%dma_wait3A_68, %dma_wait3A_69] : memref<10112x128xf32, #tpu.memory_space<hbm>> -> memref<128x128xf32, #tpu.memory_space<hbm>>
          tpu.wait_dma2 semaphore(%arg13 : memref<!tpu.dma_semaphore, #tpu.memory_space<semaphore_mem>>) src(%dma_wait3A_70 : memref<128x128xf32, #tpu.memory_space<hbm>>) dst(%arg11 : memref<128x128xf32, #tpu.memory_space<vmem>>)
          "tpu.region"() ({
            %run_scoped3A = tpu.sem_alloc : memref<!tpu.dma_semaphore, #tpu.memory_space<semaphore_mem>>
            %dma_start3A_78 = arith.constant 0 : i32
            %dma_start3A_79 = tpu.memref_slice %arg9[%add3A_64, %dma_start3A_78] : memref<16x128xi32, #tpu.memory_space<vmem>> -> memref<1x128xi32, #tpu.memory_space<vmem>>
            %dma_start3A_80 = tpu.memref_squeeze %dma_start3A_79 : memref<1x128xi32, #tpu.memory_space<vmem>> -> memref<128xi32, #tpu.memory_space<vmem>>
            %dma_start3A_81 = arith.constant 0 : i32
            %dma_start3A_82 = arith.constant 0 : i32
            %dma_start3A_83 = tpu.memref_slice %arg7[%dma_start3A_81, %dma_start3A_82] : memref<10112x128xf32, #tpu.memory_space<vmem_shared>> -> memref<10112x128xf32, #tpu.memory_space<vmem_shared>>
            tpu.enqueue_indirect_dma source(%arg11 : memref<128x128xf32, #tpu.memory_space<vmem>>) target(%dma_start3A_83 : memref<10112x128xf32, #tpu.memory_space<vmem_shared>>) offsets(%dma_start3A_80 : memref<128xi32, #tpu.memory_space<vmem>>) semaphore(%run_scoped3A : memref<!tpu.dma_semaphore, #tpu.memory_space<semaphore_mem>>) {add = true}
            %dma_wait3A_84 = arith.constant 0 : i32
            %dma_wait3A_85 = tpu.memref_slice %arg9[%add3A_64, %dma_wait3A_84] : memref<16x128xi32, #tpu.memory_space<vmem>> -> memref<1x128xi32, #tpu.memory_space<vmem>>
            %dma_wait3A_86 = tpu.memref_squeeze %dma_wait3A_85 : memref<1x128xi32, #tpu.memory_space<vmem>> -> memref<128xi32, #tpu.memory_space<vmem>>
            %dma_wait3A_87 = arith.constant 0 : i32
            %dma_wait3A_88 = arith.constant 0 : i32
            %dma_wait3A_89 = tpu.memref_slice %arg7[%dma_wait3A_87, %dma_wait3A_88] : memref<10112x128xf32, #tpu.memory_space<vmem_shared>> -> memref<10112x128xf32, #tpu.memory_space<vmem_shared>>
            tpu.wait_indirect_dma semaphore(%run_scoped3A : memref<!tpu.dma_semaphore, #tpu.memory_space<semaphore_mem>>) src(%arg11 : memref<128x128xf32, #tpu.memory_space<vmem>>) dst(%dma_wait3A_89 : memref<10112x128xf32, #tpu.memory_space<vmem_shared>>)
            tpu.yield
          }) : () -> ()
          %add3A_71 = arith.constant 2 : i32
          %add3A_72 = arith.addi %add3A_64, %add3A_71 : i32
          %lt3A_73 = arith.constant 16 : i32
          %lt3A_74 = arith.cmpi slt, %add3A_72, %lt3A_73 : i32
          %convert_element_type3A_75 = arith.extui %lt3A_74 : i1 to i32
          %cond3A_76 = arith.constant 0 : i32
          %cond3A_77 = arith.cmpi ne, %convert_element_type3A_75, %cond3A_76 : i32
          scf.if %cond3A_77 {
            %add3A_78 = arith.constant 2 : i32
            %add3A_79 = arith.addi %add3A_64, %add3A_78 : i32
            %dma_start3A_80 = arith.constant 0 : i32
            %dma_start3A_81 = tpu.memref_slice %arg8[%add3A_79, %dma_start3A_80] : memref<16x128xi32, #tpu.memory_space<vmem>> -> memref<1x128xi32, #tpu.memory_space<vmem>>
            %dma_start3A_82 = tpu.memref_squeeze %dma_start3A_81 : memref<1x128xi32, #tpu.memory_space<vmem>> -> memref<128xi32, #tpu.memory_space<vmem>>
            %dma_start3A_83 = arith.constant 0 : i32
            %dma_start3A_84 = arith.constant 0 : i32
            %dma_start3A_85 = tpu.memref_slice %arg2[%dma_start3A_83, %dma_start3A_84] : memref<10112x128xf32, #tpu.memory_space<hbm>> -> memref<10112x128xf32, #tpu.memory_space<hbm>>
            tpu.enqueue_indirect_dma source(%dma_start3A_85 : memref<10112x128xf32, #tpu.memory_space<hbm>>) target(%arg11 : memref<128x128xf32, #tpu.memory_space<vmem>>) offsets(%dma_start3A_82 : memref<128xi32, #tpu.memory_space<vmem>>) semaphore(%arg13 : memref<!tpu.dma_semaphore, #tpu.memory_space<semaphore_mem>>)
          } else {
          }
        }
        %scan3A_44 = arith.constant 8 : i32
      }
      %scan3A_21 = arith.constant 8 : i32
    } else {
    }
    %eq3A_5 = arith.constant 1 : i32
    %eq3A_6 = arith.cmpi eq, %arg0, %eq3A_5 : i32
    %convert_element_type3A_7 = arith.extui %eq3A_6 : i1 to i32
    %cond3A_8 = arith.constant 0 : i32
    %cond3A_9 = arith.cmpi ne, %convert_element_type3A_7, %cond3A_8 : i32
    scf.if %cond3A_9 {
      %mul3A_15 = arith.constant 32 : i32
      %mul3A_16 = arith.muli %arg1, %mul3A_15 : i32
      %add3A_17 = arith.constant 2048 : i32
      %add3A_18 = arith.addi %add3A_17, %mul3A_16 : i32
      %scan3A = arith.constant 0 : i32
      %scan3A_19 = arith.constant 0 : i32
      %scan3A_20 = arith.constant 2 : i32
      %scan3A_21 = arith.addi %scan3A_19, %scan3A_20 : i32
      %scan3A_22 = arith.constant 1 : i32
      scf.for %scan3A_24 = %scan3A_19 to %scan3A_21 step %scan3A_22  : i32 {
        %mul3A_25 = arith.constant 16 : i32
        %mul3A_26 = arith.muli %scan3A_24, %mul3A_25 : i32
        %add3A_27 = arith.addi %add3A_18, %mul3A_26 : i32
        "tpu.region"() ({
          %run_scoped3A = tpu.sem_alloc : memref<!tpu.dma_semaphore, #tpu.memory_space<semaphore_mem>>
          %dma_start3A_47 = arith.constant 0 : i32
          %dma_start3A_48 = tpu.memref_slice %arg3[%add3A_27, %dma_start3A_47] : memref<2560x128xi32, #tpu.memory_space<hbm>> -> memref<16x128xi32, #tpu.memory_space<hbm>>
          %dma_start3A_49 = arith.constant 0 : i32
          %dma_start3A_50 = tpu.memref_slice %arg3[%add3A_27, %dma_start3A_49] : memref<2560x128xi32, #tpu.memory_space<hbm>> -> memref<16x128xi32, #tpu.memory_space<hbm>>
          tpu.enqueue_dma source(%dma_start3A_50 : memref<16x128xi32, #tpu.memory_space<hbm>>) target(%arg8 : memref<16x128xi32, #tpu.memory_space<vmem>>) target_semaphore(%run_scoped3A : memref<!tpu.dma_semaphore, #tpu.memory_space<semaphore_mem>>)
          %dma_wait3A = arith.constant 0 : i32
          %dma_wait3A_51 = tpu.memref_slice %arg3[%add3A_27, %dma_wait3A] : memref<2560x128xi32, #tpu.memory_space<hbm>> -> memref<16x128xi32, #tpu.memory_space<hbm>>
          %dma_wait3A_52 = arith.constant 0 : i32
          %dma_wait3A_53 = tpu.memref_slice %arg3[%add3A_27, %dma_wait3A_52] : memref<2560x128xi32, #tpu.memory_space<hbm>> -> memref<16x128xi32, #tpu.memory_space<hbm>>
          tpu.wait_dma2 semaphore(%run_scoped3A : memref<!tpu.dma_semaphore, #tpu.memory_space<semaphore_mem>>) src(%dma_wait3A_53 : memref<16x128xi32, #tpu.memory_space<hbm>>) dst(%arg8 : memref<16x128xi32, #tpu.memory_space<vmem>>)
          tpu.yield
        }) : () -> ()
        "tpu.region"() ({
          %run_scoped3A = tpu.sem_alloc : memref<!tpu.dma_semaphore, #tpu.memory_space<semaphore_mem>>
          %dma_start3A_47 = arith.constant 0 : i32
          %dma_start3A_48 = tpu.memref_slice %arg4[%add3A_27, %dma_start3A_47] : memref<2560x128xi32, #tpu.memory_space<hbm>> -> memref<16x128xi32, #tpu.memory_space<hbm>>
          %dma_start3A_49 = arith.constant 0 : i32
          %dma_start3A_50 = tpu.memref_slice %arg4[%add3A_27, %dma_start3A_49] : memref<2560x128xi32, #tpu.memory_space<hbm>> -> memref<16x128xi32, #tpu.memory_space<hbm>>
          tpu.enqueue_dma source(%dma_start3A_50 : memref<16x128xi32, #tpu.memory_space<hbm>>) target(%arg9 : memref<16x128xi32, #tpu.memory_space<vmem>>) target_semaphore(%run_scoped3A : memref<!tpu.dma_semaphore, #tpu.memory_space<semaphore_mem>>)
          %dma_wait3A = arith.constant 0 : i32
          %dma_wait3A_51 = tpu.memref_slice %arg4[%add3A_27, %dma_wait3A] : memref<2560x128xi32, #tpu.memory_space<hbm>> -> memref<16x128xi32, #tpu.memory_space<hbm>>
          %dma_wait3A_52 = arith.constant 0 : i32
          %dma_wait3A_53 = tpu.memref_slice %arg4[%add3A_27, %dma_wait3A_52] : memref<2560x128xi32, #tpu.memory_space<hbm>> -> memref<16x128xi32, #tpu.memory_space<hbm>>
          tpu.wait_dma2 semaphore(%run_scoped3A : memref<!tpu.dma_semaphore, #tpu.memory_space<semaphore_mem>>) src(%dma_wait3A_53 : memref<16x128xi32, #tpu.memory_space<hbm>>) dst(%arg9 : memref<16x128xi32, #tpu.memory_space<vmem>>)
          tpu.yield
        }) : () -> ()
        %dma_start3A = arith.constant 0 : i32
        %dma_start3A_28 = arith.constant 0 : i32
        %dma_start3A_29 = tpu.memref_slice %arg8[%dma_start3A, %dma_start3A_28] : memref<16x128xi32, #tpu.memory_space<vmem>> -> memref<1x128xi32, #tpu.memory_space<vmem>>
        %dma_start3A_30 = tpu.memref_squeeze %dma_start3A_29 : memref<1x128xi32, #tpu.memory_space<vmem>> -> memref<128xi32, #tpu.memory_space<vmem>>
        %dma_start3A_31 = arith.constant 0 : i32
        %dma_start3A_32 = arith.constant 0 : i32
        %dma_start3A_33 = tpu.memref_slice %arg2[%dma_start3A_31, %dma_start3A_32] : memref<10112x128xf32, #tpu.memory_space<hbm>> -> memref<10112x128xf32, #tpu.memory_space<hbm>>
        tpu.enqueue_indirect_dma source(%dma_start3A_33 : memref<10112x128xf32, #tpu.memory_space<hbm>>) target(%arg10 : memref<128x128xf32, #tpu.memory_space<vmem>>) offsets(%dma_start3A_30 : memref<128xi32, #tpu.memory_space<vmem>>) semaphore(%arg12 : memref<!tpu.dma_semaphore, #tpu.memory_space<semaphore_mem>>)
        %dma_start3A_34 = arith.constant 1 : i32
        %dma_start3A_35 = arith.constant 0 : i32
        %dma_start3A_36 = tpu.memref_slice %arg8[%dma_start3A_34, %dma_start3A_35] : memref<16x128xi32, #tpu.memory_space<vmem>> -> memref<1x128xi32, #tpu.memory_space<vmem>>
        %dma_start3A_37 = tpu.memref_squeeze %dma_start3A_36 : memref<1x128xi32, #tpu.memory_space<vmem>> -> memref<128xi32, #tpu.memory_space<vmem>>
        %dma_start3A_38 = arith.constant 0 : i32
        %dma_start3A_39 = arith.constant 0 : i32
        %dma_start3A_40 = tpu.memref_slice %arg2[%dma_start3A_38, %dma_start3A_39] : memref<10112x128xf32, #tpu.memory_space<hbm>> -> memref<10112x128xf32, #tpu.memory_space<hbm>>
        tpu.enqueue_indirect_dma source(%dma_start3A_40 : memref<10112x128xf32, #tpu.memory_space<hbm>>) target(%arg11 : memref<128x128xf32, #tpu.memory_space<vmem>>) offsets(%dma_start3A_37 : memref<128xi32, #tpu.memory_space<vmem>>) semaphore(%arg13 : memref<!tpu.dma_semaphore, #tpu.memory_space<semaphore_mem>>)
        %scan3A_41 = arith.constant 0 : i32
        %scan3A_42 = arith.constant 0 : i32
        %scan3A_43 = arith.constant 8 : i32
        %scan3A_44 = arith.addi %scan3A_42, %scan3A_43 : i32
        %scan3A_45 = arith.constant 1 : i32
        scf.for %scan3A_47 = %scan3A_42 to %scan3A_44 step %scan3A_45  : i32 {
          %mul3A_48 = arith.constant 2 : i32
          %mul3A_49 = arith.muli %mul3A_48, %scan3A_47 : i32
          %add3A_50 = arith.constant 0 : i32
          %add3A_51 = arith.addi %mul3A_49, %add3A_50 : i32
          %dma_wait3A = arith.constant 0 : i32
          %dma_wait3A_52 = arith.constant 0 : i32
          %dma_wait3A_53 = tpu.memref_slice %arg2[%dma_wait3A, %dma_wait3A_52] : memref<10112x128xf32, #tpu.memory_space<hbm>> -> memref<128x128xf32, #tpu.memory_space<hbm>>
          %dma_wait3A_54 = arith.constant 0 : i32
          %dma_wait3A_55 = arith.constant 0 : i32
          %dma_wait3A_56 = tpu.memref_slice %arg2[%dma_wait3A_54, %dma_wait3A_55] : memref<10112x128xf32, #tpu.memory_space<hbm>> -> memref<128x128xf32, #tpu.memory_space<hbm>>
          tpu.wait_dma2 semaphore(%arg12 : memref<!tpu.dma_semaphore, #tpu.memory_space<semaphore_mem>>) src(%dma_wait3A_56 : memref<128x128xf32, #tpu.memory_space<hbm>>) dst(%arg10 : memref<128x128xf32, #tpu.memory_space<vmem>>)
          "tpu.region"() ({
            %run_scoped3A = tpu.sem_alloc : memref<!tpu.dma_semaphore, #tpu.memory_space<semaphore_mem>>
            %dma_start3A_80 = arith.constant 0 : i32
            %dma_start3A_81 = tpu.memref_slice %arg9[%add3A_51, %dma_start3A_80] : memref<16x128xi32, #tpu.memory_space<vmem>> -> memref<1x128xi32, #tpu.memory_space<vmem>>
            %dma_start3A_82 = tpu.memref_squeeze %dma_start3A_81 : memref<1x128xi32, #tpu.memory_space<vmem>> -> memref<128xi32, #tpu.memory_space<vmem>>
            %dma_start3A_83 = arith.constant 0 : i32
            %dma_start3A_84 = arith.constant 0 : i32
            %dma_start3A_85 = tpu.memref_slice %arg7[%dma_start3A_83, %dma_start3A_84] : memref<10112x128xf32, #tpu.memory_space<vmem_shared>> -> memref<10112x128xf32, #tpu.memory_space<vmem_shared>>
            tpu.enqueue_indirect_dma source(%arg10 : memref<128x128xf32, #tpu.memory_space<vmem>>) target(%dma_start3A_85 : memref<10112x128xf32, #tpu.memory_space<vmem_shared>>) offsets(%dma_start3A_82 : memref<128xi32, #tpu.memory_space<vmem>>) semaphore(%run_scoped3A : memref<!tpu.dma_semaphore, #tpu.memory_space<semaphore_mem>>) {add = true}
            %dma_wait3A_86 = arith.constant 0 : i32
            %dma_wait3A_87 = tpu.memref_slice %arg9[%add3A_51, %dma_wait3A_86] : memref<16x128xi32, #tpu.memory_space<vmem>> -> memref<1x128xi32, #tpu.memory_space<vmem>>
            %dma_wait3A_88 = tpu.memref_squeeze %dma_wait3A_87 : memref<1x128xi32, #tpu.memory_space<vmem>> -> memref<128xi32, #tpu.memory_space<vmem>>
            %dma_wait3A_89 = arith.constant 0 : i32
            %dma_wait3A_90 = arith.constant 0 : i32
            %dma_wait3A_91 = tpu.memref_slice %arg7[%dma_wait3A_89, %dma_wait3A_90] : memref<10112x128xf32, #tpu.memory_space<vmem_shared>> -> memref<10112x128xf32, #tpu.memory_space<vmem_shared>>
            tpu.wait_indirect_dma semaphore(%run_scoped3A : memref<!tpu.dma_semaphore, #tpu.memory_space<semaphore_mem>>) src(%arg10 : memref<128x128xf32, #tpu.memory_space<vmem>>) dst(%dma_wait3A_91 : memref<10112x128xf32, #tpu.memory_space<vmem_shared>>)
            tpu.yield
          }) : () -> ()
          %add3A_57 = arith.constant 2 : i32
          %add3A_58 = arith.addi %add3A_51, %add3A_57 : i32
          %lt3A = arith.constant 16 : i32
          %lt3A_59 = arith.cmpi slt, %add3A_58, %lt3A : i32
          %convert_element_type3A_60 = arith.extui %lt3A_59 : i1 to i32
          %cond3A_61 = arith.constant 0 : i32
          %cond3A_62 = arith.cmpi ne, %convert_element_type3A_60, %cond3A_61 : i32
          scf.if %cond3A_62 {
            %add3A_80 = arith.constant 2 : i32
            %add3A_81 = arith.addi %add3A_51, %add3A_80 : i32
            %dma_start3A_82 = arith.constant 0 : i32
            %dma_start3A_83 = tpu.memref_slice %arg8[%add3A_81, %dma_start3A_82] : memref<16x128xi32, #tpu.memory_space<vmem>> -> memref<1x128xi32, #tpu.memory_space<vmem>>
            %dma_start3A_84 = tpu.memref_squeeze %dma_start3A_83 : memref<1x128xi32, #tpu.memory_space<vmem>> -> memref<128xi32, #tpu.memory_space<vmem>>
            %dma_start3A_85 = arith.constant 0 : i32
            %dma_start3A_86 = arith.constant 0 : i32
            %dma_start3A_87 = tpu.memref_slice %arg2[%dma_start3A_85, %dma_start3A_86] : memref<10112x128xf32, #tpu.memory_space<hbm>> -> memref<10112x128xf32, #tpu.memory_space<hbm>>
            tpu.enqueue_indirect_dma source(%dma_start3A_87 : memref<10112x128xf32, #tpu.memory_space<hbm>>) target(%arg10 : memref<128x128xf32, #tpu.memory_space<vmem>>) offsets(%dma_start3A_84 : memref<128xi32, #tpu.memory_space<vmem>>) semaphore(%arg12 : memref<!tpu.dma_semaphore, #tpu.memory_space<semaphore_mem>>)
          } else {
          }
          %mul3A_63 = arith.constant 2 : i32
          %mul3A_64 = arith.muli %mul3A_63, %scan3A_47 : i32
          %add3A_65 = arith.constant 1 : i32
          %add3A_66 = arith.addi %mul3A_64, %add3A_65 : i32
          %dma_wait3A_67 = arith.constant 0 : i32
          %dma_wait3A_68 = arith.constant 0 : i32
          %dma_wait3A_69 = tpu.memref_slice %arg2[%dma_wait3A_67, %dma_wait3A_68] : memref<10112x128xf32, #tpu.memory_space<hbm>> -> memref<128x128xf32, #tpu.memory_space<hbm>>
          %dma_wait3A_70 = arith.constant 0 : i32
          %dma_wait3A_71 = arith.constant 0 : i32
          %dma_wait3A_72 = tpu.memref_slice %arg2[%dma_wait3A_70, %dma_wait3A_71] : memref<10112x128xf32, #tpu.memory_space<hbm>> -> memref<128x128xf32, #tpu.memory_space<hbm>>
          tpu.wait_dma2 semaphore(%arg13 : memref<!tpu.dma_semaphore, #tpu.memory_space<semaphore_mem>>) src(%dma_wait3A_72 : memref<128x128xf32, #tpu.memory_space<hbm>>) dst(%arg11 : memref<128x128xf32, #tpu.memory_space<vmem>>)
          "tpu.region"() ({
            %run_scoped3A = tpu.sem_alloc : memref<!tpu.dma_semaphore, #tpu.memory_space<semaphore_mem>>
            %dma_start3A_80 = arith.constant 0 : i32
            %dma_start3A_81 = tpu.memref_slice %arg9[%add3A_66, %dma_start3A_80] : memref<16x128xi32, #tpu.memory_space<vmem>> -> memref<1x128xi32, #tpu.memory_space<vmem>>
            %dma_start3A_82 = tpu.memref_squeeze %dma_start3A_81 : memref<1x128xi32, #tpu.memory_space<vmem>> -> memref<128xi32, #tpu.memory_space<vmem>>
            %dma_start3A_83 = arith.constant 0 : i32
            %dma_start3A_84 = arith.constant 0 : i32
            %dma_start3A_85 = tpu.memref_slice %arg7[%dma_start3A_83, %dma_start3A_84] : memref<10112x128xf32, #tpu.memory_space<vmem_shared>> -> memref<10112x128xf32, #tpu.memory_space<vmem_shared>>
            tpu.enqueue_indirect_dma source(%arg11 : memref<128x128xf32, #tpu.memory_space<vmem>>) target(%dma_start3A_85 : memref<10112x128xf32, #tpu.memory_space<vmem_shared>>) offsets(%dma_start3A_82 : memref<128xi32, #tpu.memory_space<vmem>>) semaphore(%run_scoped3A : memref<!tpu.dma_semaphore, #tpu.memory_space<semaphore_mem>>) {add = true}
            %dma_wait3A_86 = arith.constant 0 : i32
            %dma_wait3A_87 = tpu.memref_slice %arg9[%add3A_66, %dma_wait3A_86] : memref<16x128xi32, #tpu.memory_space<vmem>> -> memref<1x128xi32, #tpu.memory_space<vmem>>
            %dma_wait3A_88 = tpu.memref_squeeze %dma_wait3A_87 : memref<1x128xi32, #tpu.memory_space<vmem>> -> memref<128xi32, #tpu.memory_space<vmem>>
            %dma_wait3A_89 = arith.constant 0 : i32
            %dma_wait3A_90 = arith.constant 0 : i32
            %dma_wait3A_91 = tpu.memref_slice %arg7[%dma_wait3A_89, %dma_wait3A_90] : memref<10112x128xf32, #tpu.memory_space<vmem_shared>> -> memref<10112x128xf32, #tpu.memory_space<vmem_shared>>
            tpu.wait_indirect_dma semaphore(%run_scoped3A : memref<!tpu.dma_semaphore, #tpu.memory_space<semaphore_mem>>) src(%arg11 : memref<128x128xf32, #tpu.memory_space<vmem>>) dst(%dma_wait3A_91 : memref<10112x128xf32, #tpu.memory_space<vmem_shared>>)
            tpu.yield
          }) : () -> ()
          %add3A_73 = arith.constant 2 : i32
          %add3A_74 = arith.addi %add3A_66, %add3A_73 : i32
          %lt3A_75 = arith.constant 16 : i32
          %lt3A_76 = arith.cmpi slt, %add3A_74, %lt3A_75 : i32
          %convert_element_type3A_77 = arith.extui %lt3A_76 : i1 to i32
          %cond3A_78 = arith.constant 0 : i32
          %cond3A_79 = arith.cmpi ne, %convert_element_type3A_77, %cond3A_78 : i32
          scf.if %cond3A_79 {
            %add3A_80 = arith.constant 2 : i32
            %add3A_81 = arith.addi %add3A_66, %add3A_80 : i32
            %dma_start3A_82 = arith.constant 0 : i32
            %dma_start3A_83 = tpu.memref_slice %arg8[%add3A_81, %dma_start3A_82] : memref<16x128xi32, #tpu.memory_space<vmem>> -> memref<1x128xi32, #tpu.memory_space<vmem>>
            %dma_start3A_84 = tpu.memref_squeeze %dma_start3A_83 : memref<1x128xi32, #tpu.memory_space<vmem>> -> memref<128xi32, #tpu.memory_space<vmem>>
            %dma_start3A_85 = arith.constant 0 : i32
            %dma_start3A_86 = arith.constant 0 : i32
            %dma_start3A_87 = tpu.memref_slice %arg2[%dma_start3A_85, %dma_start3A_86] : memref<10112x128xf32, #tpu.memory_space<hbm>> -> memref<10112x128xf32, #tpu.memory_space<hbm>>
            tpu.enqueue_indirect_dma source(%dma_start3A_87 : memref<10112x128xf32, #tpu.memory_space<hbm>>) target(%arg11 : memref<128x128xf32, #tpu.memory_space<vmem>>) offsets(%dma_start3A_84 : memref<128xi32, #tpu.memory_space<vmem>>) semaphore(%arg13 : memref<!tpu.dma_semaphore, #tpu.memory_space<semaphore_mem>>)
          } else {
          }
        }
        %scan3A_46 = arith.constant 8 : i32
      }
      %scan3A_23 = arith.constant 2 : i32
    } else {
    }
    %barrier3A_10 = arith.constant 0 : index
    tpu.barrier barrier_id(%barrier3A_10)
    %mul3A_11 = arith.constant 632 : i32
    %mul3A_12 = arith.muli %arg1, %mul3A_11 : i32
    %mul3A_13 = arith.constant 632 : i32
    %mul3A_14 = arith.muli %arg1, %mul3A_13 : i32
    "tpu.region"() ({
      %run_scoped3A = tpu.sem_alloc : memref<!tpu.dma_semaphore, #tpu.memory_space<semaphore_mem>>
      %dma_start3A = arith.constant 0 : i32
      %dma_start3A_15 = tpu.memref_slice %arg6[%arg0, %mul3A_14, %dma_start3A] : memref<2x10112x128xf32, #tpu.memory_space<hbm>> -> memref<1x632x128xf32, #tpu.memory_space<hbm>>
      %dma_start3A_16 = tpu.memref_squeeze %dma_start3A_15 : memref<1x632x128xf32, #tpu.memory_space<hbm>> -> memref<632x128xf32, #tpu.memory_space<hbm>>
      %dma_start3A_17 = arith.constant 0 : i32
      %dma_start3A_18 = tpu.memref_slice %arg7[%mul3A_12, %dma_start3A_17] : memref<10112x128xf32, #tpu.memory_space<vmem_shared>> -> memref<632x128xf32, #tpu.memory_space<vmem_shared>>
      tpu.enqueue_dma source(%dma_start3A_18 : memref<632x128xf32, #tpu.memory_space<vmem_shared>>) target(%dma_start3A_16 : memref<632x128xf32, #tpu.memory_space<hbm>>) target_semaphore(%run_scoped3A : memref<!tpu.dma_semaphore, #tpu.memory_space<semaphore_mem>>)
      %dma_wait3A = arith.constant 0 : i32
      %dma_wait3A_19 = tpu.memref_slice %arg6[%arg0, %mul3A_14, %dma_wait3A] : memref<2x10112x128xf32, #tpu.memory_space<hbm>> -> memref<1x632x128xf32, #tpu.memory_space<hbm>>
      %dma_wait3A_20 = tpu.memref_squeeze %dma_wait3A_19 : memref<1x632x128xf32, #tpu.memory_space<hbm>> -> memref<632x128xf32, #tpu.memory_space<hbm>>
      %dma_wait3A_21 = arith.constant 0 : i32
      %dma_wait3A_22 = tpu.memref_slice %arg7[%mul3A_12, %dma_wait3A_21] : memref<10112x128xf32, #tpu.memory_space<vmem_shared>> -> memref<632x128xf32, #tpu.memory_space<vmem_shared>>
      tpu.wait_dma2 semaphore(%run_scoped3A : memref<!tpu.dma_semaphore, #tpu.memory_space<semaphore_mem>>) src(%dma_wait3A_22 : memref<632x128xf32, #tpu.memory_space<vmem_shared>>) dst(%dma_wait3A_20 : memref<632x128xf32, #tpu.memory_space<hbm>>)
      tpu.yield
    }) : () -> ()
    return
  }
}

#map = affine_map<(d0, d1) -> (0, 0)>
#map1 = affine_map<(d0, d1) -> (0, 0, 0, 0)>
module attributes {stable_mosaic.version = 14 : i64} {
  func.func @hist_kernel(%arg0: i32, %arg1: i32, %arg2: memref<80x128xf32, #tpu.memory_space<hbm>>, %arg3: memref<2560x128xi32, #tpu.memory_space<hbm>>, %arg4: memref<2560x128xi32, #tpu.memory_space<hbm>>, %arg5: memref<2x16x5x128xf32, #tpu.memory_space<hbm>>, %arg6: memref<16x80x128xf32, #tpu.memory_space<vmem_shared>>, %arg7: memref<80x128xf32, #tpu.memory_space<vmem>>, %arg8: memref<80x128xi32, #tpu.memory_space<vmem>>, %arg9: memref<5x128xf32, #tpu.memory_space<vmem>>, %arg10: memref<5x128xf32, #tpu.memory_space<vmem>>, %arg11: memref<80x128xf32, #tpu.memory_space<vmem>>, %arg12: memref<80x128xi32, #tpu.memory_space<vmem>>) attributes {dimension_semantics = [#tpu.dimension_semantics<core_parallel>, #tpu.dimension_semantics<subcore_parallel>], iteration_bounds = array<i64: 2, 16>, scalar_prefetch = 0 : i64, scratch_operands = 7 : i64, tpu.core_type = #tpu.core_type<sc_vector_subcore>, window_params = [{transform_indices = #map}, {transform_indices = #map}, {transform_indices = #map}, {transform_indices = #map1}]} {
    %mul3A = arith.constant 16 : i32
    %mul3A_0 = arith.muli %arg0, %mul3A : i32
    %add3A = arith.addi %mul3A_0, %arg1 : i32
    %broadcast_in_dim3A = arith.constant 0.000000e+00 : f32
    %broadcast_in_dim3A_1 = vector.broadcast %broadcast_in_dim3A : f32 to vector<16xf32>
    %broadcast_in_dim3A_2 = arith.constant 1.000000e+00 : f32
    %broadcast_in_dim3A_3 = vector.broadcast %broadcast_in_dim3A_2 : f32 to vector<16xf32>
    %scan3A = arith.constant 0 : i32
    %scan3A_4 = arith.constant 0 : i32
    %scan3A_5 = arith.constant 80 : i32
    %scan3A_6 = arith.addi %scan3A_4, %scan3A_5 : i32
    %scan3A_7 = arith.constant 1 : i32
    scf.for %scan3A_184 = %scan3A_4 to %scan3A_6 step %scan3A_7  : i32 {
      %swap3A_185 = arith.index_cast %scan3A_184 : i32 to index
      %swap3A_186 = arith.constant 0 : index
      %swap3A_187 = tpu.vector_load %arg7[%swap3A_185, %swap3A_186] {strides = array<i32>} : memref<80x128xf32, #tpu.memory_space<vmem>>, vector<16xf32>,
      tpu.vector_store %arg7[%swap3A_185, %swap3A_186], %broadcast_in_dim3A_1 {strides = array<i32>} : memref<80x128xf32, #tpu.memory_space<vmem>>, vector<16xf32>,
      %swap3A_188 = arith.index_cast %scan3A_184 : i32 to index
      %swap3A_189 = arith.constant 16 : index
      %swap3A_190 = tpu.vector_load %arg7[%swap3A_188, %swap3A_189] {strides = array<i32>} : memref<80x128xf32, #tpu.memory_space<vmem>>, vector<16xf32>,
      tpu.vector_store %arg7[%swap3A_188, %swap3A_189], %broadcast_in_dim3A_1 {strides = array<i32>} : memref<80x128xf32, #tpu.memory_space<vmem>>, vector<16xf32>,
      %swap3A_191 = arith.index_cast %scan3A_184 : i32 to index
      %swap3A_192 = arith.constant 32 : index
      %swap3A_193 = tpu.vector_load %arg7[%swap3A_191, %swap3A_192] {strides = array<i32>} : memref<80x128xf32, #tpu.memory_space<vmem>>, vector<16xf32>,
      tpu.vector_store %arg7[%swap3A_191, %swap3A_192], %broadcast_in_dim3A_1 {strides = array<i32>} : memref<80x128xf32, #tpu.memory_space<vmem>>, vector<16xf32>,
      %swap3A_194 = arith.index_cast %scan3A_184 : i32 to index
      %swap3A_195 = arith.constant 48 : index
      %swap3A_196 = tpu.vector_load %arg7[%swap3A_194, %swap3A_195] {strides = array<i32>} : memref<80x128xf32, #tpu.memory_space<vmem>>, vector<16xf32>,
      tpu.vector_store %arg7[%swap3A_194, %swap3A_195], %broadcast_in_dim3A_1 {strides = array<i32>} : memref<80x128xf32, #tpu.memory_space<vmem>>, vector<16xf32>,
      %swap3A_197 = arith.index_cast %scan3A_184 : i32 to index
      %swap3A_198 = arith.constant 64 : index
      %swap3A_199 = tpu.vector_load %arg7[%swap3A_197, %swap3A_198] {strides = array<i32>} : memref<80x128xf32, #tpu.memory_space<vmem>>, vector<16xf32>,
      tpu.vector_store %arg7[%swap3A_197, %swap3A_198], %broadcast_in_dim3A_1 {strides = array<i32>} : memref<80x128xf32, #tpu.memory_space<vmem>>, vector<16xf32>,
      %swap3A_200 = arith.index_cast %scan3A_184 : i32 to index
      %swap3A_201 = arith.constant 80 : index
      %swap3A_202 = tpu.vector_load %arg7[%swap3A_200, %swap3A_201] {strides = array<i32>} : memref<80x128xf32, #tpu.memory_space<vmem>>, vector<16xf32>,
      tpu.vector_store %arg7[%swap3A_200, %swap3A_201], %broadcast_in_dim3A_1 {strides = array<i32>} : memref<80x128xf32, #tpu.memory_space<vmem>>, vector<16xf32>,
      %swap3A_203 = arith.index_cast %scan3A_184 : i32 to index
      %swap3A_204 = arith.constant 96 : index
      %swap3A_205 = tpu.vector_load %arg7[%swap3A_203, %swap3A_204] {strides = array<i32>} : memref<80x128xf32, #tpu.memory_space<vmem>>, vector<16xf32>,
      tpu.vector_store %arg7[%swap3A_203, %swap3A_204], %broadcast_in_dim3A_1 {strides = array<i32>} : memref<80x128xf32, #tpu.memory_space<vmem>>, vector<16xf32>,
      %swap3A_206 = arith.index_cast %scan3A_184 : i32 to index
      %swap3A_207 = arith.constant 112 : index
      %swap3A_208 = tpu.vector_load %arg7[%swap3A_206, %swap3A_207] {strides = array<i32>} : memref<80x128xf32, #tpu.memory_space<vmem>>, vector<16xf32>,
      tpu.vector_store %arg7[%swap3A_206, %swap3A_207], %broadcast_in_dim3A_1 {strides = array<i32>} : memref<80x128xf32, #tpu.memory_space<vmem>>, vector<16xf32>,
    }
    %scan3A_8 = arith.constant 80 : i32
    "tpu.region"() ({
      %run_scoped3A = tpu.sem_alloc : memref<!tpu.dma_semaphore, #tpu.memory_space<semaphore_mem>>
      tpu.enqueue_dma source(%arg2 : memref<80x128xf32, #tpu.memory_space<hbm>>) target(%arg11 : memref<80x128xf32, #tpu.memory_space<vmem>>) target_semaphore(%run_scoped3A : memref<!tpu.dma_semaphore, #tpu.memory_space<semaphore_mem>>)
      tpu.wait_dma2 semaphore(%run_scoped3A : memref<!tpu.dma_semaphore, #tpu.memory_space<semaphore_mem>>) src(%arg2 : memref<80x128xf32, #tpu.memory_space<hbm>>) dst(%arg11 : memref<80x128xf32, #tpu.memory_space<vmem>>)
      tpu.yield
    }) : () -> ()
    %mul3A_9 = arith.constant 80 : i32
    %mul3A_10 = arith.muli %add3A, %mul3A_9 : i32
    "tpu.region"() ({
      %run_scoped3A = tpu.sem_alloc : memref<!tpu.dma_semaphore, #tpu.memory_space<semaphore_mem>>
      %dma_start3A = arith.constant 0 : i32
      %dma_start3A_184 = tpu.memref_slice %arg3[%mul3A_10, %dma_start3A] : memref<2560x128xi32, #tpu.memory_space<hbm>> -> memref<80x128xi32, #tpu.memory_space<hbm>>
      %dma_start3A_185 = arith.constant 0 : i32
      %dma_start3A_186 = tpu.memref_slice %arg3[%mul3A_10, %dma_start3A_185] : memref<2560x128xi32, #tpu.memory_space<hbm>> -> memref<80x128xi32, #tpu.memory_space<hbm>>
      tpu.enqueue_dma source(%dma_start3A_186 : memref<80x128xi32, #tpu.memory_space<hbm>>) target(%arg12 : memref<80x128xi32, #tpu.memory_space<vmem>>) target_semaphore(%run_scoped3A : memref<!tpu.dma_semaphore, #tpu.memory_space<semaphore_mem>>)
      %dma_wait3A = arith.constant 0 : i32
      %dma_wait3A_187 = tpu.memref_slice %arg3[%mul3A_10, %dma_wait3A] : memref<2560x128xi32, #tpu.memory_space<hbm>> -> memref<80x128xi32, #tpu.memory_space<hbm>>
      %dma_wait3A_188 = arith.constant 0 : i32
      %dma_wait3A_189 = tpu.memref_slice %arg3[%mul3A_10, %dma_wait3A_188] : memref<2560x128xi32, #tpu.memory_space<hbm>> -> memref<80x128xi32, #tpu.memory_space<hbm>>
      tpu.wait_dma2 semaphore(%run_scoped3A : memref<!tpu.dma_semaphore, #tpu.memory_space<semaphore_mem>>) src(%dma_wait3A_189 : memref<80x128xi32, #tpu.memory_space<hbm>>) dst(%arg12 : memref<80x128xi32, #tpu.memory_space<vmem>>)
      tpu.yield
    }) : () -> ()
    %mul3A_11 = arith.constant 80 : i32
    %mul3A_12 = arith.muli %add3A, %mul3A_11 : i32
    "tpu.region"() ({
      %run_scoped3A = tpu.sem_alloc : memref<!tpu.dma_semaphore, #tpu.memory_space<semaphore_mem>>
      %dma_start3A = arith.constant 0 : i32
      %dma_start3A_184 = tpu.memref_slice %arg4[%mul3A_12, %dma_start3A] : memref<2560x128xi32, #tpu.memory_space<hbm>> -> memref<80x128xi32, #tpu.memory_space<hbm>>
      %dma_start3A_185 = arith.constant 0 : i32
      %dma_start3A_186 = tpu.memref_slice %arg4[%mul3A_12, %dma_start3A_185] : memref<2560x128xi32, #tpu.memory_space<hbm>> -> memref<80x128xi32, #tpu.memory_space<hbm>>
      tpu.enqueue_dma source(%dma_start3A_186 : memref<80x128xi32, #tpu.memory_space<hbm>>) target(%arg8 : memref<80x128xi32, #tpu.memory_space<vmem>>) target_semaphore(%run_scoped3A : memref<!tpu.dma_semaphore, #tpu.memory_space<semaphore_mem>>)
      %dma_wait3A = arith.constant 0 : i32
      %dma_wait3A_187 = tpu.memref_slice %arg4[%mul3A_12, %dma_wait3A] : memref<2560x128xi32, #tpu.memory_space<hbm>> -> memref<80x128xi32, #tpu.memory_space<hbm>>
      %dma_wait3A_188 = arith.constant 0 : i32
      %dma_wait3A_189 = tpu.memref_slice %arg4[%mul3A_12, %dma_wait3A_188] : memref<2560x128xi32, #tpu.memory_space<hbm>> -> memref<80x128xi32, #tpu.memory_space<hbm>>
      tpu.wait_dma2 semaphore(%run_scoped3A : memref<!tpu.dma_semaphore, #tpu.memory_space<semaphore_mem>>) src(%dma_wait3A_189 : memref<80x128xi32, #tpu.memory_space<hbm>>) dst(%arg8 : memref<80x128xi32, #tpu.memory_space<vmem>>)
      tpu.yield
    }) : () -> ()
    %scan3A_13 = arith.constant 0 : i32
    %scan3A_14 = arith.constant 0 : i32
    %scan3A_15 = arith.constant 80 : i32
    %scan3A_16 = arith.addi %scan3A_14, %scan3A_15 : i32
    %scan3A_17 = arith.constant 1 : i32
    scf.for %scan3A_184 = %scan3A_14 to %scan3A_16 step %scan3A_17  : i32 {
      %get3A = arith.index_cast %scan3A_184 : i32 to index
      %get3A_185 = arith.constant 0 : index
      %get3A_186 = tpu.vector_load %arg8[%get3A, %get3A_185] {strides = array<i32>} : memref<80x128xi32, #tpu.memory_space<vmem>>, vector<16xi32>,
      %get3A_187 = arith.index_cast %scan3A_184 : i32 to index
      %get3A_188 = arith.constant 0 : index
      %get3A_189 = tpu.vector_load %arg12[%get3A_187, %get3A_188] {strides = array<i32>} : memref<80x128xi32, #tpu.memory_space<vmem>>, vector<16xi32>,
      %shift_right_arithmetic3A = arith.constant 7 : i32
      %shift_right_arithmetic3A_190 = vector.broadcast %shift_right_arithmetic3A : i32 to vector<16xi32>
      %shift_right_arithmetic3A_191 = arith.shrsi %get3A_189, %shift_right_arithmetic3A_190 : vector<16xi32>
      %and3A = arith.constant 127 : i32
      %and3A_192 = vector.broadcast %and3A : i32 to vector<16xi32>
      %and3A_193 = arith.andi %get3A_189, %and3A_192 : vector<16xi32>
      %gather3A = tpu.vector_load_idx %arg11[%shift_right_arithmetic3A_191, %and3A_193] : memref<80x128xf32, #tpu.memory_space<vmem>>[vector<16xi32>, vector<16xi32>], vector<16xf32>,
      %shift_right_arithmetic3A_194 = arith.constant 7 : i32
      %shift_right_arithmetic3A_195 = vector.broadcast %shift_right_arithmetic3A_194 : i32 to vector<16xi32>
      %shift_right_arithmetic3A_196 = arith.shrsi %get3A_186, %shift_right_arithmetic3A_195 : vector<16xi32>
      %and3A_197 = arith.constant 127 : i32
      %and3A_198 = vector.broadcast %and3A_197 : i32 to vector<16xi32>
      %and3A_199 = arith.andi %get3A_186, %and3A_198 : vector<16xi32>
      tpu.vector_store_idx %arg7[%shift_right_arithmetic3A_196, %and3A_199], %gather3A {add = true} : memref<80x128xf32, #tpu.memory_space<vmem>>[vector<16xi32>, vector<16xi32>], vector<16xf32>,
      %get3A_200 = arith.index_cast %scan3A_184 : i32 to index
      %get3A_201 = arith.constant 16 : index
      %get3A_202 = tpu.vector_load %arg8[%get3A_200, %get3A_201] {strides = array<i32>} : memref<80x128xi32, #tpu.memory_space<vmem>>, vector<16xi32>,
      %get3A_203 = arith.index_cast %scan3A_184 : i32 to index
      %get3A_204 = arith.constant 16 : index
      %get3A_205 = tpu.vector_load %arg12[%get3A_203, %get3A_204] {strides = array<i32>} : memref<80x128xi32, #tpu.memory_space<vmem>>, vector<16xi32>,
      %shift_right_arithmetic3A_206 = arith.constant 7 : i32
      %shift_right_arithmetic3A_207 = vector.broadcast %shift_right_arithmetic3A_206 : i32 to vector<16xi32>
      %shift_right_arithmetic3A_208 = arith.shrsi %get3A_205, %shift_right_arithmetic3A_207 : vector<16xi32>
      %and3A_209 = arith.constant 127 : i32
      %and3A_210 = vector.broadcast %and3A_209 : i32 to vector<16xi32>
      %and3A_211 = arith.andi %get3A_205, %and3A_210 : vector<16xi32>
      %gather3A_212 = tpu.vector_load_idx %arg11[%shift_right_arithmetic3A_208, %and3A_211] : memref<80x128xf32, #tpu.memory_space<vmem>>[vector<16xi32>, vector<16xi32>], vector<16xf32>,
      %shift_right_arithmetic3A_213 = arith.constant 7 : i32
      %shift_right_arithmetic3A_214 = vector.broadcast %shift_right_arithmetic3A_213 : i32 to vector<16xi32>
      %shift_right_arithmetic3A_215 = arith.shrsi %get3A_202, %shift_right_arithmetic3A_214 : vector<16xi32>
      %and3A_216 = arith.constant 127 : i32
      %and3A_217 = vector.broadcast %and3A_216 : i32 to vector<16xi32>
      %and3A_218 = arith.andi %get3A_202, %and3A_217 : vector<16xi32>
      tpu.vector_store_idx %arg7[%shift_right_arithmetic3A_215, %and3A_218], %gather3A_212 {add = true} : memref<80x128xf32, #tpu.memory_space<vmem>>[vector<16xi32>, vector<16xi32>], vector<16xf32>,
      %get3A_219 = arith.index_cast %scan3A_184 : i32 to index
      %get3A_220 = arith.constant 32 : index
      %get3A_221 = tpu.vector_load %arg8[%get3A_219, %get3A_220] {strides = array<i32>} : memref<80x128xi32, #tpu.memory_space<vmem>>, vector<16xi32>,
      %get3A_222 = arith.index_cast %scan3A_184 : i32 to index
      %get3A_223 = arith.constant 32 : index
      %get3A_224 = tpu.vector_load %arg12[%get3A_222, %get3A_223] {strides = array<i32>} : memref<80x128xi32, #tpu.memory_space<vmem>>, vector<16xi32>,
      %shift_right_arithmetic3A_225 = arith.constant 7 : i32
      %shift_right_arithmetic3A_226 = vector.broadcast %shift_right_arithmetic3A_225 : i32 to vector<16xi32>
      %shift_right_arithmetic3A_227 = arith.shrsi %get3A_224, %shift_right_arithmetic3A_226 : vector<16xi32>
      %and3A_228 = arith.constant 127 : i32
      %and3A_229 = vector.broadcast %and3A_228 : i32 to vector<16xi32>
      %and3A_230 = arith.andi %get3A_224, %and3A_229 : vector<16xi32>
      %gather3A_231 = tpu.vector_load_idx %arg11[%shift_right_arithmetic3A_227, %and3A_230] : memref<80x128xf32, #tpu.memory_space<vmem>>[vector<16xi32>, vector<16xi32>], vector<16xf32>,
      %shift_right_arithmetic3A_232 = arith.constant 7 : i32
      %shift_right_arithmetic3A_233 = vector.broadcast %shift_right_arithmetic3A_232 : i32 to vector<16xi32>
      %shift_right_arithmetic3A_234 = arith.shrsi %get3A_221, %shift_right_arithmetic3A_233 : vector<16xi32>
      %and3A_235 = arith.constant 127 : i32
      %and3A_236 = vector.broadcast %and3A_235 : i32 to vector<16xi32>
      %and3A_237 = arith.andi %get3A_221, %and3A_236 : vector<16xi32>
      tpu.vector_store_idx %arg7[%shift_right_arithmetic3A_234, %and3A_237], %gather3A_231 {add = true} : memref<80x128xf32, #tpu.memory_space<vmem>>[vector<16xi32>, vector<16xi32>], vector<16xf32>,
      %get3A_238 = arith.index_cast %scan3A_184 : i32 to index
      %get3A_239 = arith.constant 48 : index
      %get3A_240 = tpu.vector_load %arg8[%get3A_238, %get3A_239] {strides = array<i32>} : memref<80x128xi32, #tpu.memory_space<vmem>>, vector<16xi32>,
      %get3A_241 = arith.index_cast %scan3A_184 : i32 to index
      %get3A_242 = arith.constant 48 : index
      %get3A_243 = tpu.vector_load %arg12[%get3A_241, %get3A_242] {strides = array<i32>} : memref<80x128xi32, #tpu.memory_space<vmem>>, vector<16xi32>,
      %shift_right_arithmetic3A_244 = arith.constant 7 : i32
      %shift_right_arithmetic3A_245 = vector.broadcast %shift_right_arithmetic3A_244 : i32 to vector<16xi32>
      %shift_right_arithmetic3A_246 = arith.shrsi %get3A_243, %shift_right_arithmetic3A_245 : vector<16xi32>
      %and3A_247 = arith.constant 127 : i32
      %and3A_248 = vector.broadcast %and3A_247 : i32 to vector<16xi32>
      %and3A_249 = arith.andi %get3A_243, %and3A_248 : vector<16xi32>
      %gather3A_250 = tpu.vector_load_idx %arg11[%shift_right_arithmetic3A_246, %and3A_249] : memref<80x128xf32, #tpu.memory_space<vmem>>[vector<16xi32>, vector<16xi32>], vector<16xf32>,
      %shift_right_arithmetic3A_251 = arith.constant 7 : i32
      %shift_right_arithmetic3A_252 = vector.broadcast %shift_right_arithmetic3A_251 : i32 to vector<16xi32>
      %shift_right_arithmetic3A_253 = arith.shrsi %get3A_240, %shift_right_arithmetic3A_252 : vector<16xi32>
      %and3A_254 = arith.constant 127 : i32
      %and3A_255 = vector.broadcast %and3A_254 : i32 to vector<16xi32>
      %and3A_256 = arith.andi %get3A_240, %and3A_255 : vector<16xi32>
      tpu.vector_store_idx %arg7[%shift_right_arithmetic3A_253, %and3A_256], %gather3A_250 {add = true} : memref<80x128xf32, #tpu.memory_space<vmem>>[vector<16xi32>, vector<16xi32>], vector<16xf32>,
      %get3A_257 = arith.index_cast %scan3A_184 : i32 to index
      %get3A_258 = arith.constant 64 : index
      %get3A_259 = tpu.vector_load %arg8[%get3A_257, %get3A_258] {strides = array<i32>} : memref<80x128xi32, #tpu.memory_space<vmem>>, vector<16xi32>,
      %get3A_260 = arith.index_cast %scan3A_184 : i32 to index
      %get3A_261 = arith.constant 64 : index
      %get3A_262 = tpu.vector_load %arg12[%get3A_260, %get3A_261] {strides = array<i32>} : memref<80x128xi32, #tpu.memory_space<vmem>>, vector<16xi32>,
      %shift_right_arithmetic3A_263 = arith.constant 7 : i32
      %shift_right_arithmetic3A_264 = vector.broadcast %shift_right_arithmetic3A_263 : i32 to vector<16xi32>
      %shift_right_arithmetic3A_265 = arith.shrsi %get3A_262, %shift_right_arithmetic3A_264 : vector<16xi32>
      %and3A_266 = arith.constant 127 : i32
      %and3A_267 = vector.broadcast %and3A_266 : i32 to vector<16xi32>
      %and3A_268 = arith.andi %get3A_262, %and3A_267 : vector<16xi32>
      %gather3A_269 = tpu.vector_load_idx %arg11[%shift_right_arithmetic3A_265, %and3A_268] : memref<80x128xf32, #tpu.memory_space<vmem>>[vector<16xi32>, vector<16xi32>], vector<16xf32>,
      %shift_right_arithmetic3A_270 = arith.constant 7 : i32
      %shift_right_arithmetic3A_271 = vector.broadcast %shift_right_arithmetic3A_270 : i32 to vector<16xi32>
      %shift_right_arithmetic3A_272 = arith.shrsi %get3A_259, %shift_right_arithmetic3A_271 : vector<16xi32>
      %and3A_273 = arith.constant 127 : i32
      %and3A_274 = vector.broadcast %and3A_273 : i32 to vector<16xi32>
      %and3A_275 = arith.andi %get3A_259, %and3A_274 : vector<16xi32>
      tpu.vector_store_idx %arg7[%shift_right_arithmetic3A_272, %and3A_275], %gather3A_269 {add = true} : memref<80x128xf32, #tpu.memory_space<vmem>>[vector<16xi32>, vector<16xi32>], vector<16xf32>,
      %get3A_276 = arith.index_cast %scan3A_184 : i32 to index
      %get3A_277 = arith.constant 80 : index
      %get3A_278 = tpu.vector_load %arg8[%get3A_276, %get3A_277] {strides = array<i32>} : memref<80x128xi32, #tpu.memory_space<vmem>>, vector<16xi32>,
      %get3A_279 = arith.index_cast %scan3A_184 : i32 to index
      %get3A_280 = arith.constant 80 : index
      %get3A_281 = tpu.vector_load %arg12[%get3A_279, %get3A_280] {strides = array<i32>} : memref<80x128xi32, #tpu.memory_space<vmem>>, vector<16xi32>,
      %shift_right_arithmetic3A_282 = arith.constant 7 : i32
      %shift_right_arithmetic3A_283 = vector.broadcast %shift_right_arithmetic3A_282 : i32 to vector<16xi32>
      %shift_right_arithmetic3A_284 = arith.shrsi %get3A_281, %shift_right_arithmetic3A_283 : vector<16xi32>
      %and3A_285 = arith.constant 127 : i32
      %and3A_286 = vector.broadcast %and3A_285 : i32 to vector<16xi32>
      %and3A_287 = arith.andi %get3A_281, %and3A_286 : vector<16xi32>
      %gather3A_288 = tpu.vector_load_idx %arg11[%shift_right_arithmetic3A_284, %and3A_287] : memref<80x128xf32, #tpu.memory_space<vmem>>[vector<16xi32>, vector<16xi32>], vector<16xf32>,
      %shift_right_arithmetic3A_289 = arith.constant 7 : i32
      %shift_right_arithmetic3A_290 = vector.broadcast %shift_right_arithmetic3A_289 : i32 to vector<16xi32>
      %shift_right_arithmetic3A_291 = arith.shrsi %get3A_278, %shift_right_arithmetic3A_290 : vector<16xi32>
      %and3A_292 = arith.constant 127 : i32
      %and3A_293 = vector.broadcast %and3A_292 : i32 to vector<16xi32>
      %and3A_294 = arith.andi %get3A_278, %and3A_293 : vector<16xi32>
      tpu.vector_store_idx %arg7[%shift_right_arithmetic3A_291, %and3A_294], %gather3A_288 {add = true} : memref<80x128xf32, #tpu.memory_space<vmem>>[vector<16xi32>, vector<16xi32>], vector<16xf32>,
      %get3A_295 = arith.index_cast %scan3A_184 : i32 to index
      %get3A_296 = arith.constant 96 : index
      %get3A_297 = tpu.vector_load %arg8[%get3A_295, %get3A_296] {strides = array<i32>} : memref<80x128xi32, #tpu.memory_space<vmem>>, vector<16xi32>,
      %get3A_298 = arith.index_cast %scan3A_184 : i32 to index
      %get3A_299 = arith.constant 96 : index
      %get3A_300 = tpu.vector_load %arg12[%get3A_298, %get3A_299] {strides = array<i32>} : memref<80x128xi32, #tpu.memory_space<vmem>>, vector<16xi32>,
      %shift_right_arithmetic3A_301 = arith.constant 7 : i32
      %shift_right_arithmetic3A_302 = vector.broadcast %shift_right_arithmetic3A_301 : i32 to vector<16xi32>
      %shift_right_arithmetic3A_303 = arith.shrsi %get3A_300, %shift_right_arithmetic3A_302 : vector<16xi32>
      %and3A_304 = arith.constant 127 : i32
      %and3A_305 = vector.broadcast %and3A_304 : i32 to vector<16xi32>
      %and3A_306 = arith.andi %get3A_300, %and3A_305 : vector<16xi32>
      %gather3A_307 = tpu.vector_load_idx %arg11[%shift_right_arithmetic3A_303, %and3A_306] : memref<80x128xf32, #tpu.memory_space<vmem>>[vector<16xi32>, vector<16xi32>], vector<16xf32>,
      %shift_right_arithmetic3A_308 = arith.constant 7 : i32
      %shift_right_arithmetic3A_309 = vector.broadcast %shift_right_arithmetic3A_308 : i32 to vector<16xi32>
      %shift_right_arithmetic3A_310 = arith.shrsi %get3A_297, %shift_right_arithmetic3A_309 : vector<16xi32>
      %and3A_311 = arith.constant 127 : i32
      %and3A_312 = vector.broadcast %and3A_311 : i32 to vector<16xi32>
      %and3A_313 = arith.andi %get3A_297, %and3A_312 : vector<16xi32>
      tpu.vector_store_idx %arg7[%shift_right_arithmetic3A_310, %and3A_313], %gather3A_307 {add = true} : memref<80x128xf32, #tpu.memory_space<vmem>>[vector<16xi32>, vector<16xi32>], vector<16xf32>,
      %get3A_314 = arith.index_cast %scan3A_184 : i32 to index
      %get3A_315 = arith.constant 112 : index
      %get3A_316 = tpu.vector_load %arg8[%get3A_314, %get3A_315] {strides = array<i32>} : memref<80x128xi32, #tpu.memory_space<vmem>>, vector<16xi32>,
      %get3A_317 = arith.index_cast %scan3A_184 : i32 to index
      %get3A_318 = arith.constant 112 : index
      %get3A_319 = tpu.vector_load %arg12[%get3A_317, %get3A_318] {strides = array<i32>} : memref<80x128xi32, #tpu.memory_space<vmem>>, vector<16xi32>,
      %shift_right_arithmetic3A_320 = arith.constant 7 : i32
      %shift_right_arithmetic3A_321 = vector.broadcast %shift_right_arithmetic3A_320 : i32 to vector<16xi32>
      %shift_right_arithmetic3A_322 = arith.shrsi %get3A_319, %shift_right_arithmetic3A_321 : vector<16xi32>
      %and3A_323 = arith.constant 127 : i32
      %and3A_324 = vector.broadcast %and3A_323 : i32 to vector<16xi32>
      %and3A_325 = arith.andi %get3A_319, %and3A_324 : vector<16xi32>
      %gather3A_326 = tpu.vector_load_idx %arg11[%shift_right_arithmetic3A_322, %and3A_325] : memref<80x128xf32, #tpu.memory_space<vmem>>[vector<16xi32>, vector<16xi32>], vector<16xf32>,
      %shift_right_arithmetic3A_327 = arith.constant 7 : i32
      %shift_right_arithmetic3A_328 = vector.broadcast %shift_right_arithmetic3A_327 : i32 to vector<16xi32>
      %shift_right_arithmetic3A_329 = arith.shrsi %get3A_316, %shift_right_arithmetic3A_328 : vector<16xi32>
      %and3A_330 = arith.constant 127 : i32
      %and3A_331 = vector.broadcast %and3A_330 : i32 to vector<16xi32>
      %and3A_332 = arith.andi %get3A_316, %and3A_331 : vector<16xi32>
      tpu.vector_store_idx %arg7[%shift_right_arithmetic3A_329, %and3A_332], %gather3A_326 {add = true} : memref<80x128xf32, #tpu.memory_space<vmem>>[vector<16xi32>, vector<16xi32>], vector<16xf32>,
    }
    %scan3A_18 = arith.constant 80 : i32
    "tpu.region"() ({
      %run_scoped3A = tpu.sem_alloc : memref<!tpu.dma_semaphore, #tpu.memory_space<semaphore_mem>>
      %dma_start3A = arith.constant 0 : i32
      %dma_start3A_184 = arith.constant 0 : i32
      %dma_start3A_185 = tpu.memref_slice %arg6[%arg1, %dma_start3A, %dma_start3A_184] : memref<16x80x128xf32, #tpu.memory_space<vmem_shared>> -> memref<1x80x128xf32, #tpu.memory_space<vmem_shared>>
      %dma_start3A_186 = tpu.memref_squeeze %dma_start3A_185 : memref<1x80x128xf32, #tpu.memory_space<vmem_shared>> -> memref<80x128xf32, #tpu.memory_space<vmem_shared>>
      %dma_start3A_187 = arith.constant 0 : i32
      %dma_start3A_188 = arith.constant 0 : i32
      %dma_start3A_189 = tpu.memref_slice %arg6[%arg1, %dma_start3A_187, %dma_start3A_188] : memref<16x80x128xf32, #tpu.memory_space<vmem_shared>> -> memref<1x80x128xf32, #tpu.memory_space<vmem_shared>>
      %dma_start3A_190 = tpu.memref_squeeze %dma_start3A_189 : memref<1x80x128xf32, #tpu.memory_space<vmem_shared>> -> memref<80x128xf32, #tpu.memory_space<vmem_shared>>
      tpu.enqueue_dma source(%arg7 : memref<80x128xf32, #tpu.memory_space<vmem>>) target(%dma_start3A_190 : memref<80x128xf32, #tpu.memory_space<vmem_shared>>) target_semaphore(%run_scoped3A : memref<!tpu.dma_semaphore, #tpu.memory_space<semaphore_mem>>)
      %dma_wait3A = arith.constant 0 : i32
      %dma_wait3A_191 = arith.constant 0 : i32
      %dma_wait3A_192 = tpu.memref_slice %arg6[%arg1, %dma_wait3A, %dma_wait3A_191] : memref<16x80x128xf32, #tpu.memory_space<vmem_shared>> -> memref<1x80x128xf32, #tpu.memory_space<vmem_shared>>
      %dma_wait3A_193 = tpu.memref_squeeze %dma_wait3A_192 : memref<1x80x128xf32, #tpu.memory_space<vmem_shared>> -> memref<80x128xf32, #tpu.memory_space<vmem_shared>>
      %dma_wait3A_194 = arith.constant 0 : i32
      %dma_wait3A_195 = arith.constant 0 : i32
      %dma_wait3A_196 = tpu.memref_slice %arg6[%arg1, %dma_wait3A_194, %dma_wait3A_195] : memref<16x80x128xf32, #tpu.memory_space<vmem_shared>> -> memref<1x80x128xf32, #tpu.memory_space<vmem_shared>>
      %dma_wait3A_197 = tpu.memref_squeeze %dma_wait3A_196 : memref<1x80x128xf32, #tpu.memory_space<vmem_shared>> -> memref<80x128xf32, #tpu.memory_space<vmem_shared>>
      tpu.wait_dma2 semaphore(%run_scoped3A : memref<!tpu.dma_semaphore, #tpu.memory_space<semaphore_mem>>) src(%arg7 : memref<80x128xf32, #tpu.memory_space<vmem>>) dst(%dma_wait3A_197 : memref<80x128xf32, #tpu.memory_space<vmem_shared>>)
      tpu.yield
    }) : () -> ()
    %barrier3A = arith.constant 0 : index
    tpu.barrier barrier_id(%barrier3A)
    %swap3A = arith.constant 0 : i32
    %swap3A_19 = arith.index_cast %swap3A : i32 to index
    %swap3A_20 = arith.constant 0 : index
    %swap3A_21 = tpu.vector_load %arg9[%swap3A_19, %swap3A_20] {strides = array<i32>} : memref<5x128xf32, #tpu.memory_space<vmem>>, vector<16xf32>,
    tpu.vector_store %arg9[%swap3A_19, %swap3A_20], %broadcast_in_dim3A_1 {strides = array<i32>} : memref<5x128xf32, #tpu.memory_space<vmem>>, vector<16xf32>,
    %swap3A_22 = arith.constant 0 : i32
    %swap3A_23 = arith.index_cast %swap3A_22 : i32 to index
    %swap3A_24 = arith.constant 16 : index
    %swap3A_25 = tpu.vector_load %arg9[%swap3A_23, %swap3A_24] {strides = array<i32>} : memref<5x128xf32, #tpu.memory_space<vmem>>, vector<16xf32>,
    tpu.vector_store %arg9[%swap3A_23, %swap3A_24], %broadcast_in_dim3A_1 {strides = array<i32>} : memref<5x128xf32, #tpu.memory_space<vmem>>, vector<16xf32>,
    %swap3A_26 = arith.constant 0 : i32
    %swap3A_27 = arith.index_cast %swap3A_26 : i32 to index
    %swap3A_28 = arith.constant 32 : index
    %swap3A_29 = tpu.vector_load %arg9[%swap3A_27, %swap3A_28] {strides = array<i32>} : memref<5x128xf32, #tpu.memory_space<vmem>>, vector<16xf32>,
    tpu.vector_store %arg9[%swap3A_27, %swap3A_28], %broadcast_in_dim3A_1 {strides = array<i32>} : memref<5x128xf32, #tpu.memory_space<vmem>>, vector<16xf32>,
    %swap3A_30 = arith.constant 0 : i32
    %swap3A_31 = arith.index_cast %swap3A_30 : i32 to index
    %swap3A_32 = arith.constant 48 : index
    %swap3A_33 = tpu.vector_load %arg9[%swap3A_31, %swap3A_32] {strides = array<i32>} : memref<5x128xf32, #tpu.memory_space<vmem>>, vector<16xf32>,
    tpu.vector_store %arg9[%swap3A_31, %swap3A_32], %broadcast_in_dim3A_1 {strides = array<i32>} : memref<5x128xf32, #tpu.memory_space<vmem>>, vector<16xf32>,
    %swap3A_34 = arith.constant 0 : i32
    %swap3A_35 = arith.index_cast %swap3A_34 : i32 to index
    %swap3A_36 = arith.constant 64 : index
    %swap3A_37 = tpu.vector_load %arg9[%swap3A_35, %swap3A_36] {strides = array<i32>} : memref<5x128xf32, #tpu.memory_space<vmem>>, vector<16xf32>,
    tpu.vector_store %arg9[%swap3A_35, %swap3A_36], %broadcast_in_dim3A_1 {strides = array<i32>} : memref<5x128xf32, #tpu.memory_space<vmem>>, vector<16xf32>,
    %swap3A_38 = arith.constant 0 : i32
    %swap3A_39 = arith.index_cast %swap3A_38 : i32 to index
    %swap3A_40 = arith.constant 80 : index
    %swap3A_41 = tpu.vector_load %arg9[%swap3A_39, %swap3A_40] {strides = array<i32>} : memref<5x128xf32, #tpu.memory_space<vmem>>, vector<16xf32>,
    tpu.vector_store %arg9[%swap3A_39, %swap3A_40], %broadcast_in_dim3A_1 {strides = array<i32>} : memref<5x128xf32, #tpu.memory_space<vmem>>, vector<16xf32>,
    %swap3A_42 = arith.constant 0 : i32
    %swap3A_43 = arith.index_cast %swap3A_42 : i32 to index
    %swap3A_44 = arith.constant 96 : index
    %swap3A_45 = tpu.vector_load %arg9[%swap3A_43, %swap3A_44] {strides = array<i32>} : memref<5x128xf32, #tpu.memory_space<vmem>>, vector<16xf32>,
    tpu.vector_store %arg9[%swap3A_43, %swap3A_44], %broadcast_in_dim3A_1 {strides = array<i32>} : memref<5x128xf32, #tpu.memory_space<vmem>>, vector<16xf32>,
    %swap3A_46 = arith.constant 0 : i32
    %swap3A_47 = arith.index_cast %swap3A_46 : i32 to index
    %swap3A_48 = arith.constant 112 : index
    %swap3A_49 = tpu.vector_load %arg9[%swap3A_47, %swap3A_48] {strides = array<i32>} : memref<5x128xf32, #tpu.memory_space<vmem>>, vector<16xf32>,
    tpu.vector_store %arg9[%swap3A_47, %swap3A_48], %broadcast_in_dim3A_1 {strides = array<i32>} : memref<5x128xf32, #tpu.memory_space<vmem>>, vector<16xf32>,
    %swap3A_50 = arith.constant 1 : i32
    %swap3A_51 = arith.index_cast %swap3A_50 : i32 to index
    %swap3A_52 = arith.constant 0 : index
    %swap3A_53 = tpu.vector_load %arg9[%swap3A_51, %swap3A_52] {strides = array<i32>} : memref<5x128xf32, #tpu.memory_space<vmem>>, vector<16xf32>,
    tpu.vector_store %arg9[%swap3A_51, %swap3A_52], %broadcast_in_dim3A_1 {strides = array<i32>} : memref<5x128xf32, #tpu.memory_space<vmem>>, vector<16xf32>,
    %swap3A_54 = arith.constant 1 : i32
    %swap3A_55 = arith.index_cast %swap3A_54 : i32 to index
    %swap3A_56 = arith.constant 16 : index
    %swap3A_57 = tpu.vector_load %arg9[%swap3A_55, %swap3A_56] {strides = array<i32>} : memref<5x128xf32, #tpu.memory_space<vmem>>, vector<16xf32>,
    tpu.vector_store %arg9[%swap3A_55, %swap3A_56], %broadcast_in_dim3A_1 {strides = array<i32>} : memref<5x128xf32, #tpu.memory_space<vmem>>, vector<16xf32>,
    %swap3A_58 = arith.constant 1 : i32
    %swap3A_59 = arith.index_cast %swap3A_58 : i32 to index
    %swap3A_60 = arith.constant 32 : index
    %swap3A_61 = tpu.vector_load %arg9[%swap3A_59, %swap3A_60] {strides = array<i32>} : memref<5x128xf32, #tpu.memory_space<vmem>>, vector<16xf32>,
    tpu.vector_store %arg9[%swap3A_59, %swap3A_60], %broadcast_in_dim3A_1 {strides = array<i32>} : memref<5x128xf32, #tpu.memory_space<vmem>>, vector<16xf32>,
    %swap3A_62 = arith.constant 1 : i32
    %swap3A_63 = arith.index_cast %swap3A_62 : i32 to index
    %swap3A_64 = arith.constant 48 : index
    %swap3A_65 = tpu.vector_load %arg9[%swap3A_63, %swap3A_64] {strides = array<i32>} : memref<5x128xf32, #tpu.memory_space<vmem>>, vector<16xf32>,
    tpu.vector_store %arg9[%swap3A_63, %swap3A_64], %broadcast_in_dim3A_1 {strides = array<i32>} : memref<5x128xf32, #tpu.memory_space<vmem>>, vector<16xf32>,
    %swap3A_66 = arith.constant 1 : i32
    %swap3A_67 = arith.index_cast %swap3A_66 : i32 to index
    %swap3A_68 = arith.constant 64 : index
    %swap3A_69 = tpu.vector_load %arg9[%swap3A_67, %swap3A_68] {strides = array<i32>} : memref<5x128xf32, #tpu.memory_space<vmem>>, vector<16xf32>,
    tpu.vector_store %arg9[%swap3A_67, %swap3A_68], %broadcast_in_dim3A_1 {strides = array<i32>} : memref<5x128xf32, #tpu.memory_space<vmem>>, vector<16xf32>,
    %swap3A_70 = arith.constant 1 : i32
    %swap3A_71 = arith.index_cast %swap3A_70 : i32 to index
    %swap3A_72 = arith.constant 80 : index
    %swap3A_73 = tpu.vector_load %arg9[%swap3A_71, %swap3A_72] {strides = array<i32>} : memref<5x128xf32, #tpu.memory_space<vmem>>, vector<16xf32>,
    tpu.vector_store %arg9[%swap3A_71, %swap3A_72], %broadcast_in_dim3A_1 {strides = array<i32>} : memref<5x128xf32, #tpu.memory_space<vmem>>, vector<16xf32>,
    %swap3A_74 = arith.constant 1 : i32
    %swap3A_75 = arith.index_cast %swap3A_74 : i32 to index
    %swap3A_76 = arith.constant 96 : index
    %swap3A_77 = tpu.vector_load %arg9[%swap3A_75, %swap3A_76] {strides = array<i32>} : memref<5x128xf32, #tpu.memory_space<vmem>>, vector<16xf32>,
    tpu.vector_store %arg9[%swap3A_75, %swap3A_76], %broadcast_in_dim3A_1 {strides = array<i32>} : memref<5x128xf32, #tpu.memory_space<vmem>>, vector<16xf32>,
    %swap3A_78 = arith.constant 1 : i32
    %swap3A_79 = arith.index_cast %swap3A_78 : i32 to index
    %swap3A_80 = arith.constant 112 : index
    %swap3A_81 = tpu.vector_load %arg9[%swap3A_79, %swap3A_80] {strides = array<i32>} : memref<5x128xf32, #tpu.memory_space<vmem>>, vector<16xf32>,
    tpu.vector_store %arg9[%swap3A_79, %swap3A_80], %broadcast_in_dim3A_1 {strides = array<i32>} : memref<5x128xf32, #tpu.memory_space<vmem>>, vector<16xf32>,
    %swap3A_82 = arith.constant 2 : i32
    %swap3A_83 = arith.index_cast %swap3A_82 : i32 to index
    %swap3A_84 = arith.constant 0 : index
    %swap3A_85 = tpu.vector_load %arg9[%swap3A_83, %swap3A_84] {strides = array<i32>} : memref<5x128xf32, #tpu.memory_space<vmem>>, vector<16xf32>,
    tpu.vector_store %arg9[%swap3A_83, %swap3A_84], %broadcast_in_dim3A_1 {strides = array<i32>} : memref<5x128xf32, #tpu.memory_space<vmem>>, vector<16xf32>,
    %swap3A_86 = arith.constant 2 : i32
    %swap3A_87 = arith.index_cast %swap3A_86 : i32 to index
    %swap3A_88 = arith.constant 16 : index
    %swap3A_89 = tpu.vector_load %arg9[%swap3A_87, %swap3A_88] {strides = array<i32>} : memref<5x128xf32, #tpu.memory_space<vmem>>, vector<16xf32>,
    tpu.vector_store %arg9[%swap3A_87, %swap3A_88], %broadcast_in_dim3A_1 {strides = array<i32>} : memref<5x128xf32, #tpu.memory_space<vmem>>, vector<16xf32>,
    %swap3A_90 = arith.constant 2 : i32
    %swap3A_91 = arith.index_cast %swap3A_90 : i32 to index
    %swap3A_92 = arith.constant 32 : index
    %swap3A_93 = tpu.vector_load %arg9[%swap3A_91, %swap3A_92] {strides = array<i32>} : memref<5x128xf32, #tpu.memory_space<vmem>>, vector<16xf32>,
    tpu.vector_store %arg9[%swap3A_91, %swap3A_92], %broadcast_in_dim3A_1 {strides = array<i32>} : memref<5x128xf32, #tpu.memory_space<vmem>>, vector<16xf32>,
    %swap3A_94 = arith.constant 2 : i32
    %swap3A_95 = arith.index_cast %swap3A_94 : i32 to index
    %swap3A_96 = arith.constant 48 : index
    %swap3A_97 = tpu.vector_load %arg9[%swap3A_95, %swap3A_96] {strides = array<i32>} : memref<5x128xf32, #tpu.memory_space<vmem>>, vector<16xf32>,
    tpu.vector_store %arg9[%swap3A_95, %swap3A_96], %broadcast_in_dim3A_1 {strides = array<i32>} : memref<5x128xf32, #tpu.memory_space<vmem>>, vector<16xf32>,
    %swap3A_98 = arith.constant 2 : i32
    %swap3A_99 = arith.index_cast %swap3A_98 : i32 to index
    %swap3A_100 = arith.constant 64 : index
    %swap3A_101 = tpu.vector_load %arg9[%swap3A_99, %swap3A_100] {strides = array<i32>} : memref<5x128xf32, #tpu.memory_space<vmem>>, vector<16xf32>,
    tpu.vector_store %arg9[%swap3A_99, %swap3A_100], %broadcast_in_dim3A_1 {strides = array<i32>} : memref<5x128xf32, #tpu.memory_space<vmem>>, vector<16xf32>,
    %swap3A_102 = arith.constant 2 : i32
    %swap3A_103 = arith.index_cast %swap3A_102 : i32 to index
    %swap3A_104 = arith.constant 80 : index
    %swap3A_105 = tpu.vector_load %arg9[%swap3A_103, %swap3A_104] {strides = array<i32>} : memref<5x128xf32, #tpu.memory_space<vmem>>, vector<16xf32>,
    tpu.vector_store %arg9[%swap3A_103, %swap3A_104], %broadcast_in_dim3A_1 {strides = array<i32>} : memref<5x128xf32, #tpu.memory_space<vmem>>, vector<16xf32>,
    %swap3A_106 = arith.constant 2 : i32
    %swap3A_107 = arith.index_cast %swap3A_106 : i32 to index
    %swap3A_108 = arith.constant 96 : index
    %swap3A_109 = tpu.vector_load %arg9[%swap3A_107, %swap3A_108] {strides = array<i32>} : memref<5x128xf32, #tpu.memory_space<vmem>>, vector<16xf32>,
    tpu.vector_store %arg9[%swap3A_107, %swap3A_108], %broadcast_in_dim3A_1 {strides = array<i32>} : memref<5x128xf32, #tpu.memory_space<vmem>>, vector<16xf32>,
    %swap3A_110 = arith.constant 2 : i32
    %swap3A_111 = arith.index_cast %swap3A_110 : i32 to index
    %swap3A_112 = arith.constant 112 : index
    %swap3A_113 = tpu.vector_load %arg9[%swap3A_111, %swap3A_112] {strides = array<i32>} : memref<5x128xf32, #tpu.memory_space<vmem>>, vector<16xf32>,
    tpu.vector_store %arg9[%swap3A_111, %swap3A_112], %broadcast_in_dim3A_1 {strides = array<i32>} : memref<5x128xf32, #tpu.memory_space<vmem>>, vector<16xf32>,
    %swap3A_114 = arith.constant 3 : i32
    %swap3A_115 = arith.index_cast %swap3A_114 : i32 to index
    %swap3A_116 = arith.constant 0 : index
    %swap3A_117 = tpu.vector_load %arg9[%swap3A_115, %swap3A_116] {strides = array<i32>} : memref<5x128xf32, #tpu.memory_space<vmem>>, vector<16xf32>,
    tpu.vector_store %arg9[%swap3A_115, %swap3A_116], %broadcast_in_dim3A_1 {strides = array<i32>} : memref<5x128xf32, #tpu.memory_space<vmem>>, vector<16xf32>,
    %swap3A_118 = arith.constant 3 : i32
    %swap3A_119 = arith.index_cast %swap3A_118 : i32 to index
    %swap3A_120 = arith.constant 16 : index
    %swap3A_121 = tpu.vector_load %arg9[%swap3A_119, %swap3A_120] {strides = array<i32>} : memref<5x128xf32, #tpu.memory_space<vmem>>, vector<16xf32>,
    tpu.vector_store %arg9[%swap3A_119, %swap3A_120], %broadcast_in_dim3A_1 {strides = array<i32>} : memref<5x128xf32, #tpu.memory_space<vmem>>, vector<16xf32>,
    %swap3A_122 = arith.constant 3 : i32
    %swap3A_123 = arith.index_cast %swap3A_122 : i32 to index
    %swap3A_124 = arith.constant 32 : index
    %swap3A_125 = tpu.vector_load %arg9[%swap3A_123, %swap3A_124] {strides = array<i32>} : memref<5x128xf32, #tpu.memory_space<vmem>>, vector<16xf32>,
    tpu.vector_store %arg9[%swap3A_123, %swap3A_124], %broadcast_in_dim3A_1 {strides = array<i32>} : memref<5x128xf32, #tpu.memory_space<vmem>>, vector<16xf32>,
    %swap3A_126 = arith.constant 3 : i32
    %swap3A_127 = arith.index_cast %swap3A_126 : i32 to index
    %swap3A_128 = arith.constant 48 : index
    %swap3A_129 = tpu.vector_load %arg9[%swap3A_127, %swap3A_128] {strides = array<i32>} : memref<5x128xf32, #tpu.memory_space<vmem>>, vector<16xf32>,
    tpu.vector_store %arg9[%swap3A_127, %swap3A_128], %broadcast_in_dim3A_1 {strides = array<i32>} : memref<5x128xf32, #tpu.memory_space<vmem>>, vector<16xf32>,
    %swap3A_130 = arith.constant 3 : i32
    %swap3A_131 = arith.index_cast %swap3A_130 : i32 to index
    %swap3A_132 = arith.constant 64 : index
    %swap3A_133 = tpu.vector_load %arg9[%swap3A_131, %swap3A_132] {strides = array<i32>} : memref<5x128xf32, #tpu.memory_space<vmem>>, vector<16xf32>,
    tpu.vector_store %arg9[%swap3A_131, %swap3A_132], %broadcast_in_dim3A_1 {strides = array<i32>} : memref<5x128xf32, #tpu.memory_space<vmem>>, vector<16xf32>,
    %swap3A_134 = arith.constant 3 : i32
    %swap3A_135 = arith.index_cast %swap3A_134 : i32 to index
    %swap3A_136 = arith.constant 80 : index
    %swap3A_137 = tpu.vector_load %arg9[%swap3A_135, %swap3A_136] {strides = array<i32>} : memref<5x128xf32, #tpu.memory_space<vmem>>, vector<16xf32>,
    tpu.vector_store %arg9[%swap3A_135, %swap3A_136], %broadcast_in_dim3A_1 {strides = array<i32>} : memref<5x128xf32, #tpu.memory_space<vmem>>, vector<16xf32>,
    %swap3A_138 = arith.constant 3 : i32
    %swap3A_139 = arith.index_cast %swap3A_138 : i32 to index
    %swap3A_140 = arith.constant 96 : index
    %swap3A_141 = tpu.vector_load %arg9[%swap3A_139, %swap3A_140] {strides = array<i32>} : memref<5x128xf32, #tpu.memory_space<vmem>>, vector<16xf32>,
    tpu.vector_store %arg9[%swap3A_139, %swap3A_140], %broadcast_in_dim3A_1 {strides = array<i32>} : memref<5x128xf32, #tpu.memory_space<vmem>>, vector<16xf32>,
    %swap3A_142 = arith.constant 3 : i32
    %swap3A_143 = arith.index_cast %swap3A_142 : i32 to index
    %swap3A_144 = arith.constant 112 : index
    %swap3A_145 = tpu.vector_load %arg9[%swap3A_143, %swap3A_144] {strides = array<i32>} : memref<5x128xf32, #tpu.memory_space<vmem>>, vector<16xf32>,
    tpu.vector_store %arg9[%swap3A_143, %swap3A_144], %broadcast_in_dim3A_1 {strides = array<i32>} : memref<5x128xf32, #tpu.memory_space<vmem>>, vector<16xf32>,
    %swap3A_146 = arith.constant 4 : i32
    %swap3A_147 = arith.index_cast %swap3A_146 : i32 to index
    %swap3A_148 = arith.constant 0 : index
    %swap3A_149 = tpu.vector_load %arg9[%swap3A_147, %swap3A_148] {strides = array<i32>} : memref<5x128xf32, #tpu.memory_space<vmem>>, vector<16xf32>,
    tpu.vector_store %arg9[%swap3A_147, %swap3A_148], %broadcast_in_dim3A_1 {strides = array<i32>} : memref<5x128xf32, #tpu.memory_space<vmem>>, vector<16xf32>,
    %swap3A_150 = arith.constant 4 : i32
    %swap3A_151 = arith.index_cast %swap3A_150 : i32 to index
    %swap3A_152 = arith.constant 16 : index
    %swap3A_153 = tpu.vector_load %arg9[%swap3A_151, %swap3A_152] {strides = array<i32>} : memref<5x128xf32, #tpu.memory_space<vmem>>, vector<16xf32>,
    tpu.vector_store %arg9[%swap3A_151, %swap3A_152], %broadcast_in_dim3A_1 {strides = array<i32>} : memref<5x128xf32, #tpu.memory_space<vmem>>, vector<16xf32>,
    %swap3A_154 = arith.constant 4 : i32
    %swap3A_155 = arith.index_cast %swap3A_154 : i32 to index
    %swap3A_156 = arith.constant 32 : index
    %swap3A_157 = tpu.vector_load %arg9[%swap3A_155, %swap3A_156] {strides = array<i32>} : memref<5x128xf32, #tpu.memory_space<vmem>>, vector<16xf32>,
    tpu.vector_store %arg9[%swap3A_155, %swap3A_156], %broadcast_in_dim3A_1 {strides = array<i32>} : memref<5x128xf32, #tpu.memory_space<vmem>>, vector<16xf32>,
    %swap3A_158 = arith.constant 4 : i32
    %swap3A_159 = arith.index_cast %swap3A_158 : i32 to index
    %swap3A_160 = arith.constant 48 : index
    %swap3A_161 = tpu.vector_load %arg9[%swap3A_159, %swap3A_160] {strides = array<i32>} : memref<5x128xf32, #tpu.memory_space<vmem>>, vector<16xf32>,
    tpu.vector_store %arg9[%swap3A_159, %swap3A_160], %broadcast_in_dim3A_1 {strides = array<i32>} : memref<5x128xf32, #tpu.memory_space<vmem>>, vector<16xf32>,
    %swap3A_162 = arith.constant 4 : i32
    %swap3A_163 = arith.index_cast %swap3A_162 : i32 to index
    %swap3A_164 = arith.constant 64 : index
    %swap3A_165 = tpu.vector_load %arg9[%swap3A_163, %swap3A_164] {strides = array<i32>} : memref<5x128xf32, #tpu.memory_space<vmem>>, vector<16xf32>,
    tpu.vector_store %arg9[%swap3A_163, %swap3A_164], %broadcast_in_dim3A_1 {strides = array<i32>} : memref<5x128xf32, #tpu.memory_space<vmem>>, vector<16xf32>,
    %swap3A_166 = arith.constant 4 : i32
    %swap3A_167 = arith.index_cast %swap3A_166 : i32 to index
    %swap3A_168 = arith.constant 80 : index
    %swap3A_169 = tpu.vector_load %arg9[%swap3A_167, %swap3A_168] {strides = array<i32>} : memref<5x128xf32, #tpu.memory_space<vmem>>, vector<16xf32>,
    tpu.vector_store %arg9[%swap3A_167, %swap3A_168], %broadcast_in_dim3A_1 {strides = array<i32>} : memref<5x128xf32, #tpu.memory_space<vmem>>, vector<16xf32>,
    %swap3A_170 = arith.constant 4 : i32
    %swap3A_171 = arith.index_cast %swap3A_170 : i32 to index
    %swap3A_172 = arith.constant 96 : index
    %swap3A_173 = tpu.vector_load %arg9[%swap3A_171, %swap3A_172] {strides = array<i32>} : memref<5x128xf32, #tpu.memory_space<vmem>>, vector<16xf32>,
    tpu.vector_store %arg9[%swap3A_171, %swap3A_172], %broadcast_in_dim3A_1 {strides = array<i32>} : memref<5x128xf32, #tpu.memory_space<vmem>>, vector<16xf32>,
    %swap3A_174 = arith.constant 4 : i32
    %swap3A_175 = arith.index_cast %swap3A_174 : i32 to index
    %swap3A_176 = arith.constant 112 : index
    %swap3A_177 = tpu.vector_load %arg9[%swap3A_175, %swap3A_176] {strides = array<i32>} : memref<5x128xf32, #tpu.memory_space<vmem>>, vector<16xf32>,
    tpu.vector_store %arg9[%swap3A_175, %swap3A_176], %broadcast_in_dim3A_1 {strides = array<i32>} : memref<5x128xf32, #tpu.memory_space<vmem>>, vector<16xf32>,
    %scan3A_178 = arith.constant 0 : i32
    %scan3A_179 = arith.constant 0 : i32
    %scan3A_180 = arith.constant 16 : i32
    %scan3A_181 = arith.addi %scan3A_179, %scan3A_180 : i32
    %scan3A_182 = arith.constant 1 : i32
    scf.for %scan3A_184 = %scan3A_179 to %scan3A_181 step %scan3A_182  : i32 {
      %mul3A_185 = arith.constant 5 : i32
      %mul3A_186 = arith.muli %arg1, %mul3A_185 : i32
      "tpu.region"() ({
        %run_scoped3A = tpu.sem_alloc : memref<!tpu.dma_semaphore, #tpu.memory_space<semaphore_mem>>
        %dma_start3A = arith.constant 0 : i32
        %dma_start3A_706 = tpu.memref_slice %arg6[%scan3A_184, %mul3A_186, %dma_start3A] : memref<16x80x128xf32, #tpu.memory_space<vmem_shared>> -> memref<1x5x128xf32, #tpu.memory_space<vmem_shared>>
        %dma_start3A_707 = tpu.memref_squeeze %dma_start3A_706 : memref<1x5x128xf32, #tpu.memory_space<vmem_shared>> -> memref<5x128xf32, #tpu.memory_space<vmem_shared>>
        %dma_start3A_708 = arith.constant 0 : i32
        %dma_start3A_709 = tpu.memref_slice %arg6[%scan3A_184, %mul3A_186, %dma_start3A_708] : memref<16x80x128xf32, #tpu.memory_space<vmem_shared>> -> memref<1x5x128xf32, #tpu.memory_space<vmem_shared>>
        %dma_start3A_710 = tpu.memref_squeeze %dma_start3A_709 : memref<1x5x128xf32, #tpu.memory_space<vmem_shared>> -> memref<5x128xf32, #tpu.memory_space<vmem_shared>>
        tpu.enqueue_dma source(%dma_start3A_710 : memref<5x128xf32, #tpu.memory_space<vmem_shared>>) target(%arg10 : memref<5x128xf32, #tpu.memory_space<vmem>>) target_semaphore(%run_scoped3A : memref<!tpu.dma_semaphore, #tpu.memory_space<semaphore_mem>>)
        %dma_wait3A = arith.constant 0 : i32
        %dma_wait3A_711 = tpu.memref_slice %arg6[%scan3A_184, %mul3A_186, %dma_wait3A] : memref<16x80x128xf32, #tpu.memory_space<vmem_shared>> -> memref<1x5x128xf32, #tpu.memory_space<vmem_shared>>
        %dma_wait3A_712 = tpu.memref_squeeze %dma_wait3A_711 : memref<1x5x128xf32, #tpu.memory_space<vmem_shared>> -> memref<5x128xf32, #tpu.memory_space<vmem_shared>>
        %dma_wait3A_713 = arith.constant 0 : i32
        %dma_wait3A_714 = tpu.memref_slice %arg6[%scan3A_184, %mul3A_186, %dma_wait3A_713] : memref<16x80x128xf32, #tpu.memory_space<vmem_shared>> -> memref<1x5x128xf32, #tpu.memory_space<vmem_shared>>
        %dma_wait3A_715 = tpu.memref_squeeze %dma_wait3A_714 : memref<1x5x128xf32, #tpu.memory_space<vmem_shared>> -> memref<5x128xf32, #tpu.memory_space<vmem_shared>>
        tpu.wait_dma2 semaphore(%run_scoped3A : memref<!tpu.dma_semaphore, #tpu.memory_space<semaphore_mem>>) src(%dma_wait3A_715 : memref<5x128xf32, #tpu.memory_space<vmem_shared>>) dst(%arg10 : memref<5x128xf32, #tpu.memory_space<vmem>>)
        tpu.yield
      }) : () -> ()
      %get3A = arith.constant 0 : i32
      %get3A_187 = arith.index_cast %get3A : i32 to index
      %get3A_188 = arith.constant 0 : index
      %get3A_189 = tpu.vector_load %arg9[%get3A_187, %get3A_188] {strides = array<i32>} : memref<5x128xf32, #tpu.memory_space<vmem>>, vector<16xf32>,
      %get3A_190 = arith.constant 0 : i32
      %get3A_191 = arith.index_cast %get3A_190 : i32 to index
      %get3A_192 = arith.constant 0 : index
      %get3A_193 = tpu.vector_load %arg10[%get3A_191, %get3A_192] {strides = array<i32>} : memref<5x128xf32, #tpu.memory_space<vmem>>, vector<16xf32>,
      %add3A_194 = arith.addf %get3A_189, %get3A_193 : vector<16xf32>
      %swap3A_195 = arith.constant 0 : i32
      %swap3A_196 = arith.index_cast %swap3A_195 : i32 to index
      %swap3A_197 = arith.constant 0 : index
      %swap3A_198 = tpu.vector_load %arg9[%swap3A_196, %swap3A_197] {strides = array<i32>} : memref<5x128xf32, #tpu.memory_space<vmem>>, vector<16xf32>,
      tpu.vector_store %arg9[%swap3A_196, %swap3A_197], %add3A_194 {strides = array<i32>} : memref<5x128xf32, #tpu.memory_space<vmem>>, vector<16xf32>,
      %get3A_199 = arith.constant 0 : i32
      %get3A_200 = arith.index_cast %get3A_199 : i32 to index
      %get3A_201 = arith.constant 16 : index
      %get3A_202 = tpu.vector_load %arg9[%get3A_200, %get3A_201] {strides = array<i32>} : memref<5x128xf32, #tpu.memory_space<vmem>>, vector<16xf32>,
      %get3A_203 = arith.constant 0 : i32
      %get3A_204 = arith.index_cast %get3A_203 : i32 to index
      %get3A_205 = arith.constant 16 : index
      %get3A_206 = tpu.vector_load %arg10[%get3A_204, %get3A_205] {strides = array<i32>} : memref<5x128xf32, #tpu.memory_space<vmem>>, vector<16xf32>,
      %add3A_207 = arith.addf %get3A_202, %get3A_206 : vector<16xf32>
      %swap3A_208 = arith.constant 0 : i32
      %swap3A_209 = arith.index_cast %swap3A_208 : i32 to index
      %swap3A_210 = arith.constant 16 : index
      %swap3A_211 = tpu.vector_load %arg9[%swap3A_209, %swap3A_210] {strides = array<i32>} : memref<5x128xf32, #tpu.memory_space<vmem>>, vector<16xf32>,
      tpu.vector_store %arg9[%swap3A_209, %swap3A_210], %add3A_207 {strides = array<i32>} : memref<5x128xf32, #tpu.memory_space<vmem>>, vector<16xf32>,
      %get3A_212 = arith.constant 0 : i32
      %get3A_213 = arith.index_cast %get3A_212 : i32 to index
      %get3A_214 = arith.constant 32 : index
      %get3A_215 = tpu.vector_load %arg9[%get3A_213, %get3A_214] {strides = array<i32>} : memref<5x128xf32, #tpu.memory_space<vmem>>, vector<16xf32>,
      %get3A_216 = arith.constant 0 : i32
      %get3A_217 = arith.index_cast %get3A_216 : i32 to index
      %get3A_218 = arith.constant 32 : index
      %get3A_219 = tpu.vector_load %arg10[%get3A_217, %get3A_218] {strides = array<i32>} : memref<5x128xf32, #tpu.memory_space<vmem>>, vector<16xf32>,
      %add3A_220 = arith.addf %get3A_215, %get3A_219 : vector<16xf32>
      %swap3A_221 = arith.constant 0 : i32
      %swap3A_222 = arith.index_cast %swap3A_221 : i32 to index
      %swap3A_223 = arith.constant 32 : index
      %swap3A_224 = tpu.vector_load %arg9[%swap3A_222, %swap3A_223] {strides = array<i32>} : memref<5x128xf32, #tpu.memory_space<vmem>>, vector<16xf32>,
      tpu.vector_store %arg9[%swap3A_222, %swap3A_223], %add3A_220 {strides = array<i32>} : memref<5x128xf32, #tpu.memory_space<vmem>>, vector<16xf32>,
      %get3A_225 = arith.constant 0 : i32
      %get3A_226 = arith.index_cast %get3A_225 : i32 to index
      %get3A_227 = arith.constant 48 : index
      %get3A_228 = tpu.vector_load %arg9[%get3A_226, %get3A_227] {strides = array<i32>} : memref<5x128xf32, #tpu.memory_space<vmem>>, vector<16xf32>,
      %get3A_229 = arith.constant 0 : i32
      %get3A_230 = arith.index_cast %get3A_229 : i32 to index
      %get3A_231 = arith.constant 48 : index
      %get3A_232 = tpu.vector_load %arg10[%get3A_230, %get3A_231] {strides = array<i32>} : memref<5x128xf32, #tpu.memory_space<vmem>>, vector<16xf32>,
      %add3A_233 = arith.addf %get3A_228, %get3A_232 : vector<16xf32>
      %swap3A_234 = arith.constant 0 : i32
      %swap3A_235 = arith.index_cast %swap3A_234 : i32 to index
      %swap3A_236 = arith.constant 48 : index
      %swap3A_237 = tpu.vector_load %arg9[%swap3A_235, %swap3A_236] {strides = array<i32>} : memref<5x128xf32, #tpu.memory_space<vmem>>, vector<16xf32>,
      tpu.vector_store %arg9[%swap3A_235, %swap3A_236], %add3A_233 {strides = array<i32>} : memref<5x128xf32, #tpu.memory_space<vmem>>, vector<16xf32>,
      %get3A_238 = arith.constant 0 : i32
      %get3A_239 = arith.index_cast %get3A_238 : i32 to index
      %get3A_240 = arith.constant 64 : index
      %get3A_241 = tpu.vector_load %arg9[%get3A_239, %get3A_240] {strides = array<i32>} : memref<5x128xf32, #tpu.memory_space<vmem>>, vector<16xf32>,
      %get3A_242 = arith.constant 0 : i32
      %get3A_243 = arith.index_cast %get3A_242 : i32 to index
      %get3A_244 = arith.constant 64 : index
      %get3A_245 = tpu.vector_load %arg10[%get3A_243, %get3A_244] {strides = array<i32>} : memref<5x128xf32, #tpu.memory_space<vmem>>, vector<16xf32>,
      %add3A_246 = arith.addf %get3A_241, %get3A_245 : vector<16xf32>
      %swap3A_247 = arith.constant 0 : i32
      %swap3A_248 = arith.index_cast %swap3A_247 : i32 to index
      %swap3A_249 = arith.constant 64 : index
      %swap3A_250 = tpu.vector_load %arg9[%swap3A_248, %swap3A_249] {strides = array<i32>} : memref<5x128xf32, #tpu.memory_space<vmem>>, vector<16xf32>,
      tpu.vector_store %arg9[%swap3A_248, %swap3A_249], %add3A_246 {strides = array<i32>} : memref<5x128xf32, #tpu.memory_space<vmem>>, vector<16xf32>,
      %get3A_251 = arith.constant 0 : i32
      %get3A_252 = arith.index_cast %get3A_251 : i32 to index
      %get3A_253 = arith.constant 80 : index
      %get3A_254 = tpu.vector_load %arg9[%get3A_252, %get3A_253] {strides = array<i32>} : memref<5x128xf32, #tpu.memory_space<vmem>>, vector<16xf32>,
      %get3A_255 = arith.constant 0 : i32
      %get3A_256 = arith.index_cast %get3A_255 : i32 to index
      %get3A_257 = arith.constant 80 : index
      %get3A_258 = tpu.vector_load %arg10[%get3A_256, %get3A_257] {strides = array<i32>} : memref<5x128xf32, #tpu.memory_space<vmem>>, vector<16xf32>,
      %add3A_259 = arith.addf %get3A_254, %get3A_258 : vector<16xf32>
      %swap3A_260 = arith.constant 0 : i32
      %swap3A_261 = arith.index_cast %swap3A_260 : i32 to index
      %swap3A_262 = arith.constant 80 : index
      %swap3A_263 = tpu.vector_load %arg9[%swap3A_261, %swap3A_262] {strides = array<i32>} : memref<5x128xf32, #tpu.memory_space<vmem>>, vector<16xf32>,
      tpu.vector_store %arg9[%swap3A_261, %swap3A_262], %add3A_259 {strides = array<i32>} : memref<5x128xf32, #tpu.memory_space<vmem>>, vector<16xf32>,
      %get3A_264 = arith.constant 0 : i32
      %get3A_265 = arith.index_cast %get3A_264 : i32 to index
      %get3A_266 = arith.constant 96 : index
      %get3A_267 = tpu.vector_load %arg9[%get3A_265, %get3A_266] {strides = array<i32>} : memref<5x128xf32, #tpu.memory_space<vmem>>, vector<16xf32>,
      %get3A_268 = arith.constant 0 : i32
      %get3A_269 = arith.index_cast %get3A_268 : i32 to index
      %get3A_270 = arith.constant 96 : index
      %get3A_271 = tpu.vector_load %arg10[%get3A_269, %get3A_270] {strides = array<i32>} : memref<5x128xf32, #tpu.memory_space<vmem>>, vector<16xf32>,
      %add3A_272 = arith.addf %get3A_267, %get3A_271 : vector<16xf32>
      %swap3A_273 = arith.constant 0 : i32
      %swap3A_274 = arith.index_cast %swap3A_273 : i32 to index
      %swap3A_275 = arith.constant 96 : index
      %swap3A_276 = tpu.vector_load %arg9[%swap3A_274, %swap3A_275] {strides = array<i32>} : memref<5x128xf32, #tpu.memory_space<vmem>>, vector<16xf32>,
      tpu.vector_store %arg9[%swap3A_274, %swap3A_275], %add3A_272 {strides = array<i32>} : memref<5x128xf32, #tpu.memory_space<vmem>>, vector<16xf32>,
      %get3A_277 = arith.constant 0 : i32
      %get3A_278 = arith.index_cast %get3A_277 : i32 to index
      %get3A_279 = arith.constant 112 : index
      %get3A_280 = tpu.vector_load %arg9[%get3A_278, %get3A_279] {strides = array<i32>} : memref<5x128xf32, #tpu.memory_space<vmem>>, vector<16xf32>,
      %get3A_281 = arith.constant 0 : i32
      %get3A_282 = arith.index_cast %get3A_281 : i32 to index
      %get3A_283 = arith.constant 112 : index
      %get3A_284 = tpu.vector_load %arg10[%get3A_282, %get3A_283] {strides = array<i32>} : memref<5x128xf32, #tpu.memory_space<vmem>>, vector<16xf32>,
      %add3A_285 = arith.addf %get3A_280, %get3A_284 : vector<16xf32>
      %swap3A_286 = arith.constant 0 : i32
      %swap3A_287 = arith.index_cast %swap3A_286 : i32 to index
      %swap3A_288 = arith.constant 112 : index
      %swap3A_289 = tpu.vector_load %arg9[%swap3A_287, %swap3A_288] {strides = array<i32>} : memref<5x128xf32, #tpu.memory_space<vmem>>, vector<16xf32>,
      tpu.vector_store %arg9[%swap3A_287, %swap3A_288], %add3A_285 {strides = array<i32>} : memref<5x128xf32, #tpu.memory_space<vmem>>, vector<16xf32>,
      %get3A_290 = arith.constant 1 : i32
      %get3A_291 = arith.index_cast %get3A_290 : i32 to index
      %get3A_292 = arith.constant 0 : index
      %get3A_293 = tpu.vector_load %arg9[%get3A_291, %get3A_292] {strides = array<i32>} : memref<5x128xf32, #tpu.memory_space<vmem>>, vector<16xf32>,
      %get3A_294 = arith.constant 1 : i32
      %get3A_295 = arith.index_cast %get3A_294 : i32 to index
      %get3A_296 = arith.constant 0 : index
      %get3A_297 = tpu.vector_load %arg10[%get3A_295, %get3A_296] {strides = array<i32>} : memref<5x128xf32, #tpu.memory_space<vmem>>, vector<16xf32>,
      %add3A_298 = arith.addf %get3A_293, %get3A_297 : vector<16xf32>
      %swap3A_299 = arith.constant 1 : i32
      %swap3A_300 = arith.index_cast %swap3A_299 : i32 to index
      %swap3A_301 = arith.constant 0 : index
      %swap3A_302 = tpu.vector_load %arg9[%swap3A_300, %swap3A_301] {strides = array<i32>} : memref<5x128xf32, #tpu.memory_space<vmem>>, vector<16xf32>,
      tpu.vector_store %arg9[%swap3A_300, %swap3A_301], %add3A_298 {strides = array<i32>} : memref<5x128xf32, #tpu.memory_space<vmem>>, vector<16xf32>,
      %get3A_303 = arith.constant 1 : i32
      %get3A_304 = arith.index_cast %get3A_303 : i32 to index
      %get3A_305 = arith.constant 16 : index
      %get3A_306 = tpu.vector_load %arg9[%get3A_304, %get3A_305] {strides = array<i32>} : memref<5x128xf32, #tpu.memory_space<vmem>>, vector<16xf32>,
      %get3A_307 = arith.constant 1 : i32
      %get3A_308 = arith.index_cast %get3A_307 : i32 to index
      %get3A_309 = arith.constant 16 : index
      %get3A_310 = tpu.vector_load %arg10[%get3A_308, %get3A_309] {strides = array<i32>} : memref<5x128xf32, #tpu.memory_space<vmem>>, vector<16xf32>,
      %add3A_311 = arith.addf %get3A_306, %get3A_310 : vector<16xf32>
      %swap3A_312 = arith.constant 1 : i32
      %swap3A_313 = arith.index_cast %swap3A_312 : i32 to index
      %swap3A_314 = arith.constant 16 : index
      %swap3A_315 = tpu.vector_load %arg9[%swap3A_313, %swap3A_314] {strides = array<i32>} : memref<5x128xf32, #tpu.memory_space<vmem>>, vector<16xf32>,
      tpu.vector_store %arg9[%swap3A_313, %swap3A_314], %add3A_311 {strides = array<i32>} : memref<5x128xf32, #tpu.memory_space<vmem>>, vector<16xf32>,
      %get3A_316 = arith.constant 1 : i32
      %get3A_317 = arith.index_cast %get3A_316 : i32 to index
      %get3A_318 = arith.constant 32 : index
      %get3A_319 = tpu.vector_load %arg9[%get3A_317, %get3A_318] {strides = array<i32>} : memref<5x128xf32, #tpu.memory_space<vmem>>, vector<16xf32>,
      %get3A_320 = arith.constant 1 : i32
      %get3A_321 = arith.index_cast %get3A_320 : i32 to index
      %get3A_322 = arith.constant 32 : index
      %get3A_323 = tpu.vector_load %arg10[%get3A_321, %get3A_322] {strides = array<i32>} : memref<5x128xf32, #tpu.memory_space<vmem>>, vector<16xf32>,
      %add3A_324 = arith.addf %get3A_319, %get3A_323 : vector<16xf32>
      %swap3A_325 = arith.constant 1 : i32
      %swap3A_326 = arith.index_cast %swap3A_325 : i32 to index
      %swap3A_327 = arith.constant 32 : index
      %swap3A_328 = tpu.vector_load %arg9[%swap3A_326, %swap3A_327] {strides = array<i32>} : memref<5x128xf32, #tpu.memory_space<vmem>>, vector<16xf32>,
      tpu.vector_store %arg9[%swap3A_326, %swap3A_327], %add3A_324 {strides = array<i32>} : memref<5x128xf32, #tpu.memory_space<vmem>>, vector<16xf32>,
      %get3A_329 = arith.constant 1 : i32
      %get3A_330 = arith.index_cast %get3A_329 : i32 to index
      %get3A_331 = arith.constant 48 : index
      %get3A_332 = tpu.vector_load %arg9[%get3A_330, %get3A_331] {strides = array<i32>} : memref<5x128xf32, #tpu.memory_space<vmem>>, vector<16xf32>,
      %get3A_333 = arith.constant 1 : i32
      %get3A_334 = arith.index_cast %get3A_333 : i32 to index
      %get3A_335 = arith.constant 48 : index
      %get3A_336 = tpu.vector_load %arg10[%get3A_334, %get3A_335] {strides = array<i32>} : memref<5x128xf32, #tpu.memory_space<vmem>>, vector<16xf32>,
      %add3A_337 = arith.addf %get3A_332, %get3A_336 : vector<16xf32>
      %swap3A_338 = arith.constant 1 : i32
      %swap3A_339 = arith.index_cast %swap3A_338 : i32 to index
      %swap3A_340 = arith.constant 48 : index
      %swap3A_341 = tpu.vector_load %arg9[%swap3A_339, %swap3A_340] {strides = array<i32>} : memref<5x128xf32, #tpu.memory_space<vmem>>, vector<16xf32>,
      tpu.vector_store %arg9[%swap3A_339, %swap3A_340], %add3A_337 {strides = array<i32>} : memref<5x128xf32, #tpu.memory_space<vmem>>, vector<16xf32>,
      %get3A_342 = arith.constant 1 : i32
      %get3A_343 = arith.index_cast %get3A_342 : i32 to index
      %get3A_344 = arith.constant 64 : index
      %get3A_345 = tpu.vector_load %arg9[%get3A_343, %get3A_344] {strides = array<i32>} : memref<5x128xf32, #tpu.memory_space<vmem>>, vector<16xf32>,
      %get3A_346 = arith.constant 1 : i32
      %get3A_347 = arith.index_cast %get3A_346 : i32 to index
      %get3A_348 = arith.constant 64 : index
      %get3A_349 = tpu.vector_load %arg10[%get3A_347, %get3A_348] {strides = array<i32>} : memref<5x128xf32, #tpu.memory_space<vmem>>, vector<16xf32>,
      %add3A_350 = arith.addf %get3A_345, %get3A_349 : vector<16xf32>
      %swap3A_351 = arith.constant 1 : i32
      %swap3A_352 = arith.index_cast %swap3A_351 : i32 to index
      %swap3A_353 = arith.constant 64 : index
      %swap3A_354 = tpu.vector_load %arg9[%swap3A_352, %swap3A_353] {strides = array<i32>} : memref<5x128xf32, #tpu.memory_space<vmem>>, vector<16xf32>,
      tpu.vector_store %arg9[%swap3A_352, %swap3A_353], %add3A_350 {strides = array<i32>} : memref<5x128xf32, #tpu.memory_space<vmem>>, vector<16xf32>,
      %get3A_355 = arith.constant 1 : i32
      %get3A_356 = arith.index_cast %get3A_355 : i32 to index
      %get3A_357 = arith.constant 80 : index
      %get3A_358 = tpu.vector_load %arg9[%get3A_356, %get3A_357] {strides = array<i32>} : memref<5x128xf32, #tpu.memory_space<vmem>>, vector<16xf32>,
      %get3A_359 = arith.constant 1 : i32
      %get3A_360 = arith.index_cast %get3A_359 : i32 to index
      %get3A_361 = arith.constant 80 : index
      %get3A_362 = tpu.vector_load %arg10[%get3A_360, %get3A_361] {strides = array<i32>} : memref<5x128xf32, #tpu.memory_space<vmem>>, vector<16xf32>,
      %add3A_363 = arith.addf %get3A_358, %get3A_362 : vector<16xf32>
      %swap3A_364 = arith.constant 1 : i32
      %swap3A_365 = arith.index_cast %swap3A_364 : i32 to index
      %swap3A_366 = arith.constant 80 : index
      %swap3A_367 = tpu.vector_load %arg9[%swap3A_365, %swap3A_366] {strides = array<i32>} : memref<5x128xf32, #tpu.memory_space<vmem>>, vector<16xf32>,
      tpu.vector_store %arg9[%swap3A_365, %swap3A_366], %add3A_363 {strides = array<i32>} : memref<5x128xf32, #tpu.memory_space<vmem>>, vector<16xf32>,
      %get3A_368 = arith.constant 1 : i32
      %get3A_369 = arith.index_cast %get3A_368 : i32 to index
      %get3A_370 = arith.constant 96 : index
      %get3A_371 = tpu.vector_load %arg9[%get3A_369, %get3A_370] {strides = array<i32>} : memref<5x128xf32, #tpu.memory_space<vmem>>, vector<16xf32>,
      %get3A_372 = arith.constant 1 : i32
      %get3A_373 = arith.index_cast %get3A_372 : i32 to index
      %get3A_374 = arith.constant 96 : index
      %get3A_375 = tpu.vector_load %arg10[%get3A_373, %get3A_374] {strides = array<i32>} : memref<5x128xf32, #tpu.memory_space<vmem>>, vector<16xf32>,
      %add3A_376 = arith.addf %get3A_371, %get3A_375 : vector<16xf32>
      %swap3A_377 = arith.constant 1 : i32
      %swap3A_378 = arith.index_cast %swap3A_377 : i32 to index
      %swap3A_379 = arith.constant 96 : index
      %swap3A_380 = tpu.vector_load %arg9[%swap3A_378, %swap3A_379] {strides = array<i32>} : memref<5x128xf32, #tpu.memory_space<vmem>>, vector<16xf32>,
      tpu.vector_store %arg9[%swap3A_378, %swap3A_379], %add3A_376 {strides = array<i32>} : memref<5x128xf32, #tpu.memory_space<vmem>>, vector<16xf32>,
      %get3A_381 = arith.constant 1 : i32
      %get3A_382 = arith.index_cast %get3A_381 : i32 to index
      %get3A_383 = arith.constant 112 : index
      %get3A_384 = tpu.vector_load %arg9[%get3A_382, %get3A_383] {strides = array<i32>} : memref<5x128xf32, #tpu.memory_space<vmem>>, vector<16xf32>,
      %get3A_385 = arith.constant 1 : i32
      %get3A_386 = arith.index_cast %get3A_385 : i32 to index
      %get3A_387 = arith.constant 112 : index
      %get3A_388 = tpu.vector_load %arg10[%get3A_386, %get3A_387] {strides = array<i32>} : memref<5x128xf32, #tpu.memory_space<vmem>>, vector<16xf32>,
      %add3A_389 = arith.addf %get3A_384, %get3A_388 : vector<16xf32>
      %swap3A_390 = arith.constant 1 : i32
      %swap3A_391 = arith.index_cast %swap3A_390 : i32 to index
      %swap3A_392 = arith.constant 112 : index
      %swap3A_393 = tpu.vector_load %arg9[%swap3A_391, %swap3A_392] {strides = array<i32>} : memref<5x128xf32, #tpu.memory_space<vmem>>, vector<16xf32>,
      tpu.vector_store %arg9[%swap3A_391, %swap3A_392], %add3A_389 {strides = array<i32>} : memref<5x128xf32, #tpu.memory_space<vmem>>, vector<16xf32>,
      %get3A_394 = arith.constant 2 : i32
      %get3A_395 = arith.index_cast %get3A_394 : i32 to index
      %get3A_396 = arith.constant 0 : index
      %get3A_397 = tpu.vector_load %arg9[%get3A_395, %get3A_396] {strides = array<i32>} : memref<5x128xf32, #tpu.memory_space<vmem>>, vector<16xf32>,
      %get3A_398 = arith.constant 2 : i32
      %get3A_399 = arith.index_cast %get3A_398 : i32 to index
      %get3A_400 = arith.constant 0 : index
      %get3A_401 = tpu.vector_load %arg10[%get3A_399, %get3A_400] {strides = array<i32>} : memref<5x128xf32, #tpu.memory_space<vmem>>, vector<16xf32>,
      %add3A_402 = arith.addf %get3A_397, %get3A_401 : vector<16xf32>
      %swap3A_403 = arith.constant 2 : i32
      %swap3A_404 = arith.index_cast %swap3A_403 : i32 to index
      %swap3A_405 = arith.constant 0 : index
      %swap3A_406 = tpu.vector_load %arg9[%swap3A_404, %swap3A_405] {strides = array<i32>} : memref<5x128xf32, #tpu.memory_space<vmem>>, vector<16xf32>,
      tpu.vector_store %arg9[%swap3A_404, %swap3A_405], %add3A_402 {strides = array<i32>} : memref<5x128xf32, #tpu.memory_space<vmem>>, vector<16xf32>,
      %get3A_407 = arith.constant 2 : i32
      %get3A_408 = arith.index_cast %get3A_407 : i32 to index
      %get3A_409 = arith.constant 16 : index
      %get3A_410 = tpu.vector_load %arg9[%get3A_408, %get3A_409] {strides = array<i32>} : memref<5x128xf32, #tpu.memory_space<vmem>>, vector<16xf32>,
      %get3A_411 = arith.constant 2 : i32
      %get3A_412 = arith.index_cast %get3A_411 : i32 to index
      %get3A_413 = arith.constant 16 : index
      %get3A_414 = tpu.vector_load %arg10[%get3A_412, %get3A_413] {strides = array<i32>} : memref<5x128xf32, #tpu.memory_space<vmem>>, vector<16xf32>,
      %add3A_415 = arith.addf %get3A_410, %get3A_414 : vector<16xf32>
      %swap3A_416 = arith.constant 2 : i32
      %swap3A_417 = arith.index_cast %swap3A_416 : i32 to index
      %swap3A_418 = arith.constant 16 : index
      %swap3A_419 = tpu.vector_load %arg9[%swap3A_417, %swap3A_418] {strides = array<i32>} : memref<5x128xf32, #tpu.memory_space<vmem>>, vector<16xf32>,
      tpu.vector_store %arg9[%swap3A_417, %swap3A_418], %add3A_415 {strides = array<i32>} : memref<5x128xf32, #tpu.memory_space<vmem>>, vector<16xf32>,
      %get3A_420 = arith.constant 2 : i32
      %get3A_421 = arith.index_cast %get3A_420 : i32 to index
      %get3A_422 = arith.constant 32 : index
      %get3A_423 = tpu.vector_load %arg9[%get3A_421, %get3A_422] {strides = array<i32>} : memref<5x128xf32, #tpu.memory_space<vmem>>, vector<16xf32>,
      %get3A_424 = arith.constant 2 : i32
      %get3A_425 = arith.index_cast %get3A_424 : i32 to index
      %get3A_426 = arith.constant 32 : index
      %get3A_427 = tpu.vector_load %arg10[%get3A_425, %get3A_426] {strides = array<i32>} : memref<5x128xf32, #tpu.memory_space<vmem>>, vector<16xf32>,
      %add3A_428 = arith.addf %get3A_423, %get3A_427 : vector<16xf32>
      %swap3A_429 = arith.constant 2 : i32
      %swap3A_430 = arith.index_cast %swap3A_429 : i32 to index
      %swap3A_431 = arith.constant 32 : index
      %swap3A_432 = tpu.vector_load %arg9[%swap3A_430, %swap3A_431] {strides = array<i32>} : memref<5x128xf32, #tpu.memory_space<vmem>>, vector<16xf32>,
      tpu.vector_store %arg9[%swap3A_430, %swap3A_431], %add3A_428 {strides = array<i32>} : memref<5x128xf32, #tpu.memory_space<vmem>>, vector<16xf32>,
      %get3A_433 = arith.constant 2 : i32
      %get3A_434 = arith.index_cast %get3A_433 : i32 to index
      %get3A_435 = arith.constant 48 : index
      %get3A_436 = tpu.vector_load %arg9[%get3A_434, %get3A_435] {strides = array<i32>} : memref<5x128xf32, #tpu.memory_space<vmem>>, vector<16xf32>,
      %get3A_437 = arith.constant 2 : i32
      %get3A_438 = arith.index_cast %get3A_437 : i32 to index
      %get3A_439 = arith.constant 48 : index
      %get3A_440 = tpu.vector_load %arg10[%get3A_438, %get3A_439] {strides = array<i32>} : memref<5x128xf32, #tpu.memory_space<vmem>>, vector<16xf32>,
      %add3A_441 = arith.addf %get3A_436, %get3A_440 : vector<16xf32>
      %swap3A_442 = arith.constant 2 : i32
      %swap3A_443 = arith.index_cast %swap3A_442 : i32 to index
      %swap3A_444 = arith.constant 48 : index
      %swap3A_445 = tpu.vector_load %arg9[%swap3A_443, %swap3A_444] {strides = array<i32>} : memref<5x128xf32, #tpu.memory_space<vmem>>, vector<16xf32>,
      tpu.vector_store %arg9[%swap3A_443, %swap3A_444], %add3A_441 {strides = array<i32>} : memref<5x128xf32, #tpu.memory_space<vmem>>, vector<16xf32>,
      %get3A_446 = arith.constant 2 : i32
      %get3A_447 = arith.index_cast %get3A_446 : i32 to index
      %get3A_448 = arith.constant 64 : index
      %get3A_449 = tpu.vector_load %arg9[%get3A_447, %get3A_448] {strides = array<i32>} : memref<5x128xf32, #tpu.memory_space<vmem>>, vector<16xf32>,
      %get3A_450 = arith.constant 2 : i32
      %get3A_451 = arith.index_cast %get3A_450 : i32 to index
      %get3A_452 = arith.constant 64 : index
      %get3A_453 = tpu.vector_load %arg10[%get3A_451, %get3A_452] {strides = array<i32>} : memref<5x128xf32, #tpu.memory_space<vmem>>, vector<16xf32>,
      %add3A_454 = arith.addf %get3A_449, %get3A_453 : vector<16xf32>
      %swap3A_455 = arith.constant 2 : i32
      %swap3A_456 = arith.index_cast %swap3A_455 : i32 to index
      %swap3A_457 = arith.constant 64 : index
      %swap3A_458 = tpu.vector_load %arg9[%swap3A_456, %swap3A_457] {strides = array<i32>} : memref<5x128xf32, #tpu.memory_space<vmem>>, vector<16xf32>,
      tpu.vector_store %arg9[%swap3A_456, %swap3A_457], %add3A_454 {strides = array<i32>} : memref<5x128xf32, #tpu.memory_space<vmem>>, vector<16xf32>,
      %get3A_459 = arith.constant 2 : i32
      %get3A_460 = arith.index_cast %get3A_459 : i32 to index
      %get3A_461 = arith.constant 80 : index
      %get3A_462 = tpu.vector_load %arg9[%get3A_460, %get3A_461] {strides = array<i32>} : memref<5x128xf32, #tpu.memory_space<vmem>>, vector<16xf32>,
      %get3A_463 = arith.constant 2 : i32
      %get3A_464 = arith.index_cast %get3A_463 : i32 to index
      %get3A_465 = arith.constant 80 : index
      %get3A_466 = tpu.vector_load %arg10[%get3A_464, %get3A_465] {strides = array<i32>} : memref<5x128xf32, #tpu.memory_space<vmem>>, vector<16xf32>,
      %add3A_467 = arith.addf %get3A_462, %get3A_466 : vector<16xf32>
      %swap3A_468 = arith.constant 2 : i32
      %swap3A_469 = arith.index_cast %swap3A_468 : i32 to index
      %swap3A_470 = arith.constant 80 : index
      %swap3A_471 = tpu.vector_load %arg9[%swap3A_469, %swap3A_470] {strides = array<i32>} : memref<5x128xf32, #tpu.memory_space<vmem>>, vector<16xf32>,
      tpu.vector_store %arg9[%swap3A_469, %swap3A_470], %add3A_467 {strides = array<i32>} : memref<5x128xf32, #tpu.memory_space<vmem>>, vector<16xf32>,
      %get3A_472 = arith.constant 2 : i32
      %get3A_473 = arith.index_cast %get3A_472 : i32 to index
      %get3A_474 = arith.constant 96 : index
      %get3A_475 = tpu.vector_load %arg9[%get3A_473, %get3A_474] {strides = array<i32>} : memref<5x128xf32, #tpu.memory_space<vmem>>, vector<16xf32>,
      %get3A_476 = arith.constant 2 : i32
      %get3A_477 = arith.index_cast %get3A_476 : i32 to index
      %get3A_478 = arith.constant 96 : index
      %get3A_479 = tpu.vector_load %arg10[%get3A_477, %get3A_478] {strides = array<i32>} : memref<5x128xf32, #tpu.memory_space<vmem>>, vector<16xf32>,
      %add3A_480 = arith.addf %get3A_475, %get3A_479 : vector<16xf32>
      %swap3A_481 = arith.constant 2 : i32
      %swap3A_482 = arith.index_cast %swap3A_481 : i32 to index
      %swap3A_483 = arith.constant 96 : index
      %swap3A_484 = tpu.vector_load %arg9[%swap3A_482, %swap3A_483] {strides = array<i32>} : memref<5x128xf32, #tpu.memory_space<vmem>>, vector<16xf32>,
      tpu.vector_store %arg9[%swap3A_482, %swap3A_483], %add3A_480 {strides = array<i32>} : memref<5x128xf32, #tpu.memory_space<vmem>>, vector<16xf32>,
      %get3A_485 = arith.constant 2 : i32
      %get3A_486 = arith.index_cast %get3A_485 : i32 to index
      %get3A_487 = arith.constant 112 : index
      %get3A_488 = tpu.vector_load %arg9[%get3A_486, %get3A_487] {strides = array<i32>} : memref<5x128xf32, #tpu.memory_space<vmem>>, vector<16xf32>,
      %get3A_489 = arith.constant 2 : i32
      %get3A_490 = arith.index_cast %get3A_489 : i32 to index
      %get3A_491 = arith.constant 112 : index
      %get3A_492 = tpu.vector_load %arg10[%get3A_490, %get3A_491] {strides = array<i32>} : memref<5x128xf32, #tpu.memory_space<vmem>>, vector<16xf32>,
      %add3A_493 = arith.addf %get3A_488, %get3A_492 : vector<16xf32>
      %swap3A_494 = arith.constant 2 : i32
      %swap3A_495 = arith.index_cast %swap3A_494 : i32 to index
      %swap3A_496 = arith.constant 112 : index
      %swap3A_497 = tpu.vector_load %arg9[%swap3A_495, %swap3A_496] {strides = array<i32>} : memref<5x128xf32, #tpu.memory_space<vmem>>, vector<16xf32>,
      tpu.vector_store %arg9[%swap3A_495, %swap3A_496], %add3A_493 {strides = array<i32>} : memref<5x128xf32, #tpu.memory_space<vmem>>, vector<16xf32>,
      %get3A_498 = arith.constant 3 : i32
      %get3A_499 = arith.index_cast %get3A_498 : i32 to index
      %get3A_500 = arith.constant 0 : index
      %get3A_501 = tpu.vector_load %arg9[%get3A_499, %get3A_500] {strides = array<i32>} : memref<5x128xf32, #tpu.memory_space<vmem>>, vector<16xf32>,
      %get3A_502 = arith.constant 3 : i32
      %get3A_503 = arith.index_cast %get3A_502 : i32 to index
      %get3A_504 = arith.constant 0 : index
      %get3A_505 = tpu.vector_load %arg10[%get3A_503, %get3A_504] {strides = array<i32>} : memref<5x128xf32, #tpu.memory_space<vmem>>, vector<16xf32>,
      %add3A_506 = arith.addf %get3A_501, %get3A_505 : vector<16xf32>
      %swap3A_507 = arith.constant 3 : i32
      %swap3A_508 = arith.index_cast %swap3A_507 : i32 to index
      %swap3A_509 = arith.constant 0 : index
      %swap3A_510 = tpu.vector_load %arg9[%swap3A_508, %swap3A_509] {strides = array<i32>} : memref<5x128xf32, #tpu.memory_space<vmem>>, vector<16xf32>,
      tpu.vector_store %arg9[%swap3A_508, %swap3A_509], %add3A_506 {strides = array<i32>} : memref<5x128xf32, #tpu.memory_space<vmem>>, vector<16xf32>,
      %get3A_511 = arith.constant 3 : i32
      %get3A_512 = arith.index_cast %get3A_511 : i32 to index
      %get3A_513 = arith.constant 16 : index
      %get3A_514 = tpu.vector_load %arg9[%get3A_512, %get3A_513] {strides = array<i32>} : memref<5x128xf32, #tpu.memory_space<vmem>>, vector<16xf32>,
      %get3A_515 = arith.constant 3 : i32
      %get3A_516 = arith.index_cast %get3A_515 : i32 to index
      %get3A_517 = arith.constant 16 : index
      %get3A_518 = tpu.vector_load %arg10[%get3A_516, %get3A_517] {strides = array<i32>} : memref<5x128xf32, #tpu.memory_space<vmem>>, vector<16xf32>,
      %add3A_519 = arith.addf %get3A_514, %get3A_518 : vector<16xf32>
      %swap3A_520 = arith.constant 3 : i32
      %swap3A_521 = arith.index_cast %swap3A_520 : i32 to index
      %swap3A_522 = arith.constant 16 : index
      %swap3A_523 = tpu.vector_load %arg9[%swap3A_521, %swap3A_522] {strides = array<i32>} : memref<5x128xf32, #tpu.memory_space<vmem>>, vector<16xf32>,
      tpu.vector_store %arg9[%swap3A_521, %swap3A_522], %add3A_519 {strides = array<i32>} : memref<5x128xf32, #tpu.memory_space<vmem>>, vector<16xf32>,
      %get3A_524 = arith.constant 3 : i32
      %get3A_525 = arith.index_cast %get3A_524 : i32 to index
      %get3A_526 = arith.constant 32 : index
      %get3A_527 = tpu.vector_load %arg9[%get3A_525, %get3A_526] {strides = array<i32>} : memref<5x128xf32, #tpu.memory_space<vmem>>, vector<16xf32>,
      %get3A_528 = arith.constant 3 : i32
      %get3A_529 = arith.index_cast %get3A_528 : i32 to index
      %get3A_530 = arith.constant 32 : index
      %get3A_531 = tpu.vector_load %arg10[%get3A_529, %get3A_530] {strides = array<i32>} : memref<5x128xf32, #tpu.memory_space<vmem>>, vector<16xf32>,
      %add3A_532 = arith.addf %get3A_527, %get3A_531 : vector<16xf32>
      %swap3A_533 = arith.constant 3 : i32
      %swap3A_534 = arith.index_cast %swap3A_533 : i32 to index
      %swap3A_535 = arith.constant 32 : index
      %swap3A_536 = tpu.vector_load %arg9[%swap3A_534, %swap3A_535] {strides = array<i32>} : memref<5x128xf32, #tpu.memory_space<vmem>>, vector<16xf32>,
      tpu.vector_store %arg9[%swap3A_534, %swap3A_535], %add3A_532 {strides = array<i32>} : memref<5x128xf32, #tpu.memory_space<vmem>>, vector<16xf32>,
      %get3A_537 = arith.constant 3 : i32
      %get3A_538 = arith.index_cast %get3A_537 : i32 to index
      %get3A_539 = arith.constant 48 : index
      %get3A_540 = tpu.vector_load %arg9[%get3A_538, %get3A_539] {strides = array<i32>} : memref<5x128xf32, #tpu.memory_space<vmem>>, vector<16xf32>,
      %get3A_541 = arith.constant 3 : i32
      %get3A_542 = arith.index_cast %get3A_541 : i32 to index
      %get3A_543 = arith.constant 48 : index
      %get3A_544 = tpu.vector_load %arg10[%get3A_542, %get3A_543] {strides = array<i32>} : memref<5x128xf32, #tpu.memory_space<vmem>>, vector<16xf32>,
      %add3A_545 = arith.addf %get3A_540, %get3A_544 : vector<16xf32>
      %swap3A_546 = arith.constant 3 : i32
      %swap3A_547 = arith.index_cast %swap3A_546 : i32 to index
      %swap3A_548 = arith.constant 48 : index
      %swap3A_549 = tpu.vector_load %arg9[%swap3A_547, %swap3A_548] {strides = array<i32>} : memref<5x128xf32, #tpu.memory_space<vmem>>, vector<16xf32>,
      tpu.vector_store %arg9[%swap3A_547, %swap3A_548], %add3A_545 {strides = array<i32>} : memref<5x128xf32, #tpu.memory_space<vmem>>, vector<16xf32>,
      %get3A_550 = arith.constant 3 : i32
      %get3A_551 = arith.index_cast %get3A_550 : i32 to index
      %get3A_552 = arith.constant 64 : index
      %get3A_553 = tpu.vector_load %arg9[%get3A_551, %get3A_552] {strides = array<i32>} : memref<5x128xf32, #tpu.memory_space<vmem>>, vector<16xf32>,
      %get3A_554 = arith.constant 3 : i32
      %get3A_555 = arith.index_cast %get3A_554 : i32 to index
      %get3A_556 = arith.constant 64 : index
      %get3A_557 = tpu.vector_load %arg10[%get3A_555, %get3A_556] {strides = array<i32>} : memref<5x128xf32, #tpu.memory_space<vmem>>, vector<16xf32>,
      %add3A_558 = arith.addf %get3A_553, %get3A_557 : vector<16xf32>
      %swap3A_559 = arith.constant 3 : i32
      %swap3A_560 = arith.index_cast %swap3A_559 : i32 to index
      %swap3A_561 = arith.constant 64 : index
      %swap3A_562 = tpu.vector_load %arg9[%swap3A_560, %swap3A_561] {strides = array<i32>} : memref<5x128xf32, #tpu.memory_space<vmem>>, vector<16xf32>,
      tpu.vector_store %arg9[%swap3A_560, %swap3A_561], %add3A_558 {strides = array<i32>} : memref<5x128xf32, #tpu.memory_space<vmem>>, vector<16xf32>,
      %get3A_563 = arith.constant 3 : i32
      %get3A_564 = arith.index_cast %get3A_563 : i32 to index
      %get3A_565 = arith.constant 80 : index
      %get3A_566 = tpu.vector_load %arg9[%get3A_564, %get3A_565] {strides = array<i32>} : memref<5x128xf32, #tpu.memory_space<vmem>>, vector<16xf32>,
      %get3A_567 = arith.constant 3 : i32
      %get3A_568 = arith.index_cast %get3A_567 : i32 to index
      %get3A_569 = arith.constant 80 : index
      %get3A_570 = tpu.vector_load %arg10[%get3A_568, %get3A_569] {strides = array<i32>} : memref<5x128xf32, #tpu.memory_space<vmem>>, vector<16xf32>,
      %add3A_571 = arith.addf %get3A_566, %get3A_570 : vector<16xf32>
      %swap3A_572 = arith.constant 3 : i32
      %swap3A_573 = arith.index_cast %swap3A_572 : i32 to index
      %swap3A_574 = arith.constant 80 : index
      %swap3A_575 = tpu.vector_load %arg9[%swap3A_573, %swap3A_574] {strides = array<i32>} : memref<5x128xf32, #tpu.memory_space<vmem>>, vector<16xf32>,
      tpu.vector_store %arg9[%swap3A_573, %swap3A_574], %add3A_571 {strides = array<i32>} : memref<5x128xf32, #tpu.memory_space<vmem>>, vector<16xf32>,
      %get3A_576 = arith.constant 3 : i32
      %get3A_577 = arith.index_cast %get3A_576 : i32 to index
      %get3A_578 = arith.constant 96 : index
      %get3A_579 = tpu.vector_load %arg9[%get3A_577, %get3A_578] {strides = array<i32>} : memref<5x128xf32, #tpu.memory_space<vmem>>, vector<16xf32>,
      %get3A_580 = arith.constant 3 : i32
      %get3A_581 = arith.index_cast %get3A_580 : i32 to index
      %get3A_582 = arith.constant 96 : index
      %get3A_583 = tpu.vector_load %arg10[%get3A_581, %get3A_582] {strides = array<i32>} : memref<5x128xf32, #tpu.memory_space<vmem>>, vector<16xf32>,
      %add3A_584 = arith.addf %get3A_579, %get3A_583 : vector<16xf32>
      %swap3A_585 = arith.constant 3 : i32
      %swap3A_586 = arith.index_cast %swap3A_585 : i32 to index
      %swap3A_587 = arith.constant 96 : index
      %swap3A_588 = tpu.vector_load %arg9[%swap3A_586, %swap3A_587] {strides = array<i32>} : memref<5x128xf32, #tpu.memory_space<vmem>>, vector<16xf32>,
      tpu.vector_store %arg9[%swap3A_586, %swap3A_587], %add3A_584 {strides = array<i32>} : memref<5x128xf32, #tpu.memory_space<vmem>>, vector<16xf32>,
      %get3A_589 = arith.constant 3 : i32
      %get3A_590 = arith.index_cast %get3A_589 : i32 to index
      %get3A_591 = arith.constant 112 : index
      %get3A_592 = tpu.vector_load %arg9[%get3A_590, %get3A_591] {strides = array<i32>} : memref<5x128xf32, #tpu.memory_space<vmem>>, vector<16xf32>,
      %get3A_593 = arith.constant 3 : i32
      %get3A_594 = arith.index_cast %get3A_593 : i32 to index
      %get3A_595 = arith.constant 112 : index
      %get3A_596 = tpu.vector_load %arg10[%get3A_594, %get3A_595] {strides = array<i32>} : memref<5x128xf32, #tpu.memory_space<vmem>>, vector<16xf32>,
      %add3A_597 = arith.addf %get3A_592, %get3A_596 : vector<16xf32>
      %swap3A_598 = arith.constant 3 : i32
      %swap3A_599 = arith.index_cast %swap3A_598 : i32 to index
      %swap3A_600 = arith.constant 112 : index
      %swap3A_601 = tpu.vector_load %arg9[%swap3A_599, %swap3A_600] {strides = array<i32>} : memref<5x128xf32, #tpu.memory_space<vmem>>, vector<16xf32>,
      tpu.vector_store %arg9[%swap3A_599, %swap3A_600], %add3A_597 {strides = array<i32>} : memref<5x128xf32, #tpu.memory_space<vmem>>, vector<16xf32>,
      %get3A_602 = arith.constant 4 : i32
      %get3A_603 = arith.index_cast %get3A_602 : i32 to index
      %get3A_604 = arith.constant 0 : index
      %get3A_605 = tpu.vector_load %arg9[%get3A_603, %get3A_604] {strides = array<i32>} : memref<5x128xf32, #tpu.memory_space<vmem>>, vector<16xf32>,
      %get3A_606 = arith.constant 4 : i32
      %get3A_607 = arith.index_cast %get3A_606 : i32 to index
      %get3A_608 = arith.constant 0 : index
      %get3A_609 = tpu.vector_load %arg10[%get3A_607, %get3A_608] {strides = array<i32>} : memref<5x128xf32, #tpu.memory_space<vmem>>, vector<16xf32>,
      %add3A_610 = arith.addf %get3A_605, %get3A_609 : vector<16xf32>
      %swap3A_611 = arith.constant 4 : i32
      %swap3A_612 = arith.index_cast %swap3A_611 : i32 to index
      %swap3A_613 = arith.constant 0 : index
      %swap3A_614 = tpu.vector_load %arg9[%swap3A_612, %swap3A_613] {strides = array<i32>} : memref<5x128xf32, #tpu.memory_space<vmem>>, vector<16xf32>,
      tpu.vector_store %arg9[%swap3A_612, %swap3A_613], %add3A_610 {strides = array<i32>} : memref<5x128xf32, #tpu.memory_space<vmem>>, vector<16xf32>,
      %get3A_615 = arith.constant 4 : i32
      %get3A_616 = arith.index_cast %get3A_615 : i32 to index
      %get3A_617 = arith.constant 16 : index
      %get3A_618 = tpu.vector_load %arg9[%get3A_616, %get3A_617] {strides = array<i32>} : memref<5x128xf32, #tpu.memory_space<vmem>>, vector<16xf32>,
      %get3A_619 = arith.constant 4 : i32
      %get3A_620 = arith.index_cast %get3A_619 : i32 to index
      %get3A_621 = arith.constant 16 : index
      %get3A_622 = tpu.vector_load %arg10[%get3A_620, %get3A_621] {strides = array<i32>} : memref<5x128xf32, #tpu.memory_space<vmem>>, vector<16xf32>,
      %add3A_623 = arith.addf %get3A_618, %get3A_622 : vector<16xf32>
      %swap3A_624 = arith.constant 4 : i32
      %swap3A_625 = arith.index_cast %swap3A_624 : i32 to index
      %swap3A_626 = arith.constant 16 : index
      %swap3A_627 = tpu.vector_load %arg9[%swap3A_625, %swap3A_626] {strides = array<i32>} : memref<5x128xf32, #tpu.memory_space<vmem>>, vector<16xf32>,
      tpu.vector_store %arg9[%swap3A_625, %swap3A_626], %add3A_623 {strides = array<i32>} : memref<5x128xf32, #tpu.memory_space<vmem>>, vector<16xf32>,
      %get3A_628 = arith.constant 4 : i32
      %get3A_629 = arith.index_cast %get3A_628 : i32 to index
      %get3A_630 = arith.constant 32 : index
      %get3A_631 = tpu.vector_load %arg9[%get3A_629, %get3A_630] {strides = array<i32>} : memref<5x128xf32, #tpu.memory_space<vmem>>, vector<16xf32>,
      %get3A_632 = arith.constant 4 : i32
      %get3A_633 = arith.index_cast %get3A_632 : i32 to index
      %get3A_634 = arith.constant 32 : index
      %get3A_635 = tpu.vector_load %arg10[%get3A_633, %get3A_634] {strides = array<i32>} : memref<5x128xf32, #tpu.memory_space<vmem>>, vector<16xf32>,
      %add3A_636 = arith.addf %get3A_631, %get3A_635 : vector<16xf32>
      %swap3A_637 = arith.constant 4 : i32
      %swap3A_638 = arith.index_cast %swap3A_637 : i32 to index
      %swap3A_639 = arith.constant 32 : index
      %swap3A_640 = tpu.vector_load %arg9[%swap3A_638, %swap3A_639] {strides = array<i32>} : memref<5x128xf32, #tpu.memory_space<vmem>>, vector<16xf32>,
      tpu.vector_store %arg9[%swap3A_638, %swap3A_639], %add3A_636 {strides = array<i32>} : memref<5x128xf32, #tpu.memory_space<vmem>>, vector<16xf32>,
      %get3A_641 = arith.constant 4 : i32
      %get3A_642 = arith.index_cast %get3A_641 : i32 to index
      %get3A_643 = arith.constant 48 : index
      %get3A_644 = tpu.vector_load %arg9[%get3A_642, %get3A_643] {strides = array<i32>} : memref<5x128xf32, #tpu.memory_space<vmem>>, vector<16xf32>,
      %get3A_645 = arith.constant 4 : i32
      %get3A_646 = arith.index_cast %get3A_645 : i32 to index
      %get3A_647 = arith.constant 48 : index
      %get3A_648 = tpu.vector_load %arg10[%get3A_646, %get3A_647] {strides = array<i32>} : memref<5x128xf32, #tpu.memory_space<vmem>>, vector<16xf32>,
      %add3A_649 = arith.addf %get3A_644, %get3A_648 : vector<16xf32>
      %swap3A_650 = arith.constant 4 : i32
      %swap3A_651 = arith.index_cast %swap3A_650 : i32 to index
      %swap3A_652 = arith.constant 48 : index
      %swap3A_653 = tpu.vector_load %arg9[%swap3A_651, %swap3A_652] {strides = array<i32>} : memref<5x128xf32, #tpu.memory_space<vmem>>, vector<16xf32>,
      tpu.vector_store %arg9[%swap3A_651, %swap3A_652], %add3A_649 {strides = array<i32>} : memref<5x128xf32, #tpu.memory_space<vmem>>, vector<16xf32>,
      %get3A_654 = arith.constant 4 : i32
      %get3A_655 = arith.index_cast %get3A_654 : i32 to index
      %get3A_656 = arith.constant 64 : index
      %get3A_657 = tpu.vector_load %arg9[%get3A_655, %get3A_656] {strides = array<i32>} : memref<5x128xf32, #tpu.memory_space<vmem>>, vector<16xf32>,
      %get3A_658 = arith.constant 4 : i32
      %get3A_659 = arith.index_cast %get3A_658 : i32 to index
      %get3A_660 = arith.constant 64 : index
      %get3A_661 = tpu.vector_load %arg10[%get3A_659, %get3A_660] {strides = array<i32>} : memref<5x128xf32, #tpu.memory_space<vmem>>, vector<16xf32>,
      %add3A_662 = arith.addf %get3A_657, %get3A_661 : vector<16xf32>
      %swap3A_663 = arith.constant 4 : i32
      %swap3A_664 = arith.index_cast %swap3A_663 : i32 to index
      %swap3A_665 = arith.constant 64 : index
      %swap3A_666 = tpu.vector_load %arg9[%swap3A_664, %swap3A_665] {strides = array<i32>} : memref<5x128xf32, #tpu.memory_space<vmem>>, vector<16xf32>,
      tpu.vector_store %arg9[%swap3A_664, %swap3A_665], %add3A_662 {strides = array<i32>} : memref<5x128xf32, #tpu.memory_space<vmem>>, vector<16xf32>,
      %get3A_667 = arith.constant 4 : i32
      %get3A_668 = arith.index_cast %get3A_667 : i32 to index
      %get3A_669 = arith.constant 80 : index
      %get3A_670 = tpu.vector_load %arg9[%get3A_668, %get3A_669] {strides = array<i32>} : memref<5x128xf32, #tpu.memory_space<vmem>>, vector<16xf32>,
      %get3A_671 = arith.constant 4 : i32
      %get3A_672 = arith.index_cast %get3A_671 : i32 to index
      %get3A_673 = arith.constant 80 : index
      %get3A_674 = tpu.vector_load %arg10[%get3A_672, %get3A_673] {strides = array<i32>} : memref<5x128xf32, #tpu.memory_space<vmem>>, vector<16xf32>,
      %add3A_675 = arith.addf %get3A_670, %get3A_674 : vector<16xf32>
      %swap3A_676 = arith.constant 4 : i32
      %swap3A_677 = arith.index_cast %swap3A_676 : i32 to index
      %swap3A_678 = arith.constant 80 : index
      %swap3A_679 = tpu.vector_load %arg9[%swap3A_677, %swap3A_678] {strides = array<i32>} : memref<5x128xf32, #tpu.memory_space<vmem>>, vector<16xf32>,
      tpu.vector_store %arg9[%swap3A_677, %swap3A_678], %add3A_675 {strides = array<i32>} : memref<5x128xf32, #tpu.memory_space<vmem>>, vector<16xf32>,
      %get3A_680 = arith.constant 4 : i32
      %get3A_681 = arith.index_cast %get3A_680 : i32 to index
      %get3A_682 = arith.constant 96 : index
      %get3A_683 = tpu.vector_load %arg9[%get3A_681, %get3A_682] {strides = array<i32>} : memref<5x128xf32, #tpu.memory_space<vmem>>, vector<16xf32>,
      %get3A_684 = arith.constant 4 : i32
      %get3A_685 = arith.index_cast %get3A_684 : i32 to index
      %get3A_686 = arith.constant 96 : index
      %get3A_687 = tpu.vector_load %arg10[%get3A_685, %get3A_686] {strides = array<i32>} : memref<5x128xf32, #tpu.memory_space<vmem>>, vector<16xf32>,
      %add3A_688 = arith.addf %get3A_683, %get3A_687 : vector<16xf32>
      %swap3A_689 = arith.constant 4 : i32
      %swap3A_690 = arith.index_cast %swap3A_689 : i32 to index
      %swap3A_691 = arith.constant 96 : index
      %swap3A_692 = tpu.vector_load %arg9[%swap3A_690, %swap3A_691] {strides = array<i32>} : memref<5x128xf32, #tpu.memory_space<vmem>>, vector<16xf32>,
      tpu.vector_store %arg9[%swap3A_690, %swap3A_691], %add3A_688 {strides = array<i32>} : memref<5x128xf32, #tpu.memory_space<vmem>>, vector<16xf32>,
      %get3A_693 = arith.constant 4 : i32
      %get3A_694 = arith.index_cast %get3A_693 : i32 to index
      %get3A_695 = arith.constant 112 : index
      %get3A_696 = tpu.vector_load %arg9[%get3A_694, %get3A_695] {strides = array<i32>} : memref<5x128xf32, #tpu.memory_space<vmem>>, vector<16xf32>,
      %get3A_697 = arith.constant 4 : i32
      %get3A_698 = arith.index_cast %get3A_697 : i32 to index
      %get3A_699 = arith.constant 112 : index
      %get3A_700 = tpu.vector_load %arg10[%get3A_698, %get3A_699] {strides = array<i32>} : memref<5x128xf32, #tpu.memory_space<vmem>>, vector<16xf32>,
      %add3A_701 = arith.addf %get3A_696, %get3A_700 : vector<16xf32>
      %swap3A_702 = arith.constant 4 : i32
      %swap3A_703 = arith.index_cast %swap3A_702 : i32 to index
      %swap3A_704 = arith.constant 112 : index
      %swap3A_705 = tpu.vector_load %arg9[%swap3A_703, %swap3A_704] {strides = array<i32>} : memref<5x128xf32, #tpu.memory_space<vmem>>, vector<16xf32>,
      tpu.vector_store %arg9[%swap3A_703, %swap3A_704], %add3A_701 {strides = array<i32>} : memref<5x128xf32, #tpu.memory_space<vmem>>, vector<16xf32>,
    }
    %scan3A_183 = arith.constant 16 : i32
    "tpu.region"() ({
      %run_scoped3A = tpu.sem_alloc : memref<!tpu.dma_semaphore, #tpu.memory_space<semaphore_mem>>
      %dma_start3A = arith.constant 0 : i32
      %dma_start3A_184 = arith.constant 0 : i32
      %dma_start3A_185 = tpu.memref_slice %arg5[%arg0, %arg1, %dma_start3A, %dma_start3A_184] : memref<2x16x5x128xf32, #tpu.memory_space<hbm>> -> memref<1x1x5x128xf32, #tpu.memory_space<hbm>>
      %dma_start3A_186 = tpu.memref_squeeze %dma_start3A_185 : memref<1x1x5x128xf32, #tpu.memory_space<hbm>> -> memref<5x128xf32, #tpu.memory_space<hbm>>
      %dma_start3A_187 = arith.constant 0 : i32
      %dma_start3A_188 = arith.constant 0 : i32
      %dma_start3A_189 = tpu.memref_slice %arg5[%arg0, %arg1, %dma_start3A_187, %dma_start3A_188] : memref<2x16x5x128xf32, #tpu.memory_space<hbm>> -> memref<1x1x5x128xf32, #tpu.memory_space<hbm>>
      %dma_start3A_190 = tpu.memref_squeeze %dma_start3A_189 : memref<1x1x5x128xf32, #tpu.memory_space<hbm>> -> memref<5x128xf32, #tpu.memory_space<hbm>>
      tpu.enqueue_dma source(%arg9 : memref<5x128xf32, #tpu.memory_space<vmem>>) target(%dma_start3A_190 : memref<5x128xf32, #tpu.memory_space<hbm>>) target_semaphore(%run_scoped3A : memref<!tpu.dma_semaphore, #tpu.memory_space<semaphore_mem>>)
      %dma_wait3A = arith.constant 0 : i32
      %dma_wait3A_191 = arith.constant 0 : i32
      %dma_wait3A_192 = tpu.memref_slice %arg5[%arg0, %arg1, %dma_wait3A, %dma_wait3A_191] : memref<2x16x5x128xf32, #tpu.memory_space<hbm>> -> memref<1x1x5x128xf32, #tpu.memory_space<hbm>>
      %dma_wait3A_193 = tpu.memref_squeeze %dma_wait3A_192 : memref<1x1x5x128xf32, #tpu.memory_space<hbm>> -> memref<5x128xf32, #tpu.memory_space<hbm>>
      %dma_wait3A_194 = arith.constant 0 : i32
      %dma_wait3A_195 = arith.constant 0 : i32
      %dma_wait3A_196 = tpu.memref_slice %arg5[%arg0, %arg1, %dma_wait3A_194, %dma_wait3A_195] : memref<2x16x5x128xf32, #tpu.memory_space<hbm>> -> memref<1x1x5x128xf32, #tpu.memory_space<hbm>>
      %dma_wait3A_197 = tpu.memref_squeeze %dma_wait3A_196 : memref<1x1x5x128xf32, #tpu.memory_space<hbm>> -> memref<5x128xf32, #tpu.memory_space<hbm>>
      tpu.wait_dma2 semaphore(%run_scoped3A : memref<!tpu.dma_semaphore, #tpu.memory_space<semaphore_mem>>) src(%arg9 : memref<5x128xf32, #tpu.memory_space<vmem>>) dst(%dma_wait3A_197 : memref<5x128xf32, #tpu.memory_space<hbm>>)
      tpu.yield
    }) : () -> ()
    return
  }
}

module attributes {stable_mosaic.version = 14 : i64} {
  func.func @_tc1_body(%arg0: i32, %arg1: memref<2000x128xf32, #tpu.memory_space<vmem>>, %arg2: memref<2x2000x1xf32, #tpu.memory_space<vmem>>, %arg3: memref<2000x1xf32, #tpu.memory_space<vmem>>, %arg4: memref<2000x128xf32, #tpu.memory_space<vmem>>) attributes {dimension_semantics = [#tpu.dimension_semantics<arbitrary>], iteration_bounds = array<i64: 5>, scalar_prefetch = 0 : i64, scratch_operands = 0 : i64, tpu.core_type = #tpu.core_type<tc>, window_params = [{transform_indices = @transform_0, window_bounds = array<i64: 2000, 128>}, {transform_indices = @transform_1, window_bounds = array<i64: 2, 2000, 1>}, {transform_indices = @transform_2, window_bounds = array<i64: 2000, 1>}, {transform_indices = @transform_3, window_bounds = array<i64: 2000, 128>}]} {
    %get3A = arith.constant 0 : index
    %get3A_0 = arith.constant 0 : index
    %get3A_1 = arith.constant 0 : index
    %get3A_2 = vector.load %arg2[%get3A, %get3A_0, %get3A_1] : memref<2x2000x1xf32, #tpu.memory_space<vmem>>, vector<1x2000x1xf32>
    %get3A_3 = vector.shape_cast %get3A_2 : vector<1x2000x1xf32> to vector<2000x1xf32>
    %get3A_4 = arith.constant 1 : index
    %get3A_5 = arith.constant 0 : index
    %get3A_6 = arith.constant 0 : index
    %get3A_7 = vector.load %arg2[%get3A_4, %get3A_5, %get3A_6] : memref<2x2000x1xf32, #tpu.memory_space<vmem>>, vector<1x2000x1xf32>
    %get3A_8 = vector.shape_cast %get3A_7 : vector<1x2000x1xf32> to vector<2000x1xf32>
    %add3A = arith.addf %get3A_3, %get3A_8 : vector<2000x1xf32>
    %add3A_9 = arith.constant 1.000000e+00 : f32
    %add3A_10 = vector.broadcast %add3A_9 : f32 to vector<2000x1xf32>
    %add3A_11 = arith.addf %add3A, %add3A_10 : vector<2000x1xf32>
    %rsqrt3A = math.rsqrt %add3A_11 : vector<2000x1xf32>
    %swap3A = arith.constant 0 : index
    %swap3A_12 = arith.constant 0 : index
    %swap3A_13 = vector.load %arg3[%swap3A, %swap3A_12] : memref<2000x1xf32, #tpu.memory_space<vmem>>, vector<2000x1xf32>
    tpu.vector_store %arg3[%swap3A, %swap3A_12], %rsqrt3A {strides = array<i32>} : memref<2000x1xf32, #tpu.memory_space<vmem>>, vector<2000x1xf32>,
    %get3A_14 = arith.constant 0 : index
    %get3A_15 = arith.constant 0 : index
    %get3A_16 = vector.load %arg1[%get3A_14, %get3A_15] : memref<2000x128xf32, #tpu.memory_space<vmem>>, vector<2000x128xf32>
    %mul3A = vector.broadcast %rsqrt3A : vector<2000x1xf32> to vector<2000x128xf32>
    %mul3A_17 = arith.mulf %get3A_16, %mul3A : vector<2000x128xf32>
    %swap3A_18 = arith.constant 0 : index
    %swap3A_19 = arith.constant 0 : index
    %swap3A_20 = vector.load %arg4[%swap3A_18, %swap3A_19] : memref<2000x128xf32, #tpu.memory_space<vmem>>, vector<2000x128xf32>
    tpu.vector_store %arg4[%swap3A_18, %swap3A_19], %mul3A_17 {strides = array<i32>} : memref<2000x128xf32, #tpu.memory_space<vmem>>, vector<2000x128xf32>,
    return
  }
  func.func @transform_0(%arg0: i32) -> (i32, i32) {
    %c0_i32 = arith.constant 0 : i32
    %c0_i32_0 = arith.constant 0 : i32
    return %arg0, %c0_i32 : i32, i32
  }
  func.func @transform_1(%arg0: i32) -> (i32, i32, i32) {
    %c0_i32 = arith.constant 0 : i32
    %c0_i32_0 = arith.constant 0 : i32
    %c0_i32_1 = arith.constant 0 : i32
    return %c0_i32, %arg0, %c0_i32_0 : i32, i32, i32
  }
  func.func @transform_2(%arg0: i32) -> (i32, i32) {
    %c0_i32 = arith.constant 0 : i32
    %c0_i32_0 = arith.constant 0 : i32
    return %arg0, %c0_i32 : i32, i32
  }
  func.func @transform_3(%arg0: i32) -> (i32, i32) {
    %c0_i32 = arith.constant 0 : i32
    %c0_i32_0 = arith.constant 0 : i32
    return %arg0, %c0_i32 : i32, i32
  }
}

module attributes {stable_mosaic.version = 14 : i64} {
  func.func @_tc2_body(%arg0: i32, %arg1: memref<2x2000x128xf32, #tpu.memory_space<vmem>>, %arg2: memref<2000x128xf32, #tpu.memory_space<vmem>>, %arg3: memref<2000x1xf32, #tpu.memory_space<vmem>>, %arg4: memref<128x256xf32, #tpu.memory_space<vmem>>, %arg5: memref<1x256xf32, #tpu.memory_space<vmem>>, %arg6: memref<2x2000x128xf32, #tpu.memory_space<vmem>>) attributes {dimension_semantics = [#tpu.dimension_semantics<arbitrary>], iteration_bounds = array<i64: 5>, scalar_prefetch = 0 : i64, scratch_operands = 0 : i64, tpu.core_type = #tpu.core_type<tc>, window_params = [{transform_indices = @transform_0, window_bounds = array<i64: 2, 2000, 128>}, {transform_indices = @transform_1, window_bounds = array<i64: 2000, 128>}, {transform_indices = @transform_2, window_bounds = array<i64: 2000, 1>}, {pipeline_mode = #tpu.pipeline_mode<synchronous>, transform_indices = @transform_3, window_bounds = array<i64: 128, 256>}, {pipeline_mode = #tpu.pipeline_mode<synchronous>, transform_indices = @transform_4, window_bounds = array<i64: 1, 256>}, {transform_indices = @transform_5, window_bounds = array<i64: 2, 2000, 128>}]} {
    %get3A = arith.constant 0 : index
    %get3A_0 = arith.constant 0 : index
    %get3A_1 = vector.load %arg3[%get3A, %get3A_0] : memref<2000x1xf32, #tpu.memory_space<vmem>>, vector<2000x1xf32>
    %get3A_2 = arith.constant 0 : index
    %get3A_3 = arith.constant 0 : index
    %get3A_4 = arith.constant 0 : index
    %get3A_5 = vector.load %arg1[%get3A_2, %get3A_3, %get3A_4] : memref<2x2000x128xf32, #tpu.memory_space<vmem>>, vector<1x2000x128xf32>
    %get3A_6 = vector.shape_cast %get3A_5 : vector<1x2000x128xf32> to vector<2000x128xf32>
    %get3A_7 = arith.constant 1 : index
    %get3A_8 = arith.constant 0 : index
    %get3A_9 = arith.constant 0 : index
    %get3A_10 = vector.load %arg1[%get3A_7, %get3A_8, %get3A_9] : memref<2x2000x128xf32, #tpu.memory_space<vmem>>, vector<1x2000x128xf32>
    %get3A_11 = vector.shape_cast %get3A_10 : vector<1x2000x128xf32> to vector<2000x128xf32>
    %add3A = arith.addf %get3A_6, %get3A_11 : vector<2000x128xf32>
    %get3A_12 = arith.constant 0 : index
    %get3A_13 = arith.constant 0 : index
    %get3A_14 = vector.load %arg2[%get3A_12, %get3A_13] : memref<2000x128xf32, #tpu.memory_space<vmem>>, vector<2000x128xf32>
    %add3A_15 = arith.addf %add3A, %get3A_14 : vector<2000x128xf32>
    %mul3A = vector.broadcast %get3A_1 : vector<2000x1xf32> to vector<2000x128xf32>
    %mul3A_16 = arith.mulf %add3A_15, %mul3A : vector<2000x128xf32>
    %get3A_17 = arith.constant 0 : index
    %get3A_18 = arith.constant 0 : index
    %get3A_19 = vector.load %arg4[%get3A_17, %get3A_18] : memref<128x256xf32, #tpu.memory_space<vmem>>, vector<128x256xf32>
    %dot_general3A = arith.constant dense<0.000000e+00> : vector<2000x256xf32>
    %dot_general3A_20 = tpu.matmul %mul3A_16, %get3A_19, %dot_general3A {dimension_numbers = #tpu.dot_dimension_numbers<[1], [0], [0], [1], [0, 0, 1, 1], [], []>, transpose_lhs_hint = false} : vector<2000x128xf32>, vector<128x256xf32>, vector<2000x256xf32> -> vector<2000x256xf32>
    %get3A_21 = arith.constant 0 : index
    %get3A_22 = arith.constant 0 : index
    %get3A_23 = vector.load %arg5[%get3A_21, %get3A_22] : memref<1x256xf32, #tpu.memory_space<vmem>>, vector<1x256xf32>
    %add3A_24 = vector.broadcast %get3A_23 : vector<1x256xf32> to vector<2000x256xf32>
    %add3A_25 = arith.addf %dot_general3A_20, %add3A_24 : vector<2000x256xf32>
    %max3A = arith.constant 0.000000e+00 : f32
    %max3A_26 = vector.broadcast %max3A : f32 to vector<2000x256xf32>
    %max3A_27 = arith.maximumf %add3A_25, %max3A_26 : vector<2000x256xf32>
    %mul3A_28 = vector.broadcast %get3A_1 : vector<2000x1xf32> to vector<2000x256xf32>
    %mul3A_29 = arith.mulf %max3A_27, %mul3A_28 : vector<2000x256xf32>
    %slice3A = vector.extract_strided_slice %mul3A_29 {offsets = [0, 0], sizes = [2000, 128], strides = [1, 1]} : vector<2000x256xf32> to vector<2000x128xf32>
    %swap3A = arith.constant 0 : index
    %swap3A_30 = arith.constant 0 : index
    %swap3A_31 = arith.constant 0 : index
    %swap3A_32 = vector.load %arg6[%swap3A, %swap3A_30, %swap3A_31] : memref<2x2000x128xf32, #tpu.memory_space<vmem>>, vector<1x2000x128xf32>
    %swap3A_33 = vector.shape_cast %swap3A_32 : vector<1x2000x128xf32> to vector<2000x128xf32>
    %swap3A_34 = vector.shape_cast %slice3A : vector<2000x128xf32> to vector<1x2000x128xf32>
    tpu.vector_store %arg6[%swap3A, %swap3A_30, %swap3A_31], %swap3A_34 {strides = array<i32>} : memref<2x2000x128xf32, #tpu.memory_space<vmem>>, vector<1x2000x128xf32>,
    %slice3A_35 = vector.extract_strided_slice %mul3A_29 {offsets = [0, 128], sizes = [2000, 128], strides = [1, 1]} : vector<2000x256xf32> to vector<2000x128xf32>
    %swap3A_36 = arith.constant 1 : index
    %swap3A_37 = arith.constant 0 : index
    %swap3A_38 = arith.constant 0 : index
    %swap3A_39 = vector.load %arg6[%swap3A_36, %swap3A_37, %swap3A_38] : memref<2x2000x128xf32, #tpu.memory_space<vmem>>, vector<1x2000x128xf32>
    %swap3A_40 = vector.shape_cast %swap3A_39 : vector<1x2000x128xf32> to vector<2000x128xf32>
    %swap3A_41 = vector.shape_cast %slice3A_35 : vector<2000x128xf32> to vector<1x2000x128xf32>
    tpu.vector_store %arg6[%swap3A_36, %swap3A_37, %swap3A_38], %swap3A_41 {strides = array<i32>} : memref<2x2000x128xf32, #tpu.memory_space<vmem>>, vector<1x2000x128xf32>,
    return
  }
  func.func @transform_0(%arg0: i32) -> (i32, i32, i32) {
    %c0_i32 = arith.constant 0 : i32
    %c0_i32_0 = arith.constant 0 : i32
    %c0_i32_1 = arith.constant 0 : i32
    return %c0_i32, %arg0, %c0_i32_0 : i32, i32, i32
  }
  func.func @transform_1(%arg0: i32) -> (i32, i32) {
    %c0_i32 = arith.constant 0 : i32
    %c0_i32_0 = arith.constant 0 : i32
    return %arg0, %c0_i32 : i32, i32
  }
  func.func @transform_2(%arg0: i32) -> (i32, i32) {
    %c0_i32 = arith.constant 0 : i32
    %c0_i32_0 = arith.constant 0 : i32
    return %arg0, %c0_i32 : i32, i32
  }
  func.func @transform_3(%arg0: i32) -> (i32, i32) {
    %c0_i32 = arith.constant 0 : i32
    %c0_i32_0 = arith.constant 0 : i32
    %c0_i32_1 = arith.constant 0 : i32
    return %c0_i32, %c0_i32_0 : i32, i32
  }
  func.func @transform_4(%arg0: i32) -> (i32, i32) {
    %c0_i32 = arith.constant 0 : i32
    %c0_i32_0 = arith.constant 0 : i32
    %c0_i32_1 = arith.constant 0 : i32
    return %c0_i32, %c0_i32_0 : i32, i32
  }
  func.func @transform_5(%arg0: i32) -> (i32, i32, i32) {
    %c0_i32 = arith.constant 0 : i32
    %c0_i32_0 = arith.constant 0 : i32
    %c0_i32_1 = arith.constant 0 : i32
    return %c0_i32, %arg0, %c0_i32_0 : i32, i32, i32
  }
}

module attributes {stable_mosaic.version = 14 : i64} {
  func.func @_tc3_body(%arg0: i32, %arg1: memref<2x2000x128xf32, #tpu.memory_space<vmem>>, %arg2: memref<2000x1xf32, #tpu.memory_space<vmem>>, %arg3: memref<256x256xf32, #tpu.memory_space<vmem>>, %arg4: memref<1x256xf32, #tpu.memory_space<vmem>>, %arg5: memref<256x1xf32, #tpu.memory_space<vmem>>, %arg6: memref<2000x1xf32, #tpu.memory_space<vmem>>) attributes {dimension_semantics = [#tpu.dimension_semantics<arbitrary>], iteration_bounds = array<i64: 5>, scalar_prefetch = 0 : i64, scratch_operands = 0 : i64, tpu.core_type = #tpu.core_type<tc>, window_params = [{transform_indices = @transform_0, window_bounds = array<i64: 2, 2000, 128>}, {transform_indices = @transform_1, window_bounds = array<i64: 2000, 1>}, {pipeline_mode = #tpu.pipeline_mode<synchronous>, transform_indices = @transform_2, window_bounds = array<i64: 256, 256>}, {pipeline_mode = #tpu.pipeline_mode<synchronous>, transform_indices = @transform_3, window_bounds = array<i64: 1, 256>}, {pipeline_mode = #tpu.pipeline_mode<synchronous>, transform_indices = @transform_4, window_bounds = array<i64: 256, 1>}, {transform_indices = @transform_5, window_bounds = array<i64: 2000, 1>}]} {
    %get3A = arith.constant 0 : index
    %get3A_0 = arith.constant 0 : index
    %get3A_1 = vector.load %arg2[%get3A, %get3A_0] : memref<2000x1xf32, #tpu.memory_space<vmem>>, vector<2000x1xf32>
    %get3A_2 = arith.constant 0 : index
    %get3A_3 = arith.constant 0 : index
    %get3A_4 = arith.constant 0 : index
    %get3A_5 = vector.load %arg1[%get3A_2, %get3A_3, %get3A_4] : memref<2x2000x128xf32, #tpu.memory_space<vmem>>, vector<1x2000x128xf32>
    %get3A_6 = vector.shape_cast %get3A_5 : vector<1x2000x128xf32> to vector<2000x128xf32>
    %get3A_7 = arith.constant 1 : index
    %get3A_8 = arith.constant 0 : index
    %get3A_9 = arith.constant 0 : index
    %get3A_10 = vector.load %arg1[%get3A_7, %get3A_8, %get3A_9] : memref<2x2000x128xf32, #tpu.memory_space<vmem>>, vector<1x2000x128xf32>
    %get3A_11 = vector.shape_cast %get3A_10 : vector<1x2000x128xf32> to vector<2000x128xf32>
    %concatenate3A = tpu.concatenate %get3A_6, %get3A_11 in 1 : vector<2000x128xf32>, vector<2000x128xf32> -> vector<2000x256xf32>
    %mul3A = vector.broadcast %get3A_1 : vector<2000x1xf32> to vector<2000x256xf32>
    %mul3A_12 = arith.mulf %concatenate3A, %mul3A : vector<2000x256xf32>
    %get3A_13 = arith.constant 0 : index
    %get3A_14 = arith.constant 0 : index
    %get3A_15 = vector.load %arg3[%get3A_13, %get3A_14] : memref<256x256xf32, #tpu.memory_space<vmem>>, vector<256x256xf32>
    %dot_general3A = arith.constant dense<0.000000e+00> : vector<2000x256xf32>
    %dot_general3A_16 = tpu.matmul %mul3A_12, %get3A_15, %dot_general3A {dimension_numbers = #tpu.dot_dimension_numbers<[1], [0], [0], [1], [0, 0, 1, 1], [], []>, transpose_lhs_hint = false} : vector<2000x256xf32>, vector<256x256xf32>, vector<2000x256xf32> -> vector<2000x256xf32>
    %get3A_17 = arith.constant 0 : index
    %get3A_18 = arith.constant 0 : index
    %get3A_19 = vector.load %arg4[%get3A_17, %get3A_18] : memref<1x256xf32, #tpu.memory_space<vmem>>, vector<1x256xf32>
    %add3A = vector.broadcast %get3A_19 : vector<1x256xf32> to vector<2000x256xf32>
    %add3A_20 = arith.addf %dot_general3A_16, %add3A : vector<2000x256xf32>
    %max3A = arith.constant 0.000000e+00 : f32
    %max3A_21 = vector.broadcast %max3A : f32 to vector<2000x256xf32>
    %max3A_22 = arith.maximumf %add3A_20, %max3A_21 : vector<2000x256xf32>
    %get3A_23 = arith.constant 0 : index
    %get3A_24 = arith.constant 0 : index
    %get3A_25 = vector.load %arg5[%get3A_23, %get3A_24] : memref<256x1xf32, #tpu.memory_space<vmem>>, vector<256x1xf32>
    %dot_general3A_26 = arith.constant dense<0.000000e+00> : vector<2000x1xf32>
    %dot_general3A_27 = tpu.matmul %max3A_22, %get3A_25, %dot_general3A_26 {dimension_numbers = #tpu.dot_dimension_numbers<[1], [0], [0], [1], [0, 0, 1, 1], [], []>, transpose_lhs_hint = false} : vector<2000x256xf32>, vector<256x1xf32>, vector<2000x1xf32> -> vector<2000x1xf32>
    %mul3A_28 = arith.mulf %dot_general3A_27, %get3A_1 : vector<2000x1xf32>
    %swap3A = arith.constant 0 : index
    %swap3A_29 = arith.constant 0 : index
    %swap3A_30 = vector.load %arg6[%swap3A, %swap3A_29] : memref<2000x1xf32, #tpu.memory_space<vmem>>, vector<2000x1xf32>
    tpu.vector_store %arg6[%swap3A, %swap3A_29], %mul3A_28 {strides = array<i32>} : memref<2000x1xf32, #tpu.memory_space<vmem>>, vector<2000x1xf32>,
    return
  }
  func.func @transform_0(%arg0: i32) -> (i32, i32, i32) {
    %c0_i32 = arith.constant 0 : i32
    %c0_i32_0 = arith.constant 0 : i32
    %c0_i32_1 = arith.constant 0 : i32
    return %c0_i32, %arg0, %c0_i32_0 : i32, i32, i32
  }
  func.func @transform_1(%arg0: i32) -> (i32, i32) {
    %c0_i32 = arith.constant 0 : i32
    %c0_i32_0 = arith.constant 0 : i32
    return %arg0, %c0_i32 : i32, i32
  }
  func.func @transform_2(%arg0: i32) -> (i32, i32) {
    %c0_i32 = arith.constant 0 : i32
    %c0_i32_0 = arith.constant 0 : i32
    %c0_i32_1 = arith.constant 0 : i32
    return %c0_i32, %c0_i32_0 : i32, i32
  }
  func.func @transform_3(%arg0: i32) -> (i32, i32) {
    %c0_i32 = arith.constant 0 : i32
    %c0_i32_0 = arith.constant 0 : i32
    %c0_i32_1 = arith.constant 0 : i32
    return %c0_i32, %c0_i32_0 : i32, i32
  }
  func.func @transform_4(%arg0: i32) -> (i32, i32) {
    %c0_i32 = arith.constant 0 : i32
    %c0_i32_0 = arith.constant 0 : i32
    %c0_i32_1 = arith.constant 0 : i32
    return %c0_i32, %c0_i32_0 : i32, i32
  }
  func.func @transform_5(%arg0: i32) -> (i32, i32) {
    %c0_i32 = arith.constant 0 : i32
    %c0_i32_0 = arith.constant 0 : i32
    return %arg0, %c0_i32 : i32, i32
  }
}

module attributes {stable_mosaic.version = 14 : i64} {
  func.func @_tc4_body(%arg0: i32, %arg1: memref<2x2000x1xf32, #tpu.memory_space<vmem>>, %arg2: memref<2000x1xf32, #tpu.memory_space<vmem>>, %arg3: memref<2000x1xf32, #tpu.memory_space<vmem>>, %arg4: memref<1x1xf32, #tpu.memory_space<vmem>>, %arg5: memref<2000x1xf32, #tpu.memory_space<vmem>>) attributes {dimension_semantics = [#tpu.dimension_semantics<arbitrary>], iteration_bounds = array<i64: 5>, scalar_prefetch = 0 : i64, scratch_operands = 0 : i64, tpu.core_type = #tpu.core_type<tc>, window_params = [{transform_indices = @transform_0, window_bounds = array<i64: 2, 2000, 1>}, {transform_indices = @transform_1, window_bounds = array<i64: 2000, 1>}, {transform_indices = @transform_2, window_bounds = array<i64: 2000, 1>}, {pipeline_mode = #tpu.pipeline_mode<synchronous>, transform_indices = @transform_3, window_bounds = array<i64: 1, 1>}, {transform_indices = @transform_4, window_bounds = array<i64: 2000, 1>}]} {
    %get3A = arith.constant 0 : index
    %get3A_0 = arith.constant 0 : index
    %get3A_1 = arith.constant 0 : index
    %get3A_2 = vector.load %arg1[%get3A, %get3A_0, %get3A_1] : memref<2x2000x1xf32, #tpu.memory_space<vmem>>, vector<1x2000x1xf32>
    %get3A_3 = vector.shape_cast %get3A_2 : vector<1x2000x1xf32> to vector<2000x1xf32>
    %get3A_4 = arith.constant 1 : index
    %get3A_5 = arith.constant 0 : index
    %get3A_6 = arith.constant 0 : index
    %get3A_7 = vector.load %arg1[%get3A_4, %get3A_5, %get3A_6] : memref<2x2000x1xf32, #tpu.memory_space<vmem>>, vector<1x2000x1xf32>
    %get3A_8 = vector.shape_cast %get3A_7 : vector<1x2000x1xf32> to vector<2000x1xf32>
    %add3A = arith.addf %get3A_3, %get3A_8 : vector<2000x1xf32>
    %get3A_9 = arith.constant 0 : index
    %get3A_10 = arith.constant 0 : index
    %get3A_11 = vector.load %arg2[%get3A_9, %get3A_10] : memref<2000x1xf32, #tpu.memory_space<vmem>>, vector<2000x1xf32>
    %add3A_12 = arith.addf %add3A, %get3A_11 : vector<2000x1xf32>
    %get3A_13 = arith.constant 0 : index
    %get3A_14 = arith.constant 0 : index
    %get3A_15 = vector.load %arg3[%get3A_13, %get3A_14] : memref<2000x1xf32, #tpu.memory_space<vmem>>, vector<2000x1xf32>
    %mul3A = arith.mulf %get3A_15, %add3A_12 : vector<2000x1xf32>
    %get3A_16 = arith.constant 0 : index
    %get3A_17 = arith.constant 0 : index
    %get3A_18 = vector.load %arg4[%get3A_16, %get3A_17] : memref<1x1xf32, #tpu.memory_space<vmem>>, vector<1x1xf32>
    %add3A_19 = vector.broadcast %get3A_18 : vector<1x1xf32> to vector<2000x1xf32>
    %add3A_20 = arith.addf %mul3A, %add3A_19 : vector<2000x1xf32>
    %logistic3A = arith.negf %add3A_20 : vector<2000x1xf32>
    %logistic3A_21 = math.exp %logistic3A : vector<2000x1xf32>
    %logistic3A_22 = arith.constant 1.000000e+00 : f32
    %logistic3A_23 = vector.broadcast %logistic3A_22 : f32 to vector<2000x1xf32>
    %logistic3A_24 = arith.addf %logistic3A_23, %logistic3A_21 : vector<2000x1xf32>
    %logistic3A_25 = arith.divf %logistic3A_23, %logistic3A_24 : vector<2000x1xf32>
    %swap3A = arith.constant 0 : index
    %swap3A_26 = arith.constant 0 : index
    %swap3A_27 = vector.load %arg5[%swap3A, %swap3A_26] : memref<2000x1xf32, #tpu.memory_space<vmem>>, vector<2000x1xf32>
    tpu.vector_store %arg5[%swap3A, %swap3A_26], %logistic3A_25 {strides = array<i32>} : memref<2000x1xf32, #tpu.memory_space<vmem>>, vector<2000x1xf32>,
    return
  }
  func.func @transform_0(%arg0: i32) -> (i32, i32, i32) {
    %c0_i32 = arith.constant 0 : i32
    %c0_i32_0 = arith.constant 0 : i32
    %c0_i32_1 = arith.constant 0 : i32
    return %c0_i32, %arg0, %c0_i32_0 : i32, i32, i32
  }
  func.func @transform_1(%arg0: i32) -> (i32, i32) {
    %c0_i32 = arith.constant 0 : i32
    %c0_i32_0 = arith.constant 0 : i32
    return %arg0, %c0_i32 : i32, i32
  }
  func.func @transform_2(%arg0: i32) -> (i32, i32) {
    %c0_i32 = arith.constant 0 : i32
    %c0_i32_0 = arith.constant 0 : i32
    return %arg0, %c0_i32 : i32, i32
  }
  func.func @transform_3(%arg0: i32) -> (i32, i32) {
    %c0_i32 = arith.constant 0 : i32
    %c0_i32_0 = arith.constant 0 : i32
    %c0_i32_1 = arith.constant 0 : i32
    return %c0_i32, %c0_i32_0 : i32, i32
  }
  func.func @transform_4(%arg0: i32) -> (i32, i32) {
    %c0_i32 = arith.constant 0 : i32
    %c0_i32_0 = arith.constant 0 : i32
    return %arg0, %c0_i32 : i32, i32
  }
}

</mosaic_0001>

<sc_bundles>
// kernel: kernel.10.cloned.1.call-start
scs
__scs_entry_jumppad:
0x0: {  	(pc) =	sbr.rel $0x88, $3  }
0x1: {  	(tag) =	ssettag $0x0;
	lr =	simm.s32 $0x1  }
0x2: {  	[smem:$0x3F99] =	sst lr;
	_ =	strace $0xD0000000  }
0x3: {  	_ = 	snop  }
0x4: {  	_ = 	snop  }
0x5: {  	_ = 	snop  }
0x6: {  	_ = 	snop  }
0x7: {  	_ = 	snop  }
__scs_overlays_trampoline_lowered:
0x8: {  	[smem:$0x3FA8] =	sst s0  }
0x9: {  	[smem:$0x3FA9] =	sst s1  }
0xa: {  	[smem:$0x3FAA] =	sst s2  }
0xb: {  	[smem:$0x3FAB] =	sst s3  }
0xc: {  	[smem:$0x3FAC] =	sst s4  }
0xd: {  	[smem:$0x3FAD] =	sst s5  }
0xe: {  	[smem:$0x3FAE] =	sst s6  }
0xf: {  	[smem:$0x3FAF] =	sst s7  }
0x10: {  	[smem:$0x3FB0] =	sst s8  }
0x11: {  	[smem:$0x3FB1] =	sst s9;
	s0 =	simm.s32 @!p0 $0x0  }
0x12: {  	s1 =	sld [smem:$0x3F97];
	s0 =	simm.s32 @p0 $0x1  }
0x13: {  	[smem:$0x3FB2] =	sst s0;
	s0 =	simm.s32 @!p1 $0x0  }
0x14: {  	s2 =	sld [smem:$0x3F96];
	s0 =	simm.s32 @p1 $0x1  }
0x15: {  	[smem:$0x3FB3] =	sst s0;
	s0 =	simm.s32 @!p2 $0x0  }
0x16: {  	s3 =	sld [smem:$0x3FDB];
	s0 =	simm.s32 @p2 $0x1  }
0x17: {  	s4 =	simm.s32 $0x1BF5;
	[smem:$0x3FB5] =	sst s0  }
0x18: {  	s0 =	sld [smem:$0x3F98];
	_ =	swait.ge [sflag:s4], $0x0  }
0x19: {  	s7 =	sld [smem:$0x3F99]  }
0x1a: {  	s8 =	sadd.s32 $0xFFFFE003, lr  }
0x1b: {  	s9 =	sadd.s32 $0xFFFFFEF7, lr;
	s5 =	simm.s32 $0xFFFFFFFF;
	p2 =	slt.u32 s8, $0xFFFFF086  }
0x1c: {  	p1 =	slt.u32 s9, $0xF7A;
	s5 =	simm.s32 @!p2 $0x0  }
0x1d: {  	s5 =	simm.s32 @p1 $0x1;
	p0 =	seq.s32 s7, s2  }
0x1e: {  	s7 =	smul.u32 @!p0 $0xF7A, s2;
	p2 =	seq.s32 @!p0 s5, $0x0  }
0x1f: {  	s9 =	smul.u32 $0xF7A, s1;
	s8 =	simm.s32 @!p0 $0x1BF5;
	p2 =	por !p2, p0  }
0x20: {  	[sflag:s8] =	ssyncset.s32 @!p0 $0xFFFFF086;
	s6 =	sadd.s32 @!p0 s3, s7;
	s7 =	simm.s32 @!p0 $0x108  }
0x21: {  	s3 =	sadd.s32 s3, s9;
	s6 =	sadd.s32 @!p0 $0x88, s6;
	s7 =	simm.s32 @p2 $0x1082  }
0x22: {  	[simem:s7], [sflag:s8] =	dma.local @!p0 [hbm:s6], $0xF7A  }
0x23: {  	s9 =	sor.u32 $0xD0000000, s2;
	s6 =	simm.s32 $0x108;
	_ =	swait.ge @!p0 [sflag:s8], $0x0  }
0x24: {  	s3 =	sadd.s32 $0x88, s3;
	s6 =	simm.s32 @!p1 $0x1082;
	[sflag:s4] =	ssyncset.s32 $0xFFFFF086  }
0x25: {  	[simem:s6], [sflag:s4] =	dma.local [hbm:s3], $0xF7A  }
0x26: {  	[smem:$0x3F99] =	sst s1;
	(tag) =	ssettag s2;
	_ =	strace s9  }
0x27: {  	s1 =	sld [smem:$0x3FA9]  }
0x28: {  	s2 =	sld [smem:$0x3FAA]  }
0x29: {  	s4 =	sld [smem:$0x3FAC]  }
0x2a: {  	p0 =	seq.s32 s5, $0x0;
	s5 =	sld [smem:$0x3FAD]  }
0x2b: {  	s6 =	sld [smem:$0x3FAE]  }
0x2c: {  	s7 =	sld [smem:$0x3FAF]  }
0x2d: {  	s3 =	simm.s32 $0x108;
	s8 =	sld [smem:$0x3FB0]  }
0x2e: {  	s3 =	simm.s32 @!p0 $0x1082;
	s9 =	sld [smem:$0x3FB1]  }
0x2f: {  	lr =	sadd.s32 s0, s3;
	s0 =	sld [smem:$0x3FA8]  }
0x30: {  	s3 =	sld [smem:$0x3FAB]  }
0x31: {  	[smem:$0x3FB4] =	sst s10  }
0x32: {  	s10 =	sld [smem:$0x3FB2];
	_ =	sdelay $0x3  }
0x33: {  	p0 =	seq.s32 s10, $0x1;
	s10 =	sld [smem:$0x3FB4];
	_ =	sdelay $0x3  }
0x34: {  	[smem:$0x3FB4] =	sst s10  }
0x35: {  	s10 =	sld [smem:$0x3FB3];
	_ =	sdelay $0x3  }
0x36: {  	p1 =	seq.s32 s10, $0x1;
	s10 =	sld [smem:$0x3FB4];
	_ =	sdelay $0x3  }
0x37: {  	[smem:$0x3FB4] =	sst s10  }
0x38: {  	s10 =	sld [smem:$0x3FB5]  }
0x39: {  	_ = 	snop;
	(pc) =	sbr.ind lr, $3  }
0x3a: {  	_ = 	snop  }
0x3b: {  	_ = 	snop  }
0x3c: {  	p2 =	seq.s32 s10, $0x1;
	s10 =	sld [smem:$0x3FB4]  }
0x3d: {  	_ =	shalt  }
0x3e: {  	_ =	shalt  }
0x3f: {  	_ =	shalt  }
0x40: {  	_ =	shalt  }
0x41: {  	_ =	shalt  }
0x42: {  	_ =	shalt  }
0x43: {  	_ =	shalt  }
0x44: {  	_ =	shalt  }
0x45: {  	_ =	shalt  }
0x46: {  	_ =	shalt  }
0x47: {  	_ =	shalt  }
0x48: {  	_ =	shalt  }
0x49: {  	_ =	shalt  }
0x4a: {  	_ =	shalt  }
0x4b: {  	_ =	shalt  }
0x4c: {  	_ =	shalt  }
0x4d: {  	_ =	shalt  }
0x4e: {  	_ =	shalt  }
0x4f: {  	_ =	shalt  }
0x50: {  	_ =	shalt  }
0x51: {  	_ =	shalt  }
0x52: {  	_ =	shalt  }
0x53: {  	_ =	shalt  }
0x54: {  	_ =	shalt  }
0x55: {  	_ =	shalt  }
0x56: {  	_ =	shalt  }
0x57: {  	_ =	shalt  }
0x58: {  	_ =	shalt  }
0x59: {  	_ =	shalt  }
0x5a: {  	_ =	shalt  }
0x5b: {  	_ =	shalt  }
0x5c: {  	_ =	shalt  }
0x5d: {  	_ =	shalt  }
0x5e: {  	_ =	shalt  }
0x5f: {  	_ =	shalt  }
0x60: {  	_ =	shalt  }
0x61: {  	_ =	shalt  }
0x62: {  	_ =	shalt  }
0x63: {  	_ =	shalt  }
0x64: {  	_ =	shalt  }
0x65: {  	_ =	shalt  }
0x66: {  	_ =	shalt  }
0x67: {  	_ =	shalt  }
0x68: {  	_ =	shalt  }
0x69: {  	_ =	shalt  }
0x6a: {  	_ =	shalt  }
0x6b: {  	_ =	shalt  }
0x6c: {  	_ =	shalt  }
0x6d: {  	_ =	shalt  }
0x6e: {  	_ =	shalt  }
0x6f: {  	_ =	shalt  }
0x70: {  	_ =	shalt  }
0x71: {  	_ =	shalt  }
0x72: {  	_ =	shalt  }
0x73: {  	_ =	shalt  }
0x74: {  	_ =	shalt  }
0x75: {  	_ =	shalt  }
0x76: {  	_ =	shalt  }
0x77: {  	_ =	shalt  }
0x78: {  	_ =	shalt  }
0x79: {  	_ =	shalt  }
0x7a: {  	_ =	shalt  }
0x7b: {  	_ =	shalt  }
0x7c: {  	_ =	shalt  }
0x7d: {  	_ =	shalt  }
0x7e: {  	_ =	shalt  }
0x7f: {  	_ =	shalt  }
0x80: {  	_ =	shalt  }
0x81: {  	_ =	shalt  }
0x82: {  	_ =	shalt  }
0x83: {  	_ =	shalt  }
0x84: {  	_ =	shalt  }
0x85: {  	_ =	shalt  }
0x86: {  	_ =	shalt  }
0x87: {  	_ =	shalt  }
.Lfunc_end0:
.L_simem_size_0:
called_computation_lowered:
.L_overlay_start_0:
0x88: {  	s2 =	sld [smem:$0x3FD9]  }
0x89: {  	s3 =	sld [smem:$0x3FFE];
	_ =	sdelay $0x1  }
0x8a: {  	s1 =	srdreg.scid  }
0x8b: {  	s0 =	sand.u32 $0x1, s1  }
0x8c: {  	s16 =	sshll.u32 s0, $0xA;
	s2 =	sadd.s32 s3, s2  }
0x8d: {  	s2 =	sadd.s32 s2, s16  }
0x8e: {  	[smem:$0x3FC0] =	sst s2  }
0x8f: {  	_ = 	snop  }
0x90: {  	(tm) =	ssettm $0x1  }
0x91: {  	s17 =	sld [smem:$0x3FFB];
	_ =	sdelay $0x3  }
0x92: {  	_ =	strace s17  }
0x93: {  	s2 =	sld [smem:$0x3FFC];
	_ =	sdelay $0x3  }
0x94: {  	_ =	strace s2  }
0x95: {  	s2 =	sld [smem:$0x3FFD];
	_ =	sdelay $0x3  }
0x96: {  	_ =	strace s2  }
0x97: {  	_ =	strace $0x8FFFFFFF  }
0x98: {  	s18 =	sld [smem:$0x3FDB];
	_ =	sdelay $0x1  }
0x99: {  	s19 =	simm.s32 $_scs_section_size  }
0x9a: {  	s4 =	simm.s32 $_size__tile_overlayer_lowered;
	s5 =	simm.s32 $_tile_overlayer_lowered  }
0x9b: {  	s22 =	simm.s32 $0x1BFF;
	s21 =	sshll.u32 s5, $0x1;
	s2 =	sadd.s32 s19, s18  }
0x9c: {  	s6 =	simm.s32 $0x0;
	s20 =	sshll.u32 s4, $0x1;
	s4 =	sadd.s32 s21, s2  }
0x9d: {  	[timem:s6], [sflag:s22] =	dma.local [hbm:s4], s20  }
0x9e: {  	_ =	swait.ge [sflag:s22], s20  }
0x9f: {  	s3 =	ssub.s32 $0x0, s20;
	[sflag:s22] =	ssyncset.done $0x0  }
0xa0: {  	[sflag:s22] =	ssyncadd.s32 s3;
	_ =	sdelay $0x1  }
0xa1: {  	s23 =	simm.s32 $0x1B8B  }
0xa2: {  	_ =	swait.ge [sflag:s23], $0x1  }
0xa3: {  	[sflag:s23] =	ssyncset.done $0x0  }
0xa4: {  	s25 =	simm.s32 $0x1B8E;
	s24 =	sld [smem:$0x3FFE];
	[sflag:s23] =	ssyncadd.s32 $0xFFFFFFFF  }
0xa5: {  	s26 =	simm.s32 $execute0_lowered;
	[smem:$0x3FD2] =	sst s25  }
0xa6: {  	s4 =	sshll.u32 s26, $0x1;
	_ =	strace $0x80000046;
	[dreg:$0x1] =	wrdreg $0xFFFFFFFF  }
0xa7: {  	s28 =	simm.s32 $_size_execute0_lowered;
	s2 =	sadd.s32 s2, s4;
	[dreg:$0x0] =	wrdreg $0x0  }
0xa8: {  	s4 =	sshll.u32 s28, $0x1;
	[dreg:$0x2] =	wrdreg s2  }
0xa9: {  	[dreg:$0x3] =	wrdreg s4  }
0xaa: {  	[dreg:$0x4] =	wrdreg $0xC0  }
0xab: {  	_ =	task [dreg:s6], $0x5FFFF  }
0xac: {  	[dreg:$0x1] =	wrdreg $0xFFFFFFFF  }
0xad: {  	[dreg:$0x0] =	wrdreg $0x60  }
0xae: {  	[dreg:$0x2] =	wrdreg s24  }
0xaf: {  	[dreg:$0x3] =	wrdreg $0x0  }
0xb0: {  	[dreg:$0x4] =	wrdreg $0x9  }
0xb1: {  	_ =	task.clear_ibuf [dreg:s6], $0x5FFFF;
	_ =	strace $0x90000046  }
0xb2: {  	s29 =	simm.s32 $0x9;
	_ =	strace $0x80000048  }
0xb3: {  	_ =	swait.ge [sflag:s29], $0x1  }
0xb4: {  	[sflag:s29] =	ssyncadd.s32 $0xFFFFFFFF  }
0xb5: {  	_ =	strace $0x90000048  }
0xb6: {  	_ =	sfence  }
0xb7: {  	s30 =	sld [smem:$0x0];
	_ =	sdelay $0x2  }
0xb8: {  	s31 =	sshll.u32 s1, $0xD;
	s1 =	sshrl.u32 s1, $0x2  }
0xb9: {  	s3 =	sand.u32 $0x4000, s31;
	s1 =	sadd.s32 s1, s30  }
0xba: {  	s0 =	sor.u32 s3, s0;
	s1 =	sshll.u32 s1, $0x11  }
0xbb: {  	s0 =	sor.u32 s1, s0  }
0xbc: {  	s0 =	sadd.s32 $0x8F2B, s0  }
0xbd: {  	[sflag:s0] =	ssyncadd.remote.s32 $0x1  }
0xbe: {  	_ =	sfence.sel $0xFFFF  }
0xbf: {  	[dreg:$0x0] =	wrdreg $0xFFFFFFFF;
	(pc) =	sbr.abs _section_cstart, $3  }
0xc0: {  	[dreg:$0x1] =	wrdreg $0xFFFFFFFF  }
0xc1: {  	_ =	task.clear_ibuf [dreg:s6], $0x2FFFF;
	_ =	strace $0x9FFFFFFF  }
0xc2: {  	(tm) =	ssettm $0x7FFFFFFF  }
0xc3: {  	_ =	shalt  }
tec
execute0_lowered:
.L_overlay_start_1:
0x0: {  	(tag) =	ssettag $0x1  }
0x1: {  	s0 =	srdreg.scid;
	s3 =	rddreg [dreg:$0x0]  }
0x2: {  	s5 =	rddreg [dreg:$0x1];
	s2 =	simm.s32 $0x0;
	s11 =	simm.s32 $0x7C00  }
0x3: {  	s12 =	simm.s32 $0x7800;
	s13 =	simm.s32 $0x0;
	s4 =	sand.u32 $0x1, s0  }
0x4: {  	s0 =	stileid.u32;
	[smem:$0x7FF] =	sst s2;
	s1 =	sshll.u32 s4, $0x4  }
0x5: {  	s7 =	ssub.s32 $0x2, s4;
	s8 =	sshll.u32 s0, $0x7;
	s10 =	smul.u32 $0xA000, s0  }
0x6: {  	s28 =	smul.u32 $0xA00, s0;
	s30 =	sshll.u32 s4, $0xB;
	s6 =	sor.u32 s0, s1  }
0x7: {  	s1 =	rddreg [dreg:$0x2];
	_ =	strace $0x80000047;
	s9 =	sshrl.u32 s7, $0x1  }
0x8: {  	s8 =	sadd.s32 s8, s3;
	s6 =	smul.u32 $0x500, s6;
	s7 =	ssub.s32 s7, s9  }
0x9: {  	s29 =	sshrl.u32 s10, $0x2;
	s31 =	sshrl.u32 s28, $0x2;
	s8 =	sadd.s32 s30, s8  }
0xa: {  	s9 =	simm.s32 $0x1;
	s10 =	simm.s32 $0x2800;
	s4 =	sadd.s32 s29, s5  }
0xb: {  	s5 =	sadd.s32 s31, s5;
	s7 =	smax.u32 s7, $0x1;
	s6 =	sadd.s32 s6, s3  }
0xc: {  	v0 =	vimm.f32 $0.0e+00;
	v1 =	vimm.f32 $1.000000000e+00;
	s3 =	sadd.s32 $0x2000, s6;
	s6 =	sadd.s32 $0xC000, s8;
	s8 =	simm.s32 $0x5000  }
.LBB2_1:
0xd: {  	s14 =	simm.s32 $0x0;
	s15 =	simm.s32 $0x200  }
.LBB2_2:
0xe: {  	p0 =	sne.s32 s15, $0x9E00;
	[tilespmem:s14+$0x2870] =	vst v0  }
0xf: {  	[tilespmem:s14+$0x2800] =	vst v0  }
0x10: {  	[tilespmem:s14+$0x2810] =	vst v0  }
.Ltmp0:
0x11: {  	[tilespmem:s14+$0x2820] =	vst v0;
	(pc) =	sbr.rel @p0 .LBB2_2-.Ltmp0, $4  }
0x12: {  	[tilespmem:s14+$0x2830] =	vst v0  }
0x13: {  	[tilespmem:s14+$0x2840] =	vst v0  }
0x14: {  	[tilespmem:s14+$0x2850] =	vst v0  }
0x15: {  	[tilespmem:s14+$0x2860] =	vst v0;
	s14 =	sshra.s32 s15, $0x2;
	s15 =	sadd.s32 $0x200, s15  }
0x16: {  	[tilespmem:s14+$0x2870] =	vst v0  }
0x17: {  	[tilespmem:s14+$0x2800] =	vst v0  }
0x18: {  	[tilespmem:s14+$0x2810] =	vst v0  }
0x19: {  	[tilespmem:s14+$0x2820] =	vst v0  }
0x1a: {  	[tilespmem:s14+$0x2830] =	vst v0  }
0x1b: {  	[tilespmem:s14+$0x2840] =	vst v0  }
0x1c: {  	[tilespmem:s14+$0x2850] =	vst v0  }
0x1d: {  	[tilespmem:s14+$0x2860] =	vst v0;
	s14 =	simm.s32 $0x0  }
0x1e: {  	[tilespmem:s8], [sflag:$0x1] =	stream.linear.gather [hbm4b:s3+s14], $0x2800, $0x38;
	[tilespmem:$0x8000] =	vst v63  }
0x1f: {  	_ =	swait.ge [sflag:s9], $0x2800  }
0x20: {  	[sflag:s9] =	ssyncset.done $0x0  }
0x21: {  	[sflag:s9] =	ssyncadd.s32 $0xFFFFD800  }
.LBB2_4:
0x22: {  	s15 =	sshra.s32 s14, $0x2  }
0x23: {  	v2 =	vld [tilespmem:s15+$0x5000];
	_ =	sdelay $0x7  }
0x24: {  	[tilespmem:v2+s10+$0x0] =	vst.idx.add.f32.msk $0xffff, v1  }
0x25: {  	v2 =	vld [tilespmem:s15+$0x5010];
	_ =	sdelay $0x7  }
0x26: {  	[tilespmem:v2+s10+$0x0] =	vst.idx.add.f32.msk $0xffff, v1  }
0x27: {  	v2 =	vld [tilespmem:s15+$0x5020];
	_ =	sdelay $0x7  }
0x28: {  	[tilespmem:v2+s10+$0x0] =	vst.idx.add.f32.msk $0xffff, v1  }
0x29: {  	v2 =	vld [tilespmem:s15+$0x5030];
	_ =	sdelay $0x7  }
0x2a: {  	[tilespmem:v2+s10+$0x0] =	vst.idx.add.f32.msk $0xffff, v1  }
0x2b: {  	v2 =	vld [tilespmem:s15+$0x5040];
	_ =	sdelay $0x7  }
0x2c: {  	[tilespmem:v2+s10+$0x0] =	vst.idx.add.f32.msk $0xffff, v1  }
0x2d: {  	v2 =	vld [tilespmem:s15+$0x5050];
	_ =	sdelay $0x7  }
0x2e: {  	[tilespmem:v2+s10+$0x0] =	vst.idx.add.f32.msk $0xffff, v1  }
0x2f: {  	v2 =	vld [tilespmem:s15+$0x5060];
	_ =	sdelay $0x7  }
0x30: {  	[tilespmem:v2+s10+$0x0] =	vst.idx.add.f32.msk $0xffff, v1  }
0x31: {  	v2 =	vld [tilespmem:s15+$0x5070];
	_ =	sdelay $0x2  }
0x32: {  	p0 =	sne.s32 s14, $0x9E00  }
.Ltmp1:
0x33: {  	_ = 	snop;
	(pc) =	sbr.rel @p0 .LBB2_4-.Ltmp1, $2  }
0x34: {  	_ =	sdelay $0x2  }
0x35: {  	s14 =	sadd.s32 $0x200, s14;
	[tilespmem:v2+s10+$0x0] =	vst.idx.add.f32.msk $0xffff, v1  }
0x36: {  	[spmem:s4] =	stream.linear.scatter [tilespmem:s10], [sflag:$0x1], $0x2800, $0x38;
	[tilespmem:$0x8000] =	vst v63  }
0x37: {  	_ =	swait.ge [sflag:s9], $0x2800  }
0x38: {  	[sflag:s9] =	ssyncset.done $0x0  }
0x39: {  	[sflag:s9] =	ssyncadd.s32 $0xFFFFD800  }
0x3a: {  	[bflag:$0x0] =	sbarrier.arrive $0xFFFF  }
0x3b: {  	[tilespmem:$0x7800] =	vst v0  }
0x3c: {  	[tilespmem:$0x7810] =	vst v0  }
0x3d: {  	[tilespmem:$0x7820] =	vst v0  }
0x3e: {  	[tilespmem:$0x7830] =	vst v0  }
0x3f: {  	[tilespmem:$0x7840] =	vst v0  }
0x40: {  	[tilespmem:$0x7850] =	vst v0  }
0x41: {  	[tilespmem:$0x7860] =	vst v0  }
0x42: {  	[tilespmem:$0x7870] =	vst v0  }
0x43: {  	[tilespmem:$0x7880] =	vst v0  }
0x44: {  	[tilespmem:$0x7890] =	vst v0  }
0x45: {  	[tilespmem:$0x78A0] =	vst v0  }
0x46: {  	[tilespmem:$0x78B0] =	vst v0  }
0x47: {  	[tilespmem:$0x78C0] =	vst v0  }
0x48: {  	[tilespmem:$0x78D0] =	vst v0  }
0x49: {  	[tilespmem:$0x78E0] =	vst v0  }
0x4a: {  	[tilespmem:$0x78F0] =	vst v0  }
0x4b: {  	[tilespmem:$0x7900] =	vst v0  }
0x4c: {  	[tilespmem:$0x7910] =	vst v0  }
0x4d: {  	[tilespmem:$0x7920] =	vst v0  }
0x4e: {  	[tilespmem:$0x7930] =	vst v0  }
0x4f: {  	[tilespmem:$0x7940] =	vst v0  }
0x50: {  	[tilespmem:$0x7950] =	vst v0  }
0x51: {  	[tilespmem:$0x7960] =	vst v0  }
0x52: {  	[tilespmem:$0x7970] =	vst v0  }
0x53: {  	[tilespmem:$0x7980] =	vst v0  }
0x54: {  	[tilespmem:$0x7990] =	vst v0  }
0x55: {  	[tilespmem:$0x79A0] =	vst v0  }
0x56: {  	[tilespmem:$0x79B0] =	vst v0  }
0x57: {  	[tilespmem:$0x79C0] =	vst v0  }
0x58: {  	[tilespmem:$0x79D0] =	vst v0  }
0x59: {  	[tilespmem:$0x79E0] =	vst v0  }
0x5a: {  	[tilespmem:$0x79F0] =	vst v0  }
0x5b: {  	[tilespmem:$0x7A00] =	vst v0  }
0x5c: {  	[tilespmem:$0x7A10] =	vst v0  }
0x5d: {  	[tilespmem:$0x7A20] =	vst v0  }
0x5e: {  	[tilespmem:$0x7A30] =	vst v0  }
0x5f: {  	[tilespmem:$0x7A40] =	vst v0  }
0x60: {  	[tilespmem:$0x7A50] =	vst v0  }
0x61: {  	[tilespmem:$0x7A60] =	vst v0  }
0x62: {  	s14 =	simm.s32 $0x0;
	[tilespmem:$0x7A70] =	vst v0  }
.LBB2_6:
0x63: {  	s15 =	sshra.s32 s14, $0x2  }
0x64: {  	s15 =	sadd.s32 s15, s5  }
0x65: {  	[tilespmem:s11], [sflag:$0x1] =	stream.linear.gather [spmem:s15], $0x280, $0x38;
	[tilespmem:$0x8000] =	vst v63  }
0x66: {  	_ =	swait.ge [sflag:s9], $0x280  }
0x67: {  	[sflag:s9] =	ssyncset.done $0x0  }
0x68: {  	[sflag:s9] =	ssyncadd.s32 $0xFFFFFD80  }
0x69: {  	v2 =	vld [tilespmem:$0x7800]  }
0x6a: {  	v3 =	vld [tilespmem:$0x7C00]  }
0x6b: {  	v4 =	vld [tilespmem:$0x7810]  }
0x6c: {  	v5 =	vld [tilespmem:$0x7C10]  }
0x6d: {  	v6 =	vld [tilespmem:$0x7820]  }
0x6e: {  	v7 =	vld [tilespmem:$0x7C20]  }
0x6f: {  	v8 =	vld [tilespmem:$0x7830]  }
0x70: {  	v9 =	vld [tilespmem:$0x7C30]  }
0x71: {  	v10 =	vld [tilespmem:$0x7840]  }
0x72: {  	v11 =	vld [tilespmem:$0x7C40]  }
0x73: {  	v12 =	vld [tilespmem:$0x7850]  }
0x74: {  	v13 =	vld [tilespmem:$0x7C50]  }
0x75: {  	v14 =	vld [tilespmem:$0x7860]  }
0x76: {  	v15 =	vld [tilespmem:$0x7C60]  }
0x77: {  	v16 =	vld [tilespmem:$0x7870]  }
0x78: {  	v17 =	vld [tilespmem:$0x7C70]  }
0x79: {  	v18 =	vld [tilespmem:$0x7880]  }
0x7a: {  	v19 =	vld [tilespmem:$0x7C80]  }
0x7b: {  	v20 =	vld [tilespmem:$0x7890]  }
0x7c: {  	v21 =	vld [tilespmem:$0x7C90]  }
0x7d: {  	v22 =	vld [tilespmem:$0x78A0]  }
0x7e: {  	v23 =	vld [tilespmem:$0x7CA0]  }
0x7f: {  	v24 =	vld [tilespmem:$0x78B0]  }
0x80: {  	v25 =	vld [tilespmem:$0x7CB0]  }
0x81: {  	v26 =	vld [tilespmem:$0x78C0]  }
0x82: {  	v27 =	vld [tilespmem:$0x7CC0]  }
0x83: {  	v28 =	vld [tilespmem:$0x78D0]  }
0x84: {  	v29 =	vld [tilespmem:$0x7CD0]  }
0x85: {  	v30 =	vld [tilespmem:$0x78E0]  }
0x86: {  	v31 =	vld [tilespmem:$0x7CE0]  }
0x87: {  	v32 =	vld [tilespmem:$0x78F0]  }
0x88: {  	v33 =	vld [tilespmem:$0x7CF0]  }
0x89: {  	v34 =	vld [tilespmem:$0x7900]  }
0x8a: {  	v35 =	vld [tilespmem:$0x7D00]  }
0x8b: {  	v36 =	vld [tilespmem:$0x7910]  }
0x8c: {  	v37 =	vld [tilespmem:$0x7D10]  }
0x8d: {  	v38 =	vld [tilespmem:$0x7920]  }
0x8e: {  	v39 =	vld [tilespmem:$0x7D20]  }
0x8f: {  	v40 =	vld [tilespmem:$0x7930]  }
0x90: {  	v41 =	vld [tilespmem:$0x7D30]  }
0x91: {  	v42 =	vld [tilespmem:$0x7940]  }
0x92: {  	v43 =	vld [tilespmem:$0x7D40]  }
0x93: {  	v44 =	vld [tilespmem:$0x7950]  }
0x94: {  	v45 =	vld [tilespmem:$0x7D50]  }
0x95: {  	v46 =	vld [tilespmem:$0x7960]  }
0x96: {  	v47 =	vld [tilespmem:$0x7970];
	v2 =	vadd.f32 v3, v2  }
0x97: {  	v48 =	vld [tilespmem:$0x7D70];
	v4 =	vadd.f32 v5, v4  }
0x98: {  	v50 =	vld [tilespmem:$0x7980];
	[tilespmem:$0x7800] =	vst v2;
	v2 =	vadd.f32 v7, v6  }
0x99: {  	v51 =	vld [tilespmem:$0x7D80];
	v49 =	vadd.f32 v9, v8;
	[tilespmem:$0x7810] =	vst v4  }
0x9a: {  	v53 =	vld [tilespmem:$0x7990];
	[tilespmem:$0x7820] =	vst v2;
	v2 =	vadd.f32 v11, v10  }
0x9b: {  	v54 =	vld [tilespmem:$0x7D90];
	v52 =	vadd.f32 v13, v12;
	[tilespmem:$0x7830] =	vst v49  }
0x9c: {  	v56 =	vld [tilespmem:$0x79A0];
	[tilespmem:$0x7840] =	vst v2;
	v2 =	vadd.f32 v15, v14  }
0x9d: {  	v57 =	vld [tilespmem:$0x7DA0];
	v55 =	vadd.f32 v17, v16;
	[tilespmem:$0x7850] =	vst v52  }
0x9e: {  	v59 =	vld [tilespmem:$0x79B0];
	[tilespmem:$0x7860] =	vst v2;
	v2 =	vadd.f32 v19, v18  }
0x9f: {  	v60 =	vld [tilespmem:$0x7DB0];
	v58 =	vadd.f32 v21, v20;
	[tilespmem:$0x7870] =	vst v55  }
0xa0: {  	v62 =	vld [tilespmem:$0x79C0];
	[tilespmem:$0x7880] =	vst v2;
	v2 =	vadd.f32 v23, v22  }
0xa1: {  	v63 =	vld [tilespmem:$0x7DC0];
	v61 =	vadd.f32 v25, v24;
	[tilespmem:$0x7890] =	vst v58  }
0xa2: {  	v3 =	vld [tilespmem:$0x7D60];
	[tilespmem:$0x78A0] =	vst v2;
	v2 =	vadd.f32 v27, v26  }
0xa3: {  	v28 =	vadd.f32 v29, v28;
	v29 =	vld [tilespmem:$0x79D0];
	[tilespmem:$0x78B0] =	vst v61  }
0xa4: {  	v32 =	vadd.f32 v33, v32;
	v33 =	vld [tilespmem:$0x79E0];
	[tilespmem:$0x78C0] =	vst v2;
	v2 =	vadd.f32 v31, v30  }
0xa5: {  	v36 =	vadd.f32 v37, v36;
	v37 =	vld [tilespmem:$0x79F0];
	[tilespmem:$0x78D0] =	vst v28  }
0xa6: {  	v40 =	vadd.f32 v41, v40;
	v41 =	vld [tilespmem:$0x7A00];
	[tilespmem:$0x78E0] =	vst v2;
	v2 =	vadd.f32 v35, v34  }
0xa7: {  	v44 =	vadd.f32 v45, v44;
	v45 =	vld [tilespmem:$0x7A10];
	[tilespmem:$0x78F0] =	vst v32  }
0xa8: {  	v47 =	vadd.f32 v48, v47;
	v48 =	vld [tilespmem:$0x7A20];
	[tilespmem:$0x7900] =	vst v2;
	v2 =	vadd.f32 v39, v38  }
0xa9: {  	[tilespmem:$0x7910] =	vst v36;
	v49 =	vld [tilespmem:$0x7E20]  }
0xaa: {  	v52 =	vld [tilespmem:$0x7E30];
	[tilespmem:$0x7920] =	vst v2;
	v2 =	vadd.f32 v43, v42  }
0xab: {  	[tilespmem:$0x7930] =	vst v40;
	v55 =	vld [tilespmem:$0x7E40]  }
0xac: {  	v58 =	vld [tilespmem:$0x7E50];
	[tilespmem:$0x7940] =	vst v2;
	v2 =	vadd.f32 v3, v46  }
0xad: {  	[tilespmem:$0x7950] =	vst v44;
	v39 =	vld [tilespmem:$0x7DF0]  }
0xae: {  	v61 =	vld [tilespmem:$0x7E60];
	[tilespmem:$0x7960] =	vst v2;
	v2 =	vadd.f32 v51, v50  }
0xaf: {  	[tilespmem:$0x7970] =	vst v47;
	v31 =	vld [tilespmem:$0x7DD0];
	v50 =	vadd.f32 v54, v53  }
0xb0: {  	v35 =	vld [tilespmem:$0x7DE0];
	v53 =	vadd.f32 v60, v59;
	[tilespmem:$0x7980] =	vst v2  }
0xb1: {  	v3 =	vld [tilespmem:$0x7E10];
	v2 =	vadd.f32 v57, v56;
	[tilespmem:$0x7990] =	vst v50  }
0xb2: {  	v43 =	vld [tilespmem:$0x7E00];
	v59 =	vadd.f32 v39, v37;
	[tilespmem:$0x79B0] =	vst v53  }
0xb3: {  	v51 =	vld [tilespmem:$0x7A30];
	[tilespmem:$0x79A0] =	vst v2;
	v2 =	vadd.f32 v63, v62  }
0xb4: {  	v54 =	vld [tilespmem:$0x7A40];
	v56 =	vadd.f32 v31, v29;
	[tilespmem:$0x79F0] =	vst v59  }
0xb5: {  	v57 =	vld [tilespmem:$0x7A50];
	[tilespmem:$0x79C0] =	vst v2;
	v2 =	vadd.f32 v35, v33  }
0xb6: {  	v3 =	vadd.f32 v3, v45;
	[tilespmem:$0x79D0] =	vst v56;
	v62 =	vld [tilespmem:$0x7A70]  }
0xb7: {  	v63 =	vld [tilespmem:$0x7E70];
	[tilespmem:$0x79E0] =	vst v2;
	v2 =	vadd.f32 v43, v41  }
0xb8: {  	v60 =	vld [tilespmem:$0x7A60];
	[tilespmem:$0x7A10] =	vst v3;
	v3 =	vadd.f32 v52, v51  }
0xb9: {  	[tilespmem:$0x7A00] =	vst v2;
	v2 =	vadd.f32 v49, v48  }
0xba: {  	p0 =	sne.s32 s14, $0x96000;
	[tilespmem:$0x7A30] =	vst v3;
	v3 =	vadd.f32 v58, v57  }
.Ltmp2:
0xbb: {  	[tilespmem:$0x7A20] =	vst v2;
	v2 =	vadd.f32 v55, v54;
	(pc) =	sbr.rel @p0 .LBB2_6-.Ltmp2, $4  }
0xbc: {  	[tilespmem:$0x7A50] =	vst v3;
	v3 =	vadd.f32 v63, v62  }
0xbd: {  	[tilespmem:$0x7A40] =	vst v2;
	v2 =	vadd.f32 v61, v60  }
0xbe: {  	[tilespmem:$0x7A70] =	vst v3  }
0xbf: {  	s14 =	sadd.s32 $0xA000, s14;
	[tilespmem:$0x7A60] =	vst v2  }
0xc0: {  	s13 =	sadd.s32 $0x1, s13  }
0xc1: {  	p0 =	sne.s32 s13, s7  }
.Ltmp3:
0xc2: {  	_ = 	snop;
	(pc) =	sbr.rel @p0 .LBB2_1-.Ltmp3, $4  }
0xc3: {  	[hbm4b:s6+s2] =	stream.linear.scatter [tilespmem:s12], [sflag:$0x1], $0x280, $0x38;
	[tilespmem:$0x8000] =	vst v63  }
0xc4: {  	_ =	swait.ge [sflag:s9], $0x280  }
0xc5: {  	[sflag:s9] =	ssyncset.done $0x0  }
0xc6: {  	[sflag:s9] =	ssyncadd.s32 $0xFFFFFD80  }
0xc7: {  	_ =	sfence.sel $0x180000  }
0xc8: {  	[bflag:$0x0] =	sbarrier.arrive $0xFFFF  }
0xc9: {  	p0 =	sne.s32 s0, $0x0;
	_ =	strace $0x90000047  }
0xca: {  	s0 =	sadd.s32 @!p0 $0x100000, s1;
	[bflag:$0x2] =	sbarrier.arrive $0xFFFF  }
0xcb: {  	[sflag:s0] =	ssyncadd.tile.s32 @!p0 $0x1;
	_ =	shalt  }
.Lfunc_end2:
_tile_overlayer_lowered:
.L_overlay_start_2:
0xcc: {  	(tag) =	ssettag $0x2  }
0xcd: {  	s0 =	rddreg [dreg:$0x0];
	s2 =	stileid.u32  }
0xce: {  	s1 =	rddreg [dreg:$0x1];
	p0 =	sne.s32 s2, $0x0  }
0xcf: {  	s3 =	rddreg [dreg:$0x2];
	[bflag:$0x3] =	sbarrier.arrive $0xFFFF;
	s2 =	simm.s32 @!p0 $0x1C01  }
0xd0: {  	[timem:s3], [sflag:s2] =	dma.local @!p0 [hbm:s0], s1  }
0xd1: {  	s0 =	simm.s32 @!p0 $0x1  }
0xd2: {  	_ =	swait.ge @!p0 [sflag:s0], s1  }
0xd3: {  	s1 =	ssub.s32 @!p0 $0x0, s1;
	[sflag:s0] =	ssyncset.done @!p0 $0x0  }
0xd4: {  	[sflag:s0] =	ssyncadd.s32 @!p0 s1  }
0xd5: {  	[bflag:$0x3] =	sbarrier.arrive $0xFFFF  }
0xd6: {  	_ =	shalt  }

// kernel: kernel.13.cloned.1.call-start
scs
__scs_entry_jumppad:
0x0: {  	(pc) =	sbr.rel $0x88, $3  }
0x1: {  	(tag) =	ssettag $0x0;
	lr =	simm.s32 $0x1  }
0x2: {  	[smem:$0x3F99] =	sst lr;
	_ =	strace $0xD0000000  }
0x3: {  	_ = 	snop  }
0x4: {  	_ = 	snop  }
0x5: {  	_ = 	snop  }
0x6: {  	_ = 	snop  }
0x7: {  	_ = 	snop  }
__scs_overlays_trampoline_lowered:
0x8: {  	[smem:$0x3FA8] =	sst s0  }
0x9: {  	[smem:$0x3FA9] =	sst s1  }
0xa: {  	[smem:$0x3FAA] =	sst s2  }
0xb: {  	[smem:$0x3FAB] =	sst s3  }
0xc: {  	[smem:$0x3FAC] =	sst s4  }
0xd: {  	[smem:$0x3FAD] =	sst s5  }
0xe: {  	[smem:$0x3FAE] =	sst s6  }
0xf: {  	[smem:$0x3FAF] =	sst s7  }
0x10: {  	[smem:$0x3FB0] =	sst s8  }
0x11: {  	[smem:$0x3FB1] =	sst s9;
	s0 =	simm.s32 @!p0 $0x0  }
0x12: {  	s1 =	sld [smem:$0x3F97];
	s0 =	simm.s32 @p0 $0x1  }
0x13: {  	[smem:$0x3FB2] =	sst s0;
	s0 =	simm.s32 @!p1 $0x0  }
0x14: {  	s2 =	sld [smem:$0x3F96];
	s0 =	simm.s32 @p1 $0x1  }
0x15: {  	[smem:$0x3FB3] =	sst s0;
	s0 =	simm.s32 @!p2 $0x0  }
0x16: {  	s3 =	sld [smem:$0x3FDB];
	s0 =	simm.s32 @p2 $0x1  }
0x17: {  	s4 =	simm.s32 $0x1BF5;
	[smem:$0x3FB5] =	sst s0  }
0x18: {  	s0 =	sld [smem:$0x3F98];
	_ =	swait.ge [sflag:s4], $0x0  }
0x19: {  	s7 =	sld [smem:$0x3F99]  }
0x1a: {  	s8 =	sadd.s32 $0xFFFFE003, lr  }
0x1b: {  	s9 =	sadd.s32 $0xFFFFFEF7, lr;
	s5 =	simm.s32 $0xFFFFFFFF;
	p2 =	slt.u32 s8, $0xFFFFF086  }
0x1c: {  	p1 =	slt.u32 s9, $0xF7A;
	s5 =	simm.s32 @!p2 $0x0  }
0x1d: {  	s5 =	simm.s32 @p1 $0x1;
	p0 =	seq.s32 s7, s2  }
0x1e: {  	s7 =	smul.u32 @!p0 $0xF7A, s2;
	p2 =	seq.s32 @!p0 s5, $0x0  }
0x1f: {  	s9 =	smul.u32 $0xF7A, s1;
	s8 =	simm.s32 @!p0 $0x1BF5;
	p2 =	por !p2, p0  }
0x20: {  	[sflag:s8] =	ssyncset.s32 @!p0 $0xFFFFF086;
	s6 =	sadd.s32 @!p0 s3, s7;
	s7 =	simm.s32 @!p0 $0x108  }
0x21: {  	s3 =	sadd.s32 s3, s9;
	s6 =	sadd.s32 @!p0 $0x88, s6;
	s7 =	simm.s32 @p2 $0x1082  }
0x22: {  	[simem:s7], [sflag:s8] =	dma.local @!p0 [hbm:s6], $0xF7A  }
0x23: {  	s9 =	sor.u32 $0xD0000000, s2;
	s6 =	simm.s32 $0x108;
	_ =	swait.ge @!p0 [sflag:s8], $0x0  }
0x24: {  	s3 =	sadd.s32 $0x88, s3;
	s6 =	simm.s32 @!p1 $0x1082;
	[sflag:s4] =	ssyncset.s32 $0xFFFFF086  }
0x25: {  	[simem:s6], [sflag:s4] =	dma.local [hbm:s3], $0xF7A  }
0x26: {  	[smem:$0x3F99] =	sst s1;
	(tag) =	ssettag s2;
	_ =	strace s9  }
0x27: {  	s1 =	sld [smem:$0x3FA9]  }
0x28: {  	s2 =	sld [smem:$0x3FAA]  }
0x29: {  	s4 =	sld [smem:$0x3FAC]  }
0x2a: {  	p0 =	seq.s32 s5, $0x0;
	s5 =	sld [smem:$0x3FAD]  }
0x2b: {  	s6 =	sld [smem:$0x3FAE]  }
0x2c: {  	s7 =	sld [smem:$0x3FAF]  }
0x2d: {  	s3 =	simm.s32 $0x108;
	s8 =	sld [smem:$0x3FB0]  }
0x2e: {  	s3 =	simm.s32 @!p0 $0x1082;
	s9 =	sld [smem:$0x3FB1]  }
0x2f: {  	lr =	sadd.s32 s0, s3;
	s0 =	sld [smem:$0x3FA8]  }
0x30: {  	s3 =	sld [smem:$0x3FAB]  }
0x31: {  	[smem:$0x3FB4] =	sst s10  }
0x32: {  	s10 =	sld [smem:$0x3FB2];
	_ =	sdelay $0x3  }
0x33: {  	p0 =	seq.s32 s10, $0x1;
	s10 =	sld [smem:$0x3FB4];
	_ =	sdelay $0x3  }
0x34: {  	[smem:$0x3FB4] =	sst s10  }
0x35: {  	s10 =	sld [smem:$0x3FB3];
	_ =	sdelay $0x3  }
0x36: {  	p1 =	seq.s32 s10, $0x1;
	s10 =	sld [smem:$0x3FB4];
	_ =	sdelay $0x3  }
0x37: {  	[smem:$0x3FB4] =	sst s10  }
0x38: {  	s10 =	sld [smem:$0x3FB5]  }
0x39: {  	_ = 	snop;
	(pc) =	sbr.ind lr, $3  }
0x3a: {  	_ = 	snop  }
0x3b: {  	_ = 	snop  }
0x3c: {  	p2 =	seq.s32 s10, $0x1;
	s10 =	sld [smem:$0x3FB4]  }
0x3d: {  	_ =	shalt  }
0x3e: {  	_ =	shalt  }
0x3f: {  	_ =	shalt  }
0x40: {  	_ =	shalt  }
0x41: {  	_ =	shalt  }
0x42: {  	_ =	shalt  }
0x43: {  	_ =	shalt  }
0x44: {  	_ =	shalt  }
0x45: {  	_ =	shalt  }
0x46: {  	_ =	shalt  }
0x47: {  	_ =	shalt  }
0x48: {  	_ =	shalt  }
0x49: {  	_ =	shalt  }
0x4a: {  	_ =	shalt  }
0x4b: {  	_ =	shalt  }
0x4c: {  	_ =	shalt  }
0x4d: {  	_ =	shalt  }
0x4e: {  	_ =	shalt  }
0x4f: {  	_ =	shalt  }
0x50: {  	_ =	shalt  }
0x51: {  	_ =	shalt  }
0x52: {  	_ =	shalt  }
0x53: {  	_ =	shalt  }
0x54: {  	_ =	shalt  }
0x55: {  	_ =	shalt  }
0x56: {  	_ =	shalt  }
0x57: {  	_ =	shalt  }
0x58: {  	_ =	shalt  }
0x59: {  	_ =	shalt  }
0x5a: {  	_ =	shalt  }
0x5b: {  	_ =	shalt  }
0x5c: {  	_ =	shalt  }
0x5d: {  	_ =	shalt  }
0x5e: {  	_ =	shalt  }
0x5f: {  	_ =	shalt  }
0x60: {  	_ =	shalt  }
0x61: {  	_ =	shalt  }
0x62: {  	_ =	shalt  }
0x63: {  	_ =	shalt  }
0x64: {  	_ =	shalt  }
0x65: {  	_ =	shalt  }
0x66: {  	_ =	shalt  }
0x67: {  	_ =	shalt  }
0x68: {  	_ =	shalt  }
0x69: {  	_ =	shalt  }
0x6a: {  	_ =	shalt  }
0x6b: {  	_ =	shalt  }
0x6c: {  	_ =	shalt  }
0x6d: {  	_ =	shalt  }
0x6e: {  	_ =	shalt  }
0x6f: {  	_ =	shalt  }
0x70: {  	_ =	shalt  }
0x71: {  	_ =	shalt  }
0x72: {  	_ =	shalt  }
0x73: {  	_ =	shalt  }
0x74: {  	_ =	shalt  }
0x75: {  	_ =	shalt  }
0x76: {  	_ =	shalt  }
0x77: {  	_ =	shalt  }
0x78: {  	_ =	shalt  }
0x79: {  	_ =	shalt  }
0x7a: {  	_ =	shalt  }
0x7b: {  	_ =	shalt  }
0x7c: {  	_ =	shalt  }
0x7d: {  	_ =	shalt  }
0x7e: {  	_ =	shalt  }
0x7f: {  	_ =	shalt  }
0x80: {  	_ =	shalt  }
0x81: {  	_ =	shalt  }
0x82: {  	_ =	shalt  }
0x83: {  	_ =	shalt  }
0x84: {  	_ =	shalt  }
0x85: {  	_ =	shalt  }
0x86: {  	_ =	shalt  }
0x87: {  	_ =	shalt  }
.Lfunc_end0:
.L_simem_size_0:
called_computation.1_lowered:
.L_overlay_start_0:
0x88: {  	s2 =	sld [smem:$0x3FD9]  }
0x89: {  	s3 =	sld [smem:$0x3FFE];
	_ =	sdelay $0x1  }
0x8a: {  	s1 =	srdreg.scid  }
0x8b: {  	s0 =	sand.u32 $0x1, s1  }
0x8c: {  	s16 =	sshll.u32 s0, $0xA;
	s2 =	sadd.s32 s3, s2  }
0x8d: {  	s2 =	sadd.s32 s2, s16  }
0x8e: {  	[smem:$0x3FC0] =	sst s2  }
0x8f: {  	_ = 	snop  }
0x90: {  	(tm) =	ssettm $0x1  }
0x91: {  	s17 =	sld [smem:$0x3FFB];
	_ =	sdelay $0x3  }
0x92: {  	_ =	strace s17  }
0x93: {  	s2 =	sld [smem:$0x3FFC];
	_ =	sdelay $0x3  }
0x94: {  	_ =	strace s2  }
0x95: {  	s2 =	sld [smem:$0x3FFD];
	_ =	sdelay $0x3  }
0x96: {  	_ =	strace s2  }
0x97: {  	_ =	strace $0x8FFFFFFF  }
0x98: {  	s18 =	sld [smem:$0x3FDB];
	_ =	sdelay $0x1  }
0x99: {  	s19 =	simm.s32 $_scs_section_size  }
0x9a: {  	s4 =	simm.s32 $_size__tile_overlayer_lowered;
	s5 =	simm.s32 $_tile_overlayer_lowered  }
0x9b: {  	s22 =	simm.s32 $0x1BFF;
	s21 =	sshll.u32 s5, $0x1;
	s2 =	sadd.s32 s19, s18  }
0x9c: {  	s6 =	simm.s32 $0x0;
	s20 =	sshll.u32 s4, $0x1;
	s4 =	sadd.s32 s21, s2  }
0x9d: {  	[timem:s6], [sflag:s22] =	dma.local [hbm:s4], s20  }
0x9e: {  	_ =	swait.ge [sflag:s22], s20  }
0x9f: {  	s3 =	ssub.s32 $0x0, s20;
	[sflag:s22] =	ssyncset.done $0x0  }
0xa0: {  	[sflag:s22] =	ssyncadd.s32 s3;
	_ =	sdelay $0x1  }
0xa1: {  	s23 =	simm.s32 $0x1B8B  }
0xa2: {  	_ =	swait.ge [sflag:s23], $0x1  }
0xa3: {  	[sflag:s23] =	ssyncset.done $0x0  }
0xa4: {  	s25 =	simm.s32 $0x1B8E;
	s24 =	sld [smem:$0x3FFE];
	[sflag:s23] =	ssyncadd.s32 $0xFFFFFFFF  }
0xa5: {  	s26 =	simm.s32 $execute0_lowered;
	[smem:$0x3FD2] =	sst s25  }
0xa6: {  	s4 =	sshll.u32 s26, $0x1;
	_ =	strace $0x80000049;
	[dreg:$0x1] =	wrdreg $0xFFFFFFFF  }
0xa7: {  	s28 =	simm.s32 $_size_execute0_lowered;
	s2 =	sadd.s32 s2, s4;
	[dreg:$0x0] =	wrdreg $0x0  }
0xa8: {  	s4 =	sshll.u32 s28, $0x1;
	[dreg:$0x2] =	wrdreg s2  }
0xa9: {  	[dreg:$0x3] =	wrdreg s4  }
0xaa: {  	[dreg:$0x4] =	wrdreg $0xC0  }
0xab: {  	_ =	task [dreg:s6], $0x5FFFF  }
0xac: {  	[dreg:$0x1] =	wrdreg $0xFFFFFFFF  }
0xad: {  	[dreg:$0x0] =	wrdreg $0x60  }
0xae: {  	[dreg:$0x2] =	wrdreg s24  }
0xaf: {  	[dreg:$0x3] =	wrdreg $0x0  }
0xb0: {  	[dreg:$0x4] =	wrdreg $0x9  }
0xb1: {  	_ =	task.clear_ibuf [dreg:s6], $0x5FFFF;
	_ =	strace $0x90000049  }
0xb2: {  	s29 =	simm.s32 $0x9;
	_ =	strace $0x8000004B  }
0xb3: {  	_ =	swait.ge [sflag:s29], $0x1  }
0xb4: {  	[sflag:s29] =	ssyncadd.s32 $0xFFFFFFFF  }
0xb5: {  	_ =	strace $0x9000004B  }
0xb6: {  	_ =	sfence  }
0xb7: {  	s30 =	sld [smem:$0x0];
	_ =	sdelay $0x2  }
0xb8: {  	s31 =	sshll.u32 s1, $0xD;
	s1 =	sshrl.u32 s1, $0x2  }
0xb9: {  	s3 =	sand.u32 $0x4000, s31;
	s1 =	sadd.s32 s1, s30  }
0xba: {  	s0 =	sor.u32 s3, s0;
	s1 =	sshll.u32 s1, $0x11  }
0xbb: {  	s0 =	sor.u32 s1, s0  }
0xbc: {  	s0 =	sadd.s32 $0x8F2B, s0  }
0xbd: {  	[sflag:s0] =	ssyncadd.remote.s32 $0x1  }
0xbe: {  	_ =	sfence.sel $0xFFFF  }
0xbf: {  	[dreg:$0x0] =	wrdreg $0xFFFFFFFF;
	(pc) =	sbr.abs _section_cstart, $3  }
0xc0: {  	[dreg:$0x1] =	wrdreg $0xFFFFFFFF  }
0xc1: {  	_ =	task.clear_ibuf [dreg:s6], $0x2FFFF;
	_ =	strace $0x9FFFFFFF  }
0xc2: {  	(tm) =	ssettm $0x7FFFFFFF  }
0xc3: {  	_ =	shalt  }
tec
execute0_lowered:
.L_overlay_start_1:
0x0: {  	(tag) =	ssettag $0x1  }
0x1: {  	s0 =	rddreg [dreg:$0x0]  }
0x2: {  	s1 =	rddreg [dreg:$0x1]  }
0x3: {  	s2 =	srdreg.scid;
	s3 =	simm.s32 $0x0;
	s8 =	stileid.u32  }
0x4: {  	s13 =	simm.s32 $0x3;
	s14 =	simm.s32 $0x13C00;
	s15 =	simm.s32 $0x14400  }
0x5: {  	s16 =	simm.s32 $0x80;
	s17 =	simm.s32 $0x14C00;
	s28 =	simm.s32 $0x14000  }
0x6: {  	s29 =	simm.s32 $0x14780;
	s30 =	simm.s32 $0x14080;
	s31 =	simm.s32 $0x14800  }
0x7: {  	s12 =	simm.s32 $0x14900;
	s18 =	simm.s32 $0x14A00;
	s2 =	sand.u32 $0x1, s2  }
0x8: {  	[smem:$0x7FF] =	sst s3;
	s6 =	smul.u32 $0x13C00, s8;
	s4 =	sadd.s32 $0x17000, s0  }
0x9: {  	s9 =	sadd.s32 $0xD000, s0;
	s10 =	sadd.s32 $0x2000, s0;
	s19 =	smul.u32 $0x4F000, s8  }
0xa: {  	s7 =	sadd.s32 $0x3E800, s0;
	s22 =	sshll.u32 s8, $0x6;
	s23 =	sshll.u32 s8, $0xB  }
0xb: {  	s8 =	sshll.u32 s8, $0x9;
	_ =	strace $0x8000004A;
	[dreg:$0x5] =	wrdreg s9  }
0xc: {  	s5 =	smul.u32 $0x13C000, s2;
	[dreg:$0x7] =	wrdreg s7;
	s20 =	ssub.s32 $0x2, s2  }
0xd: {  	s11 =	sor.u32 $0x1C03, s22;
	p0 =	seq.s32 s2, $0x1;
	s24 =	sor.u32 $0x8000, s8  }
0xe: {  	[dreg:$0x6] =	wrdreg s10;
	s25 =	sadd.s32 s23, s10;
	s26 =	sadd.s32 s23, s9  }
0xf: {  	s22 =	simm.s32 $0x2;
	s10 =	simm.s32 $0x14100;
	s8 =	simm.s32 $0x14180  }
0x10: {  	s9 =	simm.s32 $0x14280;
	s23 =	simm.s32 $0x14A80;
	[dreg:$0x9] =	wrdreg s24  }
0x11: {  	s21 =	sshrl.u32 s20, $0x1;
	[dreg:$0x3] =	wrdreg s25;
	s2 =	smov.u32 s11  }
0x12: {  	[dreg:$0x4] =	wrdreg s26;
	s11 =	simm.s32 $0x14880;
	s24 =	simm.s32 $0x14380  }
0x13: {  	s25 =	simm.s32 $0x14B00;
	s26 =	simm.s32 $0x14B80;
	s5 =	sadd.s32 s6, s5  }
0x14: {  	s6 =	sshrl.u32 s19, $0x2;
	s19 =	simm.s32 $0x18C00;
	[dreg:$0x8] =	wrdreg s2  }
.Ltmp0:
0x15: {  	s5 =	sshrl.u32 s5, $0x3;
	s6 =	sadd.s32 s6, s1;
	(pc) =	sbr.rel .LBB2_1-.Ltmp0, $4  }
0x16: {  	s0 =	sadd.s32 s5, s0;
	s5 =	ssub.s32 s20, s21;
	s7 =	sshrl.u32 s6, $0x3  }
0x17: {  	s20 =	simm.s32 $0x1;
	s0 =	sadd.s32 $0x41000, s0;
	[dreg:$0xc] =	wrdreg s7  }
0x18: {  	s6 =	simm.s32 $0x14980;
	s5 =	smax.u32 s5, $0x1;
	[dreg:$0xa] =	wrdreg s0  }
0x19: {  	s21 =	simm.s32 $0x14300;
	[dreg:$0xb] =	wrdreg s5;
	s5 =	simm.s32 $0x0  }
.LBB2_4:
0x1a: {  	[sflag:s13] =	ssyncset.done $0x0  }
0x1b: {  	[sflag:s13] =	ssyncadd.s32 $0xFFFFC000  }
.LBB2_6:
0x1c: {  	[bflag:$0x0] =	sbarrier.arrive $0xFFFF  }
0x1d: {  	s2 =	rddreg [dreg:$0x8]  }
0x1e: {  	s0 =	rddreg [dreg:$0xa]  }
0x1f: {  	s7 =	rddreg [dreg:$0xc]  }
0x20: {  	[hbm:s0], [sflag:s2] =	dma.local [spmem:s7], $0x2780  }
0x21: {  	_ =	swait.ge [sflag:s13], $0x2780  }
0x22: {  	s5 =	rddreg [dreg:$0xd]  }
0x23: {  	s0 =	rddreg [dreg:$0xb];
	s5 =	sadd.s32 $0x1, s5  }
0x24: {  	p1 =	sne.s32 s5, s0  }
.Ltmp1:
0x25: {  	_ = 	snop;
	(pc) =	sbr.rel @!p1 .LBB2_7-.Ltmp1, $3  }
0x26: {  	_ =	sdelay $0x1  }
0x27: {  	[sflag:s13] =	ssyncset.done $0x0  }
0x28: {  	[sflag:s13] =	ssyncadd.s32 $0xFFFFD880  }
.LBB2_1:
0x29: {  	[dreg:$0xd] =	wrdreg s5  }
0x2a: {  	s0 =	rddreg [dreg:$0x7]  }
0x2b: {  	[spmem:s7], [sflag:s2] =	dma.local [hbm:s0], $0x2780  }
.Ltmp2:
0x2c: {  	_ =	swait.ge [sflag:s13], $0x2780;
	(pc) =	sbr.rel @!p0 .LBB2_2-.Ltmp2, $4  }
0x2d: {  	[sflag:s13] =	ssyncset.done $0x0  }
0x2e: {  	[sflag:s13] =	ssyncadd.s32 $0xFFFFD880  }
0x2f: {  	p1 =	por $0x1, $0x1;
	[bflag:$0x0] =	sbarrier.arrive $0xFFFF  }
0x30: {  	s5 =	simm.s32 $0x14200;
	s0 =	simm.s32 $0x0;
	s7 =	rddreg [dreg:$0x5]  }
.LBB2_5:
0x31: {  	s2 =	rddreg [dreg:$0x9]  }
0x32: {  	s0 =	sor.u32 s2, s0  }
0x33: {  	s2 =	sadd.s32 s7, s0  }
0x34: {  	[tilespmem:s14], [sflag:$0x3] =	stream.linear.gather [hbm4b:s2+s3], $0x800, $0x38;
	[tilespmem:$0x1CC00] =	vst v63  }
0x35: {  	_ =	swait.ge [sflag:s13], $0x800  }
0x36: {  	[sflag:s13] =	ssyncset.done $0x0;
	s2 =	rddreg [dreg:$0x6]  }
0x37: {  	[sflag:s13] =	ssyncadd.s32 $0xFFFFF800;
	s0 =	sadd.s32 s2, s0  }
0x38: {  	[tilespmem:s15], [sflag:$0x3] =	stream.linear.gather [hbm4b:s0+s3], $0x800, $0x38;
	[tilespmem:$0x1CC00] =	vst v63  }
0x39: {  	_ =	swait.ge [sflag:s13], $0x800  }
0x3a: {  	[sflag:s13] =	ssyncset.done $0x0  }
0x3b: {  	[sflag:s13] =	ssyncadd.s32 $0xFFFFF800  }
0x3c: {  	[tilespmem:s17], [sflag:$0x1] =	stream.indirect.gather [hbm4b:s4+s16], $0x80, s14, s16, $0xb8;
	[tilespmem:$0x1CC00] =	vst v63  }
0x3d: {  	s2 =	simm.s32 $0x13C80  }
0x3e: {  	[tilespmem:s19], [sflag:$0x2] =	stream.indirect.gather [hbm4b:s4+s16], $0x80, s2, s16, $0xb8;
	[tilespmem:$0x1CC00] =	vst v63  }
0x3f: {  	_ =	swait.ge [sflag:s20], $0x4000  }
0x40: {  	[sflag:s20] =	ssyncset.done $0x0  }
0x41: {  	[sflag:s20] =	ssyncadd.s32 $0xFFFFC000  }
0x42: {  	[spmem:s1] =	stream.indirect.scatter.add.f32 [tilespmem:s17], [sflag:$0x3], $0x80, s15, s16, $0xb8;
	[tilespmem:$0x1CC00] =	vst v63  }
0x43: {  	_ =	swait.ge [sflag:s13], $0x4000  }
0x44: {  	[sflag:s13] =	ssyncset.done $0x0  }
0x45: {  	s2 =	simm.s32 $0x13D00;
	[sflag:s13] =	ssyncadd.s32 $0xFFFFC000  }
0x46: {  	[tilespmem:s17], [sflag:$0x1] =	stream.indirect.gather [hbm4b:s4+s16], $0x80, s2, s16, $0xb8;
	[tilespmem:$0x1CC00] =	vst v63  }
0x47: {  	_ =	swait.ge [sflag:s22], $0x4000  }
0x48: {  	[sflag:s22] =	ssyncset.done $0x0  }
0x49: {  	s2 =	simm.s32 $0x14480;
	[sflag:s22] =	ssyncadd.s32 $0xFFFFC000  }
0x4a: {  	[spmem:s1] =	stream.indirect.scatter.add.f32 [tilespmem:s19], [sflag:$0x3], $0x80, s2, s16, $0xb8;
	[tilespmem:$0x1CC00] =	vst v63  }
0x4b: {  	_ =	swait.ge [sflag:s13], $0x4000  }
0x4c: {  	[sflag:s13] =	ssyncset.done $0x0  }
0x4d: {  	s2 =	simm.s32 $0x13D80;
	[sflag:s13] =	ssyncadd.s32 $0xFFFFC000  }
0x4e: {  	[tilespmem:s19], [sflag:$0x2] =	stream.indirect.gather [hbm4b:s4+s16], $0x80, s2, s16, $0xb8;
	[tilespmem:$0x1CC00] =	vst v63  }
0x4f: {  	_ =	swait.ge [sflag:s20], $0x4000  }
0x50: {  	[sflag:s20] =	ssyncset.done $0x0  }
0x51: {  	s2 =	simm.s32 $0x14500;
	[sflag:s20] =	ssyncadd.s32 $0xFFFFC000  }
0x52: {  	[spmem:s1] =	stream.indirect.scatter.add.f32 [tilespmem:s17], [sflag:$0x3], $0x80, s2, s16, $0xb8;
	[tilespmem:$0x1CC00] =	vst v63  }
0x53: {  	_ =	swait.ge [sflag:s13], $0x4000  }
0x54: {  	[sflag:s13] =	ssyncset.done $0x0  }
0x55: {  	s2 =	simm.s32 $0x13E00;
	[sflag:s13] =	ssyncadd.s32 $0xFFFFC000  }
0x56: {  	[tilespmem:s17], [sflag:$0x1] =	stream.indirect.gather [hbm4b:s4+s16], $0x80, s2, s16, $0xb8;
	[tilespmem:$0x1CC00] =	vst v63  }
0x57: {  	_ =	swait.ge [sflag:s22], $0x4000  }
0x58: {  	[sflag:s22] =	ssyncset.done $0x0  }
0x59: {  	s2 =	simm.s32 $0x14580;
	[sflag:s22] =	ssyncadd.s32 $0xFFFFC000  }
0x5a: {  	[spmem:s1] =	stream.indirect.scatter.add.f32 [tilespmem:s19], [sflag:$0x3], $0x80, s2, s16, $0xb8;
	[tilespmem:$0x1CC00] =	vst v63  }
0x5b: {  	_ =	swait.ge [sflag:s13], $0x4000  }
0x5c: {  	[sflag:s13] =	ssyncset.done $0x0  }
0x5d: {  	s2 =	simm.s32 $0x13E80;
	[sflag:s13] =	ssyncadd.s32 $0xFFFFC000  }
0x5e: {  	[tilespmem:s19], [sflag:$0x2] =	stream.indirect.gather [hbm4b:s4+s16], $0x80, s2, s16, $0xb8;
	[tilespmem:$0x1CC00] =	vst v63  }
0x5f: {  	_ =	swait.ge [sflag:s20], $0x4000  }
0x60: {  	[sflag:s20] =	ssyncset.done $0x0  }
0x61: {  	s2 =	simm.s32 $0x14600;
	[sflag:s20] =	ssyncadd.s32 $0xFFFFC000  }
0x62: {  	[spmem:s1] =	stream.indirect.scatter.add.f32 [tilespmem:s17], [sflag:$0x3], $0x80, s2, s16, $0xb8;
	[tilespmem:$0x1CC00] =	vst v63  }
0x63: {  	_ =	swait.ge [sflag:s13], $0x4000  }
0x64: {  	[sflag:s13] =	ssyncset.done $0x0  }
0x65: {  	s2 =	simm.s32 $0x13F00;
	[sflag:s13] =	ssyncadd.s32 $0xFFFFC000  }
0x66: {  	[tilespmem:s17], [sflag:$0x1] =	stream.indirect.gather [hbm4b:s4+s16], $0x80, s2, s16, $0xb8;
	[tilespmem:$0x1CC00] =	vst v63  }
0x67: {  	_ =	swait.ge [sflag:s22], $0x4000  }
0x68: {  	[sflag:s22] =	ssyncset.done $0x0  }
0x69: {  	s2 =	simm.s32 $0x14680;
	[sflag:s22] =	ssyncadd.s32 $0xFFFFC000  }
0x6a: {  	[spmem:s1] =	stream.indirect.scatter.add.f32 [tilespmem:s19], [sflag:$0x3], $0x80, s2, s16, $0xb8;
	[tilespmem:$0x1CC00] =	vst v63  }
0x6b: {  	_ =	swait.ge [sflag:s13], $0x4000  }
0x6c: {  	[sflag:s13] =	ssyncset.done $0x0  }
0x6d: {  	s2 =	simm.s32 $0x13F80;
	[sflag:s13] =	ssyncadd.s32 $0xFFFFC000  }
0x6e: {  	[tilespmem:s19], [sflag:$0x2] =	stream.indirect.gather [hbm4b:s4+s16], $0x80, s2, s16, $0xb8;
	[tilespmem:$0x1CC00] =	vst v63  }
0x6f: {  	_ =	swait.ge [sflag:s20], $0x4000  }
0x70: {  	[sflag:s20] =	ssyncset.done $0x0  }
0x71: {  	s2 =	simm.s32 $0x14700;
	[sflag:s20] =	ssyncadd.s32 $0xFFFFC000  }
0x72: {  	[spmem:s1] =	stream.indirect.scatter.add.f32 [tilespmem:s17], [sflag:$0x3], $0x80, s2, s16, $0xb8;
	[tilespmem:$0x1CC00] =	vst v63  }
0x73: {  	_ =	swait.ge [sflag:s13], $0x4000  }
0x74: {  	[sflag:s13] =	ssyncset.done $0x0  }
0x75: {  	[sflag:s13] =	ssyncadd.s32 $0xFFFFC000  }
0x76: {  	[tilespmem:s17], [sflag:$0x1] =	stream.indirect.gather [hbm4b:s4+s16], $0x80, s28, s16, $0xb8;
	[tilespmem:$0x1CC00] =	vst v63  }
0x77: {  	_ =	swait.ge [sflag:s22], $0x4000  }
0x78: {  	[sflag:s22] =	ssyncset.done $0x0  }
0x79: {  	[sflag:s22] =	ssyncadd.s32 $0xFFFFC000  }
0x7a: {  	[spmem:s1] =	stream.indirect.scatter.add.f32 [tilespmem:s19], [sflag:$0x3], $0x80, s29, s16, $0xb8;
	[tilespmem:$0x1CC00] =	vst v63  }
0x7b: {  	_ =	swait.ge [sflag:s13], $0x4000  }
0x7c: {  	[sflag:s13] =	ssyncset.done $0x0  }
0x7d: {  	[sflag:s13] =	ssyncadd.s32 $0xFFFFC000  }
0x7e: {  	[tilespmem:s19], [sflag:$0x2] =	stream.indirect.gather [hbm4b:s4+s16], $0x80, s30, s16, $0xb8;
	[tilespmem:$0x1CC00] =	vst v63  }
0x7f: {  	_ =	swait.ge [sflag:s20], $0x4000  }
0x80: {  	[sflag:s20] =	ssyncset.done $0x0  }
0x81: {  	[sflag:s20] =	ssyncadd.s32 $0xFFFFC000  }
0x82: {  	[spmem:s1] =	stream.indirect.scatter.add.f32 [tilespmem:s17], [sflag:$0x3], $0x80, s31, s16, $0xb8;
	[tilespmem:$0x1CC00] =	vst v63  }
0x83: {  	_ =	swait.ge [sflag:s13], $0x4000  }
0x84: {  	[sflag:s13] =	ssyncset.done $0x0  }
0x85: {  	[sflag:s13] =	ssyncadd.s32 $0xFFFFC000  }
0x86: {  	[tilespmem:s17], [sflag:$0x1] =	stream.indirect.gather [hbm4b:s4+s16], $0x80, s10, s16, $0xb8;
	[tilespmem:$0x1CC00] =	vst v63  }
0x87: {  	_ =	swait.ge [sflag:s22], $0x4000  }
0x88: {  	[sflag:s22] =	ssyncset.done $0x0  }
0x89: {  	[sflag:s22] =	ssyncadd.s32 $0xFFFFC000  }
0x8a: {  	[spmem:s1] =	stream.indirect.scatter.add.f32 [tilespmem:s19], [sflag:$0x3], $0x80, s11, s16, $0xb8;
	[tilespmem:$0x1CC00] =	vst v63  }
0x8b: {  	_ =	swait.ge [sflag:s13], $0x4000  }
0x8c: {  	[sflag:s13] =	ssyncset.done $0x0  }
0x8d: {  	[sflag:s13] =	ssyncadd.s32 $0xFFFFC000  }
0x8e: {  	[tilespmem:s19], [sflag:$0x2] =	stream.indirect.gather [hbm4b:s4+s16], $0x80, s8, s16, $0xb8;
	[tilespmem:$0x1CC00] =	vst v63  }
0x8f: {  	_ =	swait.ge [sflag:s20], $0x4000  }
0x90: {  	[sflag:s20] =	ssyncset.done $0x0  }
0x91: {  	[sflag:s20] =	ssyncadd.s32 $0xFFFFC000  }
0x92: {  	[spmem:s1] =	stream.indirect.scatter.add.f32 [tilespmem:s17], [sflag:$0x3], $0x80, s12, s16, $0xb8;
	[tilespmem:$0x1CC00] =	vst v63  }
0x93: {  	_ =	swait.ge [sflag:s13], $0x4000  }
0x94: {  	[sflag:s13] =	ssyncset.done $0x0  }
0x95: {  	[sflag:s13] =	ssyncadd.s32 $0xFFFFC000  }
0x96: {  	[tilespmem:s17], [sflag:$0x1] =	stream.indirect.gather [hbm4b:s4+s16], $0x80, s5, s16, $0xb8;
	[tilespmem:$0x1CC00] =	vst v63  }
0x97: {  	_ =	swait.ge [sflag:s22], $0x4000  }
0x98: {  	[sflag:s22] =	ssyncset.done $0x0  }
0x99: {  	[sflag:s22] =	ssyncadd.s32 $0xFFFFC000  }
0x9a: {  	[spmem:s1] =	stream.indirect.scatter.add.f32 [tilespmem:s19], [sflag:$0x3], $0x80, s6, s16, $0xb8;
	[tilespmem:$0x1CC00] =	vst v63  }
0x9b: {  	_ =	swait.ge [sflag:s13], $0x4000  }
0x9c: {  	[sflag:s13] =	ssyncset.done $0x0  }
0x9d: {  	[sflag:s13] =	ssyncadd.s32 $0xFFFFC000  }
0x9e: {  	[tilespmem:s19], [sflag:$0x2] =	stream.indirect.gather [hbm4b:s4+s16], $0x80, s9, s16, $0xb8;
	[tilespmem:$0x1CC00] =	vst v63  }
0x9f: {  	_ =	swait.ge [sflag:s20], $0x4000  }
0xa0: {  	[sflag:s20] =	ssyncset.done $0x0  }
0xa1: {  	[sflag:s20] =	ssyncadd.s32 $0xFFFFC000  }
0xa2: {  	[spmem:s1] =	stream.indirect.scatter.add.f32 [tilespmem:s17], [sflag:$0x3], $0x80, s18, s16, $0xb8;
	[tilespmem:$0x1CC00] =	vst v63  }
0xa3: {  	_ =	swait.ge [sflag:s13], $0x4000  }
0xa4: {  	[sflag:s13] =	ssyncset.done $0x0  }
0xa5: {  	[sflag:s13] =	ssyncadd.s32 $0xFFFFC000  }
0xa6: {  	[tilespmem:s17], [sflag:$0x1] =	stream.indirect.gather [hbm4b:s4+s16], $0x80, s21, s16, $0xb8;
	[tilespmem:$0x1CC00] =	vst v63  }
0xa7: {  	_ =	swait.ge [sflag:s22], $0x4000  }
0xa8: {  	[sflag:s22] =	ssyncset.done $0x0  }
0xa9: {  	[sflag:s22] =	ssyncadd.s32 $0xFFFFC000  }
0xaa: {  	[spmem:s1] =	stream.indirect.scatter.add.f32 [tilespmem:s19], [sflag:$0x3], $0x80, s23, s16, $0xb8;
	[tilespmem:$0x1CC00] =	vst v63  }
0xab: {  	_ =	swait.ge [sflag:s13], $0x4000  }
0xac: {  	[sflag:s13] =	ssyncset.done $0x0  }
0xad: {  	[sflag:s13] =	ssyncadd.s32 $0xFFFFC000  }
0xae: {  	[tilespmem:s19], [sflag:$0x2] =	stream.indirect.gather [hbm4b:s4+s16], $0x80, s24, s16, $0xb8;
	[tilespmem:$0x1CC00] =	vst v63  }
0xaf: {  	_ =	swait.ge [sflag:s20], $0x4000  }
0xb0: {  	[sflag:s20] =	ssyncset.done $0x0  }
0xb1: {  	[sflag:s20] =	ssyncadd.s32 $0xFFFFC000  }
0xb2: {  	[spmem:s1] =	stream.indirect.scatter.add.f32 [tilespmem:s17], [sflag:$0x3], $0x80, s25, s16, $0xb8;
	[tilespmem:$0x1CC00] =	vst v63  }
0xb3: {  	_ =	swait.ge [sflag:s13], $0x4000  }
0xb4: {  	[sflag:s13] =	ssyncset.done $0x0  }
0xb5: {  	[sflag:s13] =	ssyncadd.s32 $0xFFFFC000  }
0xb6: {  	_ =	swait.ge [sflag:s22], $0x4000  }
0xb7: {  	p2 =	por p1, p1;
	[sflag:s22] =	ssyncset.done $0x0  }
.Ltmp3:
0xb8: {  	[sflag:s22] =	ssyncadd.s32 $0xFFFFC000;
	(pc) =	sbr.rel @p2 .LBB2_5-.Ltmp3, $4  }
0xb9: {  	[spmem:s1] =	stream.indirect.scatter.add.f32 [tilespmem:s19], [sflag:$0x3], $0x80, s26, s16, $0xb8;
	[tilespmem:$0x1CC00] =	vst v63  }
0xba: {  	_ =	swait.ge [sflag:s13], $0x4000  }
0xbb: {  	[sflag:s13] =	ssyncset.done $0x0  }
0xbc: {  	p1 =	por $0x0, $0x0;
	s0 =	simm.s32 $0x100;
	[sflag:s13] =	ssyncadd.s32 $0xFFFFC000  }
.Ltmp4:
0xbd: {  	_ = 	snop;
	(pc) =	sbr.rel .LBB2_6-.Ltmp4, $1  }
0xbe: {  	_ =	sdelay $0x3  }
.LBB2_2:
0xbf: {  	s0 =	rddreg [dreg:$0x4]  }
0xc0: {  	s0 =	sadd.s32 $0x0, s0  }
0xc1: {  	[tilespmem:s14], [sflag:$0x3] =	stream.linear.gather [hbm4b:s0+s3], $0x800, $0x38;
	[tilespmem:$0x1CC00] =	vst v63  }
0xc2: {  	_ =	swait.ge [sflag:s13], $0x800  }
0xc3: {  	s2 =	rddreg [dreg:$0x3];
	[sflag:s13] =	ssyncset.done $0x0  }
0xc4: {  	[sflag:s13] =	ssyncadd.s32 $0xFFFFF800;
	s0 =	sadd.s32 $0x0, s2  }
0xc5: {  	[tilespmem:s15], [sflag:$0x3] =	stream.linear.gather [hbm4b:s0+s3], $0x800, $0x38;
	[tilespmem:$0x1CC00] =	vst v63  }
0xc6: {  	_ =	swait.ge [sflag:s13], $0x800  }
0xc7: {  	[sflag:s13] =	ssyncset.done $0x0  }
0xc8: {  	[sflag:s13] =	ssyncadd.s32 $0xFFFFF800  }
0xc9: {  	[tilespmem:s17], [sflag:$0x1] =	stream.indirect.gather [hbm4b:s4+s16], $0x80, s14, s16, $0xb8;
	[tilespmem:$0x1CC00] =	vst v63  }
0xca: {  	s7 =	simm.s32 $0x13C80  }
0xcb: {  	[tilespmem:s19], [sflag:$0x2] =	stream.indirect.gather [hbm4b:s4+s16], $0x80, s7, s16, $0xb8;
	[tilespmem:$0x1CC00] =	vst v63  }
0xcc: {  	_ =	swait.ge [sflag:s20], $0x4000  }
0xcd: {  	[sflag:s20] =	ssyncset.done $0x0  }
0xce: {  	[sflag:s20] =	ssyncadd.s32 $0xFFFFC000  }
0xcf: {  	[spmem:s1] =	stream.indirect.scatter.add.f32 [tilespmem:s17], [sflag:$0x3], $0x80, s15, s16, $0xb8;
	[tilespmem:$0x1CC00] =	vst v63  }
0xd0: {  	_ =	swait.ge [sflag:s13], $0x4000  }
0xd1: {  	[sflag:s13] =	ssyncset.done $0x0  }
0xd2: {  	s2 =	simm.s32 $0x13D00;
	[sflag:s13] =	ssyncadd.s32 $0xFFFFC000  }
0xd3: {  	[tilespmem:s17], [sflag:$0x1] =	stream.indirect.gather [hbm4b:s4+s16], $0x80, s2, s16, $0xb8;
	[tilespmem:$0x1CC00] =	vst v63  }
0xd4: {  	_ =	swait.ge [sflag:s22], $0x4000  }
0xd5: {  	[sflag:s22] =	ssyncset.done $0x0  }
0xd6: {  	s7 =	simm.s32 $0x14480;
	[sflag:s22] =	ssyncadd.s32 $0xFFFFC000  }
0xd7: {  	[spmem:s1] =	stream.indirect.scatter.add.f32 [tilespmem:s19], [sflag:$0x3], $0x80, s7, s16, $0xb8;
	[tilespmem:$0x1CC00] =	vst v63  }
0xd8: {  	_ =	swait.ge [sflag:s13], $0x4000  }
0xd9: {  	[sflag:s13] =	ssyncset.done $0x0  }
0xda: {  	s2 =	simm.s32 $0x13D80;
	[sflag:s13] =	ssyncadd.s32 $0xFFFFC000  }
0xdb: {  	[tilespmem:s19], [sflag:$0x2] =	stream.indirect.gather [hbm4b:s4+s16], $0x80, s2, s16, $0xb8;
	[tilespmem:$0x1CC00] =	vst v63  }
0xdc: {  	_ =	swait.ge [sflag:s20], $0x4000  }
0xdd: {  	[sflag:s20] =	ssyncset.done $0x0  }
0xde: {  	s7 =	simm.s32 $0x14500;
	[sflag:s20] =	ssyncadd.s32 $0xFFFFC000  }
0xdf: {  	[spmem:s1] =	stream.indirect.scatter.add.f32 [tilespmem:s17], [sflag:$0x3], $0x80, s7, s16, $0xb8;
	[tilespmem:$0x1CC00] =	vst v63  }
0xe0: {  	_ =	swait.ge [sflag:s13], $0x4000  }
0xe1: {  	[sflag:s13] =	ssyncset.done $0x0  }
0xe2: {  	s2 =	simm.s32 $0x13E00;
	[sflag:s13] =	ssyncadd.s32 $0xFFFFC000  }
0xe3: {  	[tilespmem:s17], [sflag:$0x1] =	stream.indirect.gather [hbm4b:s4+s16], $0x80, s2, s16, $0xb8;
	[tilespmem:$0x1CC00] =	vst v63  }
0xe4: {  	_ =	swait.ge [sflag:s22], $0x4000  }
0xe5: {  	[sflag:s22] =	ssyncset.done $0x0  }
0xe6: {  	s7 =	simm.s32 $0x14580;
	[sflag:s22] =	ssyncadd.s32 $0xFFFFC000  }
0xe7: {  	[spmem:s1] =	stream.indirect.scatter.add.f32 [tilespmem:s19], [sflag:$0x3], $0x80, s7, s16, $0xb8;
	[tilespmem:$0x1CC00] =	vst v63  }
0xe8: {  	_ =	swait.ge [sflag:s13], $0x4000  }
0xe9: {  	[sflag:s13] =	ssyncset.done $0x0  }
0xea: {  	s2 =	simm.s32 $0x13E80;
	[sflag:s13] =	ssyncadd.s32 $0xFFFFC000  }
0xeb: {  	[tilespmem:s19], [sflag:$0x2] =	stream.indirect.gather [hbm4b:s4+s16], $0x80, s2, s16, $0xb8;
	[tilespmem:$0x1CC00] =	vst v63  }
0xec: {  	_ =	swait.ge [sflag:s20], $0x4000  }
0xed: {  	[sflag:s20] =	ssyncset.done $0x0  }
0xee: {  	s7 =	simm.s32 $0x14600;
	[sflag:s20] =	ssyncadd.s32 $0xFFFFC000  }
0xef: {  	[spmem:s1] =	stream.indirect.scatter.add.f32 [tilespmem:s17], [sflag:$0x3], $0x80, s7, s16, $0xb8;
	[tilespmem:$0x1CC00] =	vst v63  }
0xf0: {  	_ =	swait.ge [sflag:s13], $0x4000  }
0xf1: {  	[sflag:s13] =	ssyncset.done $0x0  }
0xf2: {  	s2 =	simm.s32 $0x13F00;
	[sflag:s13] =	ssyncadd.s32 $0xFFFFC000  }
0xf3: {  	[tilespmem:s17], [sflag:$0x1] =	stream.indirect.gather [hbm4b:s4+s16], $0x80, s2, s16, $0xb8;
	[tilespmem:$0x1CC00] =	vst v63  }
0xf4: {  	_ =	swait.ge [sflag:s22], $0x4000  }
0xf5: {  	[sflag:s22] =	ssyncset.done $0x0  }
0xf6: {  	s7 =	simm.s32 $0x14680;
	[sflag:s22] =	ssyncadd.s32 $0xFFFFC000  }
0xf7: {  	[spmem:s1] =	stream.indirect.scatter.add.f32 [tilespmem:s19], [sflag:$0x3], $0x80, s7, s16, $0xb8;
	[tilespmem:$0x1CC00] =	vst v63  }
0xf8: {  	_ =	swait.ge [sflag:s13], $0x4000  }
0xf9: {  	[sflag:s13] =	ssyncset.done $0x0  }
0xfa: {  	s2 =	simm.s32 $0x13F80;
	[sflag:s13] =	ssyncadd.s32 $0xFFFFC000  }
0xfb: {  	[tilespmem:s19], [sflag:$0x2] =	stream.indirect.gather [hbm4b:s4+s16], $0x80, s2, s16, $0xb8;
	[tilespmem:$0x1CC00] =	vst v63  }
0xfc: {  	_ =	swait.ge [sflag:s20], $0x4000  }
0xfd: {  	[sflag:s20] =	ssyncset.done $0x0  }
0xfe: {  	s7 =	simm.s32 $0x14700;
	[sflag:s20] =	ssyncadd.s32 $0xFFFFC000  }
0xff: {  	[spmem:s1] =	stream.indirect.scatter.add.f32 [tilespmem:s17], [sflag:$0x3], $0x80, s7, s16, $0xb8;
	[tilespmem:$0x1CC00] =	vst v63  }
0x100: {  	_ =	swait.ge [sflag:s13], $0x4000  }
0x101: {  	[sflag:s13] =	ssyncset.done $0x0  }
0x102: {  	[sflag:s13] =	ssyncadd.s32 $0xFFFFC000  }
0x103: {  	[tilespmem:s17], [sflag:$0x1] =	stream.indirect.gather [hbm4b:s4+s16], $0x80, s28, s16, $0xb8;
	[tilespmem:$0x1CC00] =	vst v63  }
0x104: {  	_ =	swait.ge [sflag:s22], $0x4000  }
0x105: {  	[sflag:s22] =	ssyncset.done $0x0  }
0x106: {  	[sflag:s22] =	ssyncadd.s32 $0xFFFFC000  }
0x107: {  	[spmem:s1] =	stream.indirect.scatter.add.f32 [tilespmem:s19], [sflag:$0x3], $0x80, s29, s16, $0xb8;
	[tilespmem:$0x1CC00] =	vst v63  }
0x108: {  	_ =	swait.ge [sflag:s13], $0x4000  }
0x109: {  	[sflag:s13] =	ssyncset.done $0x0  }
0x10a: {  	[sflag:s13] =	ssyncadd.s32 $0xFFFFC000  }
0x10b: {  	[tilespmem:s19], [sflag:$0x2] =	stream.indirect.gather [hbm4b:s4+s16], $0x80, s30, s16, $0xb8;
	[tilespmem:$0x1CC00] =	vst v63  }
0x10c: {  	_ =	swait.ge [sflag:s20], $0x4000  }
0x10d: {  	[sflag:s20] =	ssyncset.done $0x0  }
0x10e: {  	[sflag:s20] =	ssyncadd.s32 $0xFFFFC000  }
0x10f: {  	[spmem:s1] =	stream.indirect.scatter.add.f32 [tilespmem:s17], [sflag:$0x3], $0x80, s31, s16, $0xb8;
	[tilespmem:$0x1CC00] =	vst v63  }
0x110: {  	_ =	swait.ge [sflag:s13], $0x4000  }
0x111: {  	[sflag:s13] =	ssyncset.done $0x0  }
0x112: {  	[sflag:s13] =	ssyncadd.s32 $0xFFFFC000  }
0x113: {  	[tilespmem:s17], [sflag:$0x1] =	stream.indirect.gather [hbm4b:s4+s16], $0x80, s10, s16, $0xb8;
	[tilespmem:$0x1CC00] =	vst v63  }
0x114: {  	_ =	swait.ge [sflag:s22], $0x4000  }
0x115: {  	[sflag:s22] =	ssyncset.done $0x0  }
0x116: {  	[sflag:s22] =	ssyncadd.s32 $0xFFFFC000  }
0x117: {  	[spmem:s1] =	stream.indirect.scatter.add.f32 [tilespmem:s19], [sflag:$0x3], $0x80, s11, s16, $0xb8;
	[tilespmem:$0x1CC00] =	vst v63  }
0x118: {  	_ =	swait.ge [sflag:s13], $0x4000  }
0x119: {  	[sflag:s13] =	ssyncset.done $0x0  }
0x11a: {  	[sflag:s13] =	ssyncadd.s32 $0xFFFFC000  }
0x11b: {  	[tilespmem:s19], [sflag:$0x2] =	stream.indirect.gather [hbm4b:s4+s16], $0x80, s8, s16, $0xb8;
	[tilespmem:$0x1CC00] =	vst v63  }
0x11c: {  	_ =	swait.ge [sflag:s20], $0x4000  }
0x11d: {  	[sflag:s20] =	ssyncset.done $0x0  }
0x11e: {  	[sflag:s20] =	ssyncadd.s32 $0xFFFFC000  }
0x11f: {  	[spmem:s1] =	stream.indirect.scatter.add.f32 [tilespmem:s17], [sflag:$0x3], $0x80, s12, s16, $0xb8;
	[tilespmem:$0x1CC00] =	vst v63  }
0x120: {  	_ =	swait.ge [sflag:s13], $0x4000  }
0x121: {  	[sflag:s13] =	ssyncset.done $0x0  }
0x122: {  	[sflag:s13] =	ssyncadd.s32 $0xFFFFC000  }
0x123: {  	[tilespmem:s17], [sflag:$0x1] =	stream.indirect.gather [hbm4b:s4+s16], $0x80, s5, s16, $0xb8;
	[tilespmem:$0x1CC00] =	vst v63  }
0x124: {  	_ =	swait.ge [sflag:s22], $0x4000  }
0x125: {  	[sflag:s22] =	ssyncset.done $0x0  }
0x126: {  	[sflag:s22] =	ssyncadd.s32 $0xFFFFC000  }
0x127: {  	[spmem:s1] =	stream.indirect.scatter.add.f32 [tilespmem:s19], [sflag:$0x3], $0x80, s6, s16, $0xb8;
	[tilespmem:$0x1CC00] =	vst v63  }
0x128: {  	_ =	swait.ge [sflag:s13], $0x4000  }
0x129: {  	[sflag:s13] =	ssyncset.done $0x0  }
0x12a: {  	[sflag:s13] =	ssyncadd.s32 $0xFFFFC000  }
0x12b: {  	[tilespmem:s19], [sflag:$0x2] =	stream.indirect.gather [hbm4b:s4+s16], $0x80, s9, s16, $0xb8;
	[tilespmem:$0x1CC00] =	vst v63  }
0x12c: {  	_ =	swait.ge [sflag:s20], $0x4000  }
0x12d: {  	[sflag:s20] =	ssyncset.done $0x0  }
0x12e: {  	[sflag:s20] =	ssyncadd.s32 $0xFFFFC000  }
0x12f: {  	[spmem:s1] =	stream.indirect.scatter.add.f32 [tilespmem:s17], [sflag:$0x3], $0x80, s18, s16, $0xb8;
	[tilespmem:$0x1CC00] =	vst v63  }
0x130: {  	_ =	swait.ge [sflag:s13], $0x4000  }
0x131: {  	[sflag:s13] =	ssyncset.done $0x0  }
0x132: {  	[sflag:s13] =	ssyncadd.s32 $0xFFFFC000  }
0x133: {  	[tilespmem:s17], [sflag:$0x1] =	stream.indirect.gather [hbm4b:s4+s16], $0x80, s21, s16, $0xb8;
	[tilespmem:$0x1CC00] =	vst v63  }
0x134: {  	_ =	swait.ge [sflag:s22], $0x4000  }
0x135: {  	[sflag:s22] =	ssyncset.done $0x0  }
0x136: {  	[sflag:s22] =	ssyncadd.s32 $0xFFFFC000  }
0x137: {  	[spmem:s1] =	stream.indirect.scatter.add.f32 [tilespmem:s19], [sflag:$0x3], $0x80, s23, s16, $0xb8;
	[tilespmem:$0x1CC00] =	vst v63  }
0x138: {  	_ =	swait.ge [sflag:s13], $0x4000  }
0x139: {  	[sflag:s13] =	ssyncset.done $0x0  }
0x13a: {  	[sflag:s13] =	ssyncadd.s32 $0xFFFFC000  }
0x13b: {  	[tilespmem:s19], [sflag:$0x2] =	stream.indirect.gather [hbm4b:s4+s16], $0x80, s24, s16, $0xb8;
	[tilespmem:$0x1CC00] =	vst v63  }
0x13c: {  	_ =	swait.ge [sflag:s20], $0x4000  }
0x13d: {  	[sflag:s20] =	ssyncset.done $0x0  }
0x13e: {  	[sflag:s20] =	ssyncadd.s32 $0xFFFFC000  }
0x13f: {  	[spmem:s1] =	stream.indirect.scatter.add.f32 [tilespmem:s17], [sflag:$0x3], $0x80, s25, s16, $0xb8;
	[tilespmem:$0x1CC00] =	vst v63  }
0x140: {  	_ =	swait.ge [sflag:s13], $0x4000  }
0x141: {  	[sflag:s13] =	ssyncset.done $0x0  }
0x142: {  	[sflag:s13] =	ssyncadd.s32 $0xFFFFC000  }
0x143: {  	_ =	swait.ge [sflag:s22], $0x4000  }
0x144: {  	[sflag:s22] =	ssyncset.done $0x0  }
0x145: {  	[sflag:s22] =	ssyncadd.s32 $0xFFFFC000  }
0x146: {  	[spmem:s1] =	stream.indirect.scatter.add.f32 [tilespmem:s19], [sflag:$0x3], $0x80, s26, s16, $0xb8;
	[tilespmem:$0x1CC00] =	vst v63  }
0x147: {  	s0 =	simm.s32 $0x100;
	_ =	swait.ge [sflag:s13], $0x4000  }
.LBB2_3:
0x148: {  	s2 =	rddreg [dreg:$0x4];
	s7 =	smov.u32 s0;
	[sflag:s13] =	ssyncset.done $0x0  }
0x149: {  	s2 =	sadd.s32 s7, s2;
	[sflag:s13] =	ssyncadd.s32 $0xFFFFC000  }
0x14a: {  	[tilespmem:s14], [sflag:$0x3] =	stream.linear.gather [hbm4b:s2+s3], $0x800, $0x38;
	[tilespmem:$0x1CC00] =	vst v63  }
0x14b: {  	_ =	swait.ge [sflag:s13], $0x800  }
0x14c: {  	s2 =	rddreg [dreg:$0x3];
	[sflag:s13] =	ssyncset.done $0x0  }
0x14d: {  	[sflag:s13] =	ssyncadd.s32 $0xFFFFF800;
	s2 =	sadd.s32 s7, s2  }
0x14e: {  	[tilespmem:s15], [sflag:$0x3] =	stream.linear.gather [hbm4b:s2+s3], $0x800, $0x38;
	[tilespmem:$0x1CC00] =	vst v63  }
0x14f: {  	_ =	swait.ge [sflag:s13], $0x800  }
0x150: {  	[sflag:s13] =	ssyncset.done $0x0  }
0x151: {  	[sflag:s13] =	ssyncadd.s32 $0xFFFFF800  }
0x152: {  	[tilespmem:s17], [sflag:$0x1] =	stream.indirect.gather [hbm4b:s4+s16], $0x80, s14, s16, $0xb8;
	[tilespmem:$0x1CC00] =	vst v63  }
0x153: {  	s7 =	simm.s32 $0x13C80  }
0x154: {  	[tilespmem:s19], [sflag:$0x2] =	stream.indirect.gather [hbm4b:s4+s16], $0x80, s7, s16, $0xb8;
	[tilespmem:$0x1CC00] =	vst v63  }
0x155: {  	_ =	swait.ge [sflag:s20], $0x4000  }
0x156: {  	[sflag:s20] =	ssyncset.done $0x0  }
0x157: {  	[sflag:s20] =	ssyncadd.s32 $0xFFFFC000  }
0x158: {  	[spmem:s1] =	stream.indirect.scatter.add.f32 [tilespmem:s17], [sflag:$0x3], $0x80, s15, s16, $0xb8;
	[tilespmem:$0x1CC00] =	vst v63  }
0x159: {  	_ =	swait.ge [sflag:s13], $0x4000  }
0x15a: {  	[sflag:s13] =	ssyncset.done $0x0  }
0x15b: {  	s7 =	simm.s32 $0x13D00;
	[sflag:s13] =	ssyncadd.s32 $0xFFFFC000  }
0x15c: {  	[tilespmem:s17], [sflag:$0x1] =	stream.indirect.gather [hbm4b:s4+s16], $0x80, s7, s16, $0xb8;
	[tilespmem:$0x1CC00] =	vst v63  }
0x15d: {  	_ =	swait.ge [sflag:s22], $0x4000  }
0x15e: {  	[sflag:s22] =	ssyncset.done $0x0  }
0x15f: {  	s7 =	simm.s32 $0x14480;
	[sflag:s22] =	ssyncadd.s32 $0xFFFFC000  }
0x160: {  	[spmem:s1] =	stream.indirect.scatter.add.f32 [tilespmem:s19], [sflag:$0x3], $0x80, s7, s16, $0xb8;
	[tilespmem:$0x1CC00] =	vst v63  }
0x161: {  	_ =	swait.ge [sflag:s13], $0x4000  }
0x162: {  	[sflag:s13] =	ssyncset.done $0x0  }
0x163: {  	s7 =	simm.s32 $0x13D80;
	[sflag:s13] =	ssyncadd.s32 $0xFFFFC000  }
0x164: {  	[tilespmem:s19], [sflag:$0x2] =	stream.indirect.gather [hbm4b:s4+s16], $0x80, s7, s16, $0xb8;
	[tilespmem:$0x1CC00] =	vst v63  }
0x165: {  	_ =	swait.ge [sflag:s20], $0x4000  }
0x166: {  	[sflag:s20] =	ssyncset.done $0x0  }
0x167: {  	s7 =	simm.s32 $0x14500;
	[sflag:s20] =	ssyncadd.s32 $0xFFFFC000  }
0x168: {  	[spmem:s1] =	stream.indirect.scatter.add.f32 [tilespmem:s17], [sflag:$0x3], $0x80, s7, s16, $0xb8;
	[tilespmem:$0x1CC00] =	vst v63  }
0x169: {  	_ =	swait.ge [sflag:s13], $0x4000  }
0x16a: {  	[sflag:s13] =	ssyncset.done $0x0  }
0x16b: {  	s7 =	simm.s32 $0x13E00;
	[sflag:s13] =	ssyncadd.s32 $0xFFFFC000  }
0x16c: {  	[tilespmem:s17], [sflag:$0x1] =	stream.indirect.gather [hbm4b:s4+s16], $0x80, s7, s16, $0xb8;
	[tilespmem:$0x1CC00] =	vst v63  }
0x16d: {  	_ =	swait.ge [sflag:s22], $0x4000  }
0x16e: {  	[sflag:s22] =	ssyncset.done $0x0  }
0x16f: {  	s7 =	simm.s32 $0x14580;
	[sflag:s22] =	ssyncadd.s32 $0xFFFFC000  }
0x170: {  	[spmem:s1] =	stream.indirect.scatter.add.f32 [tilespmem:s19], [sflag:$0x3], $0x80, s7, s16, $0xb8;
	[tilespmem:$0x1CC00] =	vst v63  }
0x171: {  	_ =	swait.ge [sflag:s13], $0x4000  }
0x172: {  	[sflag:s13] =	ssyncset.done $0x0  }
0x173: {  	s7 =	simm.s32 $0x13E80;
	[sflag:s13] =	ssyncadd.s32 $0xFFFFC000  }
0x174: {  	[tilespmem:s19], [sflag:$0x2] =	stream.indirect.gather [hbm4b:s4+s16], $0x80, s7, s16, $0xb8;
	[tilespmem:$0x1CC00] =	vst v63  }
0x175: {  	_ =	swait.ge [sflag:s20], $0x4000  }
0x176: {  	[sflag:s20] =	ssyncset.done $0x0  }
0x177: {  	s7 =	simm.s32 $0x14600;
	[sflag:s20] =	ssyncadd.s32 $0xFFFFC000  }
0x178: {  	[spmem:s1] =	stream.indirect.scatter.add.f32 [tilespmem:s17], [sflag:$0x3], $0x80, s7, s16, $0xb8;
	[tilespmem:$0x1CC00] =	vst v63  }
0x179: {  	_ =	swait.ge [sflag:s13], $0x4000  }
0x17a: {  	[sflag:s13] =	ssyncset.done $0x0  }
0x17b: {  	s7 =	simm.s32 $0x13F00;
	[sflag:s13] =	ssyncadd.s32 $0xFFFFC000  }
0x17c: {  	[tilespmem:s17], [sflag:$0x1] =	stream.indirect.gather [hbm4b:s4+s16], $0x80, s7, s16, $0xb8;
	[tilespmem:$0x1CC00] =	vst v63  }
0x17d: {  	_ =	swait.ge [sflag:s22], $0x4000  }
0x17e: {  	[sflag:s22] =	ssyncset.done $0x0  }
0x17f: {  	s7 =	simm.s32 $0x14680;
	[sflag:s22] =	ssyncadd.s32 $0xFFFFC000  }
0x180: {  	[spmem:s1] =	stream.indirect.scatter.add.f32 [tilespmem:s19], [sflag:$0x3], $0x80, s7, s16, $0xb8;
	[tilespmem:$0x1CC00] =	vst v63  }
0x181: {  	_ =	swait.ge [sflag:s13], $0x4000  }
0x182: {  	[sflag:s13] =	ssyncset.done $0x0  }
0x183: {  	s7 =	simm.s32 $0x13F80;
	[sflag:s13] =	ssyncadd.s32 $0xFFFFC000  }
0x184: {  	[tilespmem:s19], [sflag:$0x2] =	stream.indirect.gather [hbm4b:s4+s16], $0x80, s7, s16, $0xb8;
	[tilespmem:$0x1CC00] =	vst v63  }
0x185: {  	_ =	swait.ge [sflag:s20], $0x4000  }
0x186: {  	[sflag:s20] =	ssyncset.done $0x0  }
0x187: {  	s7 =	simm.s32 $0x14700;
	[sflag:s20] =	ssyncadd.s32 $0xFFFFC000  }
0x188: {  	[spmem:s1] =	stream.indirect.scatter.add.f32 [tilespmem:s17], [sflag:$0x3], $0x80, s7, s16, $0xb8;
	[tilespmem:$0x1CC00] =	vst v63  }
0x189: {  	_ =	swait.ge [sflag:s13], $0x4000  }
0x18a: {  	[sflag:s13] =	ssyncset.done $0x0  }
0x18b: {  	[sflag:s13] =	ssyncadd.s32 $0xFFFFC000  }
0x18c: {  	[tilespmem:s17], [sflag:$0x1] =	stream.indirect.gather [hbm4b:s4+s16], $0x80, s28, s16, $0xb8;
	[tilespmem:$0x1CC00] =	vst v63  }
0x18d: {  	_ =	swait.ge [sflag:s22], $0x4000  }
0x18e: {  	[sflag:s22] =	ssyncset.done $0x0  }
0x18f: {  	[sflag:s22] =	ssyncadd.s32 $0xFFFFC000  }
0x190: {  	[spmem:s1] =	stream.indirect.scatter.add.f32 [tilespmem:s19], [sflag:$0x3], $0x80, s29, s16, $0xb8;
	[tilespmem:$0x1CC00] =	vst v63  }
0x191: {  	_ =	swait.ge [sflag:s13], $0x4000  }
0x192: {  	[sflag:s13] =	ssyncset.done $0x0  }
0x193: {  	[sflag:s13] =	ssyncadd.s32 $0xFFFFC000  }
0x194: {  	[tilespmem:s19], [sflag:$0x2] =	stream.indirect.gather [hbm4b:s4+s16], $0x80, s30, s16, $0xb8;
	[tilespmem:$0x1CC00] =	vst v63  }
0x195: {  	_ =	swait.ge [sflag:s20], $0x4000  }
0x196: {  	[sflag:s20] =	ssyncset.done $0x0  }
0x197: {  	[sflag:s20] =	ssyncadd.s32 $0xFFFFC000  }
0x198: {  	[spmem:s1] =	stream.indirect.scatter.add.f32 [tilespmem:s17], [sflag:$0x3], $0x80, s31, s16, $0xb8;
	[tilespmem:$0x1CC00] =	vst v63  }
0x199: {  	_ =	swait.ge [sflag:s13], $0x4000  }
0x19a: {  	[sflag:s13] =	ssyncset.done $0x0  }
0x19b: {  	[sflag:s13] =	ssyncadd.s32 $0xFFFFC000  }
0x19c: {  	[tilespmem:s17], [sflag:$0x1] =	stream.indirect.gather [hbm4b:s4+s16], $0x80, s10, s16, $0xb8;
	[tilespmem:$0x1CC00] =	vst v63  }
0x19d: {  	_ =	swait.ge [sflag:s22], $0x4000  }
0x19e: {  	[sflag:s22] =	ssyncset.done $0x0  }
0x19f: {  	[sflag:s22] =	ssyncadd.s32 $0xFFFFC000  }
0x1a0: {  	[spmem:s1] =	stream.indirect.scatter.add.f32 [tilespmem:s19], [sflag:$0x3], $0x80, s11, s16, $0xb8;
	[tilespmem:$0x1CC00] =	vst v63  }
0x1a1: {  	_ =	swait.ge [sflag:s13], $0x4000  }
0x1a2: {  	[sflag:s13] =	ssyncset.done $0x0  }
0x1a3: {  	[sflag:s13] =	ssyncadd.s32 $0xFFFFC000  }
0x1a4: {  	[tilespmem:s19], [sflag:$0x2] =	stream.indirect.gather [hbm4b:s4+s16], $0x80, s8, s16, $0xb8;
	[tilespmem:$0x1CC00] =	vst v63  }
0x1a5: {  	_ =	swait.ge [sflag:s20], $0x4000  }
0x1a6: {  	[sflag:s20] =	ssyncset.done $0x0  }
0x1a7: {  	[sflag:s20] =	ssyncadd.s32 $0xFFFFC000  }
0x1a8: {  	[spmem:s1] =	stream.indirect.scatter.add.f32 [tilespmem:s17], [sflag:$0x3], $0x80, s12, s16, $0xb8;
	[tilespmem:$0x1CC00] =	vst v63  }
0x1a9: {  	_ =	swait.ge [sflag:s13], $0x4000  }
0x1aa: {  	[sflag:s13] =	ssyncset.done $0x0  }
0x1ab: {  	[sflag:s13] =	ssyncadd.s32 $0xFFFFC000  }
0x1ac: {  	[tilespmem:s17], [sflag:$0x1] =	stream.indirect.gather [hbm4b:s4+s16], $0x80, s5, s16, $0xb8;
	[tilespmem:$0x1CC00] =	vst v63  }
0x1ad: {  	_ =	swait.ge [sflag:s22], $0x4000  }
0x1ae: {  	[sflag:s22] =	ssyncset.done $0x0  }
0x1af: {  	[sflag:s22] =	ssyncadd.s32 $0xFFFFC000  }
0x1b0: {  	[spmem:s1] =	stream.indirect.scatter.add.f32 [tilespmem:s19], [sflag:$0x3], $0x80, s6, s16, $0xb8;
	[tilespmem:$0x1CC00] =	vst v63  }
0x1b1: {  	_ =	swait.ge [sflag:s13], $0x4000  }
0x1b2: {  	[sflag:s13] =	ssyncset.done $0x0  }
0x1b3: {  	[sflag:s13] =	ssyncadd.s32 $0xFFFFC000  }
0x1b4: {  	[tilespmem:s19], [sflag:$0x2] =	stream.indirect.gather [hbm4b:s4+s16], $0x80, s9, s16, $0xb8;
	[tilespmem:$0x1CC00] =	vst v63  }
0x1b5: {  	_ =	swait.ge [sflag:s20], $0x4000  }
0x1b6: {  	[sflag:s20] =	ssyncset.done $0x0  }
0x1b7: {  	[sflag:s20] =	ssyncadd.s32 $0xFFFFC000  }
0x1b8: {  	[spmem:s1] =	stream.indirect.scatter.add.f32 [tilespmem:s17], [sflag:$0x3], $0x80, s18, s16, $0xb8;
	[tilespmem:$0x1CC00] =	vst v63  }
0x1b9: {  	_ =	swait.ge [sflag:s13], $0x4000  }
0x1ba: {  	[sflag:s13] =	ssyncset.done $0x0  }
0x1bb: {  	[sflag:s13] =	ssyncadd.s32 $0xFFFFC000  }
0x1bc: {  	[tilespmem:s17], [sflag:$0x1] =	stream.indirect.gather [hbm4b:s4+s16], $0x80, s21, s16, $0xb8;
	[tilespmem:$0x1CC00] =	vst v63  }
0x1bd: {  	_ =	swait.ge [sflag:s22], $0x4000  }
0x1be: {  	[sflag:s22] =	ssyncset.done $0x0  }
0x1bf: {  	[sflag:s22] =	ssyncadd.s32 $0xFFFFC000  }
0x1c0: {  	[spmem:s1] =	stream.indirect.scatter.add.f32 [tilespmem:s19], [sflag:$0x3], $0x80, s23, s16, $0xb8;
	[tilespmem:$0x1CC00] =	vst v63  }
0x1c1: {  	_ =	swait.ge [sflag:s13], $0x4000  }
0x1c2: {  	[sflag:s13] =	ssyncset.done $0x0  }
0x1c3: {  	[sflag:s13] =	ssyncadd.s32 $0xFFFFC000  }
0x1c4: {  	[tilespmem:s19], [sflag:$0x2] =	stream.indirect.gather [hbm4b:s4+s16], $0x80, s24, s16, $0xb8;
	[tilespmem:$0x1CC00] =	vst v63  }
0x1c5: {  	_ =	swait.ge [sflag:s20], $0x4000  }
0x1c6: {  	[sflag:s20] =	ssyncset.done $0x0  }
0x1c7: {  	[sflag:s20] =	ssyncadd.s32 $0xFFFFC000  }
0x1c8: {  	[spmem:s1] =	stream.indirect.scatter.add.f32 [tilespmem:s17], [sflag:$0x3], $0x80, s25, s16, $0xb8;
	[tilespmem:$0x1CC00] =	vst v63  }
0x1c9: {  	_ =	swait.ge [sflag:s13], $0x4000  }
0x1ca: {  	[sflag:s13] =	ssyncset.done $0x0  }
0x1cb: {  	p1 =	seq.s32 s0, $0x700;
	[sflag:s13] =	ssyncadd.s32 $0xFFFFC000  }
.Ltmp5:
0x1cc: {  	_ =	swait.ge [sflag:s22], $0x4000;
	(pc) =	sbr.rel @!p1 .LBB2_3-.Ltmp5, $4  }
0x1cd: {  	[sflag:s22] =	ssyncset.done $0x0  }
0x1ce: {  	[sflag:s22] =	ssyncadd.s32 $0xFFFFC000  }
0x1cf: {  	[spmem:s1] =	stream.indirect.scatter.add.f32 [tilespmem:s19], [sflag:$0x3], $0x80, s26, s16, $0xb8;
	[tilespmem:$0x1CC00] =	vst v63  }
0x1d0: {  	s0 =	sadd.s32 $0x100, s0;
	_ =	swait.ge [sflag:s13], $0x4000  }
.Ltmp6:
0x1d1: {  	_ = 	snop;
	(pc) =	sbr.rel .LBB2_4-.Ltmp6, $1  }
0x1d2: {  	_ =	sdelay $0x3  }
.LBB2_7:
0x1d3: {  	_ =	sfence.sel $0x180000  }
0x1d4: {  	[bflag:$0x0] =	sbarrier.arrive $0xFFFF  }
0x1d5: {  	_ =	strace $0x9000004A  }
0x1d6: {  	s0 =	stileid.u32;
	[bflag:$0x2] =	sbarrier.arrive $0xFFFF  }
0x1d7: {  	p0 =	sne.s32 s0, $0x0;
	s0 =	rddreg [dreg:$0x2]  }
0x1d8: {  	s0 =	sadd.s32 @!p0 $0x100000, s0  }
0x1d9: {  	[sflag:s0] =	ssyncadd.tile.s32 @!p0 $0x1;
	_ =	shalt  }
.Lfunc_end2:
_tile_overlayer_lowered:
.L_overlay_start_2:
0x1da: {  	(tag) =	ssettag $0x2  }
0x1db: {  	s0 =	rddreg [dreg:$0x0];
	s2 =	stileid.u32  }
0x1dc: {  	s1 =	rddreg [dreg:$0x1];
	p0 =	sne.s32 s2, $0x0  }
0x1dd: {  	s3 =	rddreg [dreg:$0x2];
	[bflag:$0x3] =	sbarrier.arrive $0xFFFF;
	s2 =	simm.s32 @!p0 $0x1C03  }
0x1de: {  	[timem:s3], [sflag:s2] =	dma.local @!p0 [hbm:s0], s1  }
0x1df: {  	s0 =	simm.s32 @!p0 $0x3  }
0x1e0: {  	_ =	swait.ge @!p0 [sflag:s0], s1  }
0x1e1: {  	s1 =	ssub.s32 @!p0 $0x0, s1;
	[sflag:s0] =	ssyncset.done @!p0 $0x0  }
0x1e2: {  	[sflag:s0] =	ssyncadd.s32 @!p0 s1  }
0x1e3: {  	[bflag:$0x3] =	sbarrier.arrive $0xFFFF  }
0x1e4: {  	_ =	shalt  }

// kernel: kernel.16.cloned.1.call-start
scs
__scs_entry_jumppad:
0x0: {  	(pc) =	sbr.rel $0x88, $3  }
0x1: {  	(tag) =	ssettag $0x0;
	lr =	simm.s32 $0x1  }
0x2: {  	[smem:$0x3F99] =	sst lr;
	_ =	strace $0xD0000000  }
0x3: {  	_ = 	snop  }
0x4: {  	_ = 	snop  }
0x5: {  	_ = 	snop  }
0x6: {  	_ = 	snop  }
0x7: {  	_ = 	snop  }
__scs_overlays_trampoline_lowered:
0x8: {  	[smem:$0x3FA8] =	sst s0  }
0x9: {  	[smem:$0x3FA9] =	sst s1  }
0xa: {  	[smem:$0x3FAA] =	sst s2  }
0xb: {  	[smem:$0x3FAB] =	sst s3  }
0xc: {  	[smem:$0x3FAC] =	sst s4  }
0xd: {  	[smem:$0x3FAD] =	sst s5  }
0xe: {  	[smem:$0x3FAE] =	sst s6  }
0xf: {  	[smem:$0x3FAF] =	sst s7  }
0x10: {  	[smem:$0x3FB0] =	sst s8  }
0x11: {  	[smem:$0x3FB1] =	sst s9;
	s0 =	simm.s32 @!p0 $0x0  }
0x12: {  	s1 =	sld [smem:$0x3F97];
	s0 =	simm.s32 @p0 $0x1  }
0x13: {  	[smem:$0x3FB2] =	sst s0;
	s0 =	simm.s32 @!p1 $0x0  }
0x14: {  	s2 =	sld [smem:$0x3F96];
	s0 =	simm.s32 @p1 $0x1  }
0x15: {  	[smem:$0x3FB3] =	sst s0;
	s0 =	simm.s32 @!p2 $0x0  }
0x16: {  	s3 =	sld [smem:$0x3FDB];
	s0 =	simm.s32 @p2 $0x1  }
0x17: {  	s4 =	simm.s32 $0x1BF5;
	[smem:$0x3FB5] =	sst s0  }
0x18: {  	s0 =	sld [smem:$0x3F98];
	_ =	swait.ge [sflag:s4], $0x0  }
0x19: {  	s7 =	sld [smem:$0x3F99]  }
0x1a: {  	s8 =	sadd.s32 $0xFFFFE003, lr  }
0x1b: {  	s9 =	sadd.s32 $0xFFFFFEF7, lr;
	s5 =	simm.s32 $0xFFFFFFFF;
	p2 =	slt.u32 s8, $0xFFFFF086  }
0x1c: {  	p1 =	slt.u32 s9, $0xF7A;
	s5 =	simm.s32 @!p2 $0x0  }
0x1d: {  	s5 =	simm.s32 @p1 $0x1;
	p0 =	seq.s32 s7, s2  }
0x1e: {  	s7 =	smul.u32 @!p0 $0xF7A, s2;
	p2 =	seq.s32 @!p0 s5, $0x0  }
0x1f: {  	s9 =	smul.u32 $0xF7A, s1;
	s8 =	simm.s32 @!p0 $0x1BF5;
	p2 =	por !p2, p0  }
0x20: {  	[sflag:s8] =	ssyncset.s32 @!p0 $0xFFFFF086;
	s6 =	sadd.s32 @!p0 s3, s7;
	s7 =	simm.s32 @!p0 $0x108  }
0x21: {  	s3 =	sadd.s32 s3, s9;
	s6 =	sadd.s32 @!p0 $0x88, s6;
	s7 =	simm.s32 @p2 $0x1082  }
0x22: {  	[simem:s7], [sflag:s8] =	dma.local @!p0 [hbm:s6], $0xF7A  }
0x23: {  	s9 =	sor.u32 $0xD0000000, s2;
	s6 =	simm.s32 $0x108;
	_ =	swait.ge @!p0 [sflag:s8], $0x0  }
0x24: {  	s3 =	sadd.s32 $0x88, s3;
	s6 =	simm.s32 @!p1 $0x1082;
	[sflag:s4] =	ssyncset.s32 $0xFFFFF086  }
0x25: {  	[simem:s6], [sflag:s4] =	dma.local [hbm:s3], $0xF7A  }
0x26: {  	[smem:$0x3F99] =	sst s1;
	(tag) =	ssettag s2;
	_ =	strace s9  }
0x27: {  	s1 =	sld [smem:$0x3FA9]  }
0x28: {  	s2 =	sld [smem:$0x3FAA]  }
0x29: {  	s4 =	sld [smem:$0x3FAC]  }
0x2a: {  	p0 =	seq.s32 s5, $0x0;
	s5 =	sld [smem:$0x3FAD]  }
0x2b: {  	s6 =	sld [smem:$0x3FAE]  }
0x2c: {  	s7 =	sld [smem:$0x3FAF]  }
0x2d: {  	s3 =	simm.s32 $0x108;
	s8 =	sld [smem:$0x3FB0]  }
0x2e: {  	s3 =	simm.s32 @!p0 $0x1082;
	s9 =	sld [smem:$0x3FB1]  }
0x2f: {  	lr =	sadd.s32 s0, s3;
	s0 =	sld [smem:$0x3FA8]  }
0x30: {  	s3 =	sld [smem:$0x3FAB]  }
0x31: {  	[smem:$0x3FB4] =	sst s10  }
0x32: {  	s10 =	sld [smem:$0x3FB2];
	_ =	sdelay $0x3  }
0x33: {  	p0 =	seq.s32 s10, $0x1;
	s10 =	sld [smem:$0x3FB4];
	_ =	sdelay $0x3  }
0x34: {  	[smem:$0x3FB4] =	sst s10  }
0x35: {  	s10 =	sld [smem:$0x3FB3];
	_ =	sdelay $0x3  }
0x36: {  	p1 =	seq.s32 s10, $0x1;
	s10 =	sld [smem:$0x3FB4];
	_ =	sdelay $0x3  }
0x37: {  	[smem:$0x3FB4] =	sst s10  }
0x38: {  	s10 =	sld [smem:$0x3FB5]  }
0x39: {  	_ = 	snop;
	(pc) =	sbr.ind lr, $3  }
0x3a: {  	_ = 	snop  }
0x3b: {  	_ = 	snop  }
0x3c: {  	p2 =	seq.s32 s10, $0x1;
	s10 =	sld [smem:$0x3FB4]  }
0x3d: {  	_ =	shalt  }
0x3e: {  	_ =	shalt  }
0x3f: {  	_ =	shalt  }
0x40: {  	_ =	shalt  }
0x41: {  	_ =	shalt  }
0x42: {  	_ =	shalt  }
0x43: {  	_ =	shalt  }
0x44: {  	_ =	shalt  }
0x45: {  	_ =	shalt  }
0x46: {  	_ =	shalt  }
0x47: {  	_ =	shalt  }
0x48: {  	_ =	shalt  }
0x49: {  	_ =	shalt  }
0x4a: {  	_ =	shalt  }
0x4b: {  	_ =	shalt  }
0x4c: {  	_ =	shalt  }
0x4d: {  	_ =	shalt  }
0x4e: {  	_ =	shalt  }
0x4f: {  	_ =	shalt  }
0x50: {  	_ =	shalt  }
0x51: {  	_ =	shalt  }
0x52: {  	_ =	shalt  }
0x53: {  	_ =	shalt  }
0x54: {  	_ =	shalt  }
0x55: {  	_ =	shalt  }
0x56: {  	_ =	shalt  }
0x57: {  	_ =	shalt  }
0x58: {  	_ =	shalt  }
0x59: {  	_ =	shalt  }
0x5a: {  	_ =	shalt  }
0x5b: {  	_ =	shalt  }
0x5c: {  	_ =	shalt  }
0x5d: {  	_ =	shalt  }
0x5e: {  	_ =	shalt  }
0x5f: {  	_ =	shalt  }
0x60: {  	_ =	shalt  }
0x61: {  	_ =	shalt  }
0x62: {  	_ =	shalt  }
0x63: {  	_ =	shalt  }
0x64: {  	_ =	shalt  }
0x65: {  	_ =	shalt  }
0x66: {  	_ =	shalt  }
0x67: {  	_ =	shalt  }
0x68: {  	_ =	shalt  }
0x69: {  	_ =	shalt  }
0x6a: {  	_ =	shalt  }
0x6b: {  	_ =	shalt  }
0x6c: {  	_ =	shalt  }
0x6d: {  	_ =	shalt  }
0x6e: {  	_ =	shalt  }
0x6f: {  	_ =	shalt  }
0x70: {  	_ =	shalt  }
0x71: {  	_ =	shalt  }
0x72: {  	_ =	shalt  }
0x73: {  	_ =	shalt  }
0x74: {  	_ =	shalt  }
0x75: {  	_ =	shalt  }
0x76: {  	_ =	shalt  }
0x77: {  	_ =	shalt  }
0x78: {  	_ =	shalt  }
0x79: {  	_ =	shalt  }
0x7a: {  	_ =	shalt  }
0x7b: {  	_ =	shalt  }
0x7c: {  	_ =	shalt  }
0x7d: {  	_ =	shalt  }
0x7e: {  	_ =	shalt  }
0x7f: {  	_ =	shalt  }
0x80: {  	_ =	shalt  }
0x81: {  	_ =	shalt  }
0x82: {  	_ =	shalt  }
0x83: {  	_ =	shalt  }
0x84: {  	_ =	shalt  }
0x85: {  	_ =	shalt  }
0x86: {  	_ =	shalt  }
0x87: {  	_ =	shalt  }
.Lfunc_end0:
.L_simem_size_0:
called_computation.2_lowered:
.L_overlay_start_0:
0x88: {  	s2 =	sld [smem:$0x3FD9]  }
0x89: {  	s3 =	sld [smem:$0x3FFE];
	_ =	sdelay $0x1  }
0x8a: {  	s1 =	srdreg.scid  }
0x8b: {  	s0 =	sand.u32 $0x1, s1  }
0x8c: {  	s16 =	sshll.u32 s0, $0xA;
	s2 =	sadd.s32 s3, s2  }
0x8d: {  	s2 =	sadd.s32 s2, s16  }
0x8e: {  	[smem:$0x3FC0] =	sst s2  }
0x8f: {  	_ = 	snop  }
0x90: {  	(tm) =	ssettm $0x1  }
0x91: {  	s17 =	sld [smem:$0x3FFB];
	_ =	sdelay $0x3  }
0x92: {  	_ =	strace s17  }
0x93: {  	s2 =	sld [smem:$0x3FFC];
	_ =	sdelay $0x3  }
0x94: {  	_ =	strace s2  }
0x95: {  	s2 =	sld [smem:$0x3FFD];
	_ =	sdelay $0x3  }
0x96: {  	_ =	strace s2  }
0x97: {  	_ =	strace $0x8FFFFFFF  }
0x98: {  	s18 =	sld [smem:$0x3FDB];
	_ =	sdelay $0x1  }
0x99: {  	s19 =	simm.s32 $_scs_section_size  }
0x9a: {  	s4 =	simm.s32 $_size__tile_overlayer_lowered;
	s5 =	simm.s32 $_tile_overlayer_lowered  }
0x9b: {  	s22 =	simm.s32 $0x1BFF;
	s21 =	sshll.u32 s5, $0x1;
	s2 =	sadd.s32 s19, s18  }
0x9c: {  	s6 =	simm.s32 $0x0;
	s20 =	sshll.u32 s4, $0x1;
	s4 =	sadd.s32 s21, s2  }
0x9d: {  	[timem:s6], [sflag:s22] =	dma.local [hbm:s4], s20  }
0x9e: {  	_ =	swait.ge [sflag:s22], s20  }
0x9f: {  	s3 =	ssub.s32 $0x0, s20;
	[sflag:s22] =	ssyncset.done $0x0  }
0xa0: {  	[sflag:s22] =	ssyncadd.s32 s3;
	_ =	sdelay $0x1  }
0xa1: {  	s23 =	simm.s32 $0x1B8B  }
0xa2: {  	_ =	swait.ge [sflag:s23], $0x1  }
0xa3: {  	[sflag:s23] =	ssyncset.done $0x0  }
0xa4: {  	s25 =	simm.s32 $0x1B8E;
	s24 =	sld [smem:$0x3FFE];
	[sflag:s23] =	ssyncadd.s32 $0xFFFFFFFF  }
0xa5: {  	s26 =	simm.s32 $execute0_lowered;
	[smem:$0x3FD2] =	sst s25  }
0xa6: {  	s4 =	sshll.u32 s26, $0x1;
	_ =	strace $0x8000004C;
	[dreg:$0x1] =	wrdreg $0xFFFFFFFF  }
0xa7: {  	s28 =	simm.s32 $_size_execute0_lowered;
	s2 =	sadd.s32 s2, s4;
	[dreg:$0x0] =	wrdreg $0x0  }
0xa8: {  	s4 =	sshll.u32 s28, $0x1;
	[dreg:$0x2] =	wrdreg s2  }
0xa9: {  	[dreg:$0x3] =	wrdreg s4  }
0xaa: {  	[dreg:$0x4] =	wrdreg $0xC0  }
0xab: {  	_ =	task [dreg:s6], $0x5FFFF  }
0xac: {  	[dreg:$0x1] =	wrdreg $0xFFFFFFFF  }
0xad: {  	[dreg:$0x0] =	wrdreg $0x60  }
0xae: {  	[dreg:$0x2] =	wrdreg s24  }
0xaf: {  	[dreg:$0x3] =	wrdreg $0x0  }
0xb0: {  	[dreg:$0x4] =	wrdreg $0x9  }
0xb1: {  	_ =	task.clear_ibuf [dreg:s6], $0x5FFFF;
	_ =	strace $0x9000004C  }
0xb2: {  	s29 =	simm.s32 $0x9;
	_ =	strace $0x8000004E  }
0xb3: {  	_ =	swait.ge [sflag:s29], $0x1  }
0xb4: {  	[sflag:s29] =	ssyncadd.s32 $0xFFFFFFFF  }
0xb5: {  	_ =	strace $0x9000004E  }
0xb6: {  	_ =	sfence  }
0xb7: {  	s30 =	sld [smem:$0x0];
	_ =	sdelay $0x2  }
0xb8: {  	s31 =	sshll.u32 s1, $0xD;
	s1 =	sshrl.u32 s1, $0x2  }
0xb9: {  	s3 =	sand.u32 $0x4000, s31;
	s1 =	sadd.s32 s1, s30  }
0xba: {  	s0 =	sor.u32 s3, s0;
	s1 =	sshll.u32 s1, $0x11  }
0xbb: {  	s0 =	sor.u32 s1, s0  }
0xbc: {  	s0 =	sadd.s32 $0x8F2B, s0  }
0xbd: {  	[sflag:s0] =	ssyncadd.remote.s32 $0x1  }
0xbe: {  	_ =	sfence.sel $0xFFFF  }
0xbf: {  	[dreg:$0x0] =	wrdreg $0xFFFFFFFF;
	(pc) =	sbr.abs _section_cstart, $3  }
0xc0: {  	[dreg:$0x1] =	wrdreg $0xFFFFFFFF  }
0xc1: {  	_ =	task.clear_ibuf [dreg:s6], $0x2FFFF;
	_ =	strace $0x9FFFFFFF  }
0xc2: {  	(tm) =	ssettm $0x7FFFFFFF  }
0xc3: {  	_ =	shalt  }
tec
execute0_lowered:
.L_overlay_start_1:
0x0: {  	(tag) =	ssettag $0x1  }
0x1: {  	s0 =	srdreg.scid;
	s1 =	rddreg [dreg:$0x0]  }
0x2: {  	s11 =	stileid.u32;
	s2 =	rddreg [dreg:$0x1];
	s3 =	simm.s32 $0x0  }
0x3: {  	s13 =	simm.s32 $0x13D00;
	s14 =	simm.s32 $0x14480;
	s15 =	simm.s32 $0x13D80  }
0x4: {  	s17 =	simm.s32 $0x14500;
	s18 =	simm.s32 $0x13E00;
	s19 =	simm.s32 $0x14580  }
0x5: {  	s20 =	simm.s32 $0x13E80;
	s21 =	simm.s32 $0x14600;
	s22 =	simm.s32 $0x13F00  }
0x6: {  	s28 =	simm.s32 $0x14280;
	s29 =	simm.s32 $0x14A00;
	[smem:$0x7FF] =	sst s3  }
0x7: {  	s4 =	smul.u32 $0x5000, s11;
	_ =	strace $0x8000004D;
	[dreg:$0x6] =	wrdreg s13  }
0x8: {  	s30 =	simm.s32 $0x14300;
	s23 =	smul.u32 $0x13C00, s11;
	[dreg:$0x7] =	wrdreg s14  }
0x9: {  	s31 =	simm.s32 $0x14A80;
	s8 =	smul.u32 $0xA00, s11;
	[dreg:$0x8] =	wrdreg s15  }
0xa: {  	s0 =	sand.u32 $0x1, s0;
	s25 =	smul.u32 $0x4F000, s11;
	[dreg:$0x9] =	wrdreg s17  }
0xb: {  	s10 =	smul.u32 $0x2780, s11;
	s12 =	sshll.u32 s11, $0x6;
	[dreg:$0xa] =	wrdreg s18  }
0xc: {  	s11 =	simm.s32 $0x13C00;
	s5 =	smul.u32 $0x50000, s0;
	[dreg:$0xb] =	wrdreg s19  }
0xd: {  	s6 =	smul.u32 $0x13C000, s0;
	s26 =	ssub.s32 $0x2, s0;
	[dreg:$0xc] =	wrdreg s20  }
0xe: {  	s0 =	smul.u32 $0x27800, s0;
	s13 =	simm.s32 $0x80;
	[dreg:$0xd] =	wrdreg s21  }
0xf: {  	s14 =	simm.s32 $0x14C00;
	[dreg:$0xe] =	wrdreg s22;
	s15 =	simm.s32 $0x18C00  }
0x10: {  	s17 =	simm.s32 $0x2;
	s18 =	simm.s32 $0x14780;
	s19 =	simm.s32 $0x14080  }
0x11: {  	s20 =	simm.s32 $0x14800;
	s21 =	simm.s32 $0x14100;
	s22 =	simm.s32 $0x14880  }
0x12: {  	s24 =	sadd.s32 s8, s1;
	s9 =	sshrl.u32 s26, $0x1;
	s8 =	sshrl.u32 s25, $0x2  }
0x13: {  	s25 =	simm.s32 $0x14700;
	s4 =	sadd.s32 s4, s5;
	s5 =	sadd.s32 s23, s6  }
0x14: {  	s8 =	sadd.s32 s8, s2;
	s6 =	sadd.s32 $0x2000, s24;
	s0 =	sadd.s32 s10, s0  }
0x15: {  	s10 =	simm.s32 $0x13C80;
	s23 =	simm.s32 $0x14680;
	[dreg:$0x11] =	wrdreg s25  }
0x16: {  	s24 =	simm.s32 $0x13F80;
	s25 =	simm.s32 $0x14200;
	[dreg:$0x3] =	wrdreg s6  }
0x17: {  	s7 =	sshrl.u32 s4, $0x3;
	s4 =	sadd.s32 $0x17000, s1;
	[dreg:$0x5] =	wrdreg s10  }
0x18: {  	s5 =	sshrl.u32 s5, $0x3;
	s8 =	sshrl.u32 s8, $0x3;
	[dreg:$0xf] =	wrdreg s23  }
0x19: {  	s10 =	simm.s32 $0x3;
	[dreg:$0x10] =	wrdreg s24;
	s23 =	simm.s32 $0x14180  }
0x1a: {  	s24 =	simm.s32 $0x14900;
	s7 =	sadd.s32 s7, s1;
	s1 =	sadd.s32 s5, s1  }
0x1b: {  	s5 =	ssub.s32 s26, s9;
	s0 =	sadd.s32 s4, s0;
	[dreg:$0x17] =	wrdreg s8  }
0x1c: {  	s26 =	simm.s32 $0x14000;
	s9 =	sadd.s32 $0x90000, s7;
	[dreg:$0x13] =	wrdreg s0  }
0x1d: {  	s7 =	sor.u32 $0x1C03, s12;
	s1 =	sadd.s32 $0xA4000, s1;
	[dreg:$0x12] =	wrdreg s26  }
0x1e: {  	s16 =	smax.u32 s5, $0x1;
	s12 =	simm.s32 $0x14400;
	[dreg:$0x4] =	wrdreg s9  }
0x1f: {  	s26 =	simm.s32 $0x14980;
	s0 =	simm.s32 $0x14B00;
	[dreg:$0x15] =	wrdreg s1  }
0x20: {  	s5 =	simm.s32 $0x14B80;
	[dreg:$0x16] =	wrdreg s16;
	s16 =	simm.s32 $0x1  }
0x21: {  	s1 =	simm.s32 $0x14380;
	s9 =	simm.s32 $0x0;
	[dreg:$0x14] =	wrdreg s7  }
.LBB2_1:
0x22: {  	[dreg:$0x18] =	wrdreg s9  }
0x23: {  	s6 =	rddreg [dreg:$0x13]  }
0x24: {  	[spmem:s8], [sflag:s7] =	dma.local [hbm:s6], $0x2780  }
0x25: {  	_ =	swait.ge [sflag:s10], $0x2780  }
0x26: {  	[sflag:s10] =	ssyncset.done $0x0  }
0x27: {  	[sflag:s10] =	ssyncadd.s32 $0xFFFFD880  }
0x28: {  	[bflag:$0x0] =	sbarrier.arrive $0xFFFF  }
0x29: {  	s9 =	rddreg [dreg:$0x4]  }
0x2a: {  	s6 =	sadd.s32 $0x0, s9  }
0x2b: {  	[tilespmem:s11], [sflag:$0x3] =	stream.linear.gather [hbm4b:s6+s3], $0x800, $0x38;
	[tilespmem:$0x1CC00] =	vst v63  }
0x2c: {  	_ =	swait.ge [sflag:s10], $0x800  }
0x2d: {  	s7 =	rddreg [dreg:$0x3];
	[sflag:s10] =	ssyncset.done $0x0  }
0x2e: {  	[sflag:s10] =	ssyncadd.s32 $0xFFFFF800;
	s6 =	sadd.s32 $0x0, s7  }
0x2f: {  	[tilespmem:s12], [sflag:$0x3] =	stream.linear.gather [hbm4b:s6+s3], $0x800, $0x38;
	[tilespmem:$0x1CC00] =	vst v63  }
0x30: {  	_ =	swait.ge [sflag:s10], $0x800  }
0x31: {  	[sflag:s10] =	ssyncset.done $0x0  }
0x32: {  	[sflag:s10] =	ssyncadd.s32 $0xFFFFF800  }
0x33: {  	[tilespmem:s14], [sflag:$0x1] =	stream.indirect.gather [hbm4b:s4+s13], $0x80, s11, s13, $0xb8;
	[tilespmem:$0x1CC00] =	vst v63  }
0x34: {  	s8 =	rddreg [dreg:$0x5]  }
0x35: {  	[tilespmem:s15], [sflag:$0x2] =	stream.indirect.gather [hbm4b:s4+s13], $0x80, s8, s13, $0xb8;
	[tilespmem:$0x1CC00] =	vst v63  }
0x36: {  	_ =	swait.ge [sflag:s16], $0x4000  }
0x37: {  	[sflag:s16] =	ssyncset.done $0x0  }
0x38: {  	[sflag:s16] =	ssyncadd.s32 $0xFFFFC000  }
0x39: {  	[spmem:s2] =	stream.indirect.scatter.add.f32 [tilespmem:s14], [sflag:$0x3], $0x80, s12, s13, $0xb8;
	[tilespmem:$0x1CC00] =	vst v63  }
0x3a: {  	_ =	swait.ge [sflag:s10], $0x4000  }
0x3b: {  	[sflag:s10] =	ssyncset.done $0x0  }
0x3c: {  	s9 =	rddreg [dreg:$0x6];
	[sflag:s10] =	ssyncadd.s32 $0xFFFFC000  }
0x3d: {  	[tilespmem:s14], [sflag:$0x1] =	stream.indirect.gather [hbm4b:s4+s13], $0x80, s9, s13, $0xb8;
	[tilespmem:$0x1CC00] =	vst v63  }
0x3e: {  	_ =	swait.ge [sflag:s17], $0x4000  }
0x3f: {  	[sflag:s17] =	ssyncset.done $0x0  }
0x40: {  	s7 =	rddreg [dreg:$0x7];
	[sflag:s17] =	ssyncadd.s32 $0xFFFFC000  }
0x41: {  	[spmem:s2] =	stream.indirect.scatter.add.f32 [tilespmem:s15], [sflag:$0x3], $0x80, s7, s13, $0xb8;
	[tilespmem:$0x1CC00] =	vst v63  }
0x42: {  	_ =	swait.ge [sflag:s10], $0x4000  }
0x43: {  	[sflag:s10] =	ssyncset.done $0x0  }
0x44: {  	s8 =	rddreg [dreg:$0x8];
	[sflag:s10] =	ssyncadd.s32 $0xFFFFC000  }
0x45: {  	[tilespmem:s15], [sflag:$0x2] =	stream.indirect.gather [hbm4b:s4+s13], $0x80, s8, s13, $0xb8;
	[tilespmem:$0x1CC00] =	vst v63  }
0x46: {  	_ =	swait.ge [sflag:s16], $0x4000  }
0x47: {  	[sflag:s16] =	ssyncset.done $0x0  }
0x48: {  	s9 =	rddreg [dreg:$0x9];
	[sflag:s16] =	ssyncadd.s32 $0xFFFFC000  }
0x49: {  	[spmem:s2] =	stream.indirect.scatter.add.f32 [tilespmem:s14], [sflag:$0x3], $0x80, s9, s13, $0xb8;
	[tilespmem:$0x1CC00] =	vst v63  }
0x4a: {  	_ =	swait.ge [sflag:s10], $0x4000  }
0x4b: {  	[sflag:s10] =	ssyncset.done $0x0  }
0x4c: {  	s7 =	rddreg [dreg:$0xa];
	[sflag:s10] =	ssyncadd.s32 $0xFFFFC000  }
0x4d: {  	[tilespmem:s14], [sflag:$0x1] =	stream.indirect.gather [hbm4b:s4+s13], $0x80, s7, s13, $0xb8;
	[tilespmem:$0x1CC00] =	vst v63  }
0x4e: {  	_ =	swait.ge [sflag:s17], $0x4000  }
0x4f: {  	[sflag:s17] =	ssyncset.done $0x0  }
0x50: {  	s8 =	rddreg [dreg:$0xb];
	[sflag:s17] =	ssyncadd.s32 $0xFFFFC000  }
0x51: {  	[spmem:s2] =	stream.indirect.scatter.add.f32 [tilespmem:s15], [sflag:$0x3], $0x80, s8, s13, $0xb8;
	[tilespmem:$0x1CC00] =	vst v63  }
0x52: {  	_ =	swait.ge [sflag:s10], $0x4000  }
0x53: {  	[sflag:s10] =	ssyncset.done $0x0  }
0x54: {  	s9 =	rddreg [dreg:$0xc];
	[sflag:s10] =	ssyncadd.s32 $0xFFFFC000  }
0x55: {  	[tilespmem:s15], [sflag:$0x2] =	stream.indirect.gather [hbm4b:s4+s13], $0x80, s9, s13, $0xb8;
	[tilespmem:$0x1CC00] =	vst v63  }
0x56: {  	_ =	swait.ge [sflag:s16], $0x4000  }
0x57: {  	[sflag:s16] =	ssyncset.done $0x0  }
0x58: {  	s7 =	rddreg [dreg:$0xd];
	[sflag:s16] =	ssyncadd.s32 $0xFFFFC000  }
0x59: {  	[spmem:s2] =	stream.indirect.scatter.add.f32 [tilespmem:s14], [sflag:$0x3], $0x80, s7, s13, $0xb8;
	[tilespmem:$0x1CC00] =	vst v63  }
0x5a: {  	_ =	swait.ge [sflag:s10], $0x4000  }
0x5b: {  	[sflag:s10] =	ssyncset.done $0x0  }
0x5c: {  	s8 =	rddreg [dreg:$0xe];
	[sflag:s10] =	ssyncadd.s32 $0xFFFFC000  }
0x5d: {  	[tilespmem:s14], [sflag:$0x1] =	stream.indirect.gather [hbm4b:s4+s13], $0x80, s8, s13, $0xb8;
	[tilespmem:$0x1CC00] =	vst v63  }
0x5e: {  	_ =	swait.ge [sflag:s17], $0x4000  }
0x5f: {  	[sflag:s17] =	ssyncset.done $0x0  }
0x60: {  	s9 =	rddreg [dreg:$0xf];
	[sflag:s17] =	ssyncadd.s32 $0xFFFFC000  }
0x61: {  	[spmem:s2] =	stream.indirect.scatter.add.f32 [tilespmem:s15], [sflag:$0x3], $0x80, s9, s13, $0xb8;
	[tilespmem:$0x1CC00] =	vst v63  }
0x62: {  	_ =	swait.ge [sflag:s10], $0x4000  }
0x63: {  	[sflag:s10] =	ssyncset.done $0x0  }
0x64: {  	s7 =	rddreg [dreg:$0x10];
	[sflag:s10] =	ssyncadd.s32 $0xFFFFC000  }
0x65: {  	[tilespmem:s15], [sflag:$0x2] =	stream.indirect.gather [hbm4b:s4+s13], $0x80, s7, s13, $0xb8;
	[tilespmem:$0x1CC00] =	vst v63  }
0x66: {  	_ =	swait.ge [sflag:s16], $0x4000  }
0x67: {  	[sflag:s16] =	ssyncset.done $0x0  }
0x68: {  	s8 =	rddreg [dreg:$0x11];
	[sflag:s16] =	ssyncadd.s32 $0xFFFFC000  }
0x69: {  	[spmem:s2] =	stream.indirect.scatter.add.f32 [tilespmem:s14], [sflag:$0x3], $0x80, s8, s13, $0xb8;
	[tilespmem:$0x1CC00] =	vst v63  }
0x6a: {  	_ =	swait.ge [sflag:s10], $0x4000  }
0x6b: {  	[sflag:s10] =	ssyncset.done $0x0  }
0x6c: {  	s9 =	rddreg [dreg:$0x12];
	[sflag:s10] =	ssyncadd.s32 $0xFFFFC000  }
0x6d: {  	[tilespmem:s14], [sflag:$0x1] =	stream.indirect.gather [hbm4b:s4+s13], $0x80, s9, s13, $0xb8;
	[tilespmem:$0x1CC00] =	vst v63  }
0x6e: {  	_ =	swait.ge [sflag:s17], $0x4000  }
0x6f: {  	[sflag:s17] =	ssyncset.done $0x0  }
0x70: {  	[sflag:s17] =	ssyncadd.s32 $0xFFFFC000  }
0x71: {  	[spmem:s2] =	stream.indirect.scatter.add.f32 [tilespmem:s15], [sflag:$0x3], $0x80, s18, s13, $0xb8;
	[tilespmem:$0x1CC00] =	vst v63  }
0x72: {  	_ =	swait.ge [sflag:s10], $0x4000  }
0x73: {  	[sflag:s10] =	ssyncset.done $0x0  }
0x74: {  	[sflag:s10] =	ssyncadd.s32 $0xFFFFC000  }
0x75: {  	[tilespmem:s15], [sflag:$0x2] =	stream.indirect.gather [hbm4b:s4+s13], $0x80, s19, s13, $0xb8;
	[tilespmem:$0x1CC00] =	vst v63  }
0x76: {  	_ =	swait.ge [sflag:s16], $0x4000  }
0x77: {  	[sflag:s16] =	ssyncset.done $0x0  }
0x78: {  	[sflag:s16] =	ssyncadd.s32 $0xFFFFC000  }
0x79: {  	[spmem:s2] =	stream.indirect.scatter.add.f32 [tilespmem:s14], [sflag:$0x3], $0x80, s20, s13, $0xb8;
	[tilespmem:$0x1CC00] =	vst v63  }
0x7a: {  	_ =	swait.ge [sflag:s10], $0x4000  }
0x7b: {  	[sflag:s10] =	ssyncset.done $0x0  }
0x7c: {  	[sflag:s10] =	ssyncadd.s32 $0xFFFFC000  }
0x7d: {  	[tilespmem:s14], [sflag:$0x1] =	stream.indirect.gather [hbm4b:s4+s13], $0x80, s21, s13, $0xb8;
	[tilespmem:$0x1CC00] =	vst v63  }
0x7e: {  	_ =	swait.ge [sflag:s17], $0x4000  }
0x7f: {  	[sflag:s17] =	ssyncset.done $0x0  }
0x80: {  	[sflag:s17] =	ssyncadd.s32 $0xFFFFC000  }
0x81: {  	[spmem:s2] =	stream.indirect.scatter.add.f32 [tilespmem:s15], [sflag:$0x3], $0x80, s22, s13, $0xb8;
	[tilespmem:$0x1CC00] =	vst v63  }
0x82: {  	_ =	swait.ge [sflag:s10], $0x4000  }
0x83: {  	[sflag:s10] =	ssyncset.done $0x0  }
0x84: {  	[sflag:s10] =	ssyncadd.s32 $0xFFFFC000  }
0x85: {  	[tilespmem:s15], [sflag:$0x2] =	stream.indirect.gather [hbm4b:s4+s13], $0x80, s23, s13, $0xb8;
	[tilespmem:$0x1CC00] =	vst v63  }
0x86: {  	_ =	swait.ge [sflag:s16], $0x4000  }
0x87: {  	[sflag:s16] =	ssyncset.done $0x0  }
0x88: {  	[sflag:s16] =	ssyncadd.s32 $0xFFFFC000  }
0x89: {  	[spmem:s2] =	stream.indirect.scatter.add.f32 [tilespmem:s14], [sflag:$0x3], $0x80, s24, s13, $0xb8;
	[tilespmem:$0x1CC00] =	vst v63  }
0x8a: {  	_ =	swait.ge [sflag:s10], $0x4000  }
0x8b: {  	[sflag:s10] =	ssyncset.done $0x0  }
0x8c: {  	[sflag:s10] =	ssyncadd.s32 $0xFFFFC000  }
0x8d: {  	[tilespmem:s14], [sflag:$0x1] =	stream.indirect.gather [hbm4b:s4+s13], $0x80, s25, s13, $0xb8;
	[tilespmem:$0x1CC00] =	vst v63  }
0x8e: {  	_ =	swait.ge [sflag:s17], $0x4000  }
0x8f: {  	[sflag:s17] =	ssyncset.done $0x0  }
0x90: {  	[sflag:s17] =	ssyncadd.s32 $0xFFFFC000  }
0x91: {  	[spmem:s2] =	stream.indirect.scatter.add.f32 [tilespmem:s15], [sflag:$0x3], $0x80, s26, s13, $0xb8;
	[tilespmem:$0x1CC00] =	vst v63  }
0x92: {  	_ =	swait.ge [sflag:s10], $0x4000  }
0x93: {  	[sflag:s10] =	ssyncset.done $0x0  }
0x94: {  	[sflag:s10] =	ssyncadd.s32 $0xFFFFC000  }
0x95: {  	[tilespmem:s15], [sflag:$0x2] =	stream.indirect.gather [hbm4b:s4+s13], $0x80, s28, s13, $0xb8;
	[tilespmem:$0x1CC00] =	vst v63  }
0x96: {  	_ =	swait.ge [sflag:s16], $0x4000  }
0x97: {  	[sflag:s16] =	ssyncset.done $0x0  }
0x98: {  	[sflag:s16] =	ssyncadd.s32 $0xFFFFC000  }
0x99: {  	[spmem:s2] =	stream.indirect.scatter.add.f32 [tilespmem:s14], [sflag:$0x3], $0x80, s29, s13, $0xb8;
	[tilespmem:$0x1CC00] =	vst v63  }
0x9a: {  	_ =	swait.ge [sflag:s10], $0x4000  }
0x9b: {  	[sflag:s10] =	ssyncset.done $0x0  }
0x9c: {  	[sflag:s10] =	ssyncadd.s32 $0xFFFFC000  }
0x9d: {  	[tilespmem:s14], [sflag:$0x1] =	stream.indirect.gather [hbm4b:s4+s13], $0x80, s30, s13, $0xb8;
	[tilespmem:$0x1CC00] =	vst v63  }
0x9e: {  	_ =	swait.ge [sflag:s17], $0x4000  }
0x9f: {  	[sflag:s17] =	ssyncset.done $0x0  }
0xa0: {  	[sflag:s17] =	ssyncadd.s32 $0xFFFFC000  }
0xa1: {  	[spmem:s2] =	stream.indirect.scatter.add.f32 [tilespmem:s15], [sflag:$0x3], $0x80, s31, s13, $0xb8;
	[tilespmem:$0x1CC00] =	vst v63  }
0xa2: {  	_ =	swait.ge [sflag:s10], $0x4000  }
0xa3: {  	[sflag:s10] =	ssyncset.done $0x0  }
0xa4: {  	[sflag:s10] =	ssyncadd.s32 $0xFFFFC000  }
0xa5: {  	[tilespmem:s15], [sflag:$0x2] =	stream.indirect.gather [hbm4b:s4+s13], $0x80, s1, s13, $0xb8;
	[tilespmem:$0x1CC00] =	vst v63  }
0xa6: {  	_ =	swait.ge [sflag:s16], $0x4000  }
0xa7: {  	[sflag:s16] =	ssyncset.done $0x0  }
0xa8: {  	[sflag:s16] =	ssyncadd.s32 $0xFFFFC000  }
0xa9: {  	[spmem:s2] =	stream.indirect.scatter.add.f32 [tilespmem:s14], [sflag:$0x3], $0x80, s0, s13, $0xb8;
	[tilespmem:$0x1CC00] =	vst v63  }
0xaa: {  	_ =	swait.ge [sflag:s10], $0x4000  }
0xab: {  	[sflag:s10] =	ssyncset.done $0x0  }
0xac: {  	[sflag:s10] =	ssyncadd.s32 $0xFFFFC000  }
0xad: {  	_ =	swait.ge [sflag:s17], $0x4000  }
0xae: {  	[sflag:s17] =	ssyncset.done $0x0  }
0xaf: {  	[sflag:s17] =	ssyncadd.s32 $0xFFFFC000  }
0xb0: {  	[spmem:s2] =	stream.indirect.scatter.add.f32 [tilespmem:s15], [sflag:$0x3], $0x80, s5, s13, $0xb8;
	[tilespmem:$0x1CC00] =	vst v63  }
0xb1: {  	s6 =	simm.s32 $0x200;
	_ =	swait.ge [sflag:s10], $0x4000  }
0xb2: {  	s8 =	simm.s32 $0x100;
	s9 =	rddreg [dreg:$0x4];
	[sflag:s10] =	ssyncset.done $0x0  }
.LBB2_2:
0xb3: {  	[sflag:s10] =	ssyncadd.s32 $0xFFFFC000;
	s9 =	sadd.s32 s8, s9  }
0xb4: {  	[tilespmem:s11], [sflag:$0x3] =	stream.linear.gather [hbm4b:s9+s3], $0x800, $0x38;
	[tilespmem:$0x1CC00] =	vst v63  }
0xb5: {  	_ =	swait.ge [sflag:s10], $0x800  }
0xb6: {  	s9 =	rddreg [dreg:$0x3];
	[sflag:s10] =	ssyncset.done $0x0  }
0xb7: {  	[sflag:s10] =	ssyncadd.s32 $0xFFFFF800;
	s9 =	sadd.s32 s8, s9  }
0xb8: {  	[tilespmem:s12], [sflag:$0x3] =	stream.linear.gather [hbm4b:s9+s3], $0x800, $0x38;
	[tilespmem:$0x1CC00] =	vst v63  }
0xb9: {  	_ =	swait.ge [sflag:s10], $0x800  }
0xba: {  	[sflag:s10] =	ssyncset.done $0x0  }
0xbb: {  	[sflag:s10] =	ssyncadd.s32 $0xFFFFF800  }
0xbc: {  	[tilespmem:s14], [sflag:$0x1] =	stream.indirect.gather [hbm4b:s4+s13], $0x80, s11, s13, $0xb8;
	[tilespmem:$0x1CC00] =	vst v63  }
0xbd: {  	s9 =	rddreg [dreg:$0x5]  }
0xbe: {  	[tilespmem:s15], [sflag:$0x2] =	stream.indirect.gather [hbm4b:s4+s13], $0x80, s9, s13, $0xb8;
	[tilespmem:$0x1CC00] =	vst v63  }
0xbf: {  	_ =	swait.ge [sflag:s16], $0x4000  }
0xc0: {  	[sflag:s16] =	ssyncset.done $0x0  }
0xc1: {  	[sflag:s16] =	ssyncadd.s32 $0xFFFFC000  }
0xc2: {  	[spmem:s2] =	stream.indirect.scatter.add.f32 [tilespmem:s14], [sflag:$0x3], $0x80, s12, s13, $0xb8;
	[tilespmem:$0x1CC00] =	vst v63  }
0xc3: {  	_ =	swait.ge [sflag:s10], $0x4000  }
0xc4: {  	[sflag:s10] =	ssyncset.done $0x0  }
0xc5: {  	s9 =	rddreg [dreg:$0x6];
	[sflag:s10] =	ssyncadd.s32 $0xFFFFC000  }
0xc6: {  	[tilespmem:s14], [sflag:$0x1] =	stream.indirect.gather [hbm4b:s4+s13], $0x80, s9, s13, $0xb8;
	[tilespmem:$0x1CC00] =	vst v63  }
0xc7: {  	_ =	swait.ge [sflag:s17], $0x4000  }
0xc8: {  	[sflag:s17] =	ssyncset.done $0x0  }
0xc9: {  	s9 =	rddreg [dreg:$0x7];
	[sflag:s17] =	ssyncadd.s32 $0xFFFFC000  }
0xca: {  	[spmem:s2] =	stream.indirect.scatter.add.f32 [tilespmem:s15], [sflag:$0x3], $0x80, s9, s13, $0xb8;
	[tilespmem:$0x1CC00] =	vst v63  }
0xcb: {  	_ =	swait.ge [sflag:s10], $0x4000  }
0xcc: {  	[sflag:s10] =	ssyncset.done $0x0  }
0xcd: {  	s9 =	rddreg [dreg:$0x8];
	[sflag:s10] =	ssyncadd.s32 $0xFFFFC000  }
0xce: {  	[tilespmem:s15], [sflag:$0x2] =	stream.indirect.gather [hbm4b:s4+s13], $0x80, s9, s13, $0xb8;
	[tilespmem:$0x1CC00] =	vst v63  }
0xcf: {  	_ =	swait.ge [sflag:s16], $0x4000  }
0xd0: {  	[sflag:s16] =	ssyncset.done $0x0  }
0xd1: {  	s9 =	rddreg [dreg:$0x9];
	[sflag:s16] =	ssyncadd.s32 $0xFFFFC000  }
0xd2: {  	[spmem:s2] =	stream.indirect.scatter.add.f32 [tilespmem:s14], [sflag:$0x3], $0x80, s9, s13, $0xb8;
	[tilespmem:$0x1CC00] =	vst v63  }
0xd3: {  	_ =	swait.ge [sflag:s10], $0x4000  }
0xd4: {  	[sflag:s10] =	ssyncset.done $0x0  }
0xd5: {  	s9 =	rddreg [dreg:$0xa];
	[sflag:s10] =	ssyncadd.s32 $0xFFFFC000  }
0xd6: {  	[tilespmem:s14], [sflag:$0x1] =	stream.indirect.gather [hbm4b:s4+s13], $0x80, s9, s13, $0xb8;
	[tilespmem:$0x1CC00] =	vst v63  }
0xd7: {  	_ =	swait.ge [sflag:s17], $0x4000  }
0xd8: {  	[sflag:s17] =	ssyncset.done $0x0  }
0xd9: {  	s9 =	rddreg [dreg:$0xb];
	[sflag:s17] =	ssyncadd.s32 $0xFFFFC000  }
0xda: {  	[spmem:s2] =	stream.indirect.scatter.add.f32 [tilespmem:s15], [sflag:$0x3], $0x80, s9, s13, $0xb8;
	[tilespmem:$0x1CC00] =	vst v63  }
0xdb: {  	_ =	swait.ge [sflag:s10], $0x4000  }
0xdc: {  	[sflag:s10] =	ssyncset.done $0x0  }
0xdd: {  	s9 =	rddreg [dreg:$0xc];
	[sflag:s10] =	ssyncadd.s32 $0xFFFFC000  }
0xde: {  	[tilespmem:s15], [sflag:$0x2] =	stream.indirect.gather [hbm4b:s4+s13], $0x80, s9, s13, $0xb8;
	[tilespmem:$0x1CC00] =	vst v63  }
0xdf: {  	_ =	swait.ge [sflag:s16], $0x4000  }
0xe0: {  	[sflag:s16] =	ssyncset.done $0x0  }
0xe1: {  	s9 =	rddreg [dreg:$0xd];
	[sflag:s16] =	ssyncadd.s32 $0xFFFFC000  }
0xe2: {  	[spmem:s2] =	stream.indirect.scatter.add.f32 [tilespmem:s14], [sflag:$0x3], $0x80, s9, s13, $0xb8;
	[tilespmem:$0x1CC00] =	vst v63  }
0xe3: {  	_ =	swait.ge [sflag:s10], $0x4000  }
0xe4: {  	[sflag:s10] =	ssyncset.done $0x0  }
0xe5: {  	s9 =	rddreg [dreg:$0xe];
	[sflag:s10] =	ssyncadd.s32 $0xFFFFC000  }
0xe6: {  	[tilespmem:s14], [sflag:$0x1] =	stream.indirect.gather [hbm4b:s4+s13], $0x80, s9, s13, $0xb8;
	[tilespmem:$0x1CC00] =	vst v63  }
0xe7: {  	_ =	swait.ge [sflag:s17], $0x4000  }
0xe8: {  	[sflag:s17] =	ssyncset.done $0x0  }
0xe9: {  	s9 =	rddreg [dreg:$0xf];
	[sflag:s17] =	ssyncadd.s32 $0xFFFFC000  }
0xea: {  	[spmem:s2] =	stream.indirect.scatter.add.f32 [tilespmem:s15], [sflag:$0x3], $0x80, s9, s13, $0xb8;
	[tilespmem:$0x1CC00] =	vst v63  }
0xeb: {  	_ =	swait.ge [sflag:s10], $0x4000  }
0xec: {  	[sflag:s10] =	ssyncset.done $0x0  }
0xed: {  	s9 =	rddreg [dreg:$0x10];
	[sflag:s10] =	ssyncadd.s32 $0xFFFFC000  }
0xee: {  	[tilespmem:s15], [sflag:$0x2] =	stream.indirect.gather [hbm4b:s4+s13], $0x80, s9, s13, $0xb8;
	[tilespmem:$0x1CC00] =	vst v63  }
0xef: {  	_ =	swait.ge [sflag:s16], $0x4000  }
0xf0: {  	[sflag:s16] =	ssyncset.done $0x0  }
0xf1: {  	s9 =	rddreg [dreg:$0x11];
	[sflag:s16] =	ssyncadd.s32 $0xFFFFC000  }
0xf2: {  	[spmem:s2] =	stream.indirect.scatter.add.f32 [tilespmem:s14], [sflag:$0x3], $0x80, s9, s13, $0xb8;
	[tilespmem:$0x1CC00] =	vst v63  }
0xf3: {  	_ =	swait.ge [sflag:s10], $0x4000  }
0xf4: {  	[sflag:s10] =	ssyncset.done $0x0  }
0xf5: {  	s9 =	rddreg [dreg:$0x12];
	[sflag:s10] =	ssyncadd.s32 $0xFFFFC000  }
0xf6: {  	[tilespmem:s14], [sflag:$0x1] =	stream.indirect.gather [hbm4b:s4+s13], $0x80, s9, s13, $0xb8;
	[tilespmem:$0x1CC00] =	vst v63  }
0xf7: {  	_ =	swait.ge [sflag:s17], $0x4000  }
0xf8: {  	[sflag:s17] =	ssyncset.done $0x0  }
0xf9: {  	[sflag:s17] =	ssyncadd.s32 $0xFFFFC000  }
0xfa: {  	[spmem:s2] =	stream.indirect.scatter.add.f32 [tilespmem:s15], [sflag:$0x3], $0x80, s18, s13, $0xb8;
	[tilespmem:$0x1CC00] =	vst v63  }
0xfb: {  	_ =	swait.ge [sflag:s10], $0x4000  }
0xfc: {  	[sflag:s10] =	ssyncset.done $0x0  }
0xfd: {  	[sflag:s10] =	ssyncadd.s32 $0xFFFFC000  }
0xfe: {  	[tilespmem:s15], [sflag:$0x2] =	stream.indirect.gather [hbm4b:s4+s13], $0x80, s19, s13, $0xb8;
	[tilespmem:$0x1CC00] =	vst v63  }
0xff: {  	_ =	swait.ge [sflag:s16], $0x4000  }
0x100: {  	[sflag:s16] =	ssyncset.done $0x0  }
0x101: {  	[sflag:s16] =	ssyncadd.s32 $0xFFFFC000  }
0x102: {  	[spmem:s2] =	stream.indirect.scatter.add.f32 [tilespmem:s14], [sflag:$0x3], $0x80, s20, s13, $0xb8;
	[tilespmem:$0x1CC00] =	vst v63  }
0x103: {  	_ =	swait.ge [sflag:s10], $0x4000  }
0x104: {  	[sflag:s10] =	ssyncset.done $0x0  }
0x105: {  	[sflag:s10] =	ssyncadd.s32 $0xFFFFC000  }
0x106: {  	[tilespmem:s14], [sflag:$0x1] =	stream.indirect.gather [hbm4b:s4+s13], $0x80, s21, s13, $0xb8;
	[tilespmem:$0x1CC00] =	vst v63  }
0x107: {  	_ =	swait.ge [sflag:s17], $0x4000  }
0x108: {  	[sflag:s17] =	ssyncset.done $0x0  }
0x109: {  	[sflag:s17] =	ssyncadd.s32 $0xFFFFC000  }
0x10a: {  	[spmem:s2] =	stream.indirect.scatter.add.f32 [tilespmem:s15], [sflag:$0x3], $0x80, s22, s13, $0xb8;
	[tilespmem:$0x1CC00] =	vst v63  }
0x10b: {  	_ =	swait.ge [sflag:s10], $0x4000  }
0x10c: {  	[sflag:s10] =	ssyncset.done $0x0  }
0x10d: {  	[sflag:s10] =	ssyncadd.s32 $0xFFFFC000  }
0x10e: {  	[tilespmem:s15], [sflag:$0x2] =	stream.indirect.gather [hbm4b:s4+s13], $0x80, s23, s13, $0xb8;
	[tilespmem:$0x1CC00] =	vst v63  }
0x10f: {  	_ =	swait.ge [sflag:s16], $0x4000  }
0x110: {  	[sflag:s16] =	ssyncset.done $0x0  }
0x111: {  	[sflag:s16] =	ssyncadd.s32 $0xFFFFC000  }
0x112: {  	[spmem:s2] =	stream.indirect.scatter.add.f32 [tilespmem:s14], [sflag:$0x3], $0x80, s24, s13, $0xb8;
	[tilespmem:$0x1CC00] =	vst v63  }
0x113: {  	_ =	swait.ge [sflag:s10], $0x4000  }
0x114: {  	[sflag:s10] =	ssyncset.done $0x0  }
0x115: {  	[sflag:s10] =	ssyncadd.s32 $0xFFFFC000  }
0x116: {  	[tilespmem:s14], [sflag:$0x1] =	stream.indirect.gather [hbm4b:s4+s13], $0x80, s25, s13, $0xb8;
	[tilespmem:$0x1CC00] =	vst v63  }
0x117: {  	_ =	swait.ge [sflag:s17], $0x4000  }
0x118: {  	[sflag:s17] =	ssyncset.done $0x0  }
0x119: {  	[sflag:s17] =	ssyncadd.s32 $0xFFFFC000  }
0x11a: {  	[spmem:s2] =	stream.indirect.scatter.add.f32 [tilespmem:s15], [sflag:$0x3], $0x80, s26, s13, $0xb8;
	[tilespmem:$0x1CC00] =	vst v63  }
0x11b: {  	_ =	swait.ge [sflag:s10], $0x4000  }
0x11c: {  	[sflag:s10] =	ssyncset.done $0x0  }
0x11d: {  	[sflag:s10] =	ssyncadd.s32 $0xFFFFC000  }
0x11e: {  	[tilespmem:s15], [sflag:$0x2] =	stream.indirect.gather [hbm4b:s4+s13], $0x80, s28, s13, $0xb8;
	[tilespmem:$0x1CC00] =	vst v63  }
0x11f: {  	_ =	swait.ge [sflag:s16], $0x4000  }
0x120: {  	[sflag:s16] =	ssyncset.done $0x0  }
0x121: {  	[sflag:s16] =	ssyncadd.s32 $0xFFFFC000  }
0x122: {  	[spmem:s2] =	stream.indirect.scatter.add.f32 [tilespmem:s14], [sflag:$0x3], $0x80, s29, s13, $0xb8;
	[tilespmem:$0x1CC00] =	vst v63  }
0x123: {  	_ =	swait.ge [sflag:s10], $0x4000  }
0x124: {  	[sflag:s10] =	ssyncset.done $0x0  }
0x125: {  	[sflag:s10] =	ssyncadd.s32 $0xFFFFC000  }
0x126: {  	[tilespmem:s14], [sflag:$0x1] =	stream.indirect.gather [hbm4b:s4+s13], $0x80, s30, s13, $0xb8;
	[tilespmem:$0x1CC00] =	vst v63  }
0x127: {  	_ =	swait.ge [sflag:s17], $0x4000  }
0x128: {  	[sflag:s17] =	ssyncset.done $0x0  }
0x129: {  	[sflag:s17] =	ssyncadd.s32 $0xFFFFC000  }
0x12a: {  	[spmem:s2] =	stream.indirect.scatter.add.f32 [tilespmem:s15], [sflag:$0x3], $0x80, s31, s13, $0xb8;
	[tilespmem:$0x1CC00] =	vst v63  }
0x12b: {  	_ =	swait.ge [sflag:s10], $0x4000  }
0x12c: {  	[sflag:s10] =	ssyncset.done $0x0  }
0x12d: {  	[sflag:s10] =	ssyncadd.s32 $0xFFFFC000  }
0x12e: {  	[tilespmem:s15], [sflag:$0x2] =	stream.indirect.gather [hbm4b:s4+s13], $0x80, s1, s13, $0xb8;
	[tilespmem:$0x1CC00] =	vst v63  }
0x12f: {  	_ =	swait.ge [sflag:s16], $0x4000  }
0x130: {  	[sflag:s16] =	ssyncset.done $0x0  }
0x131: {  	[sflag:s16] =	ssyncadd.s32 $0xFFFFC000  }
0x132: {  	[spmem:s2] =	stream.indirect.scatter.add.f32 [tilespmem:s14], [sflag:$0x3], $0x80, s0, s13, $0xb8;
	[tilespmem:$0x1CC00] =	vst v63  }
0x133: {  	_ =	swait.ge [sflag:s10], $0x4000  }
0x134: {  	[sflag:s10] =	ssyncset.done $0x0  }
0x135: {  	[sflag:s10] =	ssyncadd.s32 $0xFFFFC000  }
0x136: {  	p0 =	sne.s32 s6, $0x900;
	_ =	swait.ge [sflag:s17], $0x4000  }
.Ltmp0:
0x137: {  	[sflag:s17] =	ssyncset.done $0x0;
	(pc) =	sbr.rel @p0 .LBB2_2-.Ltmp0, $4  }
0x138: {  	[sflag:s17] =	ssyncadd.s32 $0xFFFFC000  }
0x139: {  	[spmem:s2] =	stream.indirect.scatter.add.f32 [tilespmem:s15], [sflag:$0x3], $0x80, s5, s13, $0xb8;
	[tilespmem:$0x1CC00] =	vst v63  }
0x13a: {  	s7 =	smov.u32 s6;
	s6 =	sadd.s32 $0x100, s6;
	_ =	swait.ge [sflag:s10], $0x4000  }
0x13b: {  	s8 =	smov.u32 s7;
	s9 =	rddreg [dreg:$0x4];
	[sflag:s10] =	ssyncset.done $0x0  }
0x13c: {  	[sflag:s10] =	ssyncadd.s32 $0xFFFFC000;
	s6 =	sadd.s32 s8, s9  }
0x13d: {  	[tilespmem:s11], [sflag:$0x3] =	stream.linear.gather [hbm4b:s6+s3], $0x800, $0x38;
	[tilespmem:$0x1CC00] =	vst v63  }
0x13e: {  	_ =	swait.ge [sflag:s10], $0x800  }
0x13f: {  	s9 =	rddreg [dreg:$0x3];
	[sflag:s10] =	ssyncset.done $0x0  }
0x140: {  	s6 =	sadd.s32 s8, s9;
	[sflag:s10] =	ssyncadd.s32 $0xFFFFF800  }
0x141: {  	[tilespmem:s12], [sflag:$0x3] =	stream.linear.gather [hbm4b:s6+s3], $0x800, $0x38;
	[tilespmem:$0x1CC00] =	vst v63  }
0x142: {  	_ =	swait.ge [sflag:s10], $0x800  }
0x143: {  	[sflag:s10] =	ssyncset.done $0x0  }
0x144: {  	[sflag:s10] =	ssyncadd.s32 $0xFFFFF800  }
0x145: {  	[tilespmem:s14], [sflag:$0x1] =	stream.indirect.gather [hbm4b:s4+s13], $0x80, s11, s13, $0xb8;
	[tilespmem:$0x1CC00] =	vst v63  }
0x146: {  	s7 =	rddreg [dreg:$0x5]  }
0x147: {  	[tilespmem:s15], [sflag:$0x2] =	stream.indirect.gather [hbm4b:s4+s13], $0x80, s7, s13, $0xb8;
	[tilespmem:$0x1CC00] =	vst v63  }
0x148: {  	_ =	swait.ge [sflag:s16], $0x4000  }
0x149: {  	[sflag:s16] =	ssyncset.done $0x0  }
0x14a: {  	[sflag:s16] =	ssyncadd.s32 $0xFFFFC000  }
0x14b: {  	[spmem:s2] =	stream.indirect.scatter.add.f32 [tilespmem:s14], [sflag:$0x3], $0x80, s12, s13, $0xb8;
	[tilespmem:$0x1CC00] =	vst v63  }
0x14c: {  	_ =	swait.ge [sflag:s10], $0x4000  }
0x14d: {  	[sflag:s10] =	ssyncset.done $0x0  }
0x14e: {  	s8 =	rddreg [dreg:$0x6];
	[sflag:s10] =	ssyncadd.s32 $0xFFFFC000  }
0x14f: {  	[tilespmem:s14], [sflag:$0x1] =	stream.indirect.gather [hbm4b:s4+s13], $0x80, s8, s13, $0xb8;
	[tilespmem:$0x1CC00] =	vst v63  }
0x150: {  	_ =	swait.ge [sflag:s17], $0x4000  }
0x151: {  	[sflag:s17] =	ssyncset.done $0x0  }
0x152: {  	s9 =	rddreg [dreg:$0x7];
	[sflag:s17] =	ssyncadd.s32 $0xFFFFC000  }
0x153: {  	[spmem:s2] =	stream.indirect.scatter.add.f32 [tilespmem:s15], [sflag:$0x3], $0x80, s9, s13, $0xb8;
	[tilespmem:$0x1CC00] =	vst v63  }
0x154: {  	_ =	swait.ge [sflag:s10], $0x4000  }
0x155: {  	[sflag:s10] =	ssyncset.done $0x0  }
0x156: {  	s7 =	rddreg [dreg:$0x8];
	[sflag:s10] =	ssyncadd.s32 $0xFFFFC000  }
0x157: {  	[tilespmem:s15], [sflag:$0x2] =	stream.indirect.gather [hbm4b:s4+s13], $0x80, s7, s13, $0xb8;
	[tilespmem:$0x1CC00] =	vst v63  }
0x158: {  	_ =	swait.ge [sflag:s16], $0x4000  }
0x159: {  	[sflag:s16] =	ssyncset.done $0x0  }
0x15a: {  	s8 =	rddreg [dreg:$0x9];
	[sflag:s16] =	ssyncadd.s32 $0xFFFFC000  }
0x15b: {  	[spmem:s2] =	stream.indirect.scatter.add.f32 [tilespmem:s14], [sflag:$0x3], $0x80, s8, s13, $0xb8;
	[tilespmem:$0x1CC00] =	vst v63  }
0x15c: {  	_ =	swait.ge [sflag:s10], $0x4000  }
0x15d: {  	[sflag:s10] =	ssyncset.done $0x0  }
0x15e: {  	s9 =	rddreg [dreg:$0xa];
	[sflag:s10] =	ssyncadd.s32 $0xFFFFC000  }
0x15f: {  	[tilespmem:s14], [sflag:$0x1] =	stream.indirect.gather [hbm4b:s4+s13], $0x80, s9, s13, $0xb8;
	[tilespmem:$0x1CC00] =	vst v63  }
0x160: {  	_ =	swait.ge [sflag:s17], $0x4000  }
0x161: {  	[sflag:s17] =	ssyncset.done $0x0  }
0x162: {  	s7 =	rddreg [dreg:$0xb];
	[sflag:s17] =	ssyncadd.s32 $0xFFFFC000  }
0x163: {  	[spmem:s2] =	stream.indirect.scatter.add.f32 [tilespmem:s15], [sflag:$0x3], $0x80, s7, s13, $0xb8;
	[tilespmem:$0x1CC00] =	vst v63  }
0x164: {  	_ =	swait.ge [sflag:s10], $0x4000  }
0x165: {  	[sflag:s10] =	ssyncset.done $0x0  }
0x166: {  	s8 =	rddreg [dreg:$0xc];
	[sflag:s10] =	ssyncadd.s32 $0xFFFFC000  }
0x167: {  	[tilespmem:s15], [sflag:$0x2] =	stream.indirect.gather [hbm4b:s4+s13], $0x80, s8, s13, $0xb8;
	[tilespmem:$0x1CC00] =	vst v63  }
0x168: {  	_ =	swait.ge [sflag:s16], $0x4000  }
0x169: {  	[sflag:s16] =	ssyncset.done $0x0  }
0x16a: {  	s9 =	rddreg [dreg:$0xd];
	[sflag:s16] =	ssyncadd.s32 $0xFFFFC000  }
0x16b: {  	[spmem:s2] =	stream.indirect.scatter.add.f32 [tilespmem:s14], [sflag:$0x3], $0x80, s9, s13, $0xb8;
	[tilespmem:$0x1CC00] =	vst v63  }
0x16c: {  	_ =	swait.ge [sflag:s10], $0x4000  }
0x16d: {  	[sflag:s10] =	ssyncset.done $0x0  }
0x16e: {  	s7 =	rddreg [dreg:$0xe];
	[sflag:s10] =	ssyncadd.s32 $0xFFFFC000  }
0x16f: {  	[tilespmem:s14], [sflag:$0x1] =	stream.indirect.gather [hbm4b:s4+s13], $0x80, s7, s13, $0xb8;
	[tilespmem:$0x1CC00] =	vst v63  }
0x170: {  	_ =	swait.ge [sflag:s17], $0x4000  }
0x171: {  	[sflag:s17] =	ssyncset.done $0x0  }
0x172: {  	s8 =	rddreg [dreg:$0xf];
	[sflag:s17] =	ssyncadd.s32 $0xFFFFC000  }
0x173: {  	[spmem:s2] =	stream.indirect.scatter.add.f32 [tilespmem:s15], [sflag:$0x3], $0x80, s8, s13, $0xb8;
	[tilespmem:$0x1CC00] =	vst v63  }
0x174: {  	_ =	swait.ge [sflag:s10], $0x4000  }
0x175: {  	[sflag:s10] =	ssyncset.done $0x0  }
0x176: {  	s9 =	rddreg [dreg:$0x10];
	[sflag:s10] =	ssyncadd.s32 $0xFFFFC000  }
0x177: {  	[tilespmem:s15], [sflag:$0x2] =	stream.indirect.gather [hbm4b:s4+s13], $0x80, s9, s13, $0xb8;
	[tilespmem:$0x1CC00] =	vst v63  }
0x178: {  	_ =	swait.ge [sflag:s16], $0x4000  }
0x179: {  	[sflag:s16] =	ssyncset.done $0x0  }
0x17a: {  	s7 =	rddreg [dreg:$0x11];
	[sflag:s16] =	ssyncadd.s32 $0xFFFFC000  }
0x17b: {  	[spmem:s2] =	stream.indirect.scatter.add.f32 [tilespmem:s14], [sflag:$0x3], $0x80, s7, s13, $0xb8;
	[tilespmem:$0x1CC00] =	vst v63  }
0x17c: {  	_ =	swait.ge [sflag:s10], $0x4000  }
0x17d: {  	[sflag:s10] =	ssyncset.done $0x0  }
0x17e: {  	s8 =	rddreg [dreg:$0x12];
	[sflag:s10] =	ssyncadd.s32 $0xFFFFC000  }
0x17f: {  	[tilespmem:s14], [sflag:$0x1] =	stream.indirect.gather [hbm4b:s4+s13], $0x80, s8, s13, $0xb8;
	[tilespmem:$0x1CC00] =	vst v63  }
0x180: {  	_ =	swait.ge [sflag:s17], $0x4000  }
0x181: {  	[sflag:s17] =	ssyncset.done $0x0  }
0x182: {  	[sflag:s17] =	ssyncadd.s32 $0xFFFFC000  }
0x183: {  	[spmem:s2] =	stream.indirect.scatter.add.f32 [tilespmem:s15], [sflag:$0x3], $0x80, s18, s13, $0xb8;
	[tilespmem:$0x1CC00] =	vst v63  }
0x184: {  	_ =	swait.ge [sflag:s10], $0x4000  }
0x185: {  	[sflag:s10] =	ssyncset.done $0x0  }
0x186: {  	[sflag:s10] =	ssyncadd.s32 $0xFFFFC000  }
0x187: {  	[tilespmem:s15], [sflag:$0x2] =	stream.indirect.gather [hbm4b:s4+s13], $0x80, s19, s13, $0xb8;
	[tilespmem:$0x1CC00] =	vst v63  }
0x188: {  	_ =	swait.ge [sflag:s16], $0x4000  }
0x189: {  	[sflag:s16] =	ssyncset.done $0x0  }
0x18a: {  	[sflag:s16] =	ssyncadd.s32 $0xFFFFC000  }
0x18b: {  	[spmem:s2] =	stream.indirect.scatter.add.f32 [tilespmem:s14], [sflag:$0x3], $0x80, s20, s13, $0xb8;
	[tilespmem:$0x1CC00] =	vst v63  }
0x18c: {  	_ =	swait.ge [sflag:s10], $0x4000  }
0x18d: {  	[sflag:s10] =	ssyncset.done $0x0  }
0x18e: {  	[sflag:s10] =	ssyncadd.s32 $0xFFFFC000  }
0x18f: {  	[tilespmem:s14], [sflag:$0x1] =	stream.indirect.gather [hbm4b:s4+s13], $0x80, s21, s13, $0xb8;
	[tilespmem:$0x1CC00] =	vst v63  }
0x190: {  	_ =	swait.ge [sflag:s17], $0x4000  }
0x191: {  	[sflag:s17] =	ssyncset.done $0x0  }
0x192: {  	[sflag:s17] =	ssyncadd.s32 $0xFFFFC000  }
0x193: {  	[spmem:s2] =	stream.indirect.scatter.add.f32 [tilespmem:s15], [sflag:$0x3], $0x80, s22, s13, $0xb8;
	[tilespmem:$0x1CC00] =	vst v63  }
0x194: {  	_ =	swait.ge [sflag:s10], $0x4000  }
0x195: {  	[sflag:s10] =	ssyncset.done $0x0  }
0x196: {  	[sflag:s10] =	ssyncadd.s32 $0xFFFFC000  }
0x197: {  	[tilespmem:s15], [sflag:$0x2] =	stream.indirect.gather [hbm4b:s4+s13], $0x80, s23, s13, $0xb8;
	[tilespmem:$0x1CC00] =	vst v63  }
0x198: {  	_ =	swait.ge [sflag:s16], $0x4000  }
0x199: {  	[sflag:s16] =	ssyncset.done $0x0  }
0x19a: {  	[sflag:s16] =	ssyncadd.s32 $0xFFFFC000  }
0x19b: {  	[spmem:s2] =	stream.indirect.scatter.add.f32 [tilespmem:s14], [sflag:$0x3], $0x80, s24, s13, $0xb8;
	[tilespmem:$0x1CC00] =	vst v63  }
0x19c: {  	_ =	swait.ge [sflag:s10], $0x4000  }
0x19d: {  	[sflag:s10] =	ssyncset.done $0x0  }
0x19e: {  	[sflag:s10] =	ssyncadd.s32 $0xFFFFC000  }
0x19f: {  	[tilespmem:s14], [sflag:$0x1] =	stream.indirect.gather [hbm4b:s4+s13], $0x80, s25, s13, $0xb8;
	[tilespmem:$0x1CC00] =	vst v63  }
0x1a0: {  	_ =	swait.ge [sflag:s17], $0x4000  }
0x1a1: {  	[sflag:s17] =	ssyncset.done $0x0  }
0x1a2: {  	[sflag:s17] =	ssyncadd.s32 $0xFFFFC000  }
0x1a3: {  	[spmem:s2] =	stream.indirect.scatter.add.f32 [tilespmem:s15], [sflag:$0x3], $0x80, s26, s13, $0xb8;
	[tilespmem:$0x1CC00] =	vst v63  }
0x1a4: {  	_ =	swait.ge [sflag:s10], $0x4000  }
0x1a5: {  	[sflag:s10] =	ssyncset.done $0x0  }
0x1a6: {  	[sflag:s10] =	ssyncadd.s32 $0xFFFFC000  }
0x1a7: {  	[tilespmem:s15], [sflag:$0x2] =	stream.indirect.gather [hbm4b:s4+s13], $0x80, s28, s13, $0xb8;
	[tilespmem:$0x1CC00] =	vst v63  }
0x1a8: {  	_ =	swait.ge [sflag:s16], $0x4000  }
0x1a9: {  	[sflag:s16] =	ssyncset.done $0x0  }
0x1aa: {  	[sflag:s16] =	ssyncadd.s32 $0xFFFFC000  }
0x1ab: {  	[spmem:s2] =	stream.indirect.scatter.add.f32 [tilespmem:s14], [sflag:$0x3], $0x80, s29, s13, $0xb8;
	[tilespmem:$0x1CC00] =	vst v63  }
0x1ac: {  	_ =	swait.ge [sflag:s10], $0x4000  }
0x1ad: {  	[sflag:s10] =	ssyncset.done $0x0  }
0x1ae: {  	[sflag:s10] =	ssyncadd.s32 $0xFFFFC000  }
0x1af: {  	[tilespmem:s14], [sflag:$0x1] =	stream.indirect.gather [hbm4b:s4+s13], $0x80, s30, s13, $0xb8;
	[tilespmem:$0x1CC00] =	vst v63  }
0x1b0: {  	_ =	swait.ge [sflag:s17], $0x4000  }
0x1b1: {  	[sflag:s17] =	ssyncset.done $0x0  }
0x1b2: {  	[sflag:s17] =	ssyncadd.s32 $0xFFFFC000  }
0x1b3: {  	[spmem:s2] =	stream.indirect.scatter.add.f32 [tilespmem:s15], [sflag:$0x3], $0x80, s31, s13, $0xb8;
	[tilespmem:$0x1CC00] =	vst v63  }
0x1b4: {  	_ =	swait.ge [sflag:s10], $0x4000  }
0x1b5: {  	[sflag:s10] =	ssyncset.done $0x0  }
0x1b6: {  	[sflag:s10] =	ssyncadd.s32 $0xFFFFC000  }
0x1b7: {  	[tilespmem:s15], [sflag:$0x2] =	stream.indirect.gather [hbm4b:s4+s13], $0x80, s1, s13, $0xb8;
	[tilespmem:$0x1CC00] =	vst v63  }
0x1b8: {  	_ =	swait.ge [sflag:s16], $0x4000  }
0x1b9: {  	[sflag:s16] =	ssyncset.done $0x0  }
0x1ba: {  	[sflag:s16] =	ssyncadd.s32 $0xFFFFC000  }
0x1bb: {  	[spmem:s2] =	stream.indirect.scatter.add.f32 [tilespmem:s14], [sflag:$0x3], $0x80, s0, s13, $0xb8;
	[tilespmem:$0x1CC00] =	vst v63  }
0x1bc: {  	_ =	swait.ge [sflag:s10], $0x4000  }
0x1bd: {  	[sflag:s10] =	ssyncset.done $0x0  }
0x1be: {  	[sflag:s10] =	ssyncadd.s32 $0xFFFFC000  }
0x1bf: {  	_ =	swait.ge [sflag:s17], $0x4000  }
0x1c0: {  	[sflag:s17] =	ssyncset.done $0x0  }
0x1c1: {  	[sflag:s17] =	ssyncadd.s32 $0xFFFFC000  }
0x1c2: {  	[spmem:s2] =	stream.indirect.scatter.add.f32 [tilespmem:s15], [sflag:$0x3], $0x80, s5, s13, $0xb8;
	[tilespmem:$0x1CC00] =	vst v63  }
0x1c3: {  	_ =	swait.ge [sflag:s10], $0x4000  }
0x1c4: {  	[sflag:s10] =	ssyncset.done $0x0  }
0x1c5: {  	[sflag:s10] =	ssyncadd.s32 $0xFFFFC000  }
0x1c6: {  	[bflag:$0x0] =	sbarrier.arrive $0xFFFF  }
0x1c7: {  	s7 =	rddreg [dreg:$0x14]  }
0x1c8: {  	s9 =	rddreg [dreg:$0x15]  }
0x1c9: {  	s8 =	rddreg [dreg:$0x17]  }
0x1ca: {  	[hbm:s9], [sflag:s7] =	dma.local [spmem:s8], $0x2780  }
0x1cb: {  	_ =	swait.ge [sflag:s10], $0x2780  }
0x1cc: {  	s6 =	rddreg [dreg:$0x18]  }
0x1cd: {  	s9 =	sadd.s32 $0x1, s6;
	s6 =	rddreg [dreg:$0x16]  }
0x1ce: {  	p0 =	sne.s32 s9, s6  }
.Ltmp1:
0x1cf: {  	_ = 	snop;
	(pc) =	sbr.rel @p0 .LBB2_1-.Ltmp1, $3  }
0x1d0: {  	_ =	sdelay $0x1  }
0x1d1: {  	[sflag:s10] =	ssyncset.done $0x0  }
0x1d2: {  	[sflag:s10] =	ssyncadd.s32 $0xFFFFD880  }
0x1d3: {  	_ =	sfence.sel $0x180000  }
0x1d4: {  	[bflag:$0x0] =	sbarrier.arrive $0xFFFF  }
0x1d5: {  	_ =	strace $0x9000004D  }
0x1d6: {  	s0 =	stileid.u32;
	[bflag:$0x2] =	sbarrier.arrive $0xFFFF  }
0x1d7: {  	p0 =	sne.s32 s0, $0x0;
	s0 =	rddreg [dreg:$0x2]  }
0x1d8: {  	s0 =	sadd.s32 @!p0 $0x100000, s0  }
0x1d9: {  	[sflag:s0] =	ssyncadd.tile.s32 @!p0 $0x1;
	_ =	shalt  }
.Lfunc_end2:
_tile_overlayer_lowered:
.L_overlay_start_2:
0x1da: {  	(tag) =	ssettag $0x2  }
0x1db: {  	s0 =	rddreg [dreg:$0x0];
	s2 =	stileid.u32  }
0x1dc: {  	s1 =	rddreg [dreg:$0x1];
	p0 =	sne.s32 s2, $0x0  }
0x1dd: {  	s3 =	rddreg [dreg:$0x2];
	[bflag:$0x3] =	sbarrier.arrive $0xFFFF;
	s2 =	simm.s32 @!p0 $0x1C03  }
0x1de: {  	[timem:s3], [sflag:s2] =	dma.local @!p0 [hbm:s0], s1  }
0x1df: {  	s0 =	simm.s32 @!p0 $0x3  }
0x1e0: {  	_ =	swait.ge @!p0 [sflag:s0], s1  }
0x1e1: {  	s1 =	ssub.s32 @!p0 $0x0, s1;
	[sflag:s0] =	ssyncset.done @!p0 $0x0  }
0x1e2: {  	[sflag:s0] =	ssyncadd.s32 @!p0 s1  }
0x1e3: {  	[bflag:$0x3] =	sbarrier.arrive $0xFFFF  }
0x1e4: {  	_ =	shalt  }

// kernel: kernel.19.cloned.1.call-start
scs
__scs_entry_jumppad:
0x0: {  	(pc) =	sbr.rel $0x88, $3  }
0x1: {  	(tag) =	ssettag $0x0;
	lr =	simm.s32 $0x1  }
0x2: {  	[smem:$0x3F99] =	sst lr;
	_ =	strace $0xD0000000  }
0x3: {  	_ = 	snop  }
0x4: {  	_ = 	snop  }
0x5: {  	_ = 	snop  }
0x6: {  	_ = 	snop  }
0x7: {  	_ = 	snop  }
__scs_overlays_trampoline_lowered:
0x8: {  	[smem:$0x3FA8] =	sst s0  }
0x9: {  	[smem:$0x3FA9] =	sst s1  }
0xa: {  	[smem:$0x3FAA] =	sst s2  }
0xb: {  	[smem:$0x3FAB] =	sst s3  }
0xc: {  	[smem:$0x3FAC] =	sst s4  }
0xd: {  	[smem:$0x3FAD] =	sst s5  }
0xe: {  	[smem:$0x3FAE] =	sst s6  }
0xf: {  	[smem:$0x3FAF] =	sst s7  }
0x10: {  	[smem:$0x3FB0] =	sst s8  }
0x11: {  	[smem:$0x3FB1] =	sst s9;
	s0 =	simm.s32 @!p0 $0x0  }
0x12: {  	s1 =	sld [smem:$0x3F97];
	s0 =	simm.s32 @p0 $0x1  }
0x13: {  	[smem:$0x3FB2] =	sst s0;
	s0 =	simm.s32 @!p1 $0x0  }
0x14: {  	s2 =	sld [smem:$0x3F96];
	s0 =	simm.s32 @p1 $0x1  }
0x15: {  	[smem:$0x3FB3] =	sst s0;
	s0 =	simm.s32 @!p2 $0x0  }
0x16: {  	s3 =	sld [smem:$0x3FDB];
	s0 =	simm.s32 @p2 $0x1  }
0x17: {  	s4 =	simm.s32 $0x1BF5;
	[smem:$0x3FB5] =	sst s0  }
0x18: {  	s0 =	sld [smem:$0x3F98];
	_ =	swait.ge [sflag:s4], $0x0  }
0x19: {  	s7 =	sld [smem:$0x3F99]  }
0x1a: {  	s8 =	sadd.s32 $0xFFFFE003, lr  }
0x1b: {  	s9 =	sadd.s32 $0xFFFFFEF7, lr;
	s5 =	simm.s32 $0xFFFFFFFF;
	p2 =	slt.u32 s8, $0xFFFFF086  }
0x1c: {  	p1 =	slt.u32 s9, $0xF7A;
	s5 =	simm.s32 @!p2 $0x0  }
0x1d: {  	s5 =	simm.s32 @p1 $0x1;
	p0 =	seq.s32 s7, s2  }
0x1e: {  	s7 =	smul.u32 @!p0 $0xF7A, s2;
	p2 =	seq.s32 @!p0 s5, $0x0  }
0x1f: {  	s9 =	smul.u32 $0xF7A, s1;
	s8 =	simm.s32 @!p0 $0x1BF5;
	p2 =	por !p2, p0  }
0x20: {  	[sflag:s8] =	ssyncset.s32 @!p0 $0xFFFFF086;
	s6 =	sadd.s32 @!p0 s3, s7;
	s7 =	simm.s32 @!p0 $0x108  }
0x21: {  	s3 =	sadd.s32 s3, s9;
	s6 =	sadd.s32 @!p0 $0x88, s6;
	s7 =	simm.s32 @p2 $0x1082  }
0x22: {  	[simem:s7], [sflag:s8] =	dma.local @!p0 [hbm:s6], $0xF7A  }
0x23: {  	s9 =	sor.u32 $0xD0000000, s2;
	s6 =	simm.s32 $0x108;
	_ =	swait.ge @!p0 [sflag:s8], $0x0  }
0x24: {  	s3 =	sadd.s32 $0x88, s3;
	s6 =	simm.s32 @!p1 $0x1082;
	[sflag:s4] =	ssyncset.s32 $0xFFFFF086  }
0x25: {  	[simem:s6], [sflag:s4] =	dma.local [hbm:s3], $0xF7A  }
0x26: {  	[smem:$0x3F99] =	sst s1;
	(tag) =	ssettag s2;
	_ =	strace s9  }
0x27: {  	s1 =	sld [smem:$0x3FA9]  }
0x28: {  	s2 =	sld [smem:$0x3FAA]  }
0x29: {  	s4 =	sld [smem:$0x3FAC]  }
0x2a: {  	p0 =	seq.s32 s5, $0x0;
	s5 =	sld [smem:$0x3FAD]  }
0x2b: {  	s6 =	sld [smem:$0x3FAE]  }
0x2c: {  	s7 =	sld [smem:$0x3FAF]  }
0x2d: {  	s3 =	simm.s32 $0x108;
	s8 =	sld [smem:$0x3FB0]  }
0x2e: {  	s3 =	simm.s32 @!p0 $0x1082;
	s9 =	sld [smem:$0x3FB1]  }
0x2f: {  	lr =	sadd.s32 s0, s3;
	s0 =	sld [smem:$0x3FA8]  }
0x30: {  	s3 =	sld [smem:$0x3FAB]  }
0x31: {  	[smem:$0x3FB4] =	sst s10  }
0x32: {  	s10 =	sld [smem:$0x3FB2];
	_ =	sdelay $0x3  }
0x33: {  	p0 =	seq.s32 s10, $0x1;
	s10 =	sld [smem:$0x3FB4];
	_ =	sdelay $0x3  }
0x34: {  	[smem:$0x3FB4] =	sst s10  }
0x35: {  	s10 =	sld [smem:$0x3FB3];
	_ =	sdelay $0x3  }
0x36: {  	p1 =	seq.s32 s10, $0x1;
	s10 =	sld [smem:$0x3FB4];
	_ =	sdelay $0x3  }
0x37: {  	[smem:$0x3FB4] =	sst s10  }
0x38: {  	s10 =	sld [smem:$0x3FB5]  }
0x39: {  	_ = 	snop;
	(pc) =	sbr.ind lr, $3  }
0x3a: {  	_ = 	snop  }
0x3b: {  	_ = 	snop  }
0x3c: {  	p2 =	seq.s32 s10, $0x1;
	s10 =	sld [smem:$0x3FB4]  }
0x3d: {  	_ =	shalt  }
0x3e: {  	_ =	shalt  }
0x3f: {  	_ =	shalt  }
0x40: {  	_ =	shalt  }
0x41: {  	_ =	shalt  }
0x42: {  	_ =	shalt  }
0x43: {  	_ =	shalt  }
0x44: {  	_ =	shalt  }
0x45: {  	_ =	shalt  }
0x46: {  	_ =	shalt  }
0x47: {  	_ =	shalt  }
0x48: {  	_ =	shalt  }
0x49: {  	_ =	shalt  }
0x4a: {  	_ =	shalt  }
0x4b: {  	_ =	shalt  }
0x4c: {  	_ =	shalt  }
0x4d: {  	_ =	shalt  }
0x4e: {  	_ =	shalt  }
0x4f: {  	_ =	shalt  }
0x50: {  	_ =	shalt  }
0x51: {  	_ =	shalt  }
0x52: {  	_ =	shalt  }
0x53: {  	_ =	shalt  }
0x54: {  	_ =	shalt  }
0x55: {  	_ =	shalt  }
0x56: {  	_ =	shalt  }
0x57: {  	_ =	shalt  }
0x58: {  	_ =	shalt  }
0x59: {  	_ =	shalt  }
0x5a: {  	_ =	shalt  }
0x5b: {  	_ =	shalt  }
0x5c: {  	_ =	shalt  }
0x5d: {  	_ =	shalt  }
0x5e: {  	_ =	shalt  }
0x5f: {  	_ =	shalt  }
0x60: {  	_ =	shalt  }
0x61: {  	_ =	shalt  }
0x62: {  	_ =	shalt  }
0x63: {  	_ =	shalt  }
0x64: {  	_ =	shalt  }
0x65: {  	_ =	shalt  }
0x66: {  	_ =	shalt  }
0x67: {  	_ =	shalt  }
0x68: {  	_ =	shalt  }
0x69: {  	_ =	shalt  }
0x6a: {  	_ =	shalt  }
0x6b: {  	_ =	shalt  }
0x6c: {  	_ =	shalt  }
0x6d: {  	_ =	shalt  }
0x6e: {  	_ =	shalt  }
0x6f: {  	_ =	shalt  }
0x70: {  	_ =	shalt  }
0x71: {  	_ =	shalt  }
0x72: {  	_ =	shalt  }
0x73: {  	_ =	shalt  }
0x74: {  	_ =	shalt  }
0x75: {  	_ =	shalt  }
0x76: {  	_ =	shalt  }
0x77: {  	_ =	shalt  }
0x78: {  	_ =	shalt  }
0x79: {  	_ =	shalt  }
0x7a: {  	_ =	shalt  }
0x7b: {  	_ =	shalt  }
0x7c: {  	_ =	shalt  }
0x7d: {  	_ =	shalt  }
0x7e: {  	_ =	shalt  }
0x7f: {  	_ =	shalt  }
0x80: {  	_ =	shalt  }
0x81: {  	_ =	shalt  }
0x82: {  	_ =	shalt  }
0x83: {  	_ =	shalt  }
0x84: {  	_ =	shalt  }
0x85: {  	_ =	shalt  }
0x86: {  	_ =	shalt  }
0x87: {  	_ =	shalt  }
.Lfunc_end0:
.L_simem_size_0:
called_computation.3_lowered:
.L_overlay_start_0:
0x88: {  	s2 =	sld [smem:$0x3FD9]  }
0x89: {  	s3 =	sld [smem:$0x3FFE];
	_ =	sdelay $0x1  }
0x8a: {  	s1 =	srdreg.scid  }
0x8b: {  	s0 =	sand.u32 $0x1, s1  }
0x8c: {  	s16 =	sshll.u32 s0, $0xA;
	s2 =	sadd.s32 s3, s2  }
0x8d: {  	s2 =	sadd.s32 s2, s16  }
0x8e: {  	[smem:$0x3FC0] =	sst s2  }
0x8f: {  	_ = 	snop  }
0x90: {  	(tm) =	ssettm $0x1  }
0x91: {  	s17 =	sld [smem:$0x3FFB];
	_ =	sdelay $0x3  }
0x92: {  	_ =	strace s17  }
0x93: {  	s2 =	sld [smem:$0x3FFC];
	_ =	sdelay $0x3  }
0x94: {  	_ =	strace s2  }
0x95: {  	s2 =	sld [smem:$0x3FFD];
	_ =	sdelay $0x3  }
0x96: {  	_ =	strace s2  }
0x97: {  	_ =	strace $0x8FFFFFFF  }
0x98: {  	s18 =	sld [smem:$0x3FDB];
	_ =	sdelay $0x1  }
0x99: {  	s19 =	simm.s32 $_scs_section_size  }
0x9a: {  	s4 =	simm.s32 $_size__tile_overlayer_lowered;
	s5 =	simm.s32 $_tile_overlayer_lowered  }
0x9b: {  	s22 =	simm.s32 $0x1BFF;
	s21 =	sshll.u32 s5, $0x1;
	s2 =	sadd.s32 s19, s18  }
0x9c: {  	s6 =	simm.s32 $0x0;
	s20 =	sshll.u32 s4, $0x1;
	s4 =	sadd.s32 s21, s2  }
0x9d: {  	[timem:s6], [sflag:s22] =	dma.local [hbm:s4], s20  }
0x9e: {  	_ =	swait.ge [sflag:s22], s20  }
0x9f: {  	s3 =	ssub.s32 $0x0, s20;
	[sflag:s22] =	ssyncset.done $0x0  }
0xa0: {  	[sflag:s22] =	ssyncadd.s32 s3;
	_ =	sdelay $0x1  }
0xa1: {  	s23 =	simm.s32 $0x1B8B  }
0xa2: {  	_ =	swait.ge [sflag:s23], $0x1  }
0xa3: {  	[sflag:s23] =	ssyncset.done $0x0  }
0xa4: {  	s25 =	simm.s32 $0x1B8E;
	s24 =	sld [smem:$0x3FFE];
	[sflag:s23] =	ssyncadd.s32 $0xFFFFFFFF  }
0xa5: {  	s26 =	simm.s32 $execute0_lowered;
	[smem:$0x3FD2] =	sst s25  }
0xa6: {  	s4 =	sshll.u32 s26, $0x1;
	_ =	strace $0x8000004F;
	[dreg:$0x1] =	wrdreg $0xFFFFFFFF  }
0xa7: {  	s28 =	simm.s32 $_size_execute0_lowered;
	s2 =	sadd.s32 s2, s4;
	[dreg:$0x0] =	wrdreg $0x0  }
0xa8: {  	s4 =	sshll.u32 s28, $0x1;
	[dreg:$0x2] =	wrdreg s2  }
0xa9: {  	[dreg:$0x3] =	wrdreg s4  }
0xaa: {  	[dreg:$0x4] =	wrdreg $0xC0  }
0xab: {  	_ =	task [dreg:s6], $0x5FFFF  }
0xac: {  	[dreg:$0x1] =	wrdreg $0xFFFFFFFF  }
0xad: {  	[dreg:$0x0] =	wrdreg $0x60  }
0xae: {  	[dreg:$0x2] =	wrdreg s24  }
0xaf: {  	[dreg:$0x3] =	wrdreg $0x0  }
0xb0: {  	[dreg:$0x4] =	wrdreg $0x9  }
0xb1: {  	_ =	task.clear_ibuf [dreg:s6], $0x5FFFF;
	_ =	strace $0x9000004F  }
0xb2: {  	s29 =	simm.s32 $0x9;
	_ =	strace $0x80000051  }
0xb3: {  	_ =	swait.ge [sflag:s29], $0x1  }
0xb4: {  	[sflag:s29] =	ssyncadd.s32 $0xFFFFFFFF  }
0xb5: {  	_ =	strace $0x90000051  }
0xb6: {  	_ =	sfence  }
0xb7: {  	s30 =	sld [smem:$0x0];
	_ =	sdelay $0x2  }
0xb8: {  	s31 =	sshll.u32 s1, $0xD;
	s1 =	sshrl.u32 s1, $0x2  }
0xb9: {  	s3 =	sand.u32 $0x4000, s31;
	s1 =	sadd.s32 s1, s30  }
0xba: {  	s0 =	sor.u32 s3, s0;
	s1 =	sshll.u32 s1, $0x11  }
0xbb: {  	s0 =	sor.u32 s1, s0  }
0xbc: {  	s0 =	sadd.s32 $0x8F2B, s0  }
0xbd: {  	[sflag:s0] =	ssyncadd.remote.s32 $0x1  }
0xbe: {  	_ =	sfence.sel $0xFFFF  }
0xbf: {  	[dreg:$0x0] =	wrdreg $0xFFFFFFFF;
	(pc) =	sbr.abs _section_cstart, $3  }
0xc0: {  	[dreg:$0x1] =	wrdreg $0xFFFFFFFF  }
0xc1: {  	_ =	task.clear_ibuf [dreg:s6], $0x2FFFF;
	_ =	strace $0x9FFFFFFF  }
0xc2: {  	(tm) =	ssettm $0x7FFFFFFF  }
0xc3: {  	_ =	shalt  }
tec
execute0_lowered:
.L_overlay_start_1:
0x0: {  	(tag) =	ssettag $0x1  }
0x1: {  	s4 =	rddreg [dreg:$0x0]  }
0x2: {  	s0 =	srdreg.scid;
	s7 =	rddreg [dreg:$0x1]  }
0x3: {  	s1 =	stileid.u32;
	s2 =	simm.s32 $0x0;
	s12 =	simm.s32 $0xA800  }
0x4: {  	s13 =	simm.s32 $0x5000;
	s14 =	simm.s32 $0x2800;
	s15 =	simm.s32 $0x7C00  }
0x5: {  	s16 =	simm.s32 $0x7800;
	s6 =	sand.u32 $0x1, s0;
	s0 =	rddreg [dreg:$0x2]  }
0x6: {  	s17 =	simm.s32 $0x0;
	[smem:$0x7FF] =	sst s2;
	s11 =	smul.u32 $0xA000, s1  }
0x7: {  	s9 =	sshll.u32 s1, $0x7;
	s31 =	smul.u32 $0xA00, s1;
	s3 =	sshll.u32 s6, $0x4  }
0x8: {  	_ =	strace $0x80000050;
	s8 =	ssub.s32 $0x2, s6;
	s9 =	sadd.s32 s9, s4  }
0x9: {  	s6 =	sshll.u32 s6, $0xB;
	s3 =	sor.u32 s1, s3;
	s10 =	sshrl.u32 s8, $0x1  }
0xa: {  	s11 =	sshrl.u32 s11, $0x2;
	s9 =	sadd.s32 s6, s9;
	s5 =	smul.u32 $0x500, s3  }
0xb: {  	s3 =	sadd.s32 $0xC000, s4;
	s10 =	ssub.s32 s8, s10;
	s8 =	sshrl.u32 s31, $0x2  }
0xc: {  	s6 =	sadd.s32 s11, s7;
	s11 =	simm.s32 $0x1;
	s7 =	sadd.s32 s8, s7  }
0xd: {  	s8 =	sadd.s32 $0x17000, s9;
	s9 =	smax.u32 s10, $0x1;
	s5 =	sadd.s32 s5, s4  }
0xe: {  	v0 =	vimm.f32 $0.0e+00;
	s10 =	simm.s32 $0x8000;
	s4 =	sadd.s32 $0xD000, s5;
	s5 =	sadd.s32 $0x2000, s5  }
.LBB2_1:
0xf: {  	s18 =	simm.s32 $0x0;
	s19 =	simm.s32 $0x200  }
.LBB2_2:
0x10: {  	p0 =	sne.s32 s19, $0x9E00;
	[tilespmem:s18+$0x2870] =	vst v0  }
0x11: {  	[tilespmem:s18+$0x2800] =	vst v0  }
0x12: {  	[tilespmem:s18+$0x2810] =	vst v0  }
.Ltmp0:
0x13: {  	[tilespmem:s18+$0x2820] =	vst v0;
	(pc) =	sbr.rel @p0 .LBB2_2-.Ltmp0, $4  }
0x14: {  	[tilespmem:s18+$0x2830] =	vst v0  }
0x15: {  	[tilespmem:s18+$0x2840] =	vst v0  }
0x16: {  	[tilespmem:s18+$0x2850] =	vst v0  }
0x17: {  	[tilespmem:s18+$0x2860] =	vst v0;
	s18 =	sshra.s32 s19, $0x2;
	s19 =	sadd.s32 $0x200, s19  }
0x18: {  	[tilespmem:s18+$0x2870] =	vst v0  }
0x19: {  	[tilespmem:s18+$0x2800] =	vst v0  }
0x1a: {  	[tilespmem:s18+$0x2810] =	vst v0  }
0x1b: {  	[tilespmem:s18+$0x2820] =	vst v0  }
0x1c: {  	[tilespmem:s18+$0x2830] =	vst v0  }
0x1d: {  	[tilespmem:s18+$0x2840] =	vst v0  }
0x1e: {  	[tilespmem:s18+$0x2850] =	vst v0  }
0x1f: {  	[tilespmem:s18+$0x2860] =	vst v0;
	s18 =	simm.s32 $0x0  }
0x20: {  	[tilespmem:s10], [sflag:$0x1] =	stream.linear.gather [hbm4b:s3+s18], $0x2800, $0x38;
	[tilespmem:$0xD000] =	vst v63  }
0x21: {  	_ =	swait.ge [sflag:s11], $0x2800  }
0x22: {  	[sflag:s11] =	ssyncset.done $0x0  }
0x23: {  	[sflag:s11] =	ssyncadd.s32 $0xFFFFD800  }
0x24: {  	[tilespmem:s12], [sflag:$0x1] =	stream.linear.gather [hbm4b:s4+s18], $0x2800, $0x38;
	[tilespmem:$0xD000] =	vst v63  }
0x25: {  	_ =	swait.ge [sflag:s11], $0x2800  }
0x26: {  	[sflag:s11] =	ssyncset.done $0x0  }
0x27: {  	[sflag:s11] =	ssyncadd.s32 $0xFFFFD800  }
0x28: {  	[tilespmem:s13], [sflag:$0x1] =	stream.linear.gather [hbm4b:s5+s18], $0x2800, $0x38;
	[tilespmem:$0xD000] =	vst v63  }
0x29: {  	_ =	swait.ge [sflag:s11], $0x2800  }
0x2a: {  	[sflag:s11] =	ssyncset.done $0x0  }
0x2b: {  	[sflag:s11] =	ssyncadd.s32 $0xFFFFD800  }
.LBB2_4:
0x2c: {  	s19 =	sshra.s32 s18, $0x2  }
0x2d: {  	v1 =	vld [tilespmem:s19+$0xA800];
	_ =	sdelay $0x4  }
0x2e: {  	v2 =	vld [tilespmem:s19+$0x5000];
	_ =	sdelay $0x2  }
0x2f: {  	v1 =	vld.idx.msk [tilespmem:v1+s10+$0x0], $0xffff;
	_ =	sdelay $0x4  }
0x30: {  	[tilespmem:v2+s14+$0x0] =	vst.idx.add.f32.msk $0xffff, v1  }
0x31: {  	v1 =	vld [tilespmem:s19+$0xA810];
	_ =	sdelay $0x4  }
0x32: {  	v2 =	vld [tilespmem:s19+$0x5010];
	_ =	sdelay $0x2  }
0x33: {  	v1 =	vld.idx.msk [tilespmem:v1+s10+$0x0], $0xffff;
	_ =	sdelay $0x4  }
0x34: {  	[tilespmem:v2+s14+$0x0] =	vst.idx.add.f32.msk $0xffff, v1  }
0x35: {  	v1 =	vld [tilespmem:s19+$0xA820];
	_ =	sdelay $0x4  }
0x36: {  	v2 =	vld [tilespmem:s19+$0x5020];
	_ =	sdelay $0x2  }
0x37: {  	v1 =	vld.idx.msk [tilespmem:v1+s10+$0x0], $0xffff;
	_ =	sdelay $0x4  }
0x38: {  	[tilespmem:v2+s14+$0x0] =	vst.idx.add.f32.msk $0xffff, v1  }
0x39: {  	v1 =	vld [tilespmem:s19+$0xA830];
	_ =	sdelay $0x4  }
0x3a: {  	v2 =	vld [tilespmem:s19+$0x5030];
	_ =	sdelay $0x2  }
0x3b: {  	v1 =	vld.idx.msk [tilespmem:v1+s10+$0x0], $0xffff;
	_ =	sdelay $0x4  }
0x3c: {  	[tilespmem:v2+s14+$0x0] =	vst.idx.add.f32.msk $0xffff, v1  }
0x3d: {  	v1 =	vld [tilespmem:s19+$0xA840];
	_ =	sdelay $0x4  }
0x3e: {  	v2 =	vld [tilespmem:s19+$0x5040];
	_ =	sdelay $0x2  }
0x3f: {  	v1 =	vld.idx.msk [tilespmem:v1+s10+$0x0], $0xffff;
	_ =	sdelay $0x4  }
0x40: {  	[tilespmem:v2+s14+$0x0] =	vst.idx.add.f32.msk $0xffff, v1  }
0x41: {  	v1 =	vld [tilespmem:s19+$0xA850];
	_ =	sdelay $0x4  }
0x42: {  	v2 =	vld [tilespmem:s19+$0x5050];
	_ =	sdelay $0x2  }
0x43: {  	v1 =	vld.idx.msk [tilespmem:v1+s10+$0x0], $0xffff;
	_ =	sdelay $0x4  }
0x44: {  	[tilespmem:v2+s14+$0x0] =	vst.idx.add.f32.msk $0xffff, v1  }
0x45: {  	v1 =	vld [tilespmem:s19+$0xA860];
	_ =	sdelay $0x4  }
0x46: {  	v2 =	vld [tilespmem:s19+$0x5060];
	_ =	sdelay $0x2  }
0x47: {  	v1 =	vld.idx.msk [tilespmem:v1+s10+$0x0], $0xffff;
	_ =	sdelay $0x4  }
0x48: {  	[tilespmem:v2+s14+$0x0] =	vst.idx.add.f32.msk $0xffff, v1  }
0x49: {  	v1 =	vld [tilespmem:s19+$0xA870];
	_ =	sdelay $0x4  }
0x4a: {  	v2 =	vld [tilespmem:s19+$0x5070];
	_ =	sdelay $0x2  }
0x4b: {  	p0 =	sne.s32 s18, $0x9E00;
	v1 =	vld.idx.msk [tilespmem:v1+s10+$0x0], $0xffff  }
.Ltmp1:
0x4c: {  	_ = 	snop;
	(pc) =	sbr.rel @p0 .LBB2_4-.Ltmp1, $2  }
0x4d: {  	_ =	sdelay $0x2  }
0x4e: {  	s18 =	sadd.s32 $0x200, s18;
	[tilespmem:v2+s14+$0x0] =	vst.idx.add.f32.msk $0xffff, v1  }
0x4f: {  	[spmem:s6] =	stream.linear.scatter [tilespmem:s14], [sflag:$0x1], $0x2800, $0x38;
	[tilespmem:$0xD000] =	vst v63  }
0x50: {  	_ =	swait.ge [sflag:s11], $0x2800  }
0x51: {  	[sflag:s11] =	ssyncset.done $0x0  }
0x52: {  	[sflag:s11] =	ssyncadd.s32 $0xFFFFD800  }
0x53: {  	[bflag:$0x0] =	sbarrier.arrive $0xFFFF  }
0x54: {  	[tilespmem:$0x7800] =	vst v0  }
0x55: {  	[tilespmem:$0x7810] =	vst v0  }
0x56: {  	[tilespmem:$0x7820] =	vst v0  }
0x57: {  	[tilespmem:$0x7830] =	vst v0  }
0x58: {  	[tilespmem:$0x7840] =	vst v0  }
0x59: {  	[tilespmem:$0x7850] =	vst v0  }
0x5a: {  	[tilespmem:$0x7860] =	vst v0  }
0x5b: {  	[tilespmem:$0x7870] =	vst v0  }
0x5c: {  	[tilespmem:$0x7880] =	vst v0  }
0x5d: {  	[tilespmem:$0x7890] =	vst v0  }
0x5e: {  	[tilespmem:$0x78A0] =	vst v0  }
0x5f: {  	[tilespmem:$0x78B0] =	vst v0  }
0x60: {  	[tilespmem:$0x78C0] =	vst v0  }
0x61: {  	[tilespmem:$0x78D0] =	vst v0  }
0x62: {  	[tilespmem:$0x78E0] =	vst v0  }
0x63: {  	[tilespmem:$0x78F0] =	vst v0  }
0x64: {  	[tilespmem:$0x7900] =	vst v0  }
0x65: {  	[tilespmem:$0x7910] =	vst v0  }
0x66: {  	[tilespmem:$0x7920] =	vst v0  }
0x67: {  	[tilespmem:$0x7930] =	vst v0  }
0x68: {  	[tilespmem:$0x7940] =	vst v0  }
0x69: {  	[tilespmem:$0x7950] =	vst v0  }
0x6a: {  	[tilespmem:$0x7960] =	vst v0  }
0x6b: {  	[tilespmem:$0x7970] =	vst v0  }
0x6c: {  	[tilespmem:$0x7980] =	vst v0  }
0x6d: {  	[tilespmem:$0x7990] =	vst v0  }
0x6e: {  	[tilespmem:$0x79A0] =	vst v0  }
0x6f: {  	[tilespmem:$0x79B0] =	vst v0  }
0x70: {  	[tilespmem:$0x79C0] =	vst v0  }
0x71: {  	[tilespmem:$0x79D0] =	vst v0  }
0x72: {  	[tilespmem:$0x79E0] =	vst v0  }
0x73: {  	[tilespmem:$0x79F0] =	vst v0  }
0x74: {  	[tilespmem:$0x7A00] =	vst v0  }
0x75: {  	[tilespmem:$0x7A10] =	vst v0  }
0x76: {  	[tilespmem:$0x7A20] =	vst v0  }
0x77: {  	[tilespmem:$0x7A30] =	vst v0  }
0x78: {  	[tilespmem:$0x7A40] =	vst v0  }
0x79: {  	[tilespmem:$0x7A50] =	vst v0  }
0x7a: {  	[tilespmem:$0x7A60] =	vst v0  }
0x7b: {  	s18 =	simm.s32 $0x0;
	[tilespmem:$0x7A70] =	vst v0  }
.LBB2_6:
0x7c: {  	s19 =	sshra.s32 s18, $0x2  }
0x7d: {  	s19 =	sadd.s32 s19, s7  }
0x7e: {  	[tilespmem:s15], [sflag:$0x1] =	stream.linear.gather [spmem:s19], $0x280, $0x38;
	[tilespmem:$0xD000] =	vst v63  }
0x7f: {  	_ =	swait.ge [sflag:s11], $0x280  }
0x80: {  	[sflag:s11] =	ssyncset.done $0x0  }
0x81: {  	[sflag:s11] =	ssyncadd.s32 $0xFFFFFD80  }
0x82: {  	v1 =	vld [tilespmem:$0x7800]  }
0x83: {  	v2 =	vld [tilespmem:$0x7C00]  }
0x84: {  	v3 =	vld [tilespmem:$0x7810]  }
0x85: {  	v4 =	vld [tilespmem:$0x7C10]  }
0x86: {  	v5 =	vld [tilespmem:$0x7820]  }
0x87: {  	v6 =	vld [tilespmem:$0x7C20]  }
0x88: {  	v7 =	vld [tilespmem:$0x7830]  }
0x89: {  	v8 =	vld [tilespmem:$0x7C30]  }
0x8a: {  	v9 =	vld [tilespmem:$0x7840]  }
0x8b: {  	v10 =	vld [tilespmem:$0x7C40]  }
0x8c: {  	v11 =	vld [tilespmem:$0x7850]  }
0x8d: {  	v12 =	vld [tilespmem:$0x7C50]  }
0x8e: {  	v13 =	vld [tilespmem:$0x7860]  }
0x8f: {  	v14 =	vld [tilespmem:$0x7C60]  }
0x90: {  	v15 =	vld [tilespmem:$0x7870]  }
0x91: {  	v16 =	vld [tilespmem:$0x7C70]  }
0x92: {  	v17 =	vld [tilespmem:$0x7880]  }
0x93: {  	v18 =	vld [tilespmem:$0x7C80]  }
0x94: {  	v19 =	vld [tilespmem:$0x7890]  }
0x95: {  	v20 =	vld [tilespmem:$0x7C90]  }
0x96: {  	v21 =	vld [tilespmem:$0x78A0]  }
0x97: {  	v22 =	vld [tilespmem:$0x7CA0]  }
0x98: {  	v23 =	vld [tilespmem:$0x78B0]  }
0x99: {  	v24 =	vld [tilespmem:$0x7CB0]  }
0x9a: {  	v25 =	vld [tilespmem:$0x78C0]  }
0x9b: {  	v26 =	vld [tilespmem:$0x7CC0]  }
0x9c: {  	v27 =	vld [tilespmem:$0x78D0]  }
0x9d: {  	v28 =	vld [tilespmem:$0x7CD0]  }
0x9e: {  	v29 =	vld [tilespmem:$0x78E0]  }
0x9f: {  	v30 =	vld [tilespmem:$0x7CE0]  }
0xa0: {  	v31 =	vld [tilespmem:$0x78F0]  }
0xa1: {  	v32 =	vld [tilespmem:$0x7CF0]  }
0xa2: {  	v33 =	vld [tilespmem:$0x7900]  }
0xa3: {  	v34 =	vld [tilespmem:$0x7D00]  }
0xa4: {  	v35 =	vld [tilespmem:$0x7910]  }
0xa5: {  	v36 =	vld [tilespmem:$0x7D10]  }
0xa6: {  	v37 =	vld [tilespmem:$0x7920]  }
0xa7: {  	v38 =	vld [tilespmem:$0x7D20]  }
0xa8: {  	v39 =	vld [tilespmem:$0x7930]  }
0xa9: {  	v40 =	vld [tilespmem:$0x7D30]  }
0xaa: {  	v41 =	vld [tilespmem:$0x7940]  }
0xab: {  	v42 =	vld [tilespmem:$0x7D40]  }
0xac: {  	v43 =	vld [tilespmem:$0x7950]  }
0xad: {  	v44 =	vld [tilespmem:$0x7D50]  }
0xae: {  	v45 =	vld [tilespmem:$0x7960]  }
0xaf: {  	v53 =	vld [tilespmem:$0x7D70];
	v1 =	vadd.f32 v2, v1  }
0xb0: {  	v54 =	vld [tilespmem:$0x7980];
	v3 =	vadd.f32 v4, v3  }
0xb1: {  	v55 =	vld [tilespmem:$0x7D80];
	[tilespmem:$0x7800] =	vst v1;
	v1 =	vadd.f32 v6, v5  }
0xb2: {  	v56 =	vld [tilespmem:$0x7990];
	[tilespmem:$0x7810] =	vst v3;
	v3 =	vadd.f32 v8, v7  }
0xb3: {  	v57 =	vld [tilespmem:$0x7D90];
	[tilespmem:$0x7820] =	vst v1;
	v1 =	vadd.f32 v10, v9  }
0xb4: {  	v58 =	vld [tilespmem:$0x79A0];
	[tilespmem:$0x7830] =	vst v3;
	v3 =	vadd.f32 v12, v11  }
0xb5: {  	v59 =	vld [tilespmem:$0x7DA0];
	[tilespmem:$0x7840] =	vst v1;
	v1 =	vadd.f32 v14, v13  }
0xb6: {  	v60 =	vld [tilespmem:$0x79B0];
	[tilespmem:$0x7850] =	vst v3;
	v3 =	vadd.f32 v16, v15  }
0xb7: {  	v61 =	vld [tilespmem:$0x7DB0];
	[tilespmem:$0x7860] =	vst v1;
	v1 =	vadd.f32 v18, v17  }
0xb8: {  	v62 =	vld [tilespmem:$0x79C0];
	[tilespmem:$0x7870] =	vst v3;
	v3 =	vadd.f32 v20, v19  }
0xb9: {  	v63 =	vld [tilespmem:$0x7DC0];
	[tilespmem:$0x7880] =	vst v1;
	v1 =	vadd.f32 v22, v21  }
0xba: {  	v46 =	vld [tilespmem:$0x79E0];
	[tilespmem:$0x7890] =	vst v3;
	v3 =	vadd.f32 v24, v23  }
0xbb: {  	v47 =	vld [tilespmem:$0x7DE0];
	[tilespmem:$0x78A0] =	vst v1;
	v1 =	vadd.f32 v26, v25  }
0xbc: {  	v48 =	vld [tilespmem:$0x79F0];
	[tilespmem:$0x78B0] =	vst v3;
	v3 =	vadd.f32 v28, v27  }
0xbd: {  	v49 =	vld [tilespmem:$0x7DF0];
	[tilespmem:$0x78C0] =	vst v1;
	v1 =	vadd.f32 v30, v29  }
0xbe: {  	v50 =	vld [tilespmem:$0x7A00];
	[tilespmem:$0x78D0] =	vst v3;
	v3 =	vadd.f32 v32, v31  }
0xbf: {  	v51 =	vld [tilespmem:$0x7E00];
	[tilespmem:$0x78E0] =	vst v1;
	v1 =	vadd.f32 v34, v33  }
0xc0: {  	v2 =	vld [tilespmem:$0x7D60];
	[tilespmem:$0x78F0] =	vst v3;
	v3 =	vadd.f32 v36, v35  }
0xc1: {  	v4 =	vld [tilespmem:$0x7970];
	[tilespmem:$0x7900] =	vst v1;
	v1 =	vadd.f32 v38, v37  }
0xc2: {  	v52 =	vld [tilespmem:$0x7A10];
	[tilespmem:$0x7910] =	vst v3;
	v3 =	vadd.f32 v40, v39  }
0xc3: {  	v28 =	vld [tilespmem:$0x79D0];
	[tilespmem:$0x7920] =	vst v1;
	v1 =	vadd.f32 v42, v41  }
0xc4: {  	v30 =	vld [tilespmem:$0x7DD0];
	[tilespmem:$0x7930] =	vst v3;
	v3 =	vadd.f32 v44, v43  }
0xc5: {  	[tilespmem:$0x7940] =	vst v1;
	v1 =	vadd.f32 v2, v45;
	v2 =	vld [tilespmem:$0x7E10]  }
0xc6: {  	[tilespmem:$0x7950] =	vst v3;
	v3 =	vadd.f32 v53, v4;
	v53 =	vld [tilespmem:$0x7A20]  }
0xc7: {  	[tilespmem:$0x7960] =	vst v1;
	v1 =	vadd.f32 v55, v54;
	v54 =	vld [tilespmem:$0x7E20]  }
0xc8: {  	[tilespmem:$0x7970] =	vst v3;
	v3 =	vadd.f32 v57, v56;
	v55 =	vld [tilespmem:$0x7A30]  }
0xc9: {  	v56 =	vld [tilespmem:$0x7E30];
	[tilespmem:$0x7980] =	vst v1;
	v1 =	vadd.f32 v59, v58  }
0xca: {  	v57 =	vld [tilespmem:$0x7A40];
	[tilespmem:$0x7990] =	vst v3;
	v3 =	vadd.f32 v61, v60  }
0xcb: {  	v58 =	vld [tilespmem:$0x7E40];
	[tilespmem:$0x79A0] =	vst v1;
	v1 =	vadd.f32 v63, v62  }
0xcc: {  	v59 =	vld [tilespmem:$0x7A50];
	[tilespmem:$0x79B0] =	vst v3;
	v3 =	vadd.f32 v30, v28  }
0xcd: {  	v60 =	vld [tilespmem:$0x7E50];
	[tilespmem:$0x79C0] =	vst v1;
	v1 =	vadd.f32 v47, v46  }
0xce: {  	v61 =	vld [tilespmem:$0x7A60];
	[tilespmem:$0x79D0] =	vst v3;
	v3 =	vadd.f32 v49, v48  }
0xcf: {  	v2 =	vadd.f32 v2, v52;
	v63 =	vld [tilespmem:$0x7E70];
	[tilespmem:$0x79E0] =	vst v1  }
0xd0: {  	v1 =	vadd.f32 v51, v50;
	[tilespmem:$0x79F0] =	vst v3;
	v3 =	vld [tilespmem:$0x7A70]  }
0xd1: {  	v62 =	vld [tilespmem:$0x7E60];
	[tilespmem:$0x7A10] =	vst v2;
	v2 =	vadd.f32 v56, v55  }
0xd2: {  	[tilespmem:$0x7A00] =	vst v1;
	v1 =	vadd.f32 v54, v53  }
0xd3: {  	p0 =	sne.s32 s18, $0x96000;
	[tilespmem:$0x7A30] =	vst v2;
	v2 =	vadd.f32 v60, v59  }
.Ltmp2:
0xd4: {  	[tilespmem:$0x7A20] =	vst v1;
	v1 =	vadd.f32 v58, v57;
	(pc) =	sbr.rel @p0 .LBB2_6-.Ltmp2, $4  }
0xd5: {  	[tilespmem:$0x7A50] =	vst v2;
	v2 =	vadd.f32 v63, v3  }
0xd6: {  	[tilespmem:$0x7A40] =	vst v1;
	v1 =	vadd.f32 v62, v61  }
0xd7: {  	[tilespmem:$0x7A70] =	vst v2  }
0xd8: {  	s18 =	sadd.s32 $0xA000, s18;
	[tilespmem:$0x7A60] =	vst v1  }
0xd9: {  	s17 =	sadd.s32 $0x1, s17  }
0xda: {  	p0 =	sne.s32 s17, s9  }
.Ltmp3:
0xdb: {  	_ = 	snop;
	(pc) =	sbr.rel @p0 .LBB2_1-.Ltmp3, $4  }
0xdc: {  	[hbm4b:s8+s2] =	stream.linear.scatter [tilespmem:s16], [sflag:$0x1], $0x280, $0x38;
	[tilespmem:$0xD000] =	vst v63  }
0xdd: {  	_ =	swait.ge [sflag:s11], $0x280  }
0xde: {  	[sflag:s11] =	ssyncset.done $0x0  }
0xdf: {  	[sflag:s11] =	ssyncadd.s32 $0xFFFFFD80  }
0xe0: {  	_ =	sfence.sel $0x180000  }
0xe1: {  	[bflag:$0x0] =	sbarrier.arrive $0xFFFF  }
0xe2: {  	p0 =	sne.s32 s1, $0x0;
	_ =	strace $0x90000050  }
0xe3: {  	s0 =	sadd.s32 @!p0 $0x100000, s0;
	[bflag:$0x2] =	sbarrier.arrive $0xFFFF  }
0xe4: {  	[sflag:s0] =	ssyncadd.tile.s32 @!p0 $0x1;
	_ =	shalt  }
.Lfunc_end2:
_tile_overlayer_lowered:
.L_overlay_start_2:
0xe5: {  	(tag) =	ssettag $0x2  }
0xe6: {  	s0 =	rddreg [dreg:$0x0];
	s2 =	stileid.u32  }
0xe7: {  	s1 =	rddreg [dreg:$0x1];
	p0 =	sne.s32 s2, $0x0  }
0xe8: {  	s3 =	rddreg [dreg:$0x2];
	[bflag:$0x3] =	sbarrier.arrive $0xFFFF;
	s2 =	simm.s32 @!p0 $0x1C01  }
0xe9: {  	[timem:s3], [sflag:s2] =	dma.local @!p0 [hbm:s0], s1  }
0xea: {  	s0 =	simm.s32 @!p0 $0x1  }
0xeb: {  	_ =	swait.ge @!p0 [sflag:s0], s1  }
0xec: {  	s1 =	ssub.s32 @!p0 $0x0, s1;
	[sflag:s0] =	ssyncset.done @!p0 $0x0  }
0xed: {  	[sflag:s0] =	ssyncadd.s32 @!p0 s1  }
0xee: {  	[bflag:$0x3] =	sbarrier.arrive $0xFFFF  }
0xef: {  	_ =	shalt  }

</sc_bundles>
